<compile_context>
chip_gen: v7x
topology: tpu7x:2x2x1
jax: 0.10.2.dev20260603
libtpu: 0.0.44.dev20260713+nightly
codegen_flags: <defaults>
</compile_context>

<pallas_src>
import functools

import jax
import jax.numpy as jnp
from jax import lax
from jax.experimental import pallas as pl
from jax.experimental.pallas import tpu as pltpu
from jax.experimental.pallas import tpu_sc as plsc

_NC = 2
_NS = 16
_NW = _NC * _NS

_B = 16384
_H = 200
_D = 16
_HT = _H // 8
_BT = _B // 128
_UNIT = 8 * 128
_UNITS = _HT * _BT
_UPW = _UNITS // _NW
_PITCH = 129


def _make_kernel(v: int):

    mesh = plsc.VectorSubcoreMesh(core_axis_name="c", subcore_axis_name="s")

    @functools.partial(
        pl.kernel,
        out_type=jax.ShapeDtypeStruct((_H, 2, _BT, 8, 128), jnp.float32),
        mesh=mesh,
        compiler_params=pltpu.CompilerParams(
            use_tc_tiling_on_sc=False, needs_layout_passes=False),
        scratch_types=[
            pltpu.VMEM((_UNIT,), jnp.int32),
            pltpu.VMEM((_UNIT,), jnp.int32),
            pltpu.VMEM((_UNIT, _D), jnp.float32),
            pltpu.VMEM((_UNIT, _D), jnp.float32),
            pltpu.VMEM((8, _D, _PITCH), jnp.float32),
            pltpu.VMEM((8, _D, _PITCH), jnp.float32),
        ] + [pltpu.SemaphoreType.DMA] * 8,
    )
    def gather_kernel(idx_hbm, table_hbm, out_hbm,
                      idx0, idx1, rows0, rows1, t0, t1,
                      si0, si1, sg0, sg1, sh0, sh1, so0, so1):
        idx_v = (idx0, idx1)
        rows_v = (rows0, rows1)
        t_v = (t0, t1)
        si = (si0, si1)
        sg = (sg0, sg1)
        sh = (sh0, sh1)
        so = (so0, so1)

        wid = lax.axis_index("s") * _NC + lax.axis_index("c")
        u0 = wid * _UPW

        ev = lax.iota(jnp.int32, 16)

        def idx_off(u):
            return (u0 + u) * _UNIT

        def idx_load(u, p):
            pltpu.async_copy(
                idx_hbm.at[pl.ds(idx_off(u), _UNIT)], idx_v[p], si[p])

        def wait_idx(u, p):
            pltpu.make_async_copy(
                idx_hbm.at[pl.ds(idx_off(u), _UNIT)], idx_v[p], si[p]).wait()

        def scale_idx(p):
            ref = idx_v[p]

            @plsc.parallel_loop(0, _UNIT // 16, unroll=8)
            def _s(i):
                ref[pl.ds(i * 16, 16)] = ref[pl.ds(i * 16, 16)] * 8

        _HU = _UNIT // 2

        def gather(p):
            pltpu.async_copy(table_hbm.at[idx_v[p].at[pl.ds(0, _HU)]],
                             rows_v[p].at[pl.ds(0, _HU)], sg[p])
            pltpu.async_copy(table_hbm.at[idx_v[p].at[pl.ds(_HU, _HU)]],
                             rows_v[p].at[pl.ds(_HU, _HU)], sh[p])

        def wait_gather(p):
            pltpu.make_async_copy(table_hbm.at[idx_v[p].at[pl.ds(0, _HU)]],
                                  rows_v[p].at[pl.ds(0, _HU)], sg[p]).wait()
            pltpu.make_async_copy(table_hbm.at[idx_v[p].at[pl.ds(_HU, _HU)]],
                                  rows_v[p].at[pl.ds(_HU, _HU)], sh[p]).wait()

        def out_pairs(u, p):
            gu = u0 + u
            ht = gu // _BT
            bt = gu % _BT
            pairs = []
            for hs in range(8):
                for eb in range(2):
                    src = t_v[p].at[hs, pl.ds(eb * 8, 8), pl.ds(0, 128)]
                    dst = out_hbm.at[ht * 8 + hs, eb, bt]
                    pairs.append((src, dst))
            return pairs

        def outs(u, p):
            for src, dst in out_pairs(u, p):
                pltpu.async_copy(src, dst, so[p])

        def wait_outs(u, p):
            for src, dst in out_pairs(u, p):
                pltpu.make_async_copy(src, dst, so[p]).wait()

        def transpose(p):
            rows = rows_v[p]
            t = t_v[p]

            @plsc.parallel_loop(0, _UNIT, unroll=8)
            def _t(j):
                hs = lax.shift_right_logical(j, 7)
                bl = j & 127
                plsc.store_scatter(
                    t, [jnp.full((16,), hs, jnp.int32), ev,
                        jnp.full((16,), bl, jnp.int32)], rows[j])

        idx_load(0, 0)
        idx_load(1, 1)
        wait_idx(0, 0)
        scale_idx(0)
        gather(0)

        @pl.loop(0, _UPW, step=2)
        def _unit(ub):
            for p in range(2):
                u = ub + p
                q = 1 - p
                wait_gather(p)

                @pl.when(u + 1 < _UPW)
                def _():
                    wait_idx(u + 1, q)
                    scale_idx(q)
                    gather(q)

                @pl.when(u + 2 < _UPW)
                def _():
                    idx_load(u + 2, p)

                @pl.when(u >= 2)
                def _():
                    wait_outs(u - 2, p)

                transpose(p)
                outs(u, p)

        wait_outs(_UPW - 2, 0)
        wait_outs(_UPW - 1, 1)

    return gather_kernel


def _make_tc_transpose(v: int):
    k = 7936
    grid = pl.cdiv(v, k)

    def body(i_ref, o_ref):
        t = i_ref[...].T
        o_ref[...] = jnp.pad(t, ((0, 0), (0, 112)))

    return pl.pallas_call(
        body,
        grid=(grid,),
        in_specs=[pl.BlockSpec((16, k), lambda g: (0, g))],
        out_specs=pl.BlockSpec((k, 128), lambda g: (g, 0)),
        out_shape=jax.ShapeDtypeStruct((v, 128), jnp.float32),
    )


def kernel(farm_ids, table):
    b, h = farm_ids.shape
    v, d = table.shape
    assert (b, h, d) == (_B, _H, _D)
    idx_phys = (farm_ids.astype(jnp.int32)
                .reshape(_BT, 128, _HT, 8)
                .transpose(2, 0, 3, 1)
                .reshape(-1))
    table_rm = _make_tc_transpose(v)(table.T).reshape(v * 8, d)
    out5 = _make_kernel(v)(idx_phys, table_rm)
    return out5.transpose(2, 4, 0, 1, 3).reshape(_B, _H, _D)

# --- scband reference (transcript-rebuilt; emitter-appended) ---
"""Pipeline reference for scband-farm-embedding-44659069943920 (READ-ONLY COPY).

The authoritative reference and input builder live on the scoring server;
editing this copy changes nothing except your own understanding.
"""

import jax, jax.numpy as jnp
import numpy as np

NUM_FARMS = 1000000
EMBED_DIM = 16
BATCH = 16384
HIST = 200


def setup_inputs(seed: int = 0) -> dict:
    key = jax.random.key(seed)
    k_idx, k_tab = jax.random.split(key)
    farm_ids = jax.random.randint(k_idx, (BATCH, HIST), 0, NUM_FARMS, dtype=jnp.int64 if jax.config.read('jax_enable_x64') else jnp.int32)
    table = jax.random.normal(k_tab, (NUM_FARMS, EMBED_DIM), dtype=jnp.float32)
    return {"farm_ids": farm_ids, "table": table}


def reference(farm_ids, table):
    # nn.Embedding forward: gather rows of the table by index
    return jnp.take(table, farm_ids, axis=0)

if __name__ == "__main__":
    import jax
    _d = setup_inputs()
    print(jax.jit(kernel)(*tuple(_d.values())))

</pallas_src>

<mosaic_0001>
#map = affine_map<(d0, d1) -> (0)>
#map1 = affine_map<(d0, d1) -> (0, 0)>
#map2 = affine_map<(d0, d1) -> (0, 0, 0, 0, 0)>
module attributes {stable_mosaic.version = 14 : i64} {
  func.func @gather_kernel(%arg0: i32, %arg1: i32, %arg2: memref<3276800xi32, #tpu.memory_space<hbm>>, %arg3: memref<8000000x16xf32, #tpu.memory_space<hbm>>, %arg4: memref<200x2x128x8x128xf32, #tpu.memory_space<hbm>>, %arg5: memref<1024xi32, #tpu.memory_space<vmem>>, %arg6: memref<1024xi32, #tpu.memory_space<vmem>>, %arg7: memref<1024x16xf32, #tpu.memory_space<vmem>>, %arg8: memref<1024x16xf32, #tpu.memory_space<vmem>>, %arg9: memref<8x16x129xf32, #tpu.memory_space<vmem>>, %arg10: memref<8x16x129xf32, #tpu.memory_space<vmem>>, %arg11: memref<!tpu.dma_semaphore, #tpu.memory_space<semaphore_mem>>, %arg12: memref<!tpu.dma_semaphore, #tpu.memory_space<semaphore_mem>>, %arg13: memref<!tpu.dma_semaphore, #tpu.memory_space<semaphore_mem>>, %arg14: memref<!tpu.dma_semaphore, #tpu.memory_space<semaphore_mem>>, %arg15: memref<!tpu.dma_semaphore, #tpu.memory_space<semaphore_mem>>, %arg16: memref<!tpu.dma_semaphore, #tpu.memory_space<semaphore_mem>>, %arg17: memref<!tpu.dma_semaphore, #tpu.memory_space<semaphore_mem>>, %arg18: memref<!tpu.dma_semaphore, #tpu.memory_space<semaphore_mem>>) attributes {dimension_semantics = [#tpu.dimension_semantics<core_parallel>, #tpu.dimension_semantics<subcore_parallel>], iteration_bounds = array<i64: 2, 16>, scalar_prefetch = 0 : i64, scratch_operands = 14 : i64, tpu.core_type = #tpu.core_type<sc_vector_subcore>, window_params = [{transform_indices = #map}, {transform_indices = #map1}, {transform_indices = #map2}]} {
    %mul3A = arith.constant 2 : i32
    %mul3A_0 = arith.muli %arg1, %mul3A : i32
    %add3A = arith.addi %mul3A_0, %arg0 : i32
    %mul3A_1 = arith.constant 100 : i32
    %mul3A_2 = arith.muli %add3A, %mul3A_1 : i32
    %iota3A = tpu.iota {dimensions = array<i32: 0>} : vector<16xi32>
    %add3A_3 = arith.constant 0 : i32
    %add3A_4 = arith.addi %mul3A_2, %add3A_3 : i32
    %mul3A_5 = arith.constant 1024 : i32
    %mul3A_6 = arith.muli %add3A_4, %mul3A_5 : i32
    %dma_start3A = tpu.memref_slice %arg2[%mul3A_6] : memref<3276800xi32, #tpu.memory_space<hbm>> -> memref<1024xi32, #tpu.memory_space<hbm>>
    %dma_start3A_7 = tpu.memref_slice %arg2[%mul3A_6] : memref<3276800xi32, #tpu.memory_space<hbm>> -> memref<1024xi32, #tpu.memory_space<hbm>>
    tpu.enqueue_dma source(%dma_start3A_7 : memref<1024xi32, #tpu.memory_space<hbm>>) target(%arg5 : memref<1024xi32, #tpu.memory_space<vmem>>) target_semaphore(%arg11 : memref<!tpu.dma_semaphore, #tpu.memory_space<semaphore_mem>>)
    %add3A_8 = arith.constant 1 : i32
    %add3A_9 = arith.addi %mul3A_2, %add3A_8 : i32
    %mul3A_10 = arith.constant 1024 : i32
    %mul3A_11 = arith.muli %add3A_9, %mul3A_10 : i32
    %dma_start3A_12 = tpu.memref_slice %arg2[%mul3A_11] : memref<3276800xi32, #tpu.memory_space<hbm>> -> memref<1024xi32, #tpu.memory_space<hbm>>
    %dma_start3A_13 = tpu.memref_slice %arg2[%mul3A_11] : memref<3276800xi32, #tpu.memory_space<hbm>> -> memref<1024xi32, #tpu.memory_space<hbm>>
    tpu.enqueue_dma source(%dma_start3A_13 : memref<1024xi32, #tpu.memory_space<hbm>>) target(%arg6 : memref<1024xi32, #tpu.memory_space<vmem>>) target_semaphore(%arg12 : memref<!tpu.dma_semaphore, #tpu.memory_space<semaphore_mem>>)
    %add3A_14 = arith.constant 0 : i32
    %add3A_15 = arith.addi %mul3A_2, %add3A_14 : i32
    %mul3A_16 = arith.constant 1024 : i32
    %mul3A_17 = arith.muli %add3A_15, %mul3A_16 : i32
    %dma_wait3A = tpu.memref_slice %arg2[%mul3A_17] : memref<3276800xi32, #tpu.memory_space<hbm>> -> memref<1024xi32, #tpu.memory_space<hbm>>
    %dma_wait3A_18 = tpu.memref_slice %arg2[%mul3A_17] : memref<3276800xi32, #tpu.memory_space<hbm>> -> memref<1024xi32, #tpu.memory_space<hbm>>
    tpu.wait_dma2 semaphore(%arg11 : memref<!tpu.dma_semaphore, #tpu.memory_space<semaphore_mem>>) src(%dma_wait3A_18 : memref<1024xi32, #tpu.memory_space<hbm>>) dst(%arg5 : memref<1024xi32, #tpu.memory_space<vmem>>)
    %parallel_loop3A = arith.constant 0 : i32
    %parallel_loop3A_19 = arith.constant 64 : i32
    %parallel_loop3A_20 = arith.constant 1 : i32
    scf.for %parallel_loop3A_819 = %parallel_loop3A to %parallel_loop3A_19 step %parallel_loop3A_20  : i32 {
      %parallel_loop3A_820 = arith.constant 16 : i32
      %parallel_loop3A_821 = arith.muli %parallel_loop3A_819, %parallel_loop3A_820 : i32
      %parallel_loop3A_822 = arith.index_cast %parallel_loop3A_821 : i32 to index
      %parallel_loop3A_823 = tpu.vector_load %arg5[%parallel_loop3A_822] {strides = array<i32>} : memref<1024xi32, #tpu.memory_space<vmem>>, vector<16xi32>,
      %parallel_loop3A_824 = arith.constant 8 : i32
      %parallel_loop3A_825 = vector.broadcast %parallel_loop3A_824 : i32 to vector<16xi32>
      %parallel_loop3A_826 = arith.muli %parallel_loop3A_823, %parallel_loop3A_825 : vector<16xi32>
      %parallel_loop3A_827 = arith.constant 16 : i32
      %parallel_loop3A_828 = arith.muli %parallel_loop3A_819, %parallel_loop3A_827 : i32
      %parallel_loop3A_829 = arith.index_cast %parallel_loop3A_828 : i32 to index
      %parallel_loop3A_830 = tpu.vector_load %arg5[%parallel_loop3A_829] {strides = array<i32>} : memref<1024xi32, #tpu.memory_space<vmem>>, vector<16xi32>,
      tpu.vector_store %arg5[%parallel_loop3A_829], %parallel_loop3A_826 {strides = array<i32>} : memref<1024xi32, #tpu.memory_space<vmem>>, vector<16xi32>,
    } {sc.loop_unroll_factor = 8 : i64, sc.parallel_access}
    %dma_start3A_21 = arith.constant 0 : i32
    %dma_start3A_22 = arith.constant 0 : i32
    %dma_start3A_23 = tpu.memref_slice %arg7[%dma_start3A_21, %dma_start3A_22] : memref<1024x16xf32, #tpu.memory_space<vmem>> -> memref<512x16xf32, #tpu.memory_space<vmem>>
    %dma_start3A_24 = arith.constant 0 : i32
    %dma_start3A_25 = tpu.memref_slice %arg5[%dma_start3A_24] : memref<1024xi32, #tpu.memory_space<vmem>> -> memref<512xi32, #tpu.memory_space<vmem>>
    %dma_start3A_26 = arith.constant 0 : i32
    %dma_start3A_27 = arith.constant 0 : i32
    %dma_start3A_28 = tpu.memref_slice %arg3[%dma_start3A_26, %dma_start3A_27] : memref<8000000x16xf32, #tpu.memory_space<hbm>> -> memref<8000000x16xf32, #tpu.memory_space<hbm>>
    tpu.enqueue_indirect_dma source(%dma_start3A_28 : memref<8000000x16xf32, #tpu.memory_space<hbm>>) target(%dma_start3A_23 : memref<512x16xf32, #tpu.memory_space<vmem>>) offsets(%dma_start3A_25 : memref<512xi32, #tpu.memory_space<vmem>>) semaphore(%arg13 : memref<!tpu.dma_semaphore, #tpu.memory_space<semaphore_mem>>)
    %dma_start3A_29 = arith.constant 512 : i32
    %dma_start3A_30 = arith.constant 0 : i32
    %dma_start3A_31 = tpu.memref_slice %arg7[%dma_start3A_29, %dma_start3A_30] : memref<1024x16xf32, #tpu.memory_space<vmem>> -> memref<512x16xf32, #tpu.memory_space<vmem>>
    %dma_start3A_32 = arith.constant 512 : i32
    %dma_start3A_33 = tpu.memref_slice %arg5[%dma_start3A_32] : memref<1024xi32, #tpu.memory_space<vmem>> -> memref<512xi32, #tpu.memory_space<vmem>>
    %dma_start3A_34 = arith.constant 0 : i32
    %dma_start3A_35 = arith.constant 0 : i32
    %dma_start3A_36 = tpu.memref_slice %arg3[%dma_start3A_34, %dma_start3A_35] : memref<8000000x16xf32, #tpu.memory_space<hbm>> -> memref<8000000x16xf32, #tpu.memory_space<hbm>>
    tpu.enqueue_indirect_dma source(%dma_start3A_36 : memref<8000000x16xf32, #tpu.memory_space<hbm>>) target(%dma_start3A_31 : memref<512x16xf32, #tpu.memory_space<vmem>>) offsets(%dma_start3A_33 : memref<512xi32, #tpu.memory_space<vmem>>) semaphore(%arg15 : memref<!tpu.dma_semaphore, #tpu.memory_space<semaphore_mem>>)
    %scan3A = arith.constant 0 : i32
    %scan3A_37 = arith.constant 50 : i32
    %scan3A_38 = arith.addi %scan3A, %scan3A_37 : i32
    %scan3A_39 = arith.constant 1 : i32
    scf.for %scan3A_819 = %scan3A to %scan3A_38 step %scan3A_39  : i32 {
      %mul3A_820 = arith.constant 2 : i32
      %mul3A_821 = arith.muli %scan3A_819, %mul3A_820 : i32
      %add3A_822 = arith.constant 0 : i32
      %add3A_823 = arith.addi %add3A_822, %mul3A_821 : i32
      %add3A_824 = arith.constant 0 : i32
      %add3A_825 = arith.addi %add3A_823, %add3A_824 : i32
      %dma_wait3A_826 = arith.constant 0 : i32
      %dma_wait3A_827 = arith.constant 0 : i32
      %dma_wait3A_828 = tpu.memref_slice %arg7[%dma_wait3A_826, %dma_wait3A_827] : memref<1024x16xf32, #tpu.memory_space<vmem>> -> memref<512x16xf32, #tpu.memory_space<vmem>>
      %dma_wait3A_829 = arith.constant 0 : i32
      %dma_wait3A_830 = tpu.memref_slice %arg5[%dma_wait3A_829] : memref<1024xi32, #tpu.memory_space<vmem>> -> memref<512xi32, #tpu.memory_space<vmem>>
      %dma_wait3A_831 = arith.constant 0 : i32
      %dma_wait3A_832 = arith.constant 0 : i32
      %dma_wait3A_833 = tpu.memref_slice %arg3[%dma_wait3A_831, %dma_wait3A_832] : memref<8000000x16xf32, #tpu.memory_space<hbm>> -> memref<8000000x16xf32, #tpu.memory_space<hbm>>
      tpu.wait_indirect_dma semaphore(%arg13 : memref<!tpu.dma_semaphore, #tpu.memory_space<semaphore_mem>>) src(%dma_wait3A_833 : memref<8000000x16xf32, #tpu.memory_space<hbm>>) dst(%dma_wait3A_828 : memref<512x16xf32, #tpu.memory_space<vmem>>)
      %dma_wait3A_834 = arith.constant 512 : i32
      %dma_wait3A_835 = arith.constant 0 : i32
      %dma_wait3A_836 = tpu.memref_slice %arg7[%dma_wait3A_834, %dma_wait3A_835] : memref<1024x16xf32, #tpu.memory_space<vmem>> -> memref<512x16xf32, #tpu.memory_space<vmem>>
      %dma_wait3A_837 = arith.constant 512 : i32
      %dma_wait3A_838 = tpu.memref_slice %arg5[%dma_wait3A_837] : memref<1024xi32, #tpu.memory_space<vmem>> -> memref<512xi32, #tpu.memory_space<vmem>>
      %dma_wait3A_839 = arith.constant 0 : i32
      %dma_wait3A_840 = arith.constant 0 : i32
      %dma_wait3A_841 = tpu.memref_slice %arg3[%dma_wait3A_839, %dma_wait3A_840] : memref<8000000x16xf32, #tpu.memory_space<hbm>> -> memref<8000000x16xf32, #tpu.memory_space<hbm>>
      tpu.wait_indirect_dma semaphore(%arg15 : memref<!tpu.dma_semaphore, #tpu.memory_space<semaphore_mem>>) src(%dma_wait3A_841 : memref<8000000x16xf32, #tpu.memory_space<hbm>>) dst(%dma_wait3A_836 : memref<512x16xf32, #tpu.memory_space<vmem>>)
      %add3A_842 = arith.constant 1 : i32
      %add3A_843 = arith.addi %add3A_825, %add3A_842 : i32
      %lt3A_844 = arith.constant 100 : i32
      %lt3A_845 = arith.cmpi slt, %add3A_843, %lt3A_844 : i32
      %convert_element_type3A = arith.extui %lt3A_845 : i1 to i32
      %cond3A = arith.constant 0 : i32
      %cond3A_846 = arith.cmpi ne, %convert_element_type3A, %cond3A : i32
      scf.if %cond3A_846 {
        %add3A_1687 = arith.constant 1 : i32
        %add3A_1688 = arith.addi %add3A_825, %add3A_1687 : i32
        %add3A_1689 = arith.addi %mul3A_2, %add3A_1688 : i32
        %mul3A_1690 = arith.constant 1024 : i32
        %mul3A_1691 = arith.muli %add3A_1689, %mul3A_1690 : i32
        %dma_wait3A_1692 = tpu.memref_slice %arg2[%mul3A_1691] : memref<3276800xi32, #tpu.memory_space<hbm>> -> memref<1024xi32, #tpu.memory_space<hbm>>
        %dma_wait3A_1693 = tpu.memref_slice %arg2[%mul3A_1691] : memref<3276800xi32, #tpu.memory_space<hbm>> -> memref<1024xi32, #tpu.memory_space<hbm>>
        tpu.wait_dma2 semaphore(%arg12 : memref<!tpu.dma_semaphore, #tpu.memory_space<semaphore_mem>>) src(%dma_wait3A_1693 : memref<1024xi32, #tpu.memory_space<hbm>>) dst(%arg6 : memref<1024xi32, #tpu.memory_space<vmem>>)
        %parallel_loop3A_1694 = arith.constant 0 : i32
        %parallel_loop3A_1695 = arith.constant 64 : i32
        %parallel_loop3A_1696 = arith.constant 1 : i32
        scf.for %parallel_loop3A_1713 = %parallel_loop3A_1694 to %parallel_loop3A_1695 step %parallel_loop3A_1696  : i32 {
          %parallel_loop3A_1714 = arith.constant 16 : i32
          %parallel_loop3A_1715 = arith.muli %parallel_loop3A_1713, %parallel_loop3A_1714 : i32
          %parallel_loop3A_1716 = arith.index_cast %parallel_loop3A_1715 : i32 to index
          %parallel_loop3A_1717 = tpu.vector_load %arg6[%parallel_loop3A_1716] {strides = array<i32>} : memref<1024xi32, #tpu.memory_space<vmem>>, vector<16xi32>,
          %parallel_loop3A_1718 = arith.constant 8 : i32
          %parallel_loop3A_1719 = vector.broadcast %parallel_loop3A_1718 : i32 to vector<16xi32>
          %parallel_loop3A_1720 = arith.muli %parallel_loop3A_1717, %parallel_loop3A_1719 : vector<16xi32>
          %parallel_loop3A_1721 = arith.constant 16 : i32
          %parallel_loop3A_1722 = arith.muli %parallel_loop3A_1713, %parallel_loop3A_1721 : i32
          %parallel_loop3A_1723 = arith.index_cast %parallel_loop3A_1722 : i32 to index
          %parallel_loop3A_1724 = tpu.vector_load %arg6[%parallel_loop3A_1723] {strides = array<i32>} : memref<1024xi32, #tpu.memory_space<vmem>>, vector<16xi32>,
          tpu.vector_store %arg6[%parallel_loop3A_1723], %parallel_loop3A_1720 {strides = array<i32>} : memref<1024xi32, #tpu.memory_space<vmem>>, vector<16xi32>,
        } {sc.loop_unroll_factor = 8 : i64, sc.parallel_access}
        %dma_start3A_1697 = arith.constant 0 : i32
        %dma_start3A_1698 = arith.constant 0 : i32
        %dma_start3A_1699 = tpu.memref_slice %arg8[%dma_start3A_1697, %dma_start3A_1698] : memref<1024x16xf32, #tpu.memory_space<vmem>> -> memref<512x16xf32, #tpu.memory_space<vmem>>
        %dma_start3A_1700 = arith.constant 0 : i32
        %dma_start3A_1701 = tpu.memref_slice %arg6[%dma_start3A_1700] : memref<1024xi32, #tpu.memory_space<vmem>> -> memref<512xi32, #tpu.memory_space<vmem>>
        %dma_start3A_1702 = arith.constant 0 : i32
        %dma_start3A_1703 = arith.constant 0 : i32
        %dma_start3A_1704 = tpu.memref_slice %arg3[%dma_start3A_1702, %dma_start3A_1703] : memref<8000000x16xf32, #tpu.memory_space<hbm>> -> memref<8000000x16xf32, #tpu.memory_space<hbm>>
        tpu.enqueue_indirect_dma source(%dma_start3A_1704 : memref<8000000x16xf32, #tpu.memory_space<hbm>>) target(%dma_start3A_1699 : memref<512x16xf32, #tpu.memory_space<vmem>>) offsets(%dma_start3A_1701 : memref<512xi32, #tpu.memory_space<vmem>>) semaphore(%arg14 : memref<!tpu.dma_semaphore, #tpu.memory_space<semaphore_mem>>)
        %dma_start3A_1705 = arith.constant 512 : i32
        %dma_start3A_1706 = arith.constant 0 : i32
        %dma_start3A_1707 = tpu.memref_slice %arg8[%dma_start3A_1705, %dma_start3A_1706] : memref<1024x16xf32, #tpu.memory_space<vmem>> -> memref<512x16xf32, #tpu.memory_space<vmem>>
        %dma_start3A_1708 = arith.constant 512 : i32
        %dma_start3A_1709 = tpu.memref_slice %arg6[%dma_start3A_1708] : memref<1024xi32, #tpu.memory_space<vmem>> -> memref<512xi32, #tpu.memory_space<vmem>>
        %dma_start3A_1710 = arith.constant 0 : i32
        %dma_start3A_1711 = arith.constant 0 : i32
        %dma_start3A_1712 = tpu.memref_slice %arg3[%dma_start3A_1710, %dma_start3A_1711] : memref<8000000x16xf32, #tpu.memory_space<hbm>> -> memref<8000000x16xf32, #tpu.memory_space<hbm>>
        tpu.enqueue_indirect_dma source(%dma_start3A_1712 : memref<8000000x16xf32, #tpu.memory_space<hbm>>) target(%dma_start3A_1707 : memref<512x16xf32, #tpu.memory_space<vmem>>) offsets(%dma_start3A_1709 : memref<512xi32, #tpu.memory_space<vmem>>) semaphore(%arg16 : memref<!tpu.dma_semaphore, #tpu.memory_space<semaphore_mem>>)
      } else {
      }
      %add3A_847 = arith.constant 2 : i32
      %add3A_848 = arith.addi %add3A_825, %add3A_847 : i32
      %lt3A_849 = arith.constant 100 : i32
      %lt3A_850 = arith.cmpi slt, %add3A_848, %lt3A_849 : i32
      %convert_element_type3A_851 = arith.extui %lt3A_850 : i1 to i32
      %cond3A_852 = arith.constant 0 : i32
      %cond3A_853 = arith.cmpi ne, %convert_element_type3A_851, %cond3A_852 : i32
      scf.if %cond3A_853 {
        %add3A_1687 = arith.constant 2 : i32
        %add3A_1688 = arith.addi %add3A_825, %add3A_1687 : i32
        %add3A_1689 = arith.addi %mul3A_2, %add3A_1688 : i32
        %mul3A_1690 = arith.constant 1024 : i32
        %mul3A_1691 = arith.muli %add3A_1689, %mul3A_1690 : i32
        %dma_start3A_1692 = tpu.memref_slice %arg2[%mul3A_1691] : memref<3276800xi32, #tpu.memory_space<hbm>> -> memref<1024xi32, #tpu.memory_space<hbm>>
        %dma_start3A_1693 = tpu.memref_slice %arg2[%mul3A_1691] : memref<3276800xi32, #tpu.memory_space<hbm>> -> memref<1024xi32, #tpu.memory_space<hbm>>
        tpu.enqueue_dma source(%dma_start3A_1693 : memref<1024xi32, #tpu.memory_space<hbm>>) target(%arg5 : memref<1024xi32, #tpu.memory_space<vmem>>) target_semaphore(%arg11 : memref<!tpu.dma_semaphore, #tpu.memory_space<semaphore_mem>>)
      } else {
      }
      %ge3A = arith.constant 2 : i32
      %ge3A_854 = arith.cmpi sge, %add3A_825, %ge3A : i32
      %convert_element_type3A_855 = arith.extui %ge3A_854 : i1 to i32
      %cond3A_856 = arith.constant 0 : i32
      %cond3A_857 = arith.cmpi ne, %convert_element_type3A_855, %cond3A_856 : i32
      scf.if %cond3A_857 {
        %sub3A_1687 = arith.constant 2 : i32
        %sub3A_1688 = arith.subi %add3A_825, %sub3A_1687 : i32
        %add3A_1689 = arith.addi %mul3A_2, %sub3A_1688 : i32
        %jit3A_1690 = arith.constant 128 : i32
        %div3A_1691 = arith.divsi %add3A_1689, %jit3A_1690 : i32
        %sign3A_1692 = arith.constant 0 : i32
        %sign3A_1693 = arith.cmpi sgt, %add3A_1689, %sign3A_1692 : i32
        %sign3A_1694 = arith.extui %sign3A_1693 : i1 to i32
        %sign3A_1695 = arith.constant 0 : i32
        %sign3A_1696 = arith.cmpi slt, %add3A_1689, %sign3A_1695 : i32
        %sign3A_1697 = arith.extui %sign3A_1696 : i1 to i32
        %sign3A_1698 = arith.subi %sign3A_1694, %sign3A_1697 : i32
        %sign3A_1699 = arith.constant 0 : i32
        %sign3A_1700 = arith.cmpi sgt, %jit3A_1690, %sign3A_1699 : i32
        %sign3A_1701 = arith.extui %sign3A_1700 : i1 to i32
        %sign3A_1702 = arith.constant 0 : i32
        %sign3A_1703 = arith.cmpi slt, %jit3A_1690, %sign3A_1702 : i32
        %sign3A_1704 = arith.extui %sign3A_1703 : i1 to i32
        %sign3A_1705 = arith.subi %sign3A_1701, %sign3A_1704 : i32
        %ne3A_1706 = arith.cmpi ne, %sign3A_1698, %sign3A_1705 : i32
        %rem3A_1707 = arith.remsi %add3A_1689, %jit3A_1690 : i32
        %ne3A_1708 = arith.constant 0 : i32
        %ne3A_1709 = arith.cmpi ne, %rem3A_1707, %ne3A_1708 : i32
        %and3A_1710 = arith.andi %ne3A_1706, %ne3A_1709 : i1
        %sub3A_1711 = arith.constant 1 : i32
        %sub3A_1712 = arith.subi %div3A_1691, %sub3A_1711 : i32
        %select_n3A_1713 = arith.select %and3A_1710, %sub3A_1712, %div3A_1691 : i32
        %jit3A_1714 = arith.constant 128 : i32
        %eq3A_1715 = arith.constant 0 : i32
        %eq3A_1716 = arith.cmpi eq, %jit3A_1714, %eq3A_1715 : i32
        %jit3A_1717 = arith.constant 1 : i32
        %select_n3A_1718 = arith.select %eq3A_1716, %jit3A_1717, %jit3A_1714 : i32
        %rem3A_1719 = arith.remsi %add3A_1689, %select_n3A_1718 : i32
        %ne3A_1720 = arith.constant 0 : i32
        %ne3A_1721 = arith.cmpi ne, %rem3A_1719, %ne3A_1720 : i32
        %lt3A_1722 = arith.constant 0 : i32
        %lt3A_1723 = arith.cmpi slt, %rem3A_1719, %lt3A_1722 : i32
        %lt3A_1724 = arith.constant 0 : i32
        %lt3A_1725 = arith.cmpi slt, %select_n3A_1718, %lt3A_1724 : i32
        %ne3A_1726 = arith.xori %lt3A_1723, %lt3A_1725 : i1
        %and3A_1727 = arith.andi %ne3A_1726, %ne3A_1721 : i1
        %add3A_1728 = arith.addi %rem3A_1719, %select_n3A_1718 : i32
        %select_n3A_1729 = arith.select %and3A_1727, %add3A_1728, %rem3A_1719 : i32
        %mul3A_1730 = arith.constant 8 : i32
        %mul3A_1731 = arith.muli %select_n3A_1713, %mul3A_1730 : i32
        %add3A_1732 = arith.constant 0 : i32
        %add3A_1733 = arith.addi %mul3A_1731, %add3A_1732 : i32
        %mul3A_1734 = arith.constant 8 : i32
        %mul3A_1735 = arith.muli %select_n3A_1713, %mul3A_1734 : i32
        %add3A_1736 = arith.constant 0 : i32
        %add3A_1737 = arith.addi %mul3A_1735, %add3A_1736 : i32
        %mul3A_1738 = arith.constant 8 : i32
        %mul3A_1739 = arith.muli %select_n3A_1713, %mul3A_1738 : i32
        %add3A_1740 = arith.constant 1 : i32
        %add3A_1741 = arith.addi %mul3A_1739, %add3A_1740 : i32
        %mul3A_1742 = arith.constant 8 : i32
        %mul3A_1743 = arith.muli %select_n3A_1713, %mul3A_1742 : i32
        %add3A_1744 = arith.constant 1 : i32
        %add3A_1745 = arith.addi %mul3A_1743, %add3A_1744 : i32
        %mul3A_1746 = arith.constant 8 : i32
        %mul3A_1747 = arith.muli %select_n3A_1713, %mul3A_1746 : i32
        %add3A_1748 = arith.constant 2 : i32
        %add3A_1749 = arith.addi %mul3A_1747, %add3A_1748 : i32
        %mul3A_1750 = arith.constant 8 : i32
        %mul3A_1751 = arith.muli %select_n3A_1713, %mul3A_1750 : i32
        %add3A_1752 = arith.constant 2 : i32
        %add3A_1753 = arith.addi %mul3A_1751, %add3A_1752 : i32
        %mul3A_1754 = arith.constant 8 : i32
        %mul3A_1755 = arith.muli %select_n3A_1713, %mul3A_1754 : i32
        %add3A_1756 = arith.constant 3 : i32
        %add3A_1757 = arith.addi %mul3A_1755, %add3A_1756 : i32
        %mul3A_1758 = arith.constant 8 : i32
        %mul3A_1759 = arith.muli %select_n3A_1713, %mul3A_1758 : i32
        %add3A_1760 = arith.constant 3 : i32
        %add3A_1761 = arith.addi %mul3A_1759, %add3A_1760 : i32
        %mul3A_1762 = arith.constant 8 : i32
        %mul3A_1763 = arith.muli %select_n3A_1713, %mul3A_1762 : i32
        %add3A_1764 = arith.constant 4 : i32
        %add3A_1765 = arith.addi %mul3A_1763, %add3A_1764 : i32
        %mul3A_1766 = arith.constant 8 : i32
        %mul3A_1767 = arith.muli %select_n3A_1713, %mul3A_1766 : i32
        %add3A_1768 = arith.constant 4 : i32
        %add3A_1769 = arith.addi %mul3A_1767, %add3A_1768 : i32
        %mul3A_1770 = arith.constant 8 : i32
        %mul3A_1771 = arith.muli %select_n3A_1713, %mul3A_1770 : i32
        %add3A_1772 = arith.constant 5 : i32
        %add3A_1773 = arith.addi %mul3A_1771, %add3A_1772 : i32
        %mul3A_1774 = arith.constant 8 : i32
        %mul3A_1775 = arith.muli %select_n3A_1713, %mul3A_1774 : i32
        %add3A_1776 = arith.constant 5 : i32
        %add3A_1777 = arith.addi %mul3A_1775, %add3A_1776 : i32
        %mul3A_1778 = arith.constant 8 : i32
        %mul3A_1779 = arith.muli %select_n3A_1713, %mul3A_1778 : i32
        %add3A_1780 = arith.constant 6 : i32
        %add3A_1781 = arith.addi %mul3A_1779, %add3A_1780 : i32
        %mul3A_1782 = arith.constant 8 : i32
        %mul3A_1783 = arith.muli %select_n3A_1713, %mul3A_1782 : i32
        %add3A_1784 = arith.constant 6 : i32
        %add3A_1785 = arith.addi %mul3A_1783, %add3A_1784 : i32
        %mul3A_1786 = arith.constant 8 : i32
        %mul3A_1787 = arith.muli %select_n3A_1713, %mul3A_1786 : i32
        %add3A_1788 = arith.constant 7 : i32
        %add3A_1789 = arith.addi %mul3A_1787, %add3A_1788 : i32
        %mul3A_1790 = arith.constant 8 : i32
        %mul3A_1791 = arith.muli %select_n3A_1713, %mul3A_1790 : i32
        %add3A_1792 = arith.constant 7 : i32
        %add3A_1793 = arith.addi %mul3A_1791, %add3A_1792 : i32
        %dma_wait3A_1794 = arith.constant 0 : i32
        %dma_wait3A_1795 = arith.constant 0 : i32
        %dma_wait3A_1796 = arith.constant 0 : i32
        %dma_wait3A_1797 = arith.constant 0 : i32
        %dma_wait3A_1798 = tpu.memref_slice %arg9[%dma_wait3A_1794, %dma_wait3A_1796, %dma_wait3A_1797] : memref<8x16x129xf32, #tpu.memory_space<vmem>> -> memref<1x8x128xf32, #tpu.memory_space<vmem>>
        %dma_wait3A_1799 = tpu.memref_squeeze %dma_wait3A_1798 : memref<1x8x128xf32, #tpu.memory_space<vmem>> -> memref<8x128xf32, #tpu.memory_space<vmem>>
        %dma_wait3A_1800 = arith.constant 0 : i32
        %dma_wait3A_1801 = arith.constant 0 : i32
        %dma_wait3A_1802 = tpu.memref_slice %arg4[%add3A_1733, %dma_wait3A_1795, %select_n3A_1729, %dma_wait3A_1800, %dma_wait3A_1801] : memref<200x2x128x8x128xf32, #tpu.memory_space<hbm>> -> memref<1x1x1x8x128xf32, #tpu.memory_space<hbm>>
        %dma_wait3A_1803 = tpu.memref_squeeze %dma_wait3A_1802 : memref<1x1x1x8x128xf32, #tpu.memory_space<hbm>> -> memref<8x128xf32, #tpu.memory_space<hbm>>
        %dma_wait3A_1804 = arith.constant 0 : i32
        %dma_wait3A_1805 = arith.constant 0 : i32
        %dma_wait3A_1806 = tpu.memref_slice %arg4[%add3A_1733, %dma_wait3A_1795, %select_n3A_1729, %dma_wait3A_1804, %dma_wait3A_1805] : memref<200x2x128x8x128xf32, #tpu.memory_space<hbm>> -> memref<1x1x1x8x128xf32, #tpu.memory_space<hbm>>
        %dma_wait3A_1807 = tpu.memref_squeeze %dma_wait3A_1806 : memref<1x1x1x8x128xf32, #tpu.memory_space<hbm>> -> memref<8x128xf32, #tpu.memory_space<hbm>>
        %dma_wait3A_1808 = arith.constant 0 : i32
        %dma_wait3A_1809 = arith.constant 0 : i32
        %dma_wait3A_1810 = tpu.memref_slice %arg9[%dma_wait3A_1794, %dma_wait3A_1808, %dma_wait3A_1809] : memref<8x16x129xf32, #tpu.memory_space<vmem>> -> memref<1x8x128xf32, #tpu.memory_space<vmem>>
        %dma_wait3A_1811 = tpu.memref_squeeze %dma_wait3A_1810 : memref<1x8x128xf32, #tpu.memory_space<vmem>> -> memref<8x128xf32, #tpu.memory_space<vmem>>
        tpu.wait_dma2 semaphore(%arg17 : memref<!tpu.dma_semaphore, #tpu.memory_space<semaphore_mem>>) src(%dma_wait3A_1811 : memref<8x128xf32, #tpu.memory_space<vmem>>) dst(%dma_wait3A_1807 : memref<8x128xf32, #tpu.memory_space<hbm>>)
        %dma_wait3A_1812 = arith.constant 0 : i32
        %dma_wait3A_1813 = arith.constant 1 : i32
        %dma_wait3A_1814 = arith.constant 8 : i32
        %dma_wait3A_1815 = arith.constant 0 : i32
        %dma_wait3A_1816 = tpu.memref_slice %arg9[%dma_wait3A_1812, %dma_wait3A_1814, %dma_wait3A_1815] : memref<8x16x129xf32, #tpu.memory_space<vmem>> -> memref<1x8x128xf32, #tpu.memory_space<vmem>>
        %dma_wait3A_1817 = tpu.memref_squeeze %dma_wait3A_1816 : memref<1x8x128xf32, #tpu.memory_space<vmem>> -> memref<8x128xf32, #tpu.memory_space<vmem>>
        %dma_wait3A_1818 = arith.constant 0 : i32
        %dma_wait3A_1819 = arith.constant 0 : i32
        %dma_wait3A_1820 = tpu.memref_slice %arg4[%add3A_1737, %dma_wait3A_1813, %select_n3A_1729, %dma_wait3A_1818, %dma_wait3A_1819] : memref<200x2x128x8x128xf32, #tpu.memory_space<hbm>> -> memref<1x1x1x8x128xf32, #tpu.memory_space<hbm>>
        %dma_wait3A_1821 = tpu.memref_squeeze %dma_wait3A_1820 : memref<1x1x1x8x128xf32, #tpu.memory_space<hbm>> -> memref<8x128xf32, #tpu.memory_space<hbm>>
        %dma_wait3A_1822 = arith.constant 0 : i32
        %dma_wait3A_1823 = arith.constant 0 : i32
        %dma_wait3A_1824 = tpu.memref_slice %arg4[%add3A_1737, %dma_wait3A_1813, %select_n3A_1729, %dma_wait3A_1822, %dma_wait3A_1823] : memref<200x2x128x8x128xf32, #tpu.memory_space<hbm>> -> memref<1x1x1x8x128xf32, #tpu.memory_space<hbm>>
        %dma_wait3A_1825 = tpu.memref_squeeze %dma_wait3A_1824 : memref<1x1x1x8x128xf32, #tpu.memory_space<hbm>> -> memref<8x128xf32, #tpu.memory_space<hbm>>
        %dma_wait3A_1826 = arith.constant 8 : i32
        %dma_wait3A_1827 = arith.constant 0 : i32
        %dma_wait3A_1828 = tpu.memref_slice %arg9[%dma_wait3A_1812, %dma_wait3A_1826, %dma_wait3A_1827] : memref<8x16x129xf32, #tpu.memory_space<vmem>> -> memref<1x8x128xf32, #tpu.memory_space<vmem>>
        %dma_wait3A_1829 = tpu.memref_squeeze %dma_wait3A_1828 : memref<1x8x128xf32, #tpu.memory_space<vmem>> -> memref<8x128xf32, #tpu.memory_space<vmem>>
        tpu.wait_dma2 semaphore(%arg17 : memref<!tpu.dma_semaphore, #tpu.memory_space<semaphore_mem>>) src(%dma_wait3A_1829 : memref<8x128xf32, #tpu.memory_space<vmem>>) dst(%dma_wait3A_1825 : memref<8x128xf32, #tpu.memory_space<hbm>>)
        %dma_wait3A_1830 = arith.constant 1 : i32
        %dma_wait3A_1831 = arith.constant 0 : i32
        %dma_wait3A_1832 = arith.constant 0 : i32
        %dma_wait3A_1833 = arith.constant 0 : i32
        %dma_wait3A_1834 = tpu.memref_slice %arg9[%dma_wait3A_1830, %dma_wait3A_1832, %dma_wait3A_1833] : memref<8x16x129xf32, #tpu.memory_space<vmem>> -> memref<1x8x128xf32, #tpu.memory_space<vmem>>
        %dma_wait3A_1835 = tpu.memref_squeeze %dma_wait3A_1834 : memref<1x8x128xf32, #tpu.memory_space<vmem>> -> memref<8x128xf32, #tpu.memory_space<vmem>>
        %dma_wait3A_1836 = arith.constant 0 : i32
        %dma_wait3A_1837 = arith.constant 0 : i32
        %dma_wait3A_1838 = tpu.memref_slice %arg4[%add3A_1741, %dma_wait3A_1831, %select_n3A_1729, %dma_wait3A_1836, %dma_wait3A_1837] : memref<200x2x128x8x128xf32, #tpu.memory_space<hbm>> -> memref<1x1x1x8x128xf32, #tpu.memory_space<hbm>>
        %dma_wait3A_1839 = tpu.memref_squeeze %dma_wait3A_1838 : memref<1x1x1x8x128xf32, #tpu.memory_space<hbm>> -> memref<8x128xf32, #tpu.memory_space<hbm>>
        %dma_wait3A_1840 = arith.constant 0 : i32
        %dma_wait3A_1841 = arith.constant 0 : i32
        %dma_wait3A_1842 = tpu.memref_slice %arg4[%add3A_1741, %dma_wait3A_1831, %select_n3A_1729, %dma_wait3A_1840, %dma_wait3A_1841] : memref<200x2x128x8x128xf32, #tpu.memory_space<hbm>> -> memref<1x1x1x8x128xf32, #tpu.memory_space<hbm>>
        %dma_wait3A_1843 = tpu.memref_squeeze %dma_wait3A_1842 : memref<1x1x1x8x128xf32, #tpu.memory_space<hbm>> -> memref<8x128xf32, #tpu.memory_space<hbm>>
        %dma_wait3A_1844 = arith.constant 0 : i32
        %dma_wait3A_1845 = arith.constant 0 : i32
        %dma_wait3A_1846 = tpu.memref_slice %arg9[%dma_wait3A_1830, %dma_wait3A_1844, %dma_wait3A_1845] : memref<8x16x129xf32, #tpu.memory_space<vmem>> -> memref<1x8x128xf32, #tpu.memory_space<vmem>>
        %dma_wait3A_1847 = tpu.memref_squeeze %dma_wait3A_1846 : memref<1x8x128xf32, #tpu.memory_space<vmem>> -> memref<8x128xf32, #tpu.memory_space<vmem>>
        tpu.wait_dma2 semaphore(%arg17 : memref<!tpu.dma_semaphore, #tpu.memory_space<semaphore_mem>>) src(%dma_wait3A_1847 : memref<8x128xf32, #tpu.memory_space<vmem>>) dst(%dma_wait3A_1843 : memref<8x128xf32, #tpu.memory_space<hbm>>)
        %dma_wait3A_1848 = arith.constant 1 : i32
        %dma_wait3A_1849 = arith.constant 1 : i32
        %dma_wait3A_1850 = arith.constant 8 : i32
        %dma_wait3A_1851 = arith.constant 0 : i32
        %dma_wait3A_1852 = tpu.memref_slice %arg9[%dma_wait3A_1848, %dma_wait3A_1850, %dma_wait3A_1851] : memref<8x16x129xf32, #tpu.memory_space<vmem>> -> memref<1x8x128xf32, #tpu.memory_space<vmem>>
        %dma_wait3A_1853 = tpu.memref_squeeze %dma_wait3A_1852 : memref<1x8x128xf32, #tpu.memory_space<vmem>> -> memref<8x128xf32, #tpu.memory_space<vmem>>
        %dma_wait3A_1854 = arith.constant 0 : i32
        %dma_wait3A_1855 = arith.constant 0 : i32
        %dma_wait3A_1856 = tpu.memref_slice %arg4[%add3A_1745, %dma_wait3A_1849, %select_n3A_1729, %dma_wait3A_1854, %dma_wait3A_1855] : memref<200x2x128x8x128xf32, #tpu.memory_space<hbm>> -> memref<1x1x1x8x128xf32, #tpu.memory_space<hbm>>
        %dma_wait3A_1857 = tpu.memref_squeeze %dma_wait3A_1856 : memref<1x1x1x8x128xf32, #tpu.memory_space<hbm>> -> memref<8x128xf32, #tpu.memory_space<hbm>>
        %dma_wait3A_1858 = arith.constant 0 : i32
        %dma_wait3A_1859 = arith.constant 0 : i32
        %dma_wait3A_1860 = tpu.memref_slice %arg4[%add3A_1745, %dma_wait3A_1849, %select_n3A_1729, %dma_wait3A_1858, %dma_wait3A_1859] : memref<200x2x128x8x128xf32, #tpu.memory_space<hbm>> -> memref<1x1x1x8x128xf32, #tpu.memory_space<hbm>>
        %dma_wait3A_1861 = tpu.memref_squeeze %dma_wait3A_1860 : memref<1x1x1x8x128xf32, #tpu.memory_space<hbm>> -> memref<8x128xf32, #tpu.memory_space<hbm>>
        %dma_wait3A_1862 = arith.constant 8 : i32
        %dma_wait3A_1863 = arith.constant 0 : i32
        %dma_wait3A_1864 = tpu.memref_slice %arg9[%dma_wait3A_1848, %dma_wait3A_1862, %dma_wait3A_1863] : memref<8x16x129xf32, #tpu.memory_space<vmem>> -> memref<1x8x128xf32, #tpu.memory_space<vmem>>
        %dma_wait3A_1865 = tpu.memref_squeeze %dma_wait3A_1864 : memref<1x8x128xf32, #tpu.memory_space<vmem>> -> memref<8x128xf32, #tpu.memory_space<vmem>>
        tpu.wait_dma2 semaphore(%arg17 : memref<!tpu.dma_semaphore, #tpu.memory_space<semaphore_mem>>) src(%dma_wait3A_1865 : memref<8x128xf32, #tpu.memory_space<vmem>>) dst(%dma_wait3A_1861 : memref<8x128xf32, #tpu.memory_space<hbm>>)
        %dma_wait3A_1866 = arith.constant 2 : i32
        %dma_wait3A_1867 = arith.constant 0 : i32
        %dma_wait3A_1868 = arith.constant 0 : i32
        %dma_wait3A_1869 = arith.constant 0 : i32
        %dma_wait3A_1870 = tpu.memref_slice %arg9[%dma_wait3A_1866, %dma_wait3A_1868, %dma_wait3A_1869] : memref<8x16x129xf32, #tpu.memory_space<vmem>> -> memref<1x8x128xf32, #tpu.memory_space<vmem>>
        %dma_wait3A_1871 = tpu.memref_squeeze %dma_wait3A_1870 : memref<1x8x128xf32, #tpu.memory_space<vmem>> -> memref<8x128xf32, #tpu.memory_space<vmem>>
        %dma_wait3A_1872 = arith.constant 0 : i32
        %dma_wait3A_1873 = arith.constant 0 : i32
        %dma_wait3A_1874 = tpu.memref_slice %arg4[%add3A_1749, %dma_wait3A_1867, %select_n3A_1729, %dma_wait3A_1872, %dma_wait3A_1873] : memref<200x2x128x8x128xf32, #tpu.memory_space<hbm>> -> memref<1x1x1x8x128xf32, #tpu.memory_space<hbm>>
        %dma_wait3A_1875 = tpu.memref_squeeze %dma_wait3A_1874 : memref<1x1x1x8x128xf32, #tpu.memory_space<hbm>> -> memref<8x128xf32, #tpu.memory_space<hbm>>
        %dma_wait3A_1876 = arith.constant 0 : i32
        %dma_wait3A_1877 = arith.constant 0 : i32
        %dma_wait3A_1878 = tpu.memref_slice %arg4[%add3A_1749, %dma_wait3A_1867, %select_n3A_1729, %dma_wait3A_1876, %dma_wait3A_1877] : memref<200x2x128x8x128xf32, #tpu.memory_space<hbm>> -> memref<1x1x1x8x128xf32, #tpu.memory_space<hbm>>
        %dma_wait3A_1879 = tpu.memref_squeeze %dma_wait3A_1878 : memref<1x1x1x8x128xf32, #tpu.memory_space<hbm>> -> memref<8x128xf32, #tpu.memory_space<hbm>>
        %dma_wait3A_1880 = arith.constant 0 : i32
        %dma_wait3A_1881 = arith.constant 0 : i32
        %dma_wait3A_1882 = tpu.memref_slice %arg9[%dma_wait3A_1866, %dma_wait3A_1880, %dma_wait3A_1881] : memref<8x16x129xf32, #tpu.memory_space<vmem>> -> memref<1x8x128xf32, #tpu.memory_space<vmem>>
        %dma_wait3A_1883 = tpu.memref_squeeze %dma_wait3A_1882 : memref<1x8x128xf32, #tpu.memory_space<vmem>> -> memref<8x128xf32, #tpu.memory_space<vmem>>
        tpu.wait_dma2 semaphore(%arg17 : memref<!tpu.dma_semaphore, #tpu.memory_space<semaphore_mem>>) src(%dma_wait3A_1883 : memref<8x128xf32, #tpu.memory_space<vmem>>) dst(%dma_wait3A_1879 : memref<8x128xf32, #tpu.memory_space<hbm>>)
        %dma_wait3A_1884 = arith.constant 2 : i32
        %dma_wait3A_1885 = arith.constant 1 : i32
        %dma_wait3A_1886 = arith.constant 8 : i32
        %dma_wait3A_1887 = arith.constant 0 : i32
        %dma_wait3A_1888 = tpu.memref_slice %arg9[%dma_wait3A_1884, %dma_wait3A_1886, %dma_wait3A_1887] : memref<8x16x129xf32, #tpu.memory_space<vmem>> -> memref<1x8x128xf32, #tpu.memory_space<vmem>>
        %dma_wait3A_1889 = tpu.memref_squeeze %dma_wait3A_1888 : memref<1x8x128xf32, #tpu.memory_space<vmem>> -> memref<8x128xf32, #tpu.memory_space<vmem>>
        %dma_wait3A_1890 = arith.constant 0 : i32
        %dma_wait3A_1891 = arith.constant 0 : i32
        %dma_wait3A_1892 = tpu.memref_slice %arg4[%add3A_1753, %dma_wait3A_1885, %select_n3A_1729, %dma_wait3A_1890, %dma_wait3A_1891] : memref<200x2x128x8x128xf32, #tpu.memory_space<hbm>> -> memref<1x1x1x8x128xf32, #tpu.memory_space<hbm>>
        %dma_wait3A_1893 = tpu.memref_squeeze %dma_wait3A_1892 : memref<1x1x1x8x128xf32, #tpu.memory_space<hbm>> -> memref<8x128xf32, #tpu.memory_space<hbm>>
        %dma_wait3A_1894 = arith.constant 0 : i32
        %dma_wait3A_1895 = arith.constant 0 : i32
        %dma_wait3A_1896 = tpu.memref_slice %arg4[%add3A_1753, %dma_wait3A_1885, %select_n3A_1729, %dma_wait3A_1894, %dma_wait3A_1895] : memref<200x2x128x8x128xf32, #tpu.memory_space<hbm>> -> memref<1x1x1x8x128xf32, #tpu.memory_space<hbm>>
        %dma_wait3A_1897 = tpu.memref_squeeze %dma_wait3A_1896 : memref<1x1x1x8x128xf32, #tpu.memory_space<hbm>> -> memref<8x128xf32, #tpu.memory_space<hbm>>
        %dma_wait3A_1898 = arith.constant 8 : i32
        %dma_wait3A_1899 = arith.constant 0 : i32
        %dma_wait3A_1900 = tpu.memref_slice %arg9[%dma_wait3A_1884, %dma_wait3A_1898, %dma_wait3A_1899] : memref<8x16x129xf32, #tpu.memory_space<vmem>> -> memref<1x8x128xf32, #tpu.memory_space<vmem>>
        %dma_wait3A_1901 = tpu.memref_squeeze %dma_wait3A_1900 : memref<1x8x128xf32, #tpu.memory_space<vmem>> -> memref<8x128xf32, #tpu.memory_space<vmem>>
        tpu.wait_dma2 semaphore(%arg17 : memref<!tpu.dma_semaphore, #tpu.memory_space<semaphore_mem>>) src(%dma_wait3A_1901 : memref<8x128xf32, #tpu.memory_space<vmem>>) dst(%dma_wait3A_1897 : memref<8x128xf32, #tpu.memory_space<hbm>>)
        %dma_wait3A_1902 = arith.constant 3 : i32
        %dma_wait3A_1903 = arith.constant 0 : i32
        %dma_wait3A_1904 = arith.constant 0 : i32
        %dma_wait3A_1905 = arith.constant 0 : i32
        %dma_wait3A_1906 = tpu.memref_slice %arg9[%dma_wait3A_1902, %dma_wait3A_1904, %dma_wait3A_1905] : memref<8x16x129xf32, #tpu.memory_space<vmem>> -> memref<1x8x128xf32, #tpu.memory_space<vmem>>
        %dma_wait3A_1907 = tpu.memref_squeeze %dma_wait3A_1906 : memref<1x8x128xf32, #tpu.memory_space<vmem>> -> memref<8x128xf32, #tpu.memory_space<vmem>>
        %dma_wait3A_1908 = arith.constant 0 : i32
        %dma_wait3A_1909 = arith.constant 0 : i32
        %dma_wait3A_1910 = tpu.memref_slice %arg4[%add3A_1757, %dma_wait3A_1903, %select_n3A_1729, %dma_wait3A_1908, %dma_wait3A_1909] : memref<200x2x128x8x128xf32, #tpu.memory_space<hbm>> -> memref<1x1x1x8x128xf32, #tpu.memory_space<hbm>>
        %dma_wait3A_1911 = tpu.memref_squeeze %dma_wait3A_1910 : memref<1x1x1x8x128xf32, #tpu.memory_space<hbm>> -> memref<8x128xf32, #tpu.memory_space<hbm>>
        %dma_wait3A_1912 = arith.constant 0 : i32
        %dma_wait3A_1913 = arith.constant 0 : i32
        %dma_wait3A_1914 = tpu.memref_slice %arg4[%add3A_1757, %dma_wait3A_1903, %select_n3A_1729, %dma_wait3A_1912, %dma_wait3A_1913] : memref<200x2x128x8x128xf32, #tpu.memory_space<hbm>> -> memref<1x1x1x8x128xf32, #tpu.memory_space<hbm>>
        %dma_wait3A_1915 = tpu.memref_squeeze %dma_wait3A_1914 : memref<1x1x1x8x128xf32, #tpu.memory_space<hbm>> -> memref<8x128xf32, #tpu.memory_space<hbm>>
        %dma_wait3A_1916 = arith.constant 0 : i32
        %dma_wait3A_1917 = arith.constant 0 : i32
        %dma_wait3A_1918 = tpu.memref_slice %arg9[%dma_wait3A_1902, %dma_wait3A_1916, %dma_wait3A_1917] : memref<8x16x129xf32, #tpu.memory_space<vmem>> -> memref<1x8x128xf32, #tpu.memory_space<vmem>>
        %dma_wait3A_1919 = tpu.memref_squeeze %dma_wait3A_1918 : memref<1x8x128xf32, #tpu.memory_space<vmem>> -> memref<8x128xf32, #tpu.memory_space<vmem>>
        tpu.wait_dma2 semaphore(%arg17 : memref<!tpu.dma_semaphore, #tpu.memory_space<semaphore_mem>>) src(%dma_wait3A_1919 : memref<8x128xf32, #tpu.memory_space<vmem>>) dst(%dma_wait3A_1915 : memref<8x128xf32, #tpu.memory_space<hbm>>)
        %dma_wait3A_1920 = arith.constant 3 : i32
        %dma_wait3A_1921 = arith.constant 1 : i32
        %dma_wait3A_1922 = arith.constant 8 : i32
        %dma_wait3A_1923 = arith.constant 0 : i32
        %dma_wait3A_1924 = tpu.memref_slice %arg9[%dma_wait3A_1920, %dma_wait3A_1922, %dma_wait3A_1923] : memref<8x16x129xf32, #tpu.memory_space<vmem>> -> memref<1x8x128xf32, #tpu.memory_space<vmem>>
        %dma_wait3A_1925 = tpu.memref_squeeze %dma_wait3A_1924 : memref<1x8x128xf32, #tpu.memory_space<vmem>> -> memref<8x128xf32, #tpu.memory_space<vmem>>
        %dma_wait3A_1926 = arith.constant 0 : i32
        %dma_wait3A_1927 = arith.constant 0 : i32
        %dma_wait3A_1928 = tpu.memref_slice %arg4[%add3A_1761, %dma_wait3A_1921, %select_n3A_1729, %dma_wait3A_1926, %dma_wait3A_1927] : memref<200x2x128x8x128xf32, #tpu.memory_space<hbm>> -> memref<1x1x1x8x128xf32, #tpu.memory_space<hbm>>
        %dma_wait3A_1929 = tpu.memref_squeeze %dma_wait3A_1928 : memref<1x1x1x8x128xf32, #tpu.memory_space<hbm>> -> memref<8x128xf32, #tpu.memory_space<hbm>>
        %dma_wait3A_1930 = arith.constant 0 : i32
        %dma_wait3A_1931 = arith.constant 0 : i32
        %dma_wait3A_1932 = tpu.memref_slice %arg4[%add3A_1761, %dma_wait3A_1921, %select_n3A_1729, %dma_wait3A_1930, %dma_wait3A_1931] : memref<200x2x128x8x128xf32, #tpu.memory_space<hbm>> -> memref<1x1x1x8x128xf32, #tpu.memory_space<hbm>>
        %dma_wait3A_1933 = tpu.memref_squeeze %dma_wait3A_1932 : memref<1x1x1x8x128xf32, #tpu.memory_space<hbm>> -> memref<8x128xf32, #tpu.memory_space<hbm>>
        %dma_wait3A_1934 = arith.constant 8 : i32
        %dma_wait3A_1935 = arith.constant 0 : i32
        %dma_wait3A_1936 = tpu.memref_slice %arg9[%dma_wait3A_1920, %dma_wait3A_1934, %dma_wait3A_1935] : memref<8x16x129xf32, #tpu.memory_space<vmem>> -> memref<1x8x128xf32, #tpu.memory_space<vmem>>
        %dma_wait3A_1937 = tpu.memref_squeeze %dma_wait3A_1936 : memref<1x8x128xf32, #tpu.memory_space<vmem>> -> memref<8x128xf32, #tpu.memory_space<vmem>>
        tpu.wait_dma2 semaphore(%arg17 : memref<!tpu.dma_semaphore, #tpu.memory_space<semaphore_mem>>) src(%dma_wait3A_1937 : memref<8x128xf32, #tpu.memory_space<vmem>>) dst(%dma_wait3A_1933 : memref<8x128xf32, #tpu.memory_space<hbm>>)
        %dma_wait3A_1938 = arith.constant 4 : i32
        %dma_wait3A_1939 = arith.constant 0 : i32
        %dma_wait3A_1940 = arith.constant 0 : i32
        %dma_wait3A_1941 = arith.constant 0 : i32
        %dma_wait3A_1942 = tpu.memref_slice %arg9[%dma_wait3A_1938, %dma_wait3A_1940, %dma_wait3A_1941] : memref<8x16x129xf32, #tpu.memory_space<vmem>> -> memref<1x8x128xf32, #tpu.memory_space<vmem>>
        %dma_wait3A_1943 = tpu.memref_squeeze %dma_wait3A_1942 : memref<1x8x128xf32, #tpu.memory_space<vmem>> -> memref<8x128xf32, #tpu.memory_space<vmem>>
        %dma_wait3A_1944 = arith.constant 0 : i32
        %dma_wait3A_1945 = arith.constant 0 : i32
        %dma_wait3A_1946 = tpu.memref_slice %arg4[%add3A_1765, %dma_wait3A_1939, %select_n3A_1729, %dma_wait3A_1944, %dma_wait3A_1945] : memref<200x2x128x8x128xf32, #tpu.memory_space<hbm>> -> memref<1x1x1x8x128xf32, #tpu.memory_space<hbm>>
        %dma_wait3A_1947 = tpu.memref_squeeze %dma_wait3A_1946 : memref<1x1x1x8x128xf32, #tpu.memory_space<hbm>> -> memref<8x128xf32, #tpu.memory_space<hbm>>
        %dma_wait3A_1948 = arith.constant 0 : i32
        %dma_wait3A_1949 = arith.constant 0 : i32
        %dma_wait3A_1950 = tpu.memref_slice %arg4[%add3A_1765, %dma_wait3A_1939, %select_n3A_1729, %dma_wait3A_1948, %dma_wait3A_1949] : memref<200x2x128x8x128xf32, #tpu.memory_space<hbm>> -> memref<1x1x1x8x128xf32, #tpu.memory_space<hbm>>
        %dma_wait3A_1951 = tpu.memref_squeeze %dma_wait3A_1950 : memref<1x1x1x8x128xf32, #tpu.memory_space<hbm>> -> memref<8x128xf32, #tpu.memory_space<hbm>>
        %dma_wait3A_1952 = arith.constant 0 : i32
        %dma_wait3A_1953 = arith.constant 0 : i32
        %dma_wait3A_1954 = tpu.memref_slice %arg9[%dma_wait3A_1938, %dma_wait3A_1952, %dma_wait3A_1953] : memref<8x16x129xf32, #tpu.memory_space<vmem>> -> memref<1x8x128xf32, #tpu.memory_space<vmem>>
        %dma_wait3A_1955 = tpu.memref_squeeze %dma_wait3A_1954 : memref<1x8x128xf32, #tpu.memory_space<vmem>> -> memref<8x128xf32, #tpu.memory_space<vmem>>
        tpu.wait_dma2 semaphore(%arg17 : memref<!tpu.dma_semaphore, #tpu.memory_space<semaphore_mem>>) src(%dma_wait3A_1955 : memref<8x128xf32, #tpu.memory_space<vmem>>) dst(%dma_wait3A_1951 : memref<8x128xf32, #tpu.memory_space<hbm>>)
        %dma_wait3A_1956 = arith.constant 4 : i32
        %dma_wait3A_1957 = arith.constant 1 : i32
        %dma_wait3A_1958 = arith.constant 8 : i32
        %dma_wait3A_1959 = arith.constant 0 : i32
        %dma_wait3A_1960 = tpu.memref_slice %arg9[%dma_wait3A_1956, %dma_wait3A_1958, %dma_wait3A_1959] : memref<8x16x129xf32, #tpu.memory_space<vmem>> -> memref<1x8x128xf32, #tpu.memory_space<vmem>>
        %dma_wait3A_1961 = tpu.memref_squeeze %dma_wait3A_1960 : memref<1x8x128xf32, #tpu.memory_space<vmem>> -> memref<8x128xf32, #tpu.memory_space<vmem>>
        %dma_wait3A_1962 = arith.constant 0 : i32
        %dma_wait3A_1963 = arith.constant 0 : i32
        %dma_wait3A_1964 = tpu.memref_slice %arg4[%add3A_1769, %dma_wait3A_1957, %select_n3A_1729, %dma_wait3A_1962, %dma_wait3A_1963] : memref<200x2x128x8x128xf32, #tpu.memory_space<hbm>> -> memref<1x1x1x8x128xf32, #tpu.memory_space<hbm>>
        %dma_wait3A_1965 = tpu.memref_squeeze %dma_wait3A_1964 : memref<1x1x1x8x128xf32, #tpu.memory_space<hbm>> -> memref<8x128xf32, #tpu.memory_space<hbm>>
        %dma_wait3A_1966 = arith.constant 0 : i32
        %dma_wait3A_1967 = arith.constant 0 : i32
        %dma_wait3A_1968 = tpu.memref_slice %arg4[%add3A_1769, %dma_wait3A_1957, %select_n3A_1729, %dma_wait3A_1966, %dma_wait3A_1967] : memref<200x2x128x8x128xf32, #tpu.memory_space<hbm>> -> memref<1x1x1x8x128xf32, #tpu.memory_space<hbm>>
        %dma_wait3A_1969 = tpu.memref_squeeze %dma_wait3A_1968 : memref<1x1x1x8x128xf32, #tpu.memory_space<hbm>> -> memref<8x128xf32, #tpu.memory_space<hbm>>
        %dma_wait3A_1970 = arith.constant 8 : i32
        %dma_wait3A_1971 = arith.constant 0 : i32
        %dma_wait3A_1972 = tpu.memref_slice %arg9[%dma_wait3A_1956, %dma_wait3A_1970, %dma_wait3A_1971] : memref<8x16x129xf32, #tpu.memory_space<vmem>> -> memref<1x8x128xf32, #tpu.memory_space<vmem>>
        %dma_wait3A_1973 = tpu.memref_squeeze %dma_wait3A_1972 : memref<1x8x128xf32, #tpu.memory_space<vmem>> -> memref<8x128xf32, #tpu.memory_space<vmem>>
        tpu.wait_dma2 semaphore(%arg17 : memref<!tpu.dma_semaphore, #tpu.memory_space<semaphore_mem>>) src(%dma_wait3A_1973 : memref<8x128xf32, #tpu.memory_space<vmem>>) dst(%dma_wait3A_1969 : memref<8x128xf32, #tpu.memory_space<hbm>>)
        %dma_wait3A_1974 = arith.constant 5 : i32
        %dma_wait3A_1975 = arith.constant 0 : i32
        %dma_wait3A_1976 = arith.constant 0 : i32
        %dma_wait3A_1977 = arith.constant 0 : i32
        %dma_wait3A_1978 = tpu.memref_slice %arg9[%dma_wait3A_1974, %dma_wait3A_1976, %dma_wait3A_1977] : memref<8x16x129xf32, #tpu.memory_space<vmem>> -> memref<1x8x128xf32, #tpu.memory_space<vmem>>
        %dma_wait3A_1979 = tpu.memref_squeeze %dma_wait3A_1978 : memref<1x8x128xf32, #tpu.memory_space<vmem>> -> memref<8x128xf32, #tpu.memory_space<vmem>>
        %dma_wait3A_1980 = arith.constant 0 : i32
        %dma_wait3A_1981 = arith.constant 0 : i32
        %dma_wait3A_1982 = tpu.memref_slice %arg4[%add3A_1773, %dma_wait3A_1975, %select_n3A_1729, %dma_wait3A_1980, %dma_wait3A_1981] : memref<200x2x128x8x128xf32, #tpu.memory_space<hbm>> -> memref<1x1x1x8x128xf32, #tpu.memory_space<hbm>>
        %dma_wait3A_1983 = tpu.memref_squeeze %dma_wait3A_1982 : memref<1x1x1x8x128xf32, #tpu.memory_space<hbm>> -> memref<8x128xf32, #tpu.memory_space<hbm>>
        %dma_wait3A_1984 = arith.constant 0 : i32
        %dma_wait3A_1985 = arith.constant 0 : i32
        %dma_wait3A_1986 = tpu.memref_slice %arg4[%add3A_1773, %dma_wait3A_1975, %select_n3A_1729, %dma_wait3A_1984, %dma_wait3A_1985] : memref<200x2x128x8x128xf32, #tpu.memory_space<hbm>> -> memref<1x1x1x8x128xf32, #tpu.memory_space<hbm>>
        %dma_wait3A_1987 = tpu.memref_squeeze %dma_wait3A_1986 : memref<1x1x1x8x128xf32, #tpu.memory_space<hbm>> -> memref<8x128xf32, #tpu.memory_space<hbm>>
        %dma_wait3A_1988 = arith.constant 0 : i32
        %dma_wait3A_1989 = arith.constant 0 : i32
        %dma_wait3A_1990 = tpu.memref_slice %arg9[%dma_wait3A_1974, %dma_wait3A_1988, %dma_wait3A_1989] : memref<8x16x129xf32, #tpu.memory_space<vmem>> -> memref<1x8x128xf32, #tpu.memory_space<vmem>>
        %dma_wait3A_1991 = tpu.memref_squeeze %dma_wait3A_1990 : memref<1x8x128xf32, #tpu.memory_space<vmem>> -> memref<8x128xf32, #tpu.memory_space<vmem>>
        tpu.wait_dma2 semaphore(%arg17 : memref<!tpu.dma_semaphore, #tpu.memory_space<semaphore_mem>>) src(%dma_wait3A_1991 : memref<8x128xf32, #tpu.memory_space<vmem>>) dst(%dma_wait3A_1987 : memref<8x128xf32, #tpu.memory_space<hbm>>)
        %dma_wait3A_1992 = arith.constant 5 : i32
        %dma_wait3A_1993 = arith.constant 1 : i32
        %dma_wait3A_1994 = arith.constant 8 : i32
        %dma_wait3A_1995 = arith.constant 0 : i32
        %dma_wait3A_1996 = tpu.memref_slice %arg9[%dma_wait3A_1992, %dma_wait3A_1994, %dma_wait3A_1995] : memref<8x16x129xf32, #tpu.memory_space<vmem>> -> memref<1x8x128xf32, #tpu.memory_space<vmem>>
        %dma_wait3A_1997 = tpu.memref_squeeze %dma_wait3A_1996 : memref<1x8x128xf32, #tpu.memory_space<vmem>> -> memref<8x128xf32, #tpu.memory_space<vmem>>
        %dma_wait3A_1998 = arith.constant 0 : i32
        %dma_wait3A_1999 = arith.constant 0 : i32
        %dma_wait3A_2000 = tpu.memref_slice %arg4[%add3A_1777, %dma_wait3A_1993, %select_n3A_1729, %dma_wait3A_1998, %dma_wait3A_1999] : memref<200x2x128x8x128xf32, #tpu.memory_space<hbm>> -> memref<1x1x1x8x128xf32, #tpu.memory_space<hbm>>
        %dma_wait3A_2001 = tpu.memref_squeeze %dma_wait3A_2000 : memref<1x1x1x8x128xf32, #tpu.memory_space<hbm>> -> memref<8x128xf32, #tpu.memory_space<hbm>>
        %dma_wait3A_2002 = arith.constant 0 : i32
        %dma_wait3A_2003 = arith.constant 0 : i32
        %dma_wait3A_2004 = tpu.memref_slice %arg4[%add3A_1777, %dma_wait3A_1993, %select_n3A_1729, %dma_wait3A_2002, %dma_wait3A_2003] : memref<200x2x128x8x128xf32, #tpu.memory_space<hbm>> -> memref<1x1x1x8x128xf32, #tpu.memory_space<hbm>>
        %dma_wait3A_2005 = tpu.memref_squeeze %dma_wait3A_2004 : memref<1x1x1x8x128xf32, #tpu.memory_space<hbm>> -> memref<8x128xf32, #tpu.memory_space<hbm>>
        %dma_wait3A_2006 = arith.constant 8 : i32
        %dma_wait3A_2007 = arith.constant 0 : i32
        %dma_wait3A_2008 = tpu.memref_slice %arg9[%dma_wait3A_1992, %dma_wait3A_2006, %dma_wait3A_2007] : memref<8x16x129xf32, #tpu.memory_space<vmem>> -> memref<1x8x128xf32, #tpu.memory_space<vmem>>
        %dma_wait3A_2009 = tpu.memref_squeeze %dma_wait3A_2008 : memref<1x8x128xf32, #tpu.memory_space<vmem>> -> memref<8x128xf32, #tpu.memory_space<vmem>>
        tpu.wait_dma2 semaphore(%arg17 : memref<!tpu.dma_semaphore, #tpu.memory_space<semaphore_mem>>) src(%dma_wait3A_2009 : memref<8x128xf32, #tpu.memory_space<vmem>>) dst(%dma_wait3A_2005 : memref<8x128xf32, #tpu.memory_space<hbm>>)
        %dma_wait3A_2010 = arith.constant 6 : i32
        %dma_wait3A_2011 = arith.constant 0 : i32
        %dma_wait3A_2012 = arith.constant 0 : i32
        %dma_wait3A_2013 = arith.constant 0 : i32
        %dma_wait3A_2014 = tpu.memref_slice %arg9[%dma_wait3A_2010, %dma_wait3A_2012, %dma_wait3A_2013] : memref<8x16x129xf32, #tpu.memory_space<vmem>> -> memref<1x8x128xf32, #tpu.memory_space<vmem>>
        %dma_wait3A_2015 = tpu.memref_squeeze %dma_wait3A_2014 : memref<1x8x128xf32, #tpu.memory_space<vmem>> -> memref<8x128xf32, #tpu.memory_space<vmem>>
        %dma_wait3A_2016 = arith.constant 0 : i32
        %dma_wait3A_2017 = arith.constant 0 : i32
        %dma_wait3A_2018 = tpu.memref_slice %arg4[%add3A_1781, %dma_wait3A_2011, %select_n3A_1729, %dma_wait3A_2016, %dma_wait3A_2017] : memref<200x2x128x8x128xf32, #tpu.memory_space<hbm>> -> memref<1x1x1x8x128xf32, #tpu.memory_space<hbm>>
        %dma_wait3A_2019 = tpu.memref_squeeze %dma_wait3A_2018 : memref<1x1x1x8x128xf32, #tpu.memory_space<hbm>> -> memref<8x128xf32, #tpu.memory_space<hbm>>
        %dma_wait3A_2020 = arith.constant 0 : i32
        %dma_wait3A_2021 = arith.constant 0 : i32
        %dma_wait3A_2022 = tpu.memref_slice %arg4[%add3A_1781, %dma_wait3A_2011, %select_n3A_1729, %dma_wait3A_2020, %dma_wait3A_2021] : memref<200x2x128x8x128xf32, #tpu.memory_space<hbm>> -> memref<1x1x1x8x128xf32, #tpu.memory_space<hbm>>
        %dma_wait3A_2023 = tpu.memref_squeeze %dma_wait3A_2022 : memref<1x1x1x8x128xf32, #tpu.memory_space<hbm>> -> memref<8x128xf32, #tpu.memory_space<hbm>>
        %dma_wait3A_2024 = arith.constant 0 : i32
        %dma_wait3A_2025 = arith.constant 0 : i32
        %dma_wait3A_2026 = tpu.memref_slice %arg9[%dma_wait3A_2010, %dma_wait3A_2024, %dma_wait3A_2025] : memref<8x16x129xf32, #tpu.memory_space<vmem>> -> memref<1x8x128xf32, #tpu.memory_space<vmem>>
        %dma_wait3A_2027 = tpu.memref_squeeze %dma_wait3A_2026 : memref<1x8x128xf32, #tpu.memory_space<vmem>> -> memref<8x128xf32, #tpu.memory_space<vmem>>
        tpu.wait_dma2 semaphore(%arg17 : memref<!tpu.dma_semaphore, #tpu.memory_space<semaphore_mem>>) src(%dma_wait3A_2027 : memref<8x128xf32, #tpu.memory_space<vmem>>) dst(%dma_wait3A_2023 : memref<8x128xf32, #tpu.memory_space<hbm>>)
        %dma_wait3A_2028 = arith.constant 6 : i32
        %dma_wait3A_2029 = arith.constant 1 : i32
        %dma_wait3A_2030 = arith.constant 8 : i32
        %dma_wait3A_2031 = arith.constant 0 : i32
        %dma_wait3A_2032 = tpu.memref_slice %arg9[%dma_wait3A_2028, %dma_wait3A_2030, %dma_wait3A_2031] : memref<8x16x129xf32, #tpu.memory_space<vmem>> -> memref<1x8x128xf32, #tpu.memory_space<vmem>>
        %dma_wait3A_2033 = tpu.memref_squeeze %dma_wait3A_2032 : memref<1x8x128xf32, #tpu.memory_space<vmem>> -> memref<8x128xf32, #tpu.memory_space<vmem>>
        %dma_wait3A_2034 = arith.constant 0 : i32
        %dma_wait3A_2035 = arith.constant 0 : i32
        %dma_wait3A_2036 = tpu.memref_slice %arg4[%add3A_1785, %dma_wait3A_2029, %select_n3A_1729, %dma_wait3A_2034, %dma_wait3A_2035] : memref<200x2x128x8x128xf32, #tpu.memory_space<hbm>> -> memref<1x1x1x8x128xf32, #tpu.memory_space<hbm>>
        %dma_wait3A_2037 = tpu.memref_squeeze %dma_wait3A_2036 : memref<1x1x1x8x128xf32, #tpu.memory_space<hbm>> -> memref<8x128xf32, #tpu.memory_space<hbm>>
        %dma_wait3A_2038 = arith.constant 0 : i32
        %dma_wait3A_2039 = arith.constant 0 : i32
        %dma_wait3A_2040 = tpu.memref_slice %arg4[%add3A_1785, %dma_wait3A_2029, %select_n3A_1729, %dma_wait3A_2038, %dma_wait3A_2039] : memref<200x2x128x8x128xf32, #tpu.memory_space<hbm>> -> memref<1x1x1x8x128xf32, #tpu.memory_space<hbm>>
        %dma_wait3A_2041 = tpu.memref_squeeze %dma_wait3A_2040 : memref<1x1x1x8x128xf32, #tpu.memory_space<hbm>> -> memref<8x128xf32, #tpu.memory_space<hbm>>
        %dma_wait3A_2042 = arith.constant 8 : i32
        %dma_wait3A_2043 = arith.constant 0 : i32
        %dma_wait3A_2044 = tpu.memref_slice %arg9[%dma_wait3A_2028, %dma_wait3A_2042, %dma_wait3A_2043] : memref<8x16x129xf32, #tpu.memory_space<vmem>> -> memref<1x8x128xf32, #tpu.memory_space<vmem>>
        %dma_wait3A_2045 = tpu.memref_squeeze %dma_wait3A_2044 : memref<1x8x128xf32, #tpu.memory_space<vmem>> -> memref<8x128xf32, #tpu.memory_space<vmem>>
        tpu.wait_dma2 semaphore(%arg17 : memref<!tpu.dma_semaphore, #tpu.memory_space<semaphore_mem>>) src(%dma_wait3A_2045 : memref<8x128xf32, #tpu.memory_space<vmem>>) dst(%dma_wait3A_2041 : memref<8x128xf32, #tpu.memory_space<hbm>>)
        %dma_wait3A_2046 = arith.constant 7 : i32
        %dma_wait3A_2047 = arith.constant 0 : i32
        %dma_wait3A_2048 = arith.constant 0 : i32
        %dma_wait3A_2049 = arith.constant 0 : i32
        %dma_wait3A_2050 = tpu.memref_slice %arg9[%dma_wait3A_2046, %dma_wait3A_2048, %dma_wait3A_2049] : memref<8x16x129xf32, #tpu.memory_space<vmem>> -> memref<1x8x128xf32, #tpu.memory_space<vmem>>
        %dma_wait3A_2051 = tpu.memref_squeeze %dma_wait3A_2050 : memref<1x8x128xf32, #tpu.memory_space<vmem>> -> memref<8x128xf32, #tpu.memory_space<vmem>>
        %dma_wait3A_2052 = arith.constant 0 : i32
        %dma_wait3A_2053 = arith.constant 0 : i32
        %dma_wait3A_2054 = tpu.memref_slice %arg4[%add3A_1789, %dma_wait3A_2047, %select_n3A_1729, %dma_wait3A_2052, %dma_wait3A_2053] : memref<200x2x128x8x128xf32, #tpu.memory_space<hbm>> -> memref<1x1x1x8x128xf32, #tpu.memory_space<hbm>>
        %dma_wait3A_2055 = tpu.memref_squeeze %dma_wait3A_2054 : memref<1x1x1x8x128xf32, #tpu.memory_space<hbm>> -> memref<8x128xf32, #tpu.memory_space<hbm>>
        %dma_wait3A_2056 = arith.constant 0 : i32
        %dma_wait3A_2057 = arith.constant 0 : i32
        %dma_wait3A_2058 = tpu.memref_slice %arg4[%add3A_1789, %dma_wait3A_2047, %select_n3A_1729, %dma_wait3A_2056, %dma_wait3A_2057] : memref<200x2x128x8x128xf32, #tpu.memory_space<hbm>> -> memref<1x1x1x8x128xf32, #tpu.memory_space<hbm>>
        %dma_wait3A_2059 = tpu.memref_squeeze %dma_wait3A_2058 : memref<1x1x1x8x128xf32, #tpu.memory_space<hbm>> -> memref<8x128xf32, #tpu.memory_space<hbm>>
        %dma_wait3A_2060 = arith.constant 0 : i32
        %dma_wait3A_2061 = arith.constant 0 : i32
        %dma_wait3A_2062 = tpu.memref_slice %arg9[%dma_wait3A_2046, %dma_wait3A_2060, %dma_wait3A_2061] : memref<8x16x129xf32, #tpu.memory_space<vmem>> -> memref<1x8x128xf32, #tpu.memory_space<vmem>>
        %dma_wait3A_2063 = tpu.memref_squeeze %dma_wait3A_2062 : memref<1x8x128xf32, #tpu.memory_space<vmem>> -> memref<8x128xf32, #tpu.memory_space<vmem>>
        tpu.wait_dma2 semaphore(%arg17 : memref<!tpu.dma_semaphore, #tpu.memory_space<semaphore_mem>>) src(%dma_wait3A_2063 : memref<8x128xf32, #tpu.memory_space<vmem>>) dst(%dma_wait3A_2059 : memref<8x128xf32, #tpu.memory_space<hbm>>)
        %dma_wait3A_2064 = arith.constant 7 : i32
        %dma_wait3A_2065 = arith.constant 1 : i32
        %dma_wait3A_2066 = arith.constant 8 : i32
        %dma_wait3A_2067 = arith.constant 0 : i32
        %dma_wait3A_2068 = tpu.memref_slice %arg9[%dma_wait3A_2064, %dma_wait3A_2066, %dma_wait3A_2067] : memref<8x16x129xf32, #tpu.memory_space<vmem>> -> memref<1x8x128xf32, #tpu.memory_space<vmem>>
        %dma_wait3A_2069 = tpu.memref_squeeze %dma_wait3A_2068 : memref<1x8x128xf32, #tpu.memory_space<vmem>> -> memref<8x128xf32, #tpu.memory_space<vmem>>
        %dma_wait3A_2070 = arith.constant 0 : i32
        %dma_wait3A_2071 = arith.constant 0 : i32
        %dma_wait3A_2072 = tpu.memref_slice %arg4[%add3A_1793, %dma_wait3A_2065, %select_n3A_1729, %dma_wait3A_2070, %dma_wait3A_2071] : memref<200x2x128x8x128xf32, #tpu.memory_space<hbm>> -> memref<1x1x1x8x128xf32, #tpu.memory_space<hbm>>
        %dma_wait3A_2073 = tpu.memref_squeeze %dma_wait3A_2072 : memref<1x1x1x8x128xf32, #tpu.memory_space<hbm>> -> memref<8x128xf32, #tpu.memory_space<hbm>>
        %dma_wait3A_2074 = arith.constant 0 : i32
        %dma_wait3A_2075 = arith.constant 0 : i32
        %dma_wait3A_2076 = tpu.memref_slice %arg4[%add3A_1793, %dma_wait3A_2065, %select_n3A_1729, %dma_wait3A_2074, %dma_wait3A_2075] : memref<200x2x128x8x128xf32, #tpu.memory_space<hbm>> -> memref<1x1x1x8x128xf32, #tpu.memory_space<hbm>>
        %dma_wait3A_2077 = tpu.memref_squeeze %dma_wait3A_2076 : memref<1x1x1x8x128xf32, #tpu.memory_space<hbm>> -> memref<8x128xf32, #tpu.memory_space<hbm>>
        %dma_wait3A_2078 = arith.constant 8 : i32
        %dma_wait3A_2079 = arith.constant 0 : i32
        %dma_wait3A_2080 = tpu.memref_slice %arg9[%dma_wait3A_2064, %dma_wait3A_2078, %dma_wait3A_2079] : memref<8x16x129xf32, #tpu.memory_space<vmem>> -> memref<1x8x128xf32, #tpu.memory_space<vmem>>
        %dma_wait3A_2081 = tpu.memref_squeeze %dma_wait3A_2080 : memref<1x8x128xf32, #tpu.memory_space<vmem>> -> memref<8x128xf32, #tpu.memory_space<vmem>>
        tpu.wait_dma2 semaphore(%arg17 : memref<!tpu.dma_semaphore, #tpu.memory_space<semaphore_mem>>) src(%dma_wait3A_2081 : memref<8x128xf32, #tpu.memory_space<vmem>>) dst(%dma_wait3A_2077 : memref<8x128xf32, #tpu.memory_space<hbm>>)
      } else {
      }
      %parallel_loop3A_858 = arith.constant 0 : i32
      %parallel_loop3A_859 = arith.constant 1024 : i32
      %parallel_loop3A_860 = arith.constant 1 : i32
      scf.for %parallel_loop3A_1687 = %parallel_loop3A_858 to %parallel_loop3A_859 step %parallel_loop3A_860  : i32 {
        %parallel_loop3A_1688 = arith.constant 7 : i32
        %parallel_loop3A_1689 = arith.shrui %parallel_loop3A_1687, %parallel_loop3A_1688 : i32
        %parallel_loop3A_1690 = arith.constant 127 : i32
        %parallel_loop3A_1691 = arith.andi %parallel_loop3A_1687, %parallel_loop3A_1690 : i32
        %parallel_loop3A_1692 = vector.broadcast %parallel_loop3A_1689 : i32 to vector<16xi32>
        %parallel_loop3A_1693 = vector.broadcast %parallel_loop3A_1691 : i32 to vector<16xi32>
        %parallel_loop3A_1694 = arith.index_cast %parallel_loop3A_1687 : i32 to index
        %parallel_loop3A_1695 = arith.constant 0 : index
        %parallel_loop3A_1696 = tpu.vector_load %arg7[%parallel_loop3A_1694, %parallel_loop3A_1695] {strides = array<i32>} : memref<1024x16xf32, #tpu.memory_space<vmem>>, vector<16xf32>,
        tpu.vector_store_idx %arg9[%parallel_loop3A_1692, %iota3A, %parallel_loop3A_1693], %parallel_loop3A_1696 : memref<8x16x129xf32, #tpu.memory_space<vmem>>[vector<16xi32>, vector<16xi32>, vector<16xi32>], vector<16xf32>,
      } {sc.loop_unroll_factor = 8 : i64, sc.parallel_access}
      %add3A_861 = arith.addi %mul3A_2, %add3A_825 : i32
      %jit3A_862 = arith.constant 128 : i32
      %div3A_863 = arith.divsi %add3A_861, %jit3A_862 : i32
      %sign3A_864 = arith.constant 0 : i32
      %sign3A_865 = arith.cmpi sgt, %add3A_861, %sign3A_864 : i32
      %sign3A_866 = arith.extui %sign3A_865 : i1 to i32
      %sign3A_867 = arith.constant 0 : i32
      %sign3A_868 = arith.cmpi slt, %add3A_861, %sign3A_867 : i32
      %sign3A_869 = arith.extui %sign3A_868 : i1 to i32
      %sign3A_870 = arith.subi %sign3A_866, %sign3A_869 : i32
      %sign3A_871 = arith.constant 0 : i32
      %sign3A_872 = arith.cmpi sgt, %jit3A_862, %sign3A_871 : i32
      %sign3A_873 = arith.extui %sign3A_872 : i1 to i32
      %sign3A_874 = arith.constant 0 : i32
      %sign3A_875 = arith.cmpi slt, %jit3A_862, %sign3A_874 : i32
      %sign3A_876 = arith.extui %sign3A_875 : i1 to i32
      %sign3A_877 = arith.subi %sign3A_873, %sign3A_876 : i32
      %ne3A_878 = arith.cmpi ne, %sign3A_870, %sign3A_877 : i32
      %rem3A_879 = arith.remsi %add3A_861, %jit3A_862 : i32
      %ne3A_880 = arith.constant 0 : i32
      %ne3A_881 = arith.cmpi ne, %rem3A_879, %ne3A_880 : i32
      %and3A_882 = arith.andi %ne3A_878, %ne3A_881 : i1
      %sub3A_883 = arith.constant 1 : i32
      %sub3A_884 = arith.subi %div3A_863, %sub3A_883 : i32
      %select_n3A_885 = arith.select %and3A_882, %sub3A_884, %div3A_863 : i32
      %jit3A_886 = arith.constant 128 : i32
      %eq3A_887 = arith.constant 0 : i32
      %eq3A_888 = arith.cmpi eq, %jit3A_886, %eq3A_887 : i32
      %jit3A_889 = arith.constant 1 : i32
      %select_n3A_890 = arith.select %eq3A_888, %jit3A_889, %jit3A_886 : i32
      %rem3A_891 = arith.remsi %add3A_861, %select_n3A_890 : i32
      %ne3A_892 = arith.constant 0 : i32
      %ne3A_893 = arith.cmpi ne, %rem3A_891, %ne3A_892 : i32
      %lt3A_894 = arith.constant 0 : i32
      %lt3A_895 = arith.cmpi slt, %rem3A_891, %lt3A_894 : i32
      %lt3A_896 = arith.constant 0 : i32
      %lt3A_897 = arith.cmpi slt, %select_n3A_890, %lt3A_896 : i32
      %ne3A_898 = arith.xori %lt3A_895, %lt3A_897 : i1
      %and3A_899 = arith.andi %ne3A_898, %ne3A_893 : i1
      %add3A_900 = arith.addi %rem3A_891, %select_n3A_890 : i32
      %select_n3A_901 = arith.select %and3A_899, %add3A_900, %rem3A_891 : i32
      %mul3A_902 = arith.constant 8 : i32
      %mul3A_903 = arith.muli %select_n3A_885, %mul3A_902 : i32
      %add3A_904 = arith.constant 0 : i32
      %add3A_905 = arith.addi %mul3A_903, %add3A_904 : i32
      %mul3A_906 = arith.constant 8 : i32
      %mul3A_907 = arith.muli %select_n3A_885, %mul3A_906 : i32
      %add3A_908 = arith.constant 0 : i32
      %add3A_909 = arith.addi %mul3A_907, %add3A_908 : i32
      %mul3A_910 = arith.constant 8 : i32
      %mul3A_911 = arith.muli %select_n3A_885, %mul3A_910 : i32
      %add3A_912 = arith.constant 1 : i32
      %add3A_913 = arith.addi %mul3A_911, %add3A_912 : i32
      %mul3A_914 = arith.constant 8 : i32
      %mul3A_915 = arith.muli %select_n3A_885, %mul3A_914 : i32
      %add3A_916 = arith.constant 1 : i32
      %add3A_917 = arith.addi %mul3A_915, %add3A_916 : i32
      %mul3A_918 = arith.constant 8 : i32
      %mul3A_919 = arith.muli %select_n3A_885, %mul3A_918 : i32
      %add3A_920 = arith.constant 2 : i32
      %add3A_921 = arith.addi %mul3A_919, %add3A_920 : i32
      %mul3A_922 = arith.constant 8 : i32
      %mul3A_923 = arith.muli %select_n3A_885, %mul3A_922 : i32
      %add3A_924 = arith.constant 2 : i32
      %add3A_925 = arith.addi %mul3A_923, %add3A_924 : i32
      %mul3A_926 = arith.constant 8 : i32
      %mul3A_927 = arith.muli %select_n3A_885, %mul3A_926 : i32
      %add3A_928 = arith.constant 3 : i32
      %add3A_929 = arith.addi %mul3A_927, %add3A_928 : i32
      %mul3A_930 = arith.constant 8 : i32
      %mul3A_931 = arith.muli %select_n3A_885, %mul3A_930 : i32
      %add3A_932 = arith.constant 3 : i32
      %add3A_933 = arith.addi %mul3A_931, %add3A_932 : i32
      %mul3A_934 = arith.constant 8 : i32
      %mul3A_935 = arith.muli %select_n3A_885, %mul3A_934 : i32
      %add3A_936 = arith.constant 4 : i32
      %add3A_937 = arith.addi %mul3A_935, %add3A_936 : i32
      %mul3A_938 = arith.constant 8 : i32
      %mul3A_939 = arith.muli %select_n3A_885, %mul3A_938 : i32
      %add3A_940 = arith.constant 4 : i32
      %add3A_941 = arith.addi %mul3A_939, %add3A_940 : i32
      %mul3A_942 = arith.constant 8 : i32
      %mul3A_943 = arith.muli %select_n3A_885, %mul3A_942 : i32
      %add3A_944 = arith.constant 5 : i32
      %add3A_945 = arith.addi %mul3A_943, %add3A_944 : i32
      %mul3A_946 = arith.constant 8 : i32
      %mul3A_947 = arith.muli %select_n3A_885, %mul3A_946 : i32
      %add3A_948 = arith.constant 5 : i32
      %add3A_949 = arith.addi %mul3A_947, %add3A_948 : i32
      %mul3A_950 = arith.constant 8 : i32
      %mul3A_951 = arith.muli %select_n3A_885, %mul3A_950 : i32
      %add3A_952 = arith.constant 6 : i32
      %add3A_953 = arith.addi %mul3A_951, %add3A_952 : i32
      %mul3A_954 = arith.constant 8 : i32
      %mul3A_955 = arith.muli %select_n3A_885, %mul3A_954 : i32
      %add3A_956 = arith.constant 6 : i32
      %add3A_957 = arith.addi %mul3A_955, %add3A_956 : i32
      %mul3A_958 = arith.constant 8 : i32
      %mul3A_959 = arith.muli %select_n3A_885, %mul3A_958 : i32
      %add3A_960 = arith.constant 7 : i32
      %add3A_961 = arith.addi %mul3A_959, %add3A_960 : i32
      %mul3A_962 = arith.constant 8 : i32
      %mul3A_963 = arith.muli %select_n3A_885, %mul3A_962 : i32
      %add3A_964 = arith.constant 7 : i32
      %add3A_965 = arith.addi %mul3A_963, %add3A_964 : i32
      %dma_start3A_966 = arith.constant 0 : i32
      %dma_start3A_967 = arith.constant 0 : i32
      %dma_start3A_968 = arith.constant 0 : i32
      %dma_start3A_969 = arith.constant 0 : i32
      %dma_start3A_970 = tpu.memref_slice %arg9[%dma_start3A_966, %dma_start3A_968, %dma_start3A_969] : memref<8x16x129xf32, #tpu.memory_space<vmem>> -> memref<1x8x128xf32, #tpu.memory_space<vmem>>
      %dma_start3A_971 = tpu.memref_squeeze %dma_start3A_970 : memref<1x8x128xf32, #tpu.memory_space<vmem>> -> memref<8x128xf32, #tpu.memory_space<vmem>>
      %dma_start3A_972 = arith.constant 0 : i32
      %dma_start3A_973 = arith.constant 0 : i32
      %dma_start3A_974 = tpu.memref_slice %arg4[%add3A_905, %dma_start3A_967, %select_n3A_901, %dma_start3A_972, %dma_start3A_973] : memref<200x2x128x8x128xf32, #tpu.memory_space<hbm>> -> memref<1x1x1x8x128xf32, #tpu.memory_space<hbm>>
      %dma_start3A_975 = tpu.memref_squeeze %dma_start3A_974 : memref<1x1x1x8x128xf32, #tpu.memory_space<hbm>> -> memref<8x128xf32, #tpu.memory_space<hbm>>
      %dma_start3A_976 = arith.constant 0 : i32
      %dma_start3A_977 = arith.constant 0 : i32
      %dma_start3A_978 = tpu.memref_slice %arg4[%add3A_905, %dma_start3A_967, %select_n3A_901, %dma_start3A_976, %dma_start3A_977] : memref<200x2x128x8x128xf32, #tpu.memory_space<hbm>> -> memref<1x1x1x8x128xf32, #tpu.memory_space<hbm>>
      %dma_start3A_979 = tpu.memref_squeeze %dma_start3A_978 : memref<1x1x1x8x128xf32, #tpu.memory_space<hbm>> -> memref<8x128xf32, #tpu.memory_space<hbm>>
      %dma_start3A_980 = arith.constant 0 : i32
      %dma_start3A_981 = arith.constant 0 : i32
      %dma_start3A_982 = tpu.memref_slice %arg9[%dma_start3A_966, %dma_start3A_980, %dma_start3A_981] : memref<8x16x129xf32, #tpu.memory_space<vmem>> -> memref<1x8x128xf32, #tpu.memory_space<vmem>>
      %dma_start3A_983 = tpu.memref_squeeze %dma_start3A_982 : memref<1x8x128xf32, #tpu.memory_space<vmem>> -> memref<8x128xf32, #tpu.memory_space<vmem>>
      tpu.enqueue_dma source(%dma_start3A_983 : memref<8x128xf32, #tpu.memory_space<vmem>>) target(%dma_start3A_979 : memref<8x128xf32, #tpu.memory_space<hbm>>) target_semaphore(%arg17 : memref<!tpu.dma_semaphore, #tpu.memory_space<semaphore_mem>>)
      %dma_start3A_984 = arith.constant 0 : i32
      %dma_start3A_985 = arith.constant 1 : i32
      %dma_start3A_986 = arith.constant 8 : i32
      %dma_start3A_987 = arith.constant 0 : i32
      %dma_start3A_988 = tpu.memref_slice %arg9[%dma_start3A_984, %dma_start3A_986, %dma_start3A_987] : memref<8x16x129xf32, #tpu.memory_space<vmem>> -> memref<1x8x128xf32, #tpu.memory_space<vmem>>
      %dma_start3A_989 = tpu.memref_squeeze %dma_start3A_988 : memref<1x8x128xf32, #tpu.memory_space<vmem>> -> memref<8x128xf32, #tpu.memory_space<vmem>>
      %dma_start3A_990 = arith.constant 0 : i32
      %dma_start3A_991 = arith.constant 0 : i32
      %dma_start3A_992 = tpu.memref_slice %arg4[%add3A_909, %dma_start3A_985, %select_n3A_901, %dma_start3A_990, %dma_start3A_991] : memref<200x2x128x8x128xf32, #tpu.memory_space<hbm>> -> memref<1x1x1x8x128xf32, #tpu.memory_space<hbm>>
      %dma_start3A_993 = tpu.memref_squeeze %dma_start3A_992 : memref<1x1x1x8x128xf32, #tpu.memory_space<hbm>> -> memref<8x128xf32, #tpu.memory_space<hbm>>
      %dma_start3A_994 = arith.constant 0 : i32
      %dma_start3A_995 = arith.constant 0 : i32
      %dma_start3A_996 = tpu.memref_slice %arg4[%add3A_909, %dma_start3A_985, %select_n3A_901, %dma_start3A_994, %dma_start3A_995] : memref<200x2x128x8x128xf32, #tpu.memory_space<hbm>> -> memref<1x1x1x8x128xf32, #tpu.memory_space<hbm>>
      %dma_start3A_997 = tpu.memref_squeeze %dma_start3A_996 : memref<1x1x1x8x128xf32, #tpu.memory_space<hbm>> -> memref<8x128xf32, #tpu.memory_space<hbm>>
      %dma_start3A_998 = arith.constant 8 : i32
      %dma_start3A_999 = arith.constant 0 : i32
      %dma_start3A_1000 = tpu.memref_slice %arg9[%dma_start3A_984, %dma_start3A_998, %dma_start3A_999] : memref<8x16x129xf32, #tpu.memory_space<vmem>> -> memref<1x8x128xf32, #tpu.memory_space<vmem>>
      %dma_start3A_1001 = tpu.memref_squeeze %dma_start3A_1000 : memref<1x8x128xf32, #tpu.memory_space<vmem>> -> memref<8x128xf32, #tpu.memory_space<vmem>>
      tpu.enqueue_dma source(%dma_start3A_1001 : memref<8x128xf32, #tpu.memory_space<vmem>>) target(%dma_start3A_997 : memref<8x128xf32, #tpu.memory_space<hbm>>) target_semaphore(%arg17 : memref<!tpu.dma_semaphore, #tpu.memory_space<semaphore_mem>>)
      %dma_start3A_1002 = arith.constant 1 : i32
      %dma_start3A_1003 = arith.constant 0 : i32
      %dma_start3A_1004 = arith.constant 0 : i32
      %dma_start3A_1005 = arith.constant 0 : i32
      %dma_start3A_1006 = tpu.memref_slice %arg9[%dma_start3A_1002, %dma_start3A_1004, %dma_start3A_1005] : memref<8x16x129xf32, #tpu.memory_space<vmem>> -> memref<1x8x128xf32, #tpu.memory_space<vmem>>
      %dma_start3A_1007 = tpu.memref_squeeze %dma_start3A_1006 : memref<1x8x128xf32, #tpu.memory_space<vmem>> -> memref<8x128xf32, #tpu.memory_space<vmem>>
      %dma_start3A_1008 = arith.constant 0 : i32
      %dma_start3A_1009 = arith.constant 0 : i32
      %dma_start3A_1010 = tpu.memref_slice %arg4[%add3A_913, %dma_start3A_1003, %select_n3A_901, %dma_start3A_1008, %dma_start3A_1009] : memref<200x2x128x8x128xf32, #tpu.memory_space<hbm>> -> memref<1x1x1x8x128xf32, #tpu.memory_space<hbm>>
      %dma_start3A_1011 = tpu.memref_squeeze %dma_start3A_1010 : memref<1x1x1x8x128xf32, #tpu.memory_space<hbm>> -> memref<8x128xf32, #tpu.memory_space<hbm>>
      %dma_start3A_1012 = arith.constant 0 : i32
      %dma_start3A_1013 = arith.constant 0 : i32
      %dma_start3A_1014 = tpu.memref_slice %arg4[%add3A_913, %dma_start3A_1003, %select_n3A_901, %dma_start3A_1012, %dma_start3A_1013] : memref<200x2x128x8x128xf32, #tpu.memory_space<hbm>> -> memref<1x1x1x8x128xf32, #tpu.memory_space<hbm>>
      %dma_start3A_1015 = tpu.memref_squeeze %dma_start3A_1014 : memref<1x1x1x8x128xf32, #tpu.memory_space<hbm>> -> memref<8x128xf32, #tpu.memory_space<hbm>>
      %dma_start3A_1016 = arith.constant 0 : i32
      %dma_start3A_1017 = arith.constant 0 : i32
      %dma_start3A_1018 = tpu.memref_slice %arg9[%dma_start3A_1002, %dma_start3A_1016, %dma_start3A_1017] : memref<8x16x129xf32, #tpu.memory_space<vmem>> -> memref<1x8x128xf32, #tpu.memory_space<vmem>>
      %dma_start3A_1019 = tpu.memref_squeeze %dma_start3A_1018 : memref<1x8x128xf32, #tpu.memory_space<vmem>> -> memref<8x128xf32, #tpu.memory_space<vmem>>
      tpu.enqueue_dma source(%dma_start3A_1019 : memref<8x128xf32, #tpu.memory_space<vmem>>) target(%dma_start3A_1015 : memref<8x128xf32, #tpu.memory_space<hbm>>) target_semaphore(%arg17 : memref<!tpu.dma_semaphore, #tpu.memory_space<semaphore_mem>>)
      %dma_start3A_1020 = arith.constant 1 : i32
      %dma_start3A_1021 = arith.constant 1 : i32
      %dma_start3A_1022 = arith.constant 8 : i32
      %dma_start3A_1023 = arith.constant 0 : i32
      %dma_start3A_1024 = tpu.memref_slice %arg9[%dma_start3A_1020, %dma_start3A_1022, %dma_start3A_1023] : memref<8x16x129xf32, #tpu.memory_space<vmem>> -> memref<1x8x128xf32, #tpu.memory_space<vmem>>
      %dma_start3A_1025 = tpu.memref_squeeze %dma_start3A_1024 : memref<1x8x128xf32, #tpu.memory_space<vmem>> -> memref<8x128xf32, #tpu.memory_space<vmem>>
      %dma_start3A_1026 = arith.constant 0 : i32
      %dma_start3A_1027 = arith.constant 0 : i32
      %dma_start3A_1028 = tpu.memref_slice %arg4[%add3A_917, %dma_start3A_1021, %select_n3A_901, %dma_start3A_1026, %dma_start3A_1027] : memref<200x2x128x8x128xf32, #tpu.memory_space<hbm>> -> memref<1x1x1x8x128xf32, #tpu.memory_space<hbm>>
      %dma_start3A_1029 = tpu.memref_squeeze %dma_start3A_1028 : memref<1x1x1x8x128xf32, #tpu.memory_space<hbm>> -> memref<8x128xf32, #tpu.memory_space<hbm>>
      %dma_start3A_1030 = arith.constant 0 : i32
      %dma_start3A_1031 = arith.constant 0 : i32
      %dma_start3A_1032 = tpu.memref_slice %arg4[%add3A_917, %dma_start3A_1021, %select_n3A_901, %dma_start3A_1030, %dma_start3A_1031] : memref<200x2x128x8x128xf32, #tpu.memory_space<hbm>> -> memref<1x1x1x8x128xf32, #tpu.memory_space<hbm>>
      %dma_start3A_1033 = tpu.memref_squeeze %dma_start3A_1032 : memref<1x1x1x8x128xf32, #tpu.memory_space<hbm>> -> memref<8x128xf32, #tpu.memory_space<hbm>>
      %dma_start3A_1034 = arith.constant 8 : i32
      %dma_start3A_1035 = arith.constant 0 : i32
      %dma_start3A_1036 = tpu.memref_slice %arg9[%dma_start3A_1020, %dma_start3A_1034, %dma_start3A_1035] : memref<8x16x129xf32, #tpu.memory_space<vmem>> -> memref<1x8x128xf32, #tpu.memory_space<vmem>>
      %dma_start3A_1037 = tpu.memref_squeeze %dma_start3A_1036 : memref<1x8x128xf32, #tpu.memory_space<vmem>> -> memref<8x128xf32, #tpu.memory_space<vmem>>
      tpu.enqueue_dma source(%dma_start3A_1037 : memref<8x128xf32, #tpu.memory_space<vmem>>) target(%dma_start3A_1033 : memref<8x128xf32, #tpu.memory_space<hbm>>) target_semaphore(%arg17 : memref<!tpu.dma_semaphore, #tpu.memory_space<semaphore_mem>>)
      %dma_start3A_1038 = arith.constant 2 : i32
      %dma_start3A_1039 = arith.constant 0 : i32
      %dma_start3A_1040 = arith.constant 0 : i32
      %dma_start3A_1041 = arith.constant 0 : i32
      %dma_start3A_1042 = tpu.memref_slice %arg9[%dma_start3A_1038, %dma_start3A_1040, %dma_start3A_1041] : memref<8x16x129xf32, #tpu.memory_space<vmem>> -> memref<1x8x128xf32, #tpu.memory_space<vmem>>
      %dma_start3A_1043 = tpu.memref_squeeze %dma_start3A_1042 : memref<1x8x128xf32, #tpu.memory_space<vmem>> -> memref<8x128xf32, #tpu.memory_space<vmem>>
      %dma_start3A_1044 = arith.constant 0 : i32
      %dma_start3A_1045 = arith.constant 0 : i32
      %dma_start3A_1046 = tpu.memref_slice %arg4[%add3A_921, %dma_start3A_1039, %select_n3A_901, %dma_start3A_1044, %dma_start3A_1045] : memref<200x2x128x8x128xf32, #tpu.memory_space<hbm>> -> memref<1x1x1x8x128xf32, #tpu.memory_space<hbm>>
      %dma_start3A_1047 = tpu.memref_squeeze %dma_start3A_1046 : memref<1x1x1x8x128xf32, #tpu.memory_space<hbm>> -> memref<8x128xf32, #tpu.memory_space<hbm>>
      %dma_start3A_1048 = arith.constant 0 : i32
      %dma_start3A_1049 = arith.constant 0 : i32
      %dma_start3A_1050 = tpu.memref_slice %arg4[%add3A_921, %dma_start3A_1039, %select_n3A_901, %dma_start3A_1048, %dma_start3A_1049] : memref<200x2x128x8x128xf32, #tpu.memory_space<hbm>> -> memref<1x1x1x8x128xf32, #tpu.memory_space<hbm>>
      %dma_start3A_1051 = tpu.memref_squeeze %dma_start3A_1050 : memref<1x1x1x8x128xf32, #tpu.memory_space<hbm>> -> memref<8x128xf32, #tpu.memory_space<hbm>>
      %dma_start3A_1052 = arith.constant 0 : i32
      %dma_start3A_1053 = arith.constant 0 : i32
      %dma_start3A_1054 = tpu.memref_slice %arg9[%dma_start3A_1038, %dma_start3A_1052, %dma_start3A_1053] : memref<8x16x129xf32, #tpu.memory_space<vmem>> -> memref<1x8x128xf32, #tpu.memory_space<vmem>>
      %dma_start3A_1055 = tpu.memref_squeeze %dma_start3A_1054 : memref<1x8x128xf32, #tpu.memory_space<vmem>> -> memref<8x128xf32, #tpu.memory_space<vmem>>
      tpu.enqueue_dma source(%dma_start3A_1055 : memref<8x128xf32, #tpu.memory_space<vmem>>) target(%dma_start3A_1051 : memref<8x128xf32, #tpu.memory_space<hbm>>) target_semaphore(%arg17 : memref<!tpu.dma_semaphore, #tpu.memory_space<semaphore_mem>>)
      %dma_start3A_1056 = arith.constant 2 : i32
      %dma_start3A_1057 = arith.constant 1 : i32
      %dma_start3A_1058 = arith.constant 8 : i32
      %dma_start3A_1059 = arith.constant 0 : i32
      %dma_start3A_1060 = tpu.memref_slice %arg9[%dma_start3A_1056, %dma_start3A_1058, %dma_start3A_1059] : memref<8x16x129xf32, #tpu.memory_space<vmem>> -> memref<1x8x128xf32, #tpu.memory_space<vmem>>
      %dma_start3A_1061 = tpu.memref_squeeze %dma_start3A_1060 : memref<1x8x128xf32, #tpu.memory_space<vmem>> -> memref<8x128xf32, #tpu.memory_space<vmem>>
      %dma_start3A_1062 = arith.constant 0 : i32
      %dma_start3A_1063 = arith.constant 0 : i32
      %dma_start3A_1064 = tpu.memref_slice %arg4[%add3A_925, %dma_start3A_1057, %select_n3A_901, %dma_start3A_1062, %dma_start3A_1063] : memref<200x2x128x8x128xf32, #tpu.memory_space<hbm>> -> memref<1x1x1x8x128xf32, #tpu.memory_space<hbm>>
      %dma_start3A_1065 = tpu.memref_squeeze %dma_start3A_1064 : memref<1x1x1x8x128xf32, #tpu.memory_space<hbm>> -> memref<8x128xf32, #tpu.memory_space<hbm>>
      %dma_start3A_1066 = arith.constant 0 : i32
      %dma_start3A_1067 = arith.constant 0 : i32
      %dma_start3A_1068 = tpu.memref_slice %arg4[%add3A_925, %dma_start3A_1057, %select_n3A_901, %dma_start3A_1066, %dma_start3A_1067] : memref<200x2x128x8x128xf32, #tpu.memory_space<hbm>> -> memref<1x1x1x8x128xf32, #tpu.memory_space<hbm>>
      %dma_start3A_1069 = tpu.memref_squeeze %dma_start3A_1068 : memref<1x1x1x8x128xf32, #tpu.memory_space<hbm>> -> memref<8x128xf32, #tpu.memory_space<hbm>>
      %dma_start3A_1070 = arith.constant 8 : i32
      %dma_start3A_1071 = arith.constant 0 : i32
      %dma_start3A_1072 = tpu.memref_slice %arg9[%dma_start3A_1056, %dma_start3A_1070, %dma_start3A_1071] : memref<8x16x129xf32, #tpu.memory_space<vmem>> -> memref<1x8x128xf32, #tpu.memory_space<vmem>>
      %dma_start3A_1073 = tpu.memref_squeeze %dma_start3A_1072 : memref<1x8x128xf32, #tpu.memory_space<vmem>> -> memref<8x128xf32, #tpu.memory_space<vmem>>
      tpu.enqueue_dma source(%dma_start3A_1073 : memref<8x128xf32, #tpu.memory_space<vmem>>) target(%dma_start3A_1069 : memref<8x128xf32, #tpu.memory_space<hbm>>) target_semaphore(%arg17 : memref<!tpu.dma_semaphore, #tpu.memory_space<semaphore_mem>>)
      %dma_start3A_1074 = arith.constant 3 : i32
      %dma_start3A_1075 = arith.constant 0 : i32
      %dma_start3A_1076 = arith.constant 0 : i32
      %dma_start3A_1077 = arith.constant 0 : i32
      %dma_start3A_1078 = tpu.memref_slice %arg9[%dma_start3A_1074, %dma_start3A_1076, %dma_start3A_1077] : memref<8x16x129xf32, #tpu.memory_space<vmem>> -> memref<1x8x128xf32, #tpu.memory_space<vmem>>
      %dma_start3A_1079 = tpu.memref_squeeze %dma_start3A_1078 : memref<1x8x128xf32, #tpu.memory_space<vmem>> -> memref<8x128xf32, #tpu.memory_space<vmem>>
      %dma_start3A_1080 = arith.constant 0 : i32
      %dma_start3A_1081 = arith.constant 0 : i32
      %dma_start3A_1082 = tpu.memref_slice %arg4[%add3A_929, %dma_start3A_1075, %select_n3A_901, %dma_start3A_1080, %dma_start3A_1081] : memref<200x2x128x8x128xf32, #tpu.memory_space<hbm>> -> memref<1x1x1x8x128xf32, #tpu.memory_space<hbm>>
      %dma_start3A_1083 = tpu.memref_squeeze %dma_start3A_1082 : memref<1x1x1x8x128xf32, #tpu.memory_space<hbm>> -> memref<8x128xf32, #tpu.memory_space<hbm>>
      %dma_start3A_1084 = arith.constant 0 : i32
      %dma_start3A_1085 = arith.constant 0 : i32
      %dma_start3A_1086 = tpu.memref_slice %arg4[%add3A_929, %dma_start3A_1075, %select_n3A_901, %dma_start3A_1084, %dma_start3A_1085] : memref<200x2x128x8x128xf32, #tpu.memory_space<hbm>> -> memref<1x1x1x8x128xf32, #tpu.memory_space<hbm>>
      %dma_start3A_1087 = tpu.memref_squeeze %dma_start3A_1086 : memref<1x1x1x8x128xf32, #tpu.memory_space<hbm>> -> memref<8x128xf32, #tpu.memory_space<hbm>>
      %dma_start3A_1088 = arith.constant 0 : i32
      %dma_start3A_1089 = arith.constant 0 : i32
      %dma_start3A_1090 = tpu.memref_slice %arg9[%dma_start3A_1074, %dma_start3A_1088, %dma_start3A_1089] : memref<8x16x129xf32, #tpu.memory_space<vmem>> -> memref<1x8x128xf32, #tpu.memory_space<vmem>>
      %dma_start3A_1091 = tpu.memref_squeeze %dma_start3A_1090 : memref<1x8x128xf32, #tpu.memory_space<vmem>> -> memref<8x128xf32, #tpu.memory_space<vmem>>
      tpu.enqueue_dma source(%dma_start3A_1091 : memref<8x128xf32, #tpu.memory_space<vmem>>) target(%dma_start3A_1087 : memref<8x128xf32, #tpu.memory_space<hbm>>) target_semaphore(%arg17 : memref<!tpu.dma_semaphore, #tpu.memory_space<semaphore_mem>>)
      %dma_start3A_1092 = arith.constant 3 : i32
      %dma_start3A_1093 = arith.constant 1 : i32
      %dma_start3A_1094 = arith.constant 8 : i32
      %dma_start3A_1095 = arith.constant 0 : i32
      %dma_start3A_1096 = tpu.memref_slice %arg9[%dma_start3A_1092, %dma_start3A_1094, %dma_start3A_1095] : memref<8x16x129xf32, #tpu.memory_space<vmem>> -> memref<1x8x128xf32, #tpu.memory_space<vmem>>
      %dma_start3A_1097 = tpu.memref_squeeze %dma_start3A_1096 : memref<1x8x128xf32, #tpu.memory_space<vmem>> -> memref<8x128xf32, #tpu.memory_space<vmem>>
      %dma_start3A_1098 = arith.constant 0 : i32
      %dma_start3A_1099 = arith.constant 0 : i32
      %dma_start3A_1100 = tpu.memref_slice %arg4[%add3A_933, %dma_start3A_1093, %select_n3A_901, %dma_start3A_1098, %dma_start3A_1099] : memref<200x2x128x8x128xf32, #tpu.memory_space<hbm>> -> memref<1x1x1x8x128xf32, #tpu.memory_space<hbm>>
      %dma_start3A_1101 = tpu.memref_squeeze %dma_start3A_1100 : memref<1x1x1x8x128xf32, #tpu.memory_space<hbm>> -> memref<8x128xf32, #tpu.memory_space<hbm>>
      %dma_start3A_1102 = arith.constant 0 : i32
      %dma_start3A_1103 = arith.constant 0 : i32
      %dma_start3A_1104 = tpu.memref_slice %arg4[%add3A_933, %dma_start3A_1093, %select_n3A_901, %dma_start3A_1102, %dma_start3A_1103] : memref<200x2x128x8x128xf32, #tpu.memory_space<hbm>> -> memref<1x1x1x8x128xf32, #tpu.memory_space<hbm>>
      %dma_start3A_1105 = tpu.memref_squeeze %dma_start3A_1104 : memref<1x1x1x8x128xf32, #tpu.memory_space<hbm>> -> memref<8x128xf32, #tpu.memory_space<hbm>>
      %dma_start3A_1106 = arith.constant 8 : i32
      %dma_start3A_1107 = arith.constant 0 : i32
      %dma_start3A_1108 = tpu.memref_slice %arg9[%dma_start3A_1092, %dma_start3A_1106, %dma_start3A_1107] : memref<8x16x129xf32, #tpu.memory_space<vmem>> -> memref<1x8x128xf32, #tpu.memory_space<vmem>>
      %dma_start3A_1109 = tpu.memref_squeeze %dma_start3A_1108 : memref<1x8x128xf32, #tpu.memory_space<vmem>> -> memref<8x128xf32, #tpu.memory_space<vmem>>
      tpu.enqueue_dma source(%dma_start3A_1109 : memref<8x128xf32, #tpu.memory_space<vmem>>) target(%dma_start3A_1105 : memref<8x128xf32, #tpu.memory_space<hbm>>) target_semaphore(%arg17 : memref<!tpu.dma_semaphore, #tpu.memory_space<semaphore_mem>>)
      %dma_start3A_1110 = arith.constant 4 : i32
      %dma_start3A_1111 = arith.constant 0 : i32
      %dma_start3A_1112 = arith.constant 0 : i32
      %dma_start3A_1113 = arith.constant 0 : i32
      %dma_start3A_1114 = tpu.memref_slice %arg9[%dma_start3A_1110, %dma_start3A_1112, %dma_start3A_1113] : memref<8x16x129xf32, #tpu.memory_space<vmem>> -> memref<1x8x128xf32, #tpu.memory_space<vmem>>
      %dma_start3A_1115 = tpu.memref_squeeze %dma_start3A_1114 : memref<1x8x128xf32, #tpu.memory_space<vmem>> -> memref<8x128xf32, #tpu.memory_space<vmem>>
      %dma_start3A_1116 = arith.constant 0 : i32
      %dma_start3A_1117 = arith.constant 0 : i32
      %dma_start3A_1118 = tpu.memref_slice %arg4[%add3A_937, %dma_start3A_1111, %select_n3A_901, %dma_start3A_1116, %dma_start3A_1117] : memref<200x2x128x8x128xf32, #tpu.memory_space<hbm>> -> memref<1x1x1x8x128xf32, #tpu.memory_space<hbm>>
      %dma_start3A_1119 = tpu.memref_squeeze %dma_start3A_1118 : memref<1x1x1x8x128xf32, #tpu.memory_space<hbm>> -> memref<8x128xf32, #tpu.memory_space<hbm>>
      %dma_start3A_1120 = arith.constant 0 : i32
      %dma_start3A_1121 = arith.constant 0 : i32
      %dma_start3A_1122 = tpu.memref_slice %arg4[%add3A_937, %dma_start3A_1111, %select_n3A_901, %dma_start3A_1120, %dma_start3A_1121] : memref<200x2x128x8x128xf32, #tpu.memory_space<hbm>> -> memref<1x1x1x8x128xf32, #tpu.memory_space<hbm>>
      %dma_start3A_1123 = tpu.memref_squeeze %dma_start3A_1122 : memref<1x1x1x8x128xf32, #tpu.memory_space<hbm>> -> memref<8x128xf32, #tpu.memory_space<hbm>>
      %dma_start3A_1124 = arith.constant 0 : i32
      %dma_start3A_1125 = arith.constant 0 : i32
      %dma_start3A_1126 = tpu.memref_slice %arg9[%dma_start3A_1110, %dma_start3A_1124, %dma_start3A_1125] : memref<8x16x129xf32, #tpu.memory_space<vmem>> -> memref<1x8x128xf32, #tpu.memory_space<vmem>>
      %dma_start3A_1127 = tpu.memref_squeeze %dma_start3A_1126 : memref<1x8x128xf32, #tpu.memory_space<vmem>> -> memref<8x128xf32, #tpu.memory_space<vmem>>
      tpu.enqueue_dma source(%dma_start3A_1127 : memref<8x128xf32, #tpu.memory_space<vmem>>) target(%dma_start3A_1123 : memref<8x128xf32, #tpu.memory_space<hbm>>) target_semaphore(%arg17 : memref<!tpu.dma_semaphore, #tpu.memory_space<semaphore_mem>>)
      %dma_start3A_1128 = arith.constant 4 : i32
      %dma_start3A_1129 = arith.constant 1 : i32
      %dma_start3A_1130 = arith.constant 8 : i32
      %dma_start3A_1131 = arith.constant 0 : i32
      %dma_start3A_1132 = tpu.memref_slice %arg9[%dma_start3A_1128, %dma_start3A_1130, %dma_start3A_1131] : memref<8x16x129xf32, #tpu.memory_space<vmem>> -> memref<1x8x128xf32, #tpu.memory_space<vmem>>
      %dma_start3A_1133 = tpu.memref_squeeze %dma_start3A_1132 : memref<1x8x128xf32, #tpu.memory_space<vmem>> -> memref<8x128xf32, #tpu.memory_space<vmem>>
      %dma_start3A_1134 = arith.constant 0 : i32
      %dma_start3A_1135 = arith.constant 0 : i32
      %dma_start3A_1136 = tpu.memref_slice %arg4[%add3A_941, %dma_start3A_1129, %select_n3A_901, %dma_start3A_1134, %dma_start3A_1135] : memref<200x2x128x8x128xf32, #tpu.memory_space<hbm>> -> memref<1x1x1x8x128xf32, #tpu.memory_space<hbm>>
      %dma_start3A_1137 = tpu.memref_squeeze %dma_start3A_1136 : memref<1x1x1x8x128xf32, #tpu.memory_space<hbm>> -> memref<8x128xf32, #tpu.memory_space<hbm>>
      %dma_start3A_1138 = arith.constant 0 : i32
      %dma_start3A_1139 = arith.constant 0 : i32
      %dma_start3A_1140 = tpu.memref_slice %arg4[%add3A_941, %dma_start3A_1129, %select_n3A_901, %dma_start3A_1138, %dma_start3A_1139] : memref<200x2x128x8x128xf32, #tpu.memory_space<hbm>> -> memref<1x1x1x8x128xf32, #tpu.memory_space<hbm>>
      %dma_start3A_1141 = tpu.memref_squeeze %dma_start3A_1140 : memref<1x1x1x8x128xf32, #tpu.memory_space<hbm>> -> memref<8x128xf32, #tpu.memory_space<hbm>>
      %dma_start3A_1142 = arith.constant 8 : i32
      %dma_start3A_1143 = arith.constant 0 : i32
      %dma_start3A_1144 = tpu.memref_slice %arg9[%dma_start3A_1128, %dma_start3A_1142, %dma_start3A_1143] : memref<8x16x129xf32, #tpu.memory_space<vmem>> -> memref<1x8x128xf32, #tpu.memory_space<vmem>>
      %dma_start3A_1145 = tpu.memref_squeeze %dma_start3A_1144 : memref<1x8x128xf32, #tpu.memory_space<vmem>> -> memref<8x128xf32, #tpu.memory_space<vmem>>
      tpu.enqueue_dma source(%dma_start3A_1145 : memref<8x128xf32, #tpu.memory_space<vmem>>) target(%dma_start3A_1141 : memref<8x128xf32, #tpu.memory_space<hbm>>) target_semaphore(%arg17 : memref<!tpu.dma_semaphore, #tpu.memory_space<semaphore_mem>>)
      %dma_start3A_1146 = arith.constant 5 : i32
      %dma_start3A_1147 = arith.constant 0 : i32
      %dma_start3A_1148 = arith.constant 0 : i32
      %dma_start3A_1149 = arith.constant 0 : i32
      %dma_start3A_1150 = tpu.memref_slice %arg9[%dma_start3A_1146, %dma_start3A_1148, %dma_start3A_1149] : memref<8x16x129xf32, #tpu.memory_space<vmem>> -> memref<1x8x128xf32, #tpu.memory_space<vmem>>
      %dma_start3A_1151 = tpu.memref_squeeze %dma_start3A_1150 : memref<1x8x128xf32, #tpu.memory_space<vmem>> -> memref<8x128xf32, #tpu.memory_space<vmem>>
      %dma_start3A_1152 = arith.constant 0 : i32
      %dma_start3A_1153 = arith.constant 0 : i32
      %dma_start3A_1154 = tpu.memref_slice %arg4[%add3A_945, %dma_start3A_1147, %select_n3A_901, %dma_start3A_1152, %dma_start3A_1153] : memref<200x2x128x8x128xf32, #tpu.memory_space<hbm>> -> memref<1x1x1x8x128xf32, #tpu.memory_space<hbm>>
      %dma_start3A_1155 = tpu.memref_squeeze %dma_start3A_1154 : memref<1x1x1x8x128xf32, #tpu.memory_space<hbm>> -> memref<8x128xf32, #tpu.memory_space<hbm>>
      %dma_start3A_1156 = arith.constant 0 : i32
      %dma_start3A_1157 = arith.constant 0 : i32
      %dma_start3A_1158 = tpu.memref_slice %arg4[%add3A_945, %dma_start3A_1147, %select_n3A_901, %dma_start3A_1156, %dma_start3A_1157] : memref<200x2x128x8x128xf32, #tpu.memory_space<hbm>> -> memref<1x1x1x8x128xf32, #tpu.memory_space<hbm>>
      %dma_start3A_1159 = tpu.memref_squeeze %dma_start3A_1158 : memref<1x1x1x8x128xf32, #tpu.memory_space<hbm>> -> memref<8x128xf32, #tpu.memory_space<hbm>>
      %dma_start3A_1160 = arith.constant 0 : i32
      %dma_start3A_1161 = arith.constant 0 : i32
      %dma_start3A_1162 = tpu.memref_slice %arg9[%dma_start3A_1146, %dma_start3A_1160, %dma_start3A_1161] : memref<8x16x129xf32, #tpu.memory_space<vmem>> -> memref<1x8x128xf32, #tpu.memory_space<vmem>>
      %dma_start3A_1163 = tpu.memref_squeeze %dma_start3A_1162 : memref<1x8x128xf32, #tpu.memory_space<vmem>> -> memref<8x128xf32, #tpu.memory_space<vmem>>
      tpu.enqueue_dma source(%dma_start3A_1163 : memref<8x128xf32, #tpu.memory_space<vmem>>) target(%dma_start3A_1159 : memref<8x128xf32, #tpu.memory_space<hbm>>) target_semaphore(%arg17 : memref<!tpu.dma_semaphore, #tpu.memory_space<semaphore_mem>>)
      %dma_start3A_1164 = arith.constant 5 : i32
      %dma_start3A_1165 = arith.constant 1 : i32
      %dma_start3A_1166 = arith.constant 8 : i32
      %dma_start3A_1167 = arith.constant 0 : i32
      %dma_start3A_1168 = tpu.memref_slice %arg9[%dma_start3A_1164, %dma_start3A_1166, %dma_start3A_1167] : memref<8x16x129xf32, #tpu.memory_space<vmem>> -> memref<1x8x128xf32, #tpu.memory_space<vmem>>
      %dma_start3A_1169 = tpu.memref_squeeze %dma_start3A_1168 : memref<1x8x128xf32, #tpu.memory_space<vmem>> -> memref<8x128xf32, #tpu.memory_space<vmem>>
      %dma_start3A_1170 = arith.constant 0 : i32
      %dma_start3A_1171 = arith.constant 0 : i32
      %dma_start3A_1172 = tpu.memref_slice %arg4[%add3A_949, %dma_start3A_1165, %select_n3A_901, %dma_start3A_1170, %dma_start3A_1171] : memref<200x2x128x8x128xf32, #tpu.memory_space<hbm>> -> memref<1x1x1x8x128xf32, #tpu.memory_space<hbm>>
      %dma_start3A_1173 = tpu.memref_squeeze %dma_start3A_1172 : memref<1x1x1x8x128xf32, #tpu.memory_space<hbm>> -> memref<8x128xf32, #tpu.memory_space<hbm>>
      %dma_start3A_1174 = arith.constant 0 : i32
      %dma_start3A_1175 = arith.constant 0 : i32
      %dma_start3A_1176 = tpu.memref_slice %arg4[%add3A_949, %dma_start3A_1165, %select_n3A_901, %dma_start3A_1174, %dma_start3A_1175] : memref<200x2x128x8x128xf32, #tpu.memory_space<hbm>> -> memref<1x1x1x8x128xf32, #tpu.memory_space<hbm>>
      %dma_start3A_1177 = tpu.memref_squeeze %dma_start3A_1176 : memref<1x1x1x8x128xf32, #tpu.memory_space<hbm>> -> memref<8x128xf32, #tpu.memory_space<hbm>>
      %dma_start3A_1178 = arith.constant 8 : i32
      %dma_start3A_1179 = arith.constant 0 : i32
      %dma_start3A_1180 = tpu.memref_slice %arg9[%dma_start3A_1164, %dma_start3A_1178, %dma_start3A_1179] : memref<8x16x129xf32, #tpu.memory_space<vmem>> -> memref<1x8x128xf32, #tpu.memory_space<vmem>>
      %dma_start3A_1181 = tpu.memref_squeeze %dma_start3A_1180 : memref<1x8x128xf32, #tpu.memory_space<vmem>> -> memref<8x128xf32, #tpu.memory_space<vmem>>
      tpu.enqueue_dma source(%dma_start3A_1181 : memref<8x128xf32, #tpu.memory_space<vmem>>) target(%dma_start3A_1177 : memref<8x128xf32, #tpu.memory_space<hbm>>) target_semaphore(%arg17 : memref<!tpu.dma_semaphore, #tpu.memory_space<semaphore_mem>>)
      %dma_start3A_1182 = arith.constant 6 : i32
      %dma_start3A_1183 = arith.constant 0 : i32
      %dma_start3A_1184 = arith.constant 0 : i32
      %dma_start3A_1185 = arith.constant 0 : i32
      %dma_start3A_1186 = tpu.memref_slice %arg9[%dma_start3A_1182, %dma_start3A_1184, %dma_start3A_1185] : memref<8x16x129xf32, #tpu.memory_space<vmem>> -> memref<1x8x128xf32, #tpu.memory_space<vmem>>
      %dma_start3A_1187 = tpu.memref_squeeze %dma_start3A_1186 : memref<1x8x128xf32, #tpu.memory_space<vmem>> -> memref<8x128xf32, #tpu.memory_space<vmem>>
      %dma_start3A_1188 = arith.constant 0 : i32
      %dma_start3A_1189 = arith.constant 0 : i32
      %dma_start3A_1190 = tpu.memref_slice %arg4[%add3A_953, %dma_start3A_1183, %select_n3A_901, %dma_start3A_1188, %dma_start3A_1189] : memref<200x2x128x8x128xf32, #tpu.memory_space<hbm>> -> memref<1x1x1x8x128xf32, #tpu.memory_space<hbm>>
      %dma_start3A_1191 = tpu.memref_squeeze %dma_start3A_1190 : memref<1x1x1x8x128xf32, #tpu.memory_space<hbm>> -> memref<8x128xf32, #tpu.memory_space<hbm>>
      %dma_start3A_1192 = arith.constant 0 : i32
      %dma_start3A_1193 = arith.constant 0 : i32
      %dma_start3A_1194 = tpu.memref_slice %arg4[%add3A_953, %dma_start3A_1183, %select_n3A_901, %dma_start3A_1192, %dma_start3A_1193] : memref<200x2x128x8x128xf32, #tpu.memory_space<hbm>> -> memref<1x1x1x8x128xf32, #tpu.memory_space<hbm>>
      %dma_start3A_1195 = tpu.memref_squeeze %dma_start3A_1194 : memref<1x1x1x8x128xf32, #tpu.memory_space<hbm>> -> memref<8x128xf32, #tpu.memory_space<hbm>>
      %dma_start3A_1196 = arith.constant 0 : i32
      %dma_start3A_1197 = arith.constant 0 : i32
      %dma_start3A_1198 = tpu.memref_slice %arg9[%dma_start3A_1182, %dma_start3A_1196, %dma_start3A_1197] : memref<8x16x129xf32, #tpu.memory_space<vmem>> -> memref<1x8x128xf32, #tpu.memory_space<vmem>>
      %dma_start3A_1199 = tpu.memref_squeeze %dma_start3A_1198 : memref<1x8x128xf32, #tpu.memory_space<vmem>> -> memref<8x128xf32, #tpu.memory_space<vmem>>
      tpu.enqueue_dma source(%dma_start3A_1199 : memref<8x128xf32, #tpu.memory_space<vmem>>) target(%dma_start3A_1195 : memref<8x128xf32, #tpu.memory_space<hbm>>) target_semaphore(%arg17 : memref<!tpu.dma_semaphore, #tpu.memory_space<semaphore_mem>>)
      %dma_start3A_1200 = arith.constant 6 : i32
      %dma_start3A_1201 = arith.constant 1 : i32
      %dma_start3A_1202 = arith.constant 8 : i32
      %dma_start3A_1203 = arith.constant 0 : i32
      %dma_start3A_1204 = tpu.memref_slice %arg9[%dma_start3A_1200, %dma_start3A_1202, %dma_start3A_1203] : memref<8x16x129xf32, #tpu.memory_space<vmem>> -> memref<1x8x128xf32, #tpu.memory_space<vmem>>
      %dma_start3A_1205 = tpu.memref_squeeze %dma_start3A_1204 : memref<1x8x128xf32, #tpu.memory_space<vmem>> -> memref<8x128xf32, #tpu.memory_space<vmem>>
      %dma_start3A_1206 = arith.constant 0 : i32
      %dma_start3A_1207 = arith.constant 0 : i32
      %dma_start3A_1208 = tpu.memref_slice %arg4[%add3A_957, %dma_start3A_1201, %select_n3A_901, %dma_start3A_1206, %dma_start3A_1207] : memref<200x2x128x8x128xf32, #tpu.memory_space<hbm>> -> memref<1x1x1x8x128xf32, #tpu.memory_space<hbm>>
      %dma_start3A_1209 = tpu.memref_squeeze %dma_start3A_1208 : memref<1x1x1x8x128xf32, #tpu.memory_space<hbm>> -> memref<8x128xf32, #tpu.memory_space<hbm>>
      %dma_start3A_1210 = arith.constant 0 : i32
      %dma_start3A_1211 = arith.constant 0 : i32
      %dma_start3A_1212 = tpu.memref_slice %arg4[%add3A_957, %dma_start3A_1201, %select_n3A_901, %dma_start3A_1210, %dma_start3A_1211] : memref<200x2x128x8x128xf32, #tpu.memory_space<hbm>> -> memref<1x1x1x8x128xf32, #tpu.memory_space<hbm>>
      %dma_start3A_1213 = tpu.memref_squeeze %dma_start3A_1212 : memref<1x1x1x8x128xf32, #tpu.memory_space<hbm>> -> memref<8x128xf32, #tpu.memory_space<hbm>>
      %dma_start3A_1214 = arith.constant 8 : i32
      %dma_start3A_1215 = arith.constant 0 : i32
      %dma_start3A_1216 = tpu.memref_slice %arg9[%dma_start3A_1200, %dma_start3A_1214, %dma_start3A_1215] : memref<8x16x129xf32, #tpu.memory_space<vmem>> -> memref<1x8x128xf32, #tpu.memory_space<vmem>>
      %dma_start3A_1217 = tpu.memref_squeeze %dma_start3A_1216 : memref<1x8x128xf32, #tpu.memory_space<vmem>> -> memref<8x128xf32, #tpu.memory_space<vmem>>
      tpu.enqueue_dma source(%dma_start3A_1217 : memref<8x128xf32, #tpu.memory_space<vmem>>) target(%dma_start3A_1213 : memref<8x128xf32, #tpu.memory_space<hbm>>) target_semaphore(%arg17 : memref<!tpu.dma_semaphore, #tpu.memory_space<semaphore_mem>>)
      %dma_start3A_1218 = arith.constant 7 : i32
      %dma_start3A_1219 = arith.constant 0 : i32
      %dma_start3A_1220 = arith.constant 0 : i32
      %dma_start3A_1221 = arith.constant 0 : i32
      %dma_start3A_1222 = tpu.memref_slice %arg9[%dma_start3A_1218, %dma_start3A_1220, %dma_start3A_1221] : memref<8x16x129xf32, #tpu.memory_space<vmem>> -> memref<1x8x128xf32, #tpu.memory_space<vmem>>
      %dma_start3A_1223 = tpu.memref_squeeze %dma_start3A_1222 : memref<1x8x128xf32, #tpu.memory_space<vmem>> -> memref<8x128xf32, #tpu.memory_space<vmem>>
      %dma_start3A_1224 = arith.constant 0 : i32
      %dma_start3A_1225 = arith.constant 0 : i32
      %dma_start3A_1226 = tpu.memref_slice %arg4[%add3A_961, %dma_start3A_1219, %select_n3A_901, %dma_start3A_1224, %dma_start3A_1225] : memref<200x2x128x8x128xf32, #tpu.memory_space<hbm>> -> memref<1x1x1x8x128xf32, #tpu.memory_space<hbm>>
      %dma_start3A_1227 = tpu.memref_squeeze %dma_start3A_1226 : memref<1x1x1x8x128xf32, #tpu.memory_space<hbm>> -> memref<8x128xf32, #tpu.memory_space<hbm>>
      %dma_start3A_1228 = arith.constant 0 : i32
      %dma_start3A_1229 = arith.constant 0 : i32
      %dma_start3A_1230 = tpu.memref_slice %arg4[%add3A_961, %dma_start3A_1219, %select_n3A_901, %dma_start3A_1228, %dma_start3A_1229] : memref<200x2x128x8x128xf32, #tpu.memory_space<hbm>> -> memref<1x1x1x8x128xf32, #tpu.memory_space<hbm>>
      %dma_start3A_1231 = tpu.memref_squeeze %dma_start3A_1230 : memref<1x1x1x8x128xf32, #tpu.memory_space<hbm>> -> memref<8x128xf32, #tpu.memory_space<hbm>>
      %dma_start3A_1232 = arith.constant 0 : i32
      %dma_start3A_1233 = arith.constant 0 : i32
      %dma_start3A_1234 = tpu.memref_slice %arg9[%dma_start3A_1218, %dma_start3A_1232, %dma_start3A_1233] : memref<8x16x129xf32, #tpu.memory_space<vmem>> -> memref<1x8x128xf32, #tpu.memory_space<vmem>>
      %dma_start3A_1235 = tpu.memref_squeeze %dma_start3A_1234 : memref<1x8x128xf32, #tpu.memory_space<vmem>> -> memref<8x128xf32, #tpu.memory_space<vmem>>
      tpu.enqueue_dma source(%dma_start3A_1235 : memref<8x128xf32, #tpu.memory_space<vmem>>) target(%dma_start3A_1231 : memref<8x128xf32, #tpu.memory_space<hbm>>) target_semaphore(%arg17 : memref<!tpu.dma_semaphore, #tpu.memory_space<semaphore_mem>>)
      %dma_start3A_1236 = arith.constant 7 : i32
      %dma_start3A_1237 = arith.constant 1 : i32
      %dma_start3A_1238 = arith.constant 8 : i32
      %dma_start3A_1239 = arith.constant 0 : i32
      %dma_start3A_1240 = tpu.memref_slice %arg9[%dma_start3A_1236, %dma_start3A_1238, %dma_start3A_1239] : memref<8x16x129xf32, #tpu.memory_space<vmem>> -> memref<1x8x128xf32, #tpu.memory_space<vmem>>
      %dma_start3A_1241 = tpu.memref_squeeze %dma_start3A_1240 : memref<1x8x128xf32, #tpu.memory_space<vmem>> -> memref<8x128xf32, #tpu.memory_space<vmem>>
      %dma_start3A_1242 = arith.constant 0 : i32
      %dma_start3A_1243 = arith.constant 0 : i32
      %dma_start3A_1244 = tpu.memref_slice %arg4[%add3A_965, %dma_start3A_1237, %select_n3A_901, %dma_start3A_1242, %dma_start3A_1243] : memref<200x2x128x8x128xf32, #tpu.memory_space<hbm>> -> memref<1x1x1x8x128xf32, #tpu.memory_space<hbm>>
      %dma_start3A_1245 = tpu.memref_squeeze %dma_start3A_1244 : memref<1x1x1x8x128xf32, #tpu.memory_space<hbm>> -> memref<8x128xf32, #tpu.memory_space<hbm>>
      %dma_start3A_1246 = arith.constant 0 : i32
      %dma_start3A_1247 = arith.constant 0 : i32
      %dma_start3A_1248 = tpu.memref_slice %arg4[%add3A_965, %dma_start3A_1237, %select_n3A_901, %dma_start3A_1246, %dma_start3A_1247] : memref<200x2x128x8x128xf32, #tpu.memory_space<hbm>> -> memref<1x1x1x8x128xf32, #tpu.memory_space<hbm>>
      %dma_start3A_1249 = tpu.memref_squeeze %dma_start3A_1248 : memref<1x1x1x8x128xf32, #tpu.memory_space<hbm>> -> memref<8x128xf32, #tpu.memory_space<hbm>>
      %dma_start3A_1250 = arith.constant 8 : i32
      %dma_start3A_1251 = arith.constant 0 : i32
      %dma_start3A_1252 = tpu.memref_slice %arg9[%dma_start3A_1236, %dma_start3A_1250, %dma_start3A_1251] : memref<8x16x129xf32, #tpu.memory_space<vmem>> -> memref<1x8x128xf32, #tpu.memory_space<vmem>>
      %dma_start3A_1253 = tpu.memref_squeeze %dma_start3A_1252 : memref<1x8x128xf32, #tpu.memory_space<vmem>> -> memref<8x128xf32, #tpu.memory_space<vmem>>
      tpu.enqueue_dma source(%dma_start3A_1253 : memref<8x128xf32, #tpu.memory_space<vmem>>) target(%dma_start3A_1249 : memref<8x128xf32, #tpu.memory_space<hbm>>) target_semaphore(%arg17 : memref<!tpu.dma_semaphore, #tpu.memory_space<semaphore_mem>>)
      %add3A_1254 = arith.constant 1 : i32
      %add3A_1255 = arith.addi %add3A_823, %add3A_1254 : i32
      %dma_wait3A_1256 = arith.constant 0 : i32
      %dma_wait3A_1257 = arith.constant 0 : i32
      %dma_wait3A_1258 = tpu.memref_slice %arg8[%dma_wait3A_1256, %dma_wait3A_1257] : memref<1024x16xf32, #tpu.memory_space<vmem>> -> memref<512x16xf32, #tpu.memory_space<vmem>>
      %dma_wait3A_1259 = arith.constant 0 : i32
      %dma_wait3A_1260 = tpu.memref_slice %arg6[%dma_wait3A_1259] : memref<1024xi32, #tpu.memory_space<vmem>> -> memref<512xi32, #tpu.memory_space<vmem>>
      %dma_wait3A_1261 = arith.constant 0 : i32
      %dma_wait3A_1262 = arith.constant 0 : i32
      %dma_wait3A_1263 = tpu.memref_slice %arg3[%dma_wait3A_1261, %dma_wait3A_1262] : memref<8000000x16xf32, #tpu.memory_space<hbm>> -> memref<8000000x16xf32, #tpu.memory_space<hbm>>
      tpu.wait_indirect_dma semaphore(%arg14 : memref<!tpu.dma_semaphore, #tpu.memory_space<semaphore_mem>>) src(%dma_wait3A_1263 : memref<8000000x16xf32, #tpu.memory_space<hbm>>) dst(%dma_wait3A_1258 : memref<512x16xf32, #tpu.memory_space<vmem>>)
      %dma_wait3A_1264 = arith.constant 512 : i32
      %dma_wait3A_1265 = arith.constant 0 : i32
      %dma_wait3A_1266 = tpu.memref_slice %arg8[%dma_wait3A_1264, %dma_wait3A_1265] : memref<1024x16xf32, #tpu.memory_space<vmem>> -> memref<512x16xf32, #tpu.memory_space<vmem>>
      %dma_wait3A_1267 = arith.constant 512 : i32
      %dma_wait3A_1268 = tpu.memref_slice %arg6[%dma_wait3A_1267] : memref<1024xi32, #tpu.memory_space<vmem>> -> memref<512xi32, #tpu.memory_space<vmem>>
      %dma_wait3A_1269 = arith.constant 0 : i32
      %dma_wait3A_1270 = arith.constant 0 : i32
      %dma_wait3A_1271 = tpu.memref_slice %arg3[%dma_wait3A_1269, %dma_wait3A_1270] : memref<8000000x16xf32, #tpu.memory_space<hbm>> -> memref<8000000x16xf32, #tpu.memory_space<hbm>>
      tpu.wait_indirect_dma semaphore(%arg16 : memref<!tpu.dma_semaphore, #tpu.memory_space<semaphore_mem>>) src(%dma_wait3A_1271 : memref<8000000x16xf32, #tpu.memory_space<hbm>>) dst(%dma_wait3A_1266 : memref<512x16xf32, #tpu.memory_space<vmem>>)
      %add3A_1272 = arith.constant 1 : i32
      %add3A_1273 = arith.addi %add3A_1255, %add3A_1272 : i32
      %lt3A_1274 = arith.constant 100 : i32
      %lt3A_1275 = arith.cmpi slt, %add3A_1273, %lt3A_1274 : i32
      %convert_element_type3A_1276 = arith.extui %lt3A_1275 : i1 to i32
      %cond3A_1277 = arith.constant 0 : i32
      %cond3A_1278 = arith.cmpi ne, %convert_element_type3A_1276, %cond3A_1277 : i32
      scf.if %cond3A_1278 {
        %add3A_1687 = arith.constant 1 : i32
        %add3A_1688 = arith.addi %add3A_1255, %add3A_1687 : i32
        %add3A_1689 = arith.addi %mul3A_2, %add3A_1688 : i32
        %mul3A_1690 = arith.constant 1024 : i32
        %mul3A_1691 = arith.muli %add3A_1689, %mul3A_1690 : i32
        %dma_wait3A_1692 = tpu.memref_slice %arg2[%mul3A_1691] : memref<3276800xi32, #tpu.memory_space<hbm>> -> memref<1024xi32, #tpu.memory_space<hbm>>
        %dma_wait3A_1693 = tpu.memref_slice %arg2[%mul3A_1691] : memref<3276800xi32, #tpu.memory_space<hbm>> -> memref<1024xi32, #tpu.memory_space<hbm>>
        tpu.wait_dma2 semaphore(%arg11 : memref<!tpu.dma_semaphore, #tpu.memory_space<semaphore_mem>>) src(%dma_wait3A_1693 : memref<1024xi32, #tpu.memory_space<hbm>>) dst(%arg5 : memref<1024xi32, #tpu.memory_space<vmem>>)
        %parallel_loop3A_1694 = arith.constant 0 : i32
        %parallel_loop3A_1695 = arith.constant 64 : i32
        %parallel_loop3A_1696 = arith.constant 1 : i32
        scf.for %parallel_loop3A_1713 = %parallel_loop3A_1694 to %parallel_loop3A_1695 step %parallel_loop3A_1696  : i32 {
          %parallel_loop3A_1714 = arith.constant 16 : i32
          %parallel_loop3A_1715 = arith.muli %parallel_loop3A_1713, %parallel_loop3A_1714 : i32
          %parallel_loop3A_1716 = arith.index_cast %parallel_loop3A_1715 : i32 to index
          %parallel_loop3A_1717 = tpu.vector_load %arg5[%parallel_loop3A_1716] {strides = array<i32>} : memref<1024xi32, #tpu.memory_space<vmem>>, vector<16xi32>,
          %parallel_loop3A_1718 = arith.constant 8 : i32
          %parallel_loop3A_1719 = vector.broadcast %parallel_loop3A_1718 : i32 to vector<16xi32>
          %parallel_loop3A_1720 = arith.muli %parallel_loop3A_1717, %parallel_loop3A_1719 : vector<16xi32>
          %parallel_loop3A_1721 = arith.constant 16 : i32
          %parallel_loop3A_1722 = arith.muli %parallel_loop3A_1713, %parallel_loop3A_1721 : i32
          %parallel_loop3A_1723 = arith.index_cast %parallel_loop3A_1722 : i32 to index
          %parallel_loop3A_1724 = tpu.vector_load %arg5[%parallel_loop3A_1723] {strides = array<i32>} : memref<1024xi32, #tpu.memory_space<vmem>>, vector<16xi32>,
          tpu.vector_store %arg5[%parallel_loop3A_1723], %parallel_loop3A_1720 {strides = array<i32>} : memref<1024xi32, #tpu.memory_space<vmem>>, vector<16xi32>,
        } {sc.loop_unroll_factor = 8 : i64, sc.parallel_access}
        %dma_start3A_1697 = arith.constant 0 : i32
        %dma_start3A_1698 = arith.constant 0 : i32
        %dma_start3A_1699 = tpu.memref_slice %arg7[%dma_start3A_1697, %dma_start3A_1698] : memref<1024x16xf32, #tpu.memory_space<vmem>> -> memref<512x16xf32, #tpu.memory_space<vmem>>
        %dma_start3A_1700 = arith.constant 0 : i32
        %dma_start3A_1701 = tpu.memref_slice %arg5[%dma_start3A_1700] : memref<1024xi32, #tpu.memory_space<vmem>> -> memref<512xi32, #tpu.memory_space<vmem>>
        %dma_start3A_1702 = arith.constant 0 : i32
        %dma_start3A_1703 = arith.constant 0 : i32
        %dma_start3A_1704 = tpu.memref_slice %arg3[%dma_start3A_1702, %dma_start3A_1703] : memref<8000000x16xf32, #tpu.memory_space<hbm>> -> memref<8000000x16xf32, #tpu.memory_space<hbm>>
        tpu.enqueue_indirect_dma source(%dma_start3A_1704 : memref<8000000x16xf32, #tpu.memory_space<hbm>>) target(%dma_start3A_1699 : memref<512x16xf32, #tpu.memory_space<vmem>>) offsets(%dma_start3A_1701 : memref<512xi32, #tpu.memory_space<vmem>>) semaphore(%arg13 : memref<!tpu.dma_semaphore, #tpu.memory_space<semaphore_mem>>)
        %dma_start3A_1705 = arith.constant 512 : i32
        %dma_start3A_1706 = arith.constant 0 : i32
        %dma_start3A_1707 = tpu.memref_slice %arg7[%dma_start3A_1705, %dma_start3A_1706] : memref<1024x16xf32, #tpu.memory_space<vmem>> -> memref<512x16xf32, #tpu.memory_space<vmem>>
        %dma_start3A_1708 = arith.constant 512 : i32
        %dma_start3A_1709 = tpu.memref_slice %arg5[%dma_start3A_1708] : memref<1024xi32, #tpu.memory_space<vmem>> -> memref<512xi32, #tpu.memory_space<vmem>>
        %dma_start3A_1710 = arith.constant 0 : i32
        %dma_start3A_1711 = arith.constant 0 : i32
        %dma_start3A_1712 = tpu.memref_slice %arg3[%dma_start3A_1710, %dma_start3A_1711] : memref<8000000x16xf32, #tpu.memory_space<hbm>> -> memref<8000000x16xf32, #tpu.memory_space<hbm>>
        tpu.enqueue_indirect_dma source(%dma_start3A_1712 : memref<8000000x16xf32, #tpu.memory_space<hbm>>) target(%dma_start3A_1707 : memref<512x16xf32, #tpu.memory_space<vmem>>) offsets(%dma_start3A_1709 : memref<512xi32, #tpu.memory_space<vmem>>) semaphore(%arg15 : memref<!tpu.dma_semaphore, #tpu.memory_space<semaphore_mem>>)
      } else {
      }
      %add3A_1279 = arith.constant 2 : i32
      %add3A_1280 = arith.addi %add3A_1255, %add3A_1279 : i32
      %lt3A_1281 = arith.constant 100 : i32
      %lt3A_1282 = arith.cmpi slt, %add3A_1280, %lt3A_1281 : i32
      %convert_element_type3A_1283 = arith.extui %lt3A_1282 : i1 to i32
      %cond3A_1284 = arith.constant 0 : i32
      %cond3A_1285 = arith.cmpi ne, %convert_element_type3A_1283, %cond3A_1284 : i32
      scf.if %cond3A_1285 {
        %add3A_1687 = arith.constant 2 : i32
        %add3A_1688 = arith.addi %add3A_1255, %add3A_1687 : i32
        %add3A_1689 = arith.addi %mul3A_2, %add3A_1688 : i32
        %mul3A_1690 = arith.constant 1024 : i32
        %mul3A_1691 = arith.muli %add3A_1689, %mul3A_1690 : i32
        %dma_start3A_1692 = tpu.memref_slice %arg2[%mul3A_1691] : memref<3276800xi32, #tpu.memory_space<hbm>> -> memref<1024xi32, #tpu.memory_space<hbm>>
        %dma_start3A_1693 = tpu.memref_slice %arg2[%mul3A_1691] : memref<3276800xi32, #tpu.memory_space<hbm>> -> memref<1024xi32, #tpu.memory_space<hbm>>
        tpu.enqueue_dma source(%dma_start3A_1693 : memref<1024xi32, #tpu.memory_space<hbm>>) target(%arg6 : memref<1024xi32, #tpu.memory_space<vmem>>) target_semaphore(%arg12 : memref<!tpu.dma_semaphore, #tpu.memory_space<semaphore_mem>>)
      } else {
      }
      %ge3A_1286 = arith.constant 2 : i32
      %ge3A_1287 = arith.cmpi sge, %add3A_1255, %ge3A_1286 : i32
      %convert_element_type3A_1288 = arith.extui %ge3A_1287 : i1 to i32
      %cond3A_1289 = arith.constant 0 : i32
      %cond3A_1290 = arith.cmpi ne, %convert_element_type3A_1288, %cond3A_1289 : i32
      scf.if %cond3A_1290 {
        %sub3A_1687 = arith.constant 2 : i32
        %sub3A_1688 = arith.subi %add3A_1255, %sub3A_1687 : i32
        %add3A_1689 = arith.addi %mul3A_2, %sub3A_1688 : i32
        %jit3A_1690 = arith.constant 128 : i32
        %div3A_1691 = arith.divsi %add3A_1689, %jit3A_1690 : i32
        %sign3A_1692 = arith.constant 0 : i32
        %sign3A_1693 = arith.cmpi sgt, %add3A_1689, %sign3A_1692 : i32
        %sign3A_1694 = arith.extui %sign3A_1693 : i1 to i32
        %sign3A_1695 = arith.constant 0 : i32
        %sign3A_1696 = arith.cmpi slt, %add3A_1689, %sign3A_1695 : i32
        %sign3A_1697 = arith.extui %sign3A_1696 : i1 to i32
        %sign3A_1698 = arith.subi %sign3A_1694, %sign3A_1697 : i32
        %sign3A_1699 = arith.constant 0 : i32
        %sign3A_1700 = arith.cmpi sgt, %jit3A_1690, %sign3A_1699 : i32
        %sign3A_1701 = arith.extui %sign3A_1700 : i1 to i32
        %sign3A_1702 = arith.constant 0 : i32
        %sign3A_1703 = arith.cmpi slt, %jit3A_1690, %sign3A_1702 : i32
        %sign3A_1704 = arith.extui %sign3A_1703 : i1 to i32
        %sign3A_1705 = arith.subi %sign3A_1701, %sign3A_1704 : i32
        %ne3A_1706 = arith.cmpi ne, %sign3A_1698, %sign3A_1705 : i32
        %rem3A_1707 = arith.remsi %add3A_1689, %jit3A_1690 : i32
        %ne3A_1708 = arith.constant 0 : i32
        %ne3A_1709 = arith.cmpi ne, %rem3A_1707, %ne3A_1708 : i32
        %and3A_1710 = arith.andi %ne3A_1706, %ne3A_1709 : i1
        %sub3A_1711 = arith.constant 1 : i32
        %sub3A_1712 = arith.subi %div3A_1691, %sub3A_1711 : i32
        %select_n3A_1713 = arith.select %and3A_1710, %sub3A_1712, %div3A_1691 : i32
        %jit3A_1714 = arith.constant 128 : i32
        %eq3A_1715 = arith.constant 0 : i32
        %eq3A_1716 = arith.cmpi eq, %jit3A_1714, %eq3A_1715 : i32
        %jit3A_1717 = arith.constant 1 : i32
        %select_n3A_1718 = arith.select %eq3A_1716, %jit3A_1717, %jit3A_1714 : i32
        %rem3A_1719 = arith.remsi %add3A_1689, %select_n3A_1718 : i32
        %ne3A_1720 = arith.constant 0 : i32
        %ne3A_1721 = arith.cmpi ne, %rem3A_1719, %ne3A_1720 : i32
        %lt3A_1722 = arith.constant 0 : i32
        %lt3A_1723 = arith.cmpi slt, %rem3A_1719, %lt3A_1722 : i32
        %lt3A_1724 = arith.constant 0 : i32
        %lt3A_1725 = arith.cmpi slt, %select_n3A_1718, %lt3A_1724 : i32
        %ne3A_1726 = arith.xori %lt3A_1723, %lt3A_1725 : i1
        %and3A_1727 = arith.andi %ne3A_1726, %ne3A_1721 : i1
        %add3A_1728 = arith.addi %rem3A_1719, %select_n3A_1718 : i32
        %select_n3A_1729 = arith.select %and3A_1727, %add3A_1728, %rem3A_1719 : i32
        %mul3A_1730 = arith.constant 8 : i32
        %mul3A_1731 = arith.muli %select_n3A_1713, %mul3A_1730 : i32
        %add3A_1732 = arith.constant 0 : i32
        %add3A_1733 = arith.addi %mul3A_1731, %add3A_1732 : i32
        %mul3A_1734 = arith.constant 8 : i32
        %mul3A_1735 = arith.muli %select_n3A_1713, %mul3A_1734 : i32
        %add3A_1736 = arith.constant 0 : i32
        %add3A_1737 = arith.addi %mul3A_1735, %add3A_1736 : i32
        %mul3A_1738 = arith.constant 8 : i32
        %mul3A_1739 = arith.muli %select_n3A_1713, %mul3A_1738 : i32
        %add3A_1740 = arith.constant 1 : i32
        %add3A_1741 = arith.addi %mul3A_1739, %add3A_1740 : i32
        %mul3A_1742 = arith.constant 8 : i32
        %mul3A_1743 = arith.muli %select_n3A_1713, %mul3A_1742 : i32
        %add3A_1744 = arith.constant 1 : i32
        %add3A_1745 = arith.addi %mul3A_1743, %add3A_1744 : i32
        %mul3A_1746 = arith.constant 8 : i32
        %mul3A_1747 = arith.muli %select_n3A_1713, %mul3A_1746 : i32
        %add3A_1748 = arith.constant 2 : i32
        %add3A_1749 = arith.addi %mul3A_1747, %add3A_1748 : i32
        %mul3A_1750 = arith.constant 8 : i32
        %mul3A_1751 = arith.muli %select_n3A_1713, %mul3A_1750 : i32
        %add3A_1752 = arith.constant 2 : i32
        %add3A_1753 = arith.addi %mul3A_1751, %add3A_1752 : i32
        %mul3A_1754 = arith.constant 8 : i32
        %mul3A_1755 = arith.muli %select_n3A_1713, %mul3A_1754 : i32
        %add3A_1756 = arith.constant 3 : i32
        %add3A_1757 = arith.addi %mul3A_1755, %add3A_1756 : i32
        %mul3A_1758 = arith.constant 8 : i32
        %mul3A_1759 = arith.muli %select_n3A_1713, %mul3A_1758 : i32
        %add3A_1760 = arith.constant 3 : i32
        %add3A_1761 = arith.addi %mul3A_1759, %add3A_1760 : i32
        %mul3A_1762 = arith.constant 8 : i32
        %mul3A_1763 = arith.muli %select_n3A_1713, %mul3A_1762 : i32
        %add3A_1764 = arith.constant 4 : i32
        %add3A_1765 = arith.addi %mul3A_1763, %add3A_1764 : i32
        %mul3A_1766 = arith.constant 8 : i32
        %mul3A_1767 = arith.muli %select_n3A_1713, %mul3A_1766 : i32
        %add3A_1768 = arith.constant 4 : i32
        %add3A_1769 = arith.addi %mul3A_1767, %add3A_1768 : i32
        %mul3A_1770 = arith.constant 8 : i32
        %mul3A_1771 = arith.muli %select_n3A_1713, %mul3A_1770 : i32
        %add3A_1772 = arith.constant 5 : i32
        %add3A_1773 = arith.addi %mul3A_1771, %add3A_1772 : i32
        %mul3A_1774 = arith.constant 8 : i32
        %mul3A_1775 = arith.muli %select_n3A_1713, %mul3A_1774 : i32
        %add3A_1776 = arith.constant 5 : i32
        %add3A_1777 = arith.addi %mul3A_1775, %add3A_1776 : i32
        %mul3A_1778 = arith.constant 8 : i32
        %mul3A_1779 = arith.muli %select_n3A_1713, %mul3A_1778 : i32
        %add3A_1780 = arith.constant 6 : i32
        %add3A_1781 = arith.addi %mul3A_1779, %add3A_1780 : i32
        %mul3A_1782 = arith.constant 8 : i32
        %mul3A_1783 = arith.muli %select_n3A_1713, %mul3A_1782 : i32
        %add3A_1784 = arith.constant 6 : i32
        %add3A_1785 = arith.addi %mul3A_1783, %add3A_1784 : i32
        %mul3A_1786 = arith.constant 8 : i32
        %mul3A_1787 = arith.muli %select_n3A_1713, %mul3A_1786 : i32
        %add3A_1788 = arith.constant 7 : i32
        %add3A_1789 = arith.addi %mul3A_1787, %add3A_1788 : i32
        %mul3A_1790 = arith.constant 8 : i32
        %mul3A_1791 = arith.muli %select_n3A_1713, %mul3A_1790 : i32
        %add3A_1792 = arith.constant 7 : i32
        %add3A_1793 = arith.addi %mul3A_1791, %add3A_1792 : i32
        %dma_wait3A_1794 = arith.constant 0 : i32
        %dma_wait3A_1795 = arith.constant 0 : i32
        %dma_wait3A_1796 = arith.constant 0 : i32
        %dma_wait3A_1797 = arith.constant 0 : i32
        %dma_wait3A_1798 = tpu.memref_slice %arg10[%dma_wait3A_1794, %dma_wait3A_1796, %dma_wait3A_1797] : memref<8x16x129xf32, #tpu.memory_space<vmem>> -> memref<1x8x128xf32, #tpu.memory_space<vmem>>
        %dma_wait3A_1799 = tpu.memref_squeeze %dma_wait3A_1798 : memref<1x8x128xf32, #tpu.memory_space<vmem>> -> memref<8x128xf32, #tpu.memory_space<vmem>>
        %dma_wait3A_1800 = arith.constant 0 : i32
        %dma_wait3A_1801 = arith.constant 0 : i32
        %dma_wait3A_1802 = tpu.memref_slice %arg4[%add3A_1733, %dma_wait3A_1795, %select_n3A_1729, %dma_wait3A_1800, %dma_wait3A_1801] : memref<200x2x128x8x128xf32, #tpu.memory_space<hbm>> -> memref<1x1x1x8x128xf32, #tpu.memory_space<hbm>>
        %dma_wait3A_1803 = tpu.memref_squeeze %dma_wait3A_1802 : memref<1x1x1x8x128xf32, #tpu.memory_space<hbm>> -> memref<8x128xf32, #tpu.memory_space<hbm>>
        %dma_wait3A_1804 = arith.constant 0 : i32
        %dma_wait3A_1805 = arith.constant 0 : i32
        %dma_wait3A_1806 = tpu.memref_slice %arg4[%add3A_1733, %dma_wait3A_1795, %select_n3A_1729, %dma_wait3A_1804, %dma_wait3A_1805] : memref<200x2x128x8x128xf32, #tpu.memory_space<hbm>> -> memref<1x1x1x8x128xf32, #tpu.memory_space<hbm>>
        %dma_wait3A_1807 = tpu.memref_squeeze %dma_wait3A_1806 : memref<1x1x1x8x128xf32, #tpu.memory_space<hbm>> -> memref<8x128xf32, #tpu.memory_space<hbm>>
        %dma_wait3A_1808 = arith.constant 0 : i32
        %dma_wait3A_1809 = arith.constant 0 : i32
        %dma_wait3A_1810 = tpu.memref_slice %arg10[%dma_wait3A_1794, %dma_wait3A_1808, %dma_wait3A_1809] : memref<8x16x129xf32, #tpu.memory_space<vmem>> -> memref<1x8x128xf32, #tpu.memory_space<vmem>>
        %dma_wait3A_1811 = tpu.memref_squeeze %dma_wait3A_1810 : memref<1x8x128xf32, #tpu.memory_space<vmem>> -> memref<8x128xf32, #tpu.memory_space<vmem>>
        tpu.wait_dma2 semaphore(%arg18 : memref<!tpu.dma_semaphore, #tpu.memory_space<semaphore_mem>>) src(%dma_wait3A_1811 : memref<8x128xf32, #tpu.memory_space<vmem>>) dst(%dma_wait3A_1807 : memref<8x128xf32, #tpu.memory_space<hbm>>)
        %dma_wait3A_1812 = arith.constant 0 : i32
        %dma_wait3A_1813 = arith.constant 1 : i32
        %dma_wait3A_1814 = arith.constant 8 : i32
        %dma_wait3A_1815 = arith.constant 0 : i32
        %dma_wait3A_1816 = tpu.memref_slice %arg10[%dma_wait3A_1812, %dma_wait3A_1814, %dma_wait3A_1815] : memref<8x16x129xf32, #tpu.memory_space<vmem>> -> memref<1x8x128xf32, #tpu.memory_space<vmem>>
        %dma_wait3A_1817 = tpu.memref_squeeze %dma_wait3A_1816 : memref<1x8x128xf32, #tpu.memory_space<vmem>> -> memref<8x128xf32, #tpu.memory_space<vmem>>
        %dma_wait3A_1818 = arith.constant 0 : i32
        %dma_wait3A_1819 = arith.constant 0 : i32
        %dma_wait3A_1820 = tpu.memref_slice %arg4[%add3A_1737, %dma_wait3A_1813, %select_n3A_1729, %dma_wait3A_1818, %dma_wait3A_1819] : memref<200x2x128x8x128xf32, #tpu.memory_space<hbm>> -> memref<1x1x1x8x128xf32, #tpu.memory_space<hbm>>
        %dma_wait3A_1821 = tpu.memref_squeeze %dma_wait3A_1820 : memref<1x1x1x8x128xf32, #tpu.memory_space<hbm>> -> memref<8x128xf32, #tpu.memory_space<hbm>>
        %dma_wait3A_1822 = arith.constant 0 : i32
        %dma_wait3A_1823 = arith.constant 0 : i32
        %dma_wait3A_1824 = tpu.memref_slice %arg4[%add3A_1737, %dma_wait3A_1813, %select_n3A_1729, %dma_wait3A_1822, %dma_wait3A_1823] : memref<200x2x128x8x128xf32, #tpu.memory_space<hbm>> -> memref<1x1x1x8x128xf32, #tpu.memory_space<hbm>>
        %dma_wait3A_1825 = tpu.memref_squeeze %dma_wait3A_1824 : memref<1x1x1x8x128xf32, #tpu.memory_space<hbm>> -> memref<8x128xf32, #tpu.memory_space<hbm>>
        %dma_wait3A_1826 = arith.constant 8 : i32
        %dma_wait3A_1827 = arith.constant 0 : i32
        %dma_wait3A_1828 = tpu.memref_slice %arg10[%dma_wait3A_1812, %dma_wait3A_1826, %dma_wait3A_1827] : memref<8x16x129xf32, #tpu.memory_space<vmem>> -> memref<1x8x128xf32, #tpu.memory_space<vmem>>
        %dma_wait3A_1829 = tpu.memref_squeeze %dma_wait3A_1828 : memref<1x8x128xf32, #tpu.memory_space<vmem>> -> memref<8x128xf32, #tpu.memory_space<vmem>>
        tpu.wait_dma2 semaphore(%arg18 : memref<!tpu.dma_semaphore, #tpu.memory_space<semaphore_mem>>) src(%dma_wait3A_1829 : memref<8x128xf32, #tpu.memory_space<vmem>>) dst(%dma_wait3A_1825 : memref<8x128xf32, #tpu.memory_space<hbm>>)
        %dma_wait3A_1830 = arith.constant 1 : i32
        %dma_wait3A_1831 = arith.constant 0 : i32
        %dma_wait3A_1832 = arith.constant 0 : i32
        %dma_wait3A_1833 = arith.constant 0 : i32
        %dma_wait3A_1834 = tpu.memref_slice %arg10[%dma_wait3A_1830, %dma_wait3A_1832, %dma_wait3A_1833] : memref<8x16x129xf32, #tpu.memory_space<vmem>> -> memref<1x8x128xf32, #tpu.memory_space<vmem>>
        %dma_wait3A_1835 = tpu.memref_squeeze %dma_wait3A_1834 : memref<1x8x128xf32, #tpu.memory_space<vmem>> -> memref<8x128xf32, #tpu.memory_space<vmem>>
        %dma_wait3A_1836 = arith.constant 0 : i32
        %dma_wait3A_1837 = arith.constant 0 : i32
        %dma_wait3A_1838 = tpu.memref_slice %arg4[%add3A_1741, %dma_wait3A_1831, %select_n3A_1729, %dma_wait3A_1836, %dma_wait3A_1837] : memref<200x2x128x8x128xf32, #tpu.memory_space<hbm>> -> memref<1x1x1x8x128xf32, #tpu.memory_space<hbm>>
        %dma_wait3A_1839 = tpu.memref_squeeze %dma_wait3A_1838 : memref<1x1x1x8x128xf32, #tpu.memory_space<hbm>> -> memref<8x128xf32, #tpu.memory_space<hbm>>
        %dma_wait3A_1840 = arith.constant 0 : i32
        %dma_wait3A_1841 = arith.constant 0 : i32
        %dma_wait3A_1842 = tpu.memref_slice %arg4[%add3A_1741, %dma_wait3A_1831, %select_n3A_1729, %dma_wait3A_1840, %dma_wait3A_1841] : memref<200x2x128x8x128xf32, #tpu.memory_space<hbm>> -> memref<1x1x1x8x128xf32, #tpu.memory_space<hbm>>
        %dma_wait3A_1843 = tpu.memref_squeeze %dma_wait3A_1842 : memref<1x1x1x8x128xf32, #tpu.memory_space<hbm>> -> memref<8x128xf32, #tpu.memory_space<hbm>>
        %dma_wait3A_1844 = arith.constant 0 : i32
        %dma_wait3A_1845 = arith.constant 0 : i32
        %dma_wait3A_1846 = tpu.memref_slice %arg10[%dma_wait3A_1830, %dma_wait3A_1844, %dma_wait3A_1845] : memref<8x16x129xf32, #tpu.memory_space<vmem>> -> memref<1x8x128xf32, #tpu.memory_space<vmem>>
        %dma_wait3A_1847 = tpu.memref_squeeze %dma_wait3A_1846 : memref<1x8x128xf32, #tpu.memory_space<vmem>> -> memref<8x128xf32, #tpu.memory_space<vmem>>
        tpu.wait_dma2 semaphore(%arg18 : memref<!tpu.dma_semaphore, #tpu.memory_space<semaphore_mem>>) src(%dma_wait3A_1847 : memref<8x128xf32, #tpu.memory_space<vmem>>) dst(%dma_wait3A_1843 : memref<8x128xf32, #tpu.memory_space<hbm>>)
        %dma_wait3A_1848 = arith.constant 1 : i32
        %dma_wait3A_1849 = arith.constant 1 : i32
        %dma_wait3A_1850 = arith.constant 8 : i32
        %dma_wait3A_1851 = arith.constant 0 : i32
        %dma_wait3A_1852 = tpu.memref_slice %arg10[%dma_wait3A_1848, %dma_wait3A_1850, %dma_wait3A_1851] : memref<8x16x129xf32, #tpu.memory_space<vmem>> -> memref<1x8x128xf32, #tpu.memory_space<vmem>>
        %dma_wait3A_1853 = tpu.memref_squeeze %dma_wait3A_1852 : memref<1x8x128xf32, #tpu.memory_space<vmem>> -> memref<8x128xf32, #tpu.memory_space<vmem>>
        %dma_wait3A_1854 = arith.constant 0 : i32
        %dma_wait3A_1855 = arith.constant 0 : i32
        %dma_wait3A_1856 = tpu.memref_slice %arg4[%add3A_1745, %dma_wait3A_1849, %select_n3A_1729, %dma_wait3A_1854, %dma_wait3A_1855] : memref<200x2x128x8x128xf32, #tpu.memory_space<hbm>> -> memref<1x1x1x8x128xf32, #tpu.memory_space<hbm>>
        %dma_wait3A_1857 = tpu.memref_squeeze %dma_wait3A_1856 : memref<1x1x1x8x128xf32, #tpu.memory_space<hbm>> -> memref<8x128xf32, #tpu.memory_space<hbm>>
        %dma_wait3A_1858 = arith.constant 0 : i32
        %dma_wait3A_1859 = arith.constant 0 : i32
        %dma_wait3A_1860 = tpu.memref_slice %arg4[%add3A_1745, %dma_wait3A_1849, %select_n3A_1729, %dma_wait3A_1858, %dma_wait3A_1859] : memref<200x2x128x8x128xf32, #tpu.memory_space<hbm>> -> memref<1x1x1x8x128xf32, #tpu.memory_space<hbm>>
        %dma_wait3A_1861 = tpu.memref_squeeze %dma_wait3A_1860 : memref<1x1x1x8x128xf32, #tpu.memory_space<hbm>> -> memref<8x128xf32, #tpu.memory_space<hbm>>
        %dma_wait3A_1862 = arith.constant 8 : i32
        %dma_wait3A_1863 = arith.constant 0 : i32
        %dma_wait3A_1864 = tpu.memref_slice %arg10[%dma_wait3A_1848, %dma_wait3A_1862, %dma_wait3A_1863] : memref<8x16x129xf32, #tpu.memory_space<vmem>> -> memref<1x8x128xf32, #tpu.memory_space<vmem>>
        %dma_wait3A_1865 = tpu.memref_squeeze %dma_wait3A_1864 : memref<1x8x128xf32, #tpu.memory_space<vmem>> -> memref<8x128xf32, #tpu.memory_space<vmem>>
        tpu.wait_dma2 semaphore(%arg18 : memref<!tpu.dma_semaphore, #tpu.memory_space<semaphore_mem>>) src(%dma_wait3A_1865 : memref<8x128xf32, #tpu.memory_space<vmem>>) dst(%dma_wait3A_1861 : memref<8x128xf32, #tpu.memory_space<hbm>>)
        %dma_wait3A_1866 = arith.constant 2 : i32
        %dma_wait3A_1867 = arith.constant 0 : i32
        %dma_wait3A_1868 = arith.constant 0 : i32
        %dma_wait3A_1869 = arith.constant 0 : i32
        %dma_wait3A_1870 = tpu.memref_slice %arg10[%dma_wait3A_1866, %dma_wait3A_1868, %dma_wait3A_1869] : memref<8x16x129xf32, #tpu.memory_space<vmem>> -> memref<1x8x128xf32, #tpu.memory_space<vmem>>
        %dma_wait3A_1871 = tpu.memref_squeeze %dma_wait3A_1870 : memref<1x8x128xf32, #tpu.memory_space<vmem>> -> memref<8x128xf32, #tpu.memory_space<vmem>>
        %dma_wait3A_1872 = arith.constant 0 : i32
        %dma_wait3A_1873 = arith.constant 0 : i32
        %dma_wait3A_1874 = tpu.memref_slice %arg4[%add3A_1749, %dma_wait3A_1867, %select_n3A_1729, %dma_wait3A_1872, %dma_wait3A_1873] : memref<200x2x128x8x128xf32, #tpu.memory_space<hbm>> -> memref<1x1x1x8x128xf32, #tpu.memory_space<hbm>>
        %dma_wait3A_1875 = tpu.memref_squeeze %dma_wait3A_1874 : memref<1x1x1x8x128xf32, #tpu.memory_space<hbm>> -> memref<8x128xf32, #tpu.memory_space<hbm>>
        %dma_wait3A_1876 = arith.constant 0 : i32
        %dma_wait3A_1877 = arith.constant 0 : i32
        %dma_wait3A_1878 = tpu.memref_slice %arg4[%add3A_1749, %dma_wait3A_1867, %select_n3A_1729, %dma_wait3A_1876, %dma_wait3A_1877] : memref<200x2x128x8x128xf32, #tpu.memory_space<hbm>> -> memref<1x1x1x8x128xf32, #tpu.memory_space<hbm>>
        %dma_wait3A_1879 = tpu.memref_squeeze %dma_wait3A_1878 : memref<1x1x1x8x128xf32, #tpu.memory_space<hbm>> -> memref<8x128xf32, #tpu.memory_space<hbm>>
        %dma_wait3A_1880 = arith.constant 0 : i32
        %dma_wait3A_1881 = arith.constant 0 : i32
        %dma_wait3A_1882 = tpu.memref_slice %arg10[%dma_wait3A_1866, %dma_wait3A_1880, %dma_wait3A_1881] : memref<8x16x129xf32, #tpu.memory_space<vmem>> -> memref<1x8x128xf32, #tpu.memory_space<vmem>>
        %dma_wait3A_1883 = tpu.memref_squeeze %dma_wait3A_1882 : memref<1x8x128xf32, #tpu.memory_space<vmem>> -> memref<8x128xf32, #tpu.memory_space<vmem>>
        tpu.wait_dma2 semaphore(%arg18 : memref<!tpu.dma_semaphore, #tpu.memory_space<semaphore_mem>>) src(%dma_wait3A_1883 : memref<8x128xf32, #tpu.memory_space<vmem>>) dst(%dma_wait3A_1879 : memref<8x128xf32, #tpu.memory_space<hbm>>)
        %dma_wait3A_1884 = arith.constant 2 : i32
        %dma_wait3A_1885 = arith.constant 1 : i32
        %dma_wait3A_1886 = arith.constant 8 : i32
        %dma_wait3A_1887 = arith.constant 0 : i32
        %dma_wait3A_1888 = tpu.memref_slice %arg10[%dma_wait3A_1884, %dma_wait3A_1886, %dma_wait3A_1887] : memref<8x16x129xf32, #tpu.memory_space<vmem>> -> memref<1x8x128xf32, #tpu.memory_space<vmem>>
        %dma_wait3A_1889 = tpu.memref_squeeze %dma_wait3A_1888 : memref<1x8x128xf32, #tpu.memory_space<vmem>> -> memref<8x128xf32, #tpu.memory_space<vmem>>
        %dma_wait3A_1890 = arith.constant 0 : i32
        %dma_wait3A_1891 = arith.constant 0 : i32
        %dma_wait3A_1892 = tpu.memref_slice %arg4[%add3A_1753, %dma_wait3A_1885, %select_n3A_1729, %dma_wait3A_1890, %dma_wait3A_1891] : memref<200x2x128x8x128xf32, #tpu.memory_space<hbm>> -> memref<1x1x1x8x128xf32, #tpu.memory_space<hbm>>
        %dma_wait3A_1893 = tpu.memref_squeeze %dma_wait3A_1892 : memref<1x1x1x8x128xf32, #tpu.memory_space<hbm>> -> memref<8x128xf32, #tpu.memory_space<hbm>>
        %dma_wait3A_1894 = arith.constant 0 : i32
        %dma_wait3A_1895 = arith.constant 0 : i32
        %dma_wait3A_1896 = tpu.memref_slice %arg4[%add3A_1753, %dma_wait3A_1885, %select_n3A_1729, %dma_wait3A_1894, %dma_wait3A_1895] : memref<200x2x128x8x128xf32, #tpu.memory_space<hbm>> -> memref<1x1x1x8x128xf32, #tpu.memory_space<hbm>>
        %dma_wait3A_1897 = tpu.memref_squeeze %dma_wait3A_1896 : memref<1x1x1x8x128xf32, #tpu.memory_space<hbm>> -> memref<8x128xf32, #tpu.memory_space<hbm>>
        %dma_wait3A_1898 = arith.constant 8 : i32
        %dma_wait3A_1899 = arith.constant 0 : i32
        %dma_wait3A_1900 = tpu.memref_slice %arg10[%dma_wait3A_1884, %dma_wait3A_1898, %dma_wait3A_1899] : memref<8x16x129xf32, #tpu.memory_space<vmem>> -> memref<1x8x128xf32, #tpu.memory_space<vmem>>
        %dma_wait3A_1901 = tpu.memref_squeeze %dma_wait3A_1900 : memref<1x8x128xf32, #tpu.memory_space<vmem>> -> memref<8x128xf32, #tpu.memory_space<vmem>>
        tpu.wait_dma2 semaphore(%arg18 : memref<!tpu.dma_semaphore, #tpu.memory_space<semaphore_mem>>) src(%dma_wait3A_1901 : memref<8x128xf32, #tpu.memory_space<vmem>>) dst(%dma_wait3A_1897 : memref<8x128xf32, #tpu.memory_space<hbm>>)
        %dma_wait3A_1902 = arith.constant 3 : i32
        %dma_wait3A_1903 = arith.constant 0 : i32
        %dma_wait3A_1904 = arith.constant 0 : i32
        %dma_wait3A_1905 = arith.constant 0 : i32
        %dma_wait3A_1906 = tpu.memref_slice %arg10[%dma_wait3A_1902, %dma_wait3A_1904, %dma_wait3A_1905] : memref<8x16x129xf32, #tpu.memory_space<vmem>> -> memref<1x8x128xf32, #tpu.memory_space<vmem>>
        %dma_wait3A_1907 = tpu.memref_squeeze %dma_wait3A_1906 : memref<1x8x128xf32, #tpu.memory_space<vmem>> -> memref<8x128xf32, #tpu.memory_space<vmem>>
        %dma_wait3A_1908 = arith.constant 0 : i32
        %dma_wait3A_1909 = arith.constant 0 : i32
        %dma_wait3A_1910 = tpu.memref_slice %arg4[%add3A_1757, %dma_wait3A_1903, %select_n3A_1729, %dma_wait3A_1908, %dma_wait3A_1909] : memref<200x2x128x8x128xf32, #tpu.memory_space<hbm>> -> memref<1x1x1x8x128xf32, #tpu.memory_space<hbm>>
        %dma_wait3A_1911 = tpu.memref_squeeze %dma_wait3A_1910 : memref<1x1x1x8x128xf32, #tpu.memory_space<hbm>> -> memref<8x128xf32, #tpu.memory_space<hbm>>
        %dma_wait3A_1912 = arith.constant 0 : i32
        %dma_wait3A_1913 = arith.constant 0 : i32
        %dma_wait3A_1914 = tpu.memref_slice %arg4[%add3A_1757, %dma_wait3A_1903, %select_n3A_1729, %dma_wait3A_1912, %dma_wait3A_1913] : memref<200x2x128x8x128xf32, #tpu.memory_space<hbm>> -> memref<1x1x1x8x128xf32, #tpu.memory_space<hbm>>
        %dma_wait3A_1915 = tpu.memref_squeeze %dma_wait3A_1914 : memref<1x1x1x8x128xf32, #tpu.memory_space<hbm>> -> memref<8x128xf32, #tpu.memory_space<hbm>>
        %dma_wait3A_1916 = arith.constant 0 : i32
        %dma_wait3A_1917 = arith.constant 0 : i32
        %dma_wait3A_1918 = tpu.memref_slice %arg10[%dma_wait3A_1902, %dma_wait3A_1916, %dma_wait3A_1917] : memref<8x16x129xf32, #tpu.memory_space<vmem>> -> memref<1x8x128xf32, #tpu.memory_space<vmem>>
        %dma_wait3A_1919 = tpu.memref_squeeze %dma_wait3A_1918 : memref<1x8x128xf32, #tpu.memory_space<vmem>> -> memref<8x128xf32, #tpu.memory_space<vmem>>
        tpu.wait_dma2 semaphore(%arg18 : memref<!tpu.dma_semaphore, #tpu.memory_space<semaphore_mem>>) src(%dma_wait3A_1919 : memref<8x128xf32, #tpu.memory_space<vmem>>) dst(%dma_wait3A_1915 : memref<8x128xf32, #tpu.memory_space<hbm>>)
        %dma_wait3A_1920 = arith.constant 3 : i32
        %dma_wait3A_1921 = arith.constant 1 : i32
        %dma_wait3A_1922 = arith.constant 8 : i32
        %dma_wait3A_1923 = arith.constant 0 : i32
        %dma_wait3A_1924 = tpu.memref_slice %arg10[%dma_wait3A_1920, %dma_wait3A_1922, %dma_wait3A_1923] : memref<8x16x129xf32, #tpu.memory_space<vmem>> -> memref<1x8x128xf32, #tpu.memory_space<vmem>>
        %dma_wait3A_1925 = tpu.memref_squeeze %dma_wait3A_1924 : memref<1x8x128xf32, #tpu.memory_space<vmem>> -> memref<8x128xf32, #tpu.memory_space<vmem>>
        %dma_wait3A_1926 = arith.constant 0 : i32
        %dma_wait3A_1927 = arith.constant 0 : i32
        %dma_wait3A_1928 = tpu.memref_slice %arg4[%add3A_1761, %dma_wait3A_1921, %select_n3A_1729, %dma_wait3A_1926, %dma_wait3A_1927] : memref<200x2x128x8x128xf32, #tpu.memory_space<hbm>> -> memref<1x1x1x8x128xf32, #tpu.memory_space<hbm>>
        %dma_wait3A_1929 = tpu.memref_squeeze %dma_wait3A_1928 : memref<1x1x1x8x128xf32, #tpu.memory_space<hbm>> -> memref<8x128xf32, #tpu.memory_space<hbm>>
        %dma_wait3A_1930 = arith.constant 0 : i32
        %dma_wait3A_1931 = arith.constant 0 : i32
        %dma_wait3A_1932 = tpu.memref_slice %arg4[%add3A_1761, %dma_wait3A_1921, %select_n3A_1729, %dma_wait3A_1930, %dma_wait3A_1931] : memref<200x2x128x8x128xf32, #tpu.memory_space<hbm>> -> memref<1x1x1x8x128xf32, #tpu.memory_space<hbm>>
        %dma_wait3A_1933 = tpu.memref_squeeze %dma_wait3A_1932 : memref<1x1x1x8x128xf32, #tpu.memory_space<hbm>> -> memref<8x128xf32, #tpu.memory_space<hbm>>
        %dma_wait3A_1934 = arith.constant 8 : i32
        %dma_wait3A_1935 = arith.constant 0 : i32
        %dma_wait3A_1936 = tpu.memref_slice %arg10[%dma_wait3A_1920, %dma_wait3A_1934, %dma_wait3A_1935] : memref<8x16x129xf32, #tpu.memory_space<vmem>> -> memref<1x8x128xf32, #tpu.memory_space<vmem>>
        %dma_wait3A_1937 = tpu.memref_squeeze %dma_wait3A_1936 : memref<1x8x128xf32, #tpu.memory_space<vmem>> -> memref<8x128xf32, #tpu.memory_space<vmem>>
        tpu.wait_dma2 semaphore(%arg18 : memref<!tpu.dma_semaphore, #tpu.memory_space<semaphore_mem>>) src(%dma_wait3A_1937 : memref<8x128xf32, #tpu.memory_space<vmem>>) dst(%dma_wait3A_1933 : memref<8x128xf32, #tpu.memory_space<hbm>>)
        %dma_wait3A_1938 = arith.constant 4 : i32
        %dma_wait3A_1939 = arith.constant 0 : i32
        %dma_wait3A_1940 = arith.constant 0 : i32
        %dma_wait3A_1941 = arith.constant 0 : i32
        %dma_wait3A_1942 = tpu.memref_slice %arg10[%dma_wait3A_1938, %dma_wait3A_1940, %dma_wait3A_1941] : memref<8x16x129xf32, #tpu.memory_space<vmem>> -> memref<1x8x128xf32, #tpu.memory_space<vmem>>
        %dma_wait3A_1943 = tpu.memref_squeeze %dma_wait3A_1942 : memref<1x8x128xf32, #tpu.memory_space<vmem>> -> memref<8x128xf32, #tpu.memory_space<vmem>>
        %dma_wait3A_1944 = arith.constant 0 : i32
        %dma_wait3A_1945 = arith.constant 0 : i32
        %dma_wait3A_1946 = tpu.memref_slice %arg4[%add3A_1765, %dma_wait3A_1939, %select_n3A_1729, %dma_wait3A_1944, %dma_wait3A_1945] : memref<200x2x128x8x128xf32, #tpu.memory_space<hbm>> -> memref<1x1x1x8x128xf32, #tpu.memory_space<hbm>>
        %dma_wait3A_1947 = tpu.memref_squeeze %dma_wait3A_1946 : memref<1x1x1x8x128xf32, #tpu.memory_space<hbm>> -> memref<8x128xf32, #tpu.memory_space<hbm>>
        %dma_wait3A_1948 = arith.constant 0 : i32
        %dma_wait3A_1949 = arith.constant 0 : i32
        %dma_wait3A_1950 = tpu.memref_slice %arg4[%add3A_1765, %dma_wait3A_1939, %select_n3A_1729, %dma_wait3A_1948, %dma_wait3A_1949] : memref<200x2x128x8x128xf32, #tpu.memory_space<hbm>> -> memref<1x1x1x8x128xf32, #tpu.memory_space<hbm>>
        %dma_wait3A_1951 = tpu.memref_squeeze %dma_wait3A_1950 : memref<1x1x1x8x128xf32, #tpu.memory_space<hbm>> -> memref<8x128xf32, #tpu.memory_space<hbm>>
        %dma_wait3A_1952 = arith.constant 0 : i32
        %dma_wait3A_1953 = arith.constant 0 : i32
        %dma_wait3A_1954 = tpu.memref_slice %arg10[%dma_wait3A_1938, %dma_wait3A_1952, %dma_wait3A_1953] : memref<8x16x129xf32, #tpu.memory_space<vmem>> -> memref<1x8x128xf32, #tpu.memory_space<vmem>>
        %dma_wait3A_1955 = tpu.memref_squeeze %dma_wait3A_1954 : memref<1x8x128xf32, #tpu.memory_space<vmem>> -> memref<8x128xf32, #tpu.memory_space<vmem>>
        tpu.wait_dma2 semaphore(%arg18 : memref<!tpu.dma_semaphore, #tpu.memory_space<semaphore_mem>>) src(%dma_wait3A_1955 : memref<8x128xf32, #tpu.memory_space<vmem>>) dst(%dma_wait3A_1951 : memref<8x128xf32, #tpu.memory_space<hbm>>)
        %dma_wait3A_1956 = arith.constant 4 : i32
        %dma_wait3A_1957 = arith.constant 1 : i32
        %dma_wait3A_1958 = arith.constant 8 : i32
        %dma_wait3A_1959 = arith.constant 0 : i32
        %dma_wait3A_1960 = tpu.memref_slice %arg10[%dma_wait3A_1956, %dma_wait3A_1958, %dma_wait3A_1959] : memref<8x16x129xf32, #tpu.memory_space<vmem>> -> memref<1x8x128xf32, #tpu.memory_space<vmem>>
        %dma_wait3A_1961 = tpu.memref_squeeze %dma_wait3A_1960 : memref<1x8x128xf32, #tpu.memory_space<vmem>> -> memref<8x128xf32, #tpu.memory_space<vmem>>
        %dma_wait3A_1962 = arith.constant 0 : i32
        %dma_wait3A_1963 = arith.constant 0 : i32
        %dma_wait3A_1964 = tpu.memref_slice %arg4[%add3A_1769, %dma_wait3A_1957, %select_n3A_1729, %dma_wait3A_1962, %dma_wait3A_1963] : memref<200x2x128x8x128xf32, #tpu.memory_space<hbm>> -> memref<1x1x1x8x128xf32, #tpu.memory_space<hbm>>
        %dma_wait3A_1965 = tpu.memref_squeeze %dma_wait3A_1964 : memref<1x1x1x8x128xf32, #tpu.memory_space<hbm>> -> memref<8x128xf32, #tpu.memory_space<hbm>>
        %dma_wait3A_1966 = arith.constant 0 : i32
        %dma_wait3A_1967 = arith.constant 0 : i32
        %dma_wait3A_1968 = tpu.memref_slice %arg4[%add3A_1769, %dma_wait3A_1957, %select_n3A_1729, %dma_wait3A_1966, %dma_wait3A_1967] : memref<200x2x128x8x128xf32, #tpu.memory_space<hbm>> -> memref<1x1x1x8x128xf32, #tpu.memory_space<hbm>>
        %dma_wait3A_1969 = tpu.memref_squeeze %dma_wait3A_1968 : memref<1x1x1x8x128xf32, #tpu.memory_space<hbm>> -> memref<8x128xf32, #tpu.memory_space<hbm>>
        %dma_wait3A_1970 = arith.constant 8 : i32
        %dma_wait3A_1971 = arith.constant 0 : i32
        %dma_wait3A_1972 = tpu.memref_slice %arg10[%dma_wait3A_1956, %dma_wait3A_1970, %dma_wait3A_1971] : memref<8x16x129xf32, #tpu.memory_space<vmem>> -> memref<1x8x128xf32, #tpu.memory_space<vmem>>
        %dma_wait3A_1973 = tpu.memref_squeeze %dma_wait3A_1972 : memref<1x8x128xf32, #tpu.memory_space<vmem>> -> memref<8x128xf32, #tpu.memory_space<vmem>>
        tpu.wait_dma2 semaphore(%arg18 : memref<!tpu.dma_semaphore, #tpu.memory_space<semaphore_mem>>) src(%dma_wait3A_1973 : memref<8x128xf32, #tpu.memory_space<vmem>>) dst(%dma_wait3A_1969 : memref<8x128xf32, #tpu.memory_space<hbm>>)
        %dma_wait3A_1974 = arith.constant 5 : i32
        %dma_wait3A_1975 = arith.constant 0 : i32
        %dma_wait3A_1976 = arith.constant 0 : i32
        %dma_wait3A_1977 = arith.constant 0 : i32
        %dma_wait3A_1978 = tpu.memref_slice %arg10[%dma_wait3A_1974, %dma_wait3A_1976, %dma_wait3A_1977] : memref<8x16x129xf32, #tpu.memory_space<vmem>> -> memref<1x8x128xf32, #tpu.memory_space<vmem>>
        %dma_wait3A_1979 = tpu.memref_squeeze %dma_wait3A_1978 : memref<1x8x128xf32, #tpu.memory_space<vmem>> -> memref<8x128xf32, #tpu.memory_space<vmem>>
        %dma_wait3A_1980 = arith.constant 0 : i32
        %dma_wait3A_1981 = arith.constant 0 : i32
        %dma_wait3A_1982 = tpu.memref_slice %arg4[%add3A_1773, %dma_wait3A_1975, %select_n3A_1729, %dma_wait3A_1980, %dma_wait3A_1981] : memref<200x2x128x8x128xf32, #tpu.memory_space<hbm>> -> memref<1x1x1x8x128xf32, #tpu.memory_space<hbm>>
        %dma_wait3A_1983 = tpu.memref_squeeze %dma_wait3A_1982 : memref<1x1x1x8x128xf32, #tpu.memory_space<hbm>> -> memref<8x128xf32, #tpu.memory_space<hbm>>
        %dma_wait3A_1984 = arith.constant 0 : i32
        %dma_wait3A_1985 = arith.constant 0 : i32
        %dma_wait3A_1986 = tpu.memref_slice %arg4[%add3A_1773, %dma_wait3A_1975, %select_n3A_1729, %dma_wait3A_1984, %dma_wait3A_1985] : memref<200x2x128x8x128xf32, #tpu.memory_space<hbm>> -> memref<1x1x1x8x128xf32, #tpu.memory_space<hbm>>
        %dma_wait3A_1987 = tpu.memref_squeeze %dma_wait3A_1986 : memref<1x1x1x8x128xf32, #tpu.memory_space<hbm>> -> memref<8x128xf32, #tpu.memory_space<hbm>>
        %dma_wait3A_1988 = arith.constant 0 : i32
        %dma_wait3A_1989 = arith.constant 0 : i32
        %dma_wait3A_1990 = tpu.memref_slice %arg10[%dma_wait3A_1974, %dma_wait3A_1988, %dma_wait3A_1989] : memref<8x16x129xf32, #tpu.memory_space<vmem>> -> memref<1x8x128xf32, #tpu.memory_space<vmem>>
        %dma_wait3A_1991 = tpu.memref_squeeze %dma_wait3A_1990 : memref<1x8x128xf32, #tpu.memory_space<vmem>> -> memref<8x128xf32, #tpu.memory_space<vmem>>
        tpu.wait_dma2 semaphore(%arg18 : memref<!tpu.dma_semaphore, #tpu.memory_space<semaphore_mem>>) src(%dma_wait3A_1991 : memref<8x128xf32, #tpu.memory_space<vmem>>) dst(%dma_wait3A_1987 : memref<8x128xf32, #tpu.memory_space<hbm>>)
        %dma_wait3A_1992 = arith.constant 5 : i32
        %dma_wait3A_1993 = arith.constant 1 : i32
        %dma_wait3A_1994 = arith.constant 8 : i32
        %dma_wait3A_1995 = arith.constant 0 : i32
        %dma_wait3A_1996 = tpu.memref_slice %arg10[%dma_wait3A_1992, %dma_wait3A_1994, %dma_wait3A_1995] : memref<8x16x129xf32, #tpu.memory_space<vmem>> -> memref<1x8x128xf32, #tpu.memory_space<vmem>>
        %dma_wait3A_1997 = tpu.memref_squeeze %dma_wait3A_1996 : memref<1x8x128xf32, #tpu.memory_space<vmem>> -> memref<8x128xf32, #tpu.memory_space<vmem>>
        %dma_wait3A_1998 = arith.constant 0 : i32
        %dma_wait3A_1999 = arith.constant 0 : i32
        %dma_wait3A_2000 = tpu.memref_slice %arg4[%add3A_1777, %dma_wait3A_1993, %select_n3A_1729, %dma_wait3A_1998, %dma_wait3A_1999] : memref<200x2x128x8x128xf32, #tpu.memory_space<hbm>> -> memref<1x1x1x8x128xf32, #tpu.memory_space<hbm>>
        %dma_wait3A_2001 = tpu.memref_squeeze %dma_wait3A_2000 : memref<1x1x1x8x128xf32, #tpu.memory_space<hbm>> -> memref<8x128xf32, #tpu.memory_space<hbm>>
        %dma_wait3A_2002 = arith.constant 0 : i32
        %dma_wait3A_2003 = arith.constant 0 : i32
        %dma_wait3A_2004 = tpu.memref_slice %arg4[%add3A_1777, %dma_wait3A_1993, %select_n3A_1729, %dma_wait3A_2002, %dma_wait3A_2003] : memref<200x2x128x8x128xf32, #tpu.memory_space<hbm>> -> memref<1x1x1x8x128xf32, #tpu.memory_space<hbm>>
        %dma_wait3A_2005 = tpu.memref_squeeze %dma_wait3A_2004 : memref<1x1x1x8x128xf32, #tpu.memory_space<hbm>> -> memref<8x128xf32, #tpu.memory_space<hbm>>
        %dma_wait3A_2006 = arith.constant 8 : i32
        %dma_wait3A_2007 = arith.constant 0 : i32
        %dma_wait3A_2008 = tpu.memref_slice %arg10[%dma_wait3A_1992, %dma_wait3A_2006, %dma_wait3A_2007] : memref<8x16x129xf32, #tpu.memory_space<vmem>> -> memref<1x8x128xf32, #tpu.memory_space<vmem>>
        %dma_wait3A_2009 = tpu.memref_squeeze %dma_wait3A_2008 : memref<1x8x128xf32, #tpu.memory_space<vmem>> -> memref<8x128xf32, #tpu.memory_space<vmem>>
        tpu.wait_dma2 semaphore(%arg18 : memref<!tpu.dma_semaphore, #tpu.memory_space<semaphore_mem>>) src(%dma_wait3A_2009 : memref<8x128xf32, #tpu.memory_space<vmem>>) dst(%dma_wait3A_2005 : memref<8x128xf32, #tpu.memory_space<hbm>>)
        %dma_wait3A_2010 = arith.constant 6 : i32
        %dma_wait3A_2011 = arith.constant 0 : i32
        %dma_wait3A_2012 = arith.constant 0 : i32
        %dma_wait3A_2013 = arith.constant 0 : i32
        %dma_wait3A_2014 = tpu.memref_slice %arg10[%dma_wait3A_2010, %dma_wait3A_2012, %dma_wait3A_2013] : memref<8x16x129xf32, #tpu.memory_space<vmem>> -> memref<1x8x128xf32, #tpu.memory_space<vmem>>
        %dma_wait3A_2015 = tpu.memref_squeeze %dma_wait3A_2014 : memref<1x8x128xf32, #tpu.memory_space<vmem>> -> memref<8x128xf32, #tpu.memory_space<vmem>>
        %dma_wait3A_2016 = arith.constant 0 : i32
        %dma_wait3A_2017 = arith.constant 0 : i32
        %dma_wait3A_2018 = tpu.memref_slice %arg4[%add3A_1781, %dma_wait3A_2011, %select_n3A_1729, %dma_wait3A_2016, %dma_wait3A_2017] : memref<200x2x128x8x128xf32, #tpu.memory_space<hbm>> -> memref<1x1x1x8x128xf32, #tpu.memory_space<hbm>>
        %dma_wait3A_2019 = tpu.memref_squeeze %dma_wait3A_2018 : memref<1x1x1x8x128xf32, #tpu.memory_space<hbm>> -> memref<8x128xf32, #tpu.memory_space<hbm>>
        %dma_wait3A_2020 = arith.constant 0 : i32
        %dma_wait3A_2021 = arith.constant 0 : i32
        %dma_wait3A_2022 = tpu.memref_slice %arg4[%add3A_1781, %dma_wait3A_2011, %select_n3A_1729, %dma_wait3A_2020, %dma_wait3A_2021] : memref<200x2x128x8x128xf32, #tpu.memory_space<hbm>> -> memref<1x1x1x8x128xf32, #tpu.memory_space<hbm>>
        %dma_wait3A_2023 = tpu.memref_squeeze %dma_wait3A_2022 : memref<1x1x1x8x128xf32, #tpu.memory_space<hbm>> -> memref<8x128xf32, #tpu.memory_space<hbm>>
        %dma_wait3A_2024 = arith.constant 0 : i32
        %dma_wait3A_2025 = arith.constant 0 : i32
        %dma_wait3A_2026 = tpu.memref_slice %arg10[%dma_wait3A_2010, %dma_wait3A_2024, %dma_wait3A_2025] : memref<8x16x129xf32, #tpu.memory_space<vmem>> -> memref<1x8x128xf32, #tpu.memory_space<vmem>>
        %dma_wait3A_2027 = tpu.memref_squeeze %dma_wait3A_2026 : memref<1x8x128xf32, #tpu.memory_space<vmem>> -> memref<8x128xf32, #tpu.memory_space<vmem>>
        tpu.wait_dma2 semaphore(%arg18 : memref<!tpu.dma_semaphore, #tpu.memory_space<semaphore_mem>>) src(%dma_wait3A_2027 : memref<8x128xf32, #tpu.memory_space<vmem>>) dst(%dma_wait3A_2023 : memref<8x128xf32, #tpu.memory_space<hbm>>)
        %dma_wait3A_2028 = arith.constant 6 : i32
        %dma_wait3A_2029 = arith.constant 1 : i32
        %dma_wait3A_2030 = arith.constant 8 : i32
        %dma_wait3A_2031 = arith.constant 0 : i32
        %dma_wait3A_2032 = tpu.memref_slice %arg10[%dma_wait3A_2028, %dma_wait3A_2030, %dma_wait3A_2031] : memref<8x16x129xf32, #tpu.memory_space<vmem>> -> memref<1x8x128xf32, #tpu.memory_space<vmem>>
        %dma_wait3A_2033 = tpu.memref_squeeze %dma_wait3A_2032 : memref<1x8x128xf32, #tpu.memory_space<vmem>> -> memref<8x128xf32, #tpu.memory_space<vmem>>
        %dma_wait3A_2034 = arith.constant 0 : i32
        %dma_wait3A_2035 = arith.constant 0 : i32
        %dma_wait3A_2036 = tpu.memref_slice %arg4[%add3A_1785, %dma_wait3A_2029, %select_n3A_1729, %dma_wait3A_2034, %dma_wait3A_2035] : memref<200x2x128x8x128xf32, #tpu.memory_space<hbm>> -> memref<1x1x1x8x128xf32, #tpu.memory_space<hbm>>
        %dma_wait3A_2037 = tpu.memref_squeeze %dma_wait3A_2036 : memref<1x1x1x8x128xf32, #tpu.memory_space<hbm>> -> memref<8x128xf32, #tpu.memory_space<hbm>>
        %dma_wait3A_2038 = arith.constant 0 : i32
        %dma_wait3A_2039 = arith.constant 0 : i32
        %dma_wait3A_2040 = tpu.memref_slice %arg4[%add3A_1785, %dma_wait3A_2029, %select_n3A_1729, %dma_wait3A_2038, %dma_wait3A_2039] : memref<200x2x128x8x128xf32, #tpu.memory_space<hbm>> -> memref<1x1x1x8x128xf32, #tpu.memory_space<hbm>>
        %dma_wait3A_2041 = tpu.memref_squeeze %dma_wait3A_2040 : memref<1x1x1x8x128xf32, #tpu.memory_space<hbm>> -> memref<8x128xf32, #tpu.memory_space<hbm>>
        %dma_wait3A_2042 = arith.constant 8 : i32
        %dma_wait3A_2043 = arith.constant 0 : i32
        %dma_wait3A_2044 = tpu.memref_slice %arg10[%dma_wait3A_2028, %dma_wait3A_2042, %dma_wait3A_2043] : memref<8x16x129xf32, #tpu.memory_space<vmem>> -> memref<1x8x128xf32, #tpu.memory_space<vmem>>
        %dma_wait3A_2045 = tpu.memref_squeeze %dma_wait3A_2044 : memref<1x8x128xf32, #tpu.memory_space<vmem>> -> memref<8x128xf32, #tpu.memory_space<vmem>>
        tpu.wait_dma2 semaphore(%arg18 : memref<!tpu.dma_semaphore, #tpu.memory_space<semaphore_mem>>) src(%dma_wait3A_2045 : memref<8x128xf32, #tpu.memory_space<vmem>>) dst(%dma_wait3A_2041 : memref<8x128xf32, #tpu.memory_space<hbm>>)
        %dma_wait3A_2046 = arith.constant 7 : i32
        %dma_wait3A_2047 = arith.constant 0 : i32
        %dma_wait3A_2048 = arith.constant 0 : i32
        %dma_wait3A_2049 = arith.constant 0 : i32
        %dma_wait3A_2050 = tpu.memref_slice %arg10[%dma_wait3A_2046, %dma_wait3A_2048, %dma_wait3A_2049] : memref<8x16x129xf32, #tpu.memory_space<vmem>> -> memref<1x8x128xf32, #tpu.memory_space<vmem>>
        %dma_wait3A_2051 = tpu.memref_squeeze %dma_wait3A_2050 : memref<1x8x128xf32, #tpu.memory_space<vmem>> -> memref<8x128xf32, #tpu.memory_space<vmem>>
        %dma_wait3A_2052 = arith.constant 0 : i32
        %dma_wait3A_2053 = arith.constant 0 : i32
        %dma_wait3A_2054 = tpu.memref_slice %arg4[%add3A_1789, %dma_wait3A_2047, %select_n3A_1729, %dma_wait3A_2052, %dma_wait3A_2053] : memref<200x2x128x8x128xf32, #tpu.memory_space<hbm>> -> memref<1x1x1x8x128xf32, #tpu.memory_space<hbm>>
        %dma_wait3A_2055 = tpu.memref_squeeze %dma_wait3A_2054 : memref<1x1x1x8x128xf32, #tpu.memory_space<hbm>> -> memref<8x128xf32, #tpu.memory_space<hbm>>
        %dma_wait3A_2056 = arith.constant 0 : i32
        %dma_wait3A_2057 = arith.constant 0 : i32
        %dma_wait3A_2058 = tpu.memref_slice %arg4[%add3A_1789, %dma_wait3A_2047, %select_n3A_1729, %dma_wait3A_2056, %dma_wait3A_2057] : memref<200x2x128x8x128xf32, #tpu.memory_space<hbm>> -> memref<1x1x1x8x128xf32, #tpu.memory_space<hbm>>
        %dma_wait3A_2059 = tpu.memref_squeeze %dma_wait3A_2058 : memref<1x1x1x8x128xf32, #tpu.memory_space<hbm>> -> memref<8x128xf32, #tpu.memory_space<hbm>>
        %dma_wait3A_2060 = arith.constant 0 : i32
        %dma_wait3A_2061 = arith.constant 0 : i32
        %dma_wait3A_2062 = tpu.memref_slice %arg10[%dma_wait3A_2046, %dma_wait3A_2060, %dma_wait3A_2061] : memref<8x16x129xf32, #tpu.memory_space<vmem>> -> memref<1x8x128xf32, #tpu.memory_space<vmem>>
        %dma_wait3A_2063 = tpu.memref_squeeze %dma_wait3A_2062 : memref<1x8x128xf32, #tpu.memory_space<vmem>> -> memref<8x128xf32, #tpu.memory_space<vmem>>
        tpu.wait_dma2 semaphore(%arg18 : memref<!tpu.dma_semaphore, #tpu.memory_space<semaphore_mem>>) src(%dma_wait3A_2063 : memref<8x128xf32, #tpu.memory_space<vmem>>) dst(%dma_wait3A_2059 : memref<8x128xf32, #tpu.memory_space<hbm>>)
        %dma_wait3A_2064 = arith.constant 7 : i32
        %dma_wait3A_2065 = arith.constant 1 : i32
        %dma_wait3A_2066 = arith.constant 8 : i32
        %dma_wait3A_2067 = arith.constant 0 : i32
        %dma_wait3A_2068 = tpu.memref_slice %arg10[%dma_wait3A_2064, %dma_wait3A_2066, %dma_wait3A_2067] : memref<8x16x129xf32, #tpu.memory_space<vmem>> -> memref<1x8x128xf32, #tpu.memory_space<vmem>>
        %dma_wait3A_2069 = tpu.memref_squeeze %dma_wait3A_2068 : memref<1x8x128xf32, #tpu.memory_space<vmem>> -> memref<8x128xf32, #tpu.memory_space<vmem>>
        %dma_wait3A_2070 = arith.constant 0 : i32
        %dma_wait3A_2071 = arith.constant 0 : i32
        %dma_wait3A_2072 = tpu.memref_slice %arg4[%add3A_1793, %dma_wait3A_2065, %select_n3A_1729, %dma_wait3A_2070, %dma_wait3A_2071] : memref<200x2x128x8x128xf32, #tpu.memory_space<hbm>> -> memref<1x1x1x8x128xf32, #tpu.memory_space<hbm>>
        %dma_wait3A_2073 = tpu.memref_squeeze %dma_wait3A_2072 : memref<1x1x1x8x128xf32, #tpu.memory_space<hbm>> -> memref<8x128xf32, #tpu.memory_space<hbm>>
        %dma_wait3A_2074 = arith.constant 0 : i32
        %dma_wait3A_2075 = arith.constant 0 : i32
        %dma_wait3A_2076 = tpu.memref_slice %arg4[%add3A_1793, %dma_wait3A_2065, %select_n3A_1729, %dma_wait3A_2074, %dma_wait3A_2075] : memref<200x2x128x8x128xf32, #tpu.memory_space<hbm>> -> memref<1x1x1x8x128xf32, #tpu.memory_space<hbm>>
        %dma_wait3A_2077 = tpu.memref_squeeze %dma_wait3A_2076 : memref<1x1x1x8x128xf32, #tpu.memory_space<hbm>> -> memref<8x128xf32, #tpu.memory_space<hbm>>
        %dma_wait3A_2078 = arith.constant 8 : i32
        %dma_wait3A_2079 = arith.constant 0 : i32
        %dma_wait3A_2080 = tpu.memref_slice %arg10[%dma_wait3A_2064, %dma_wait3A_2078, %dma_wait3A_2079] : memref<8x16x129xf32, #tpu.memory_space<vmem>> -> memref<1x8x128xf32, #tpu.memory_space<vmem>>
        %dma_wait3A_2081 = tpu.memref_squeeze %dma_wait3A_2080 : memref<1x8x128xf32, #tpu.memory_space<vmem>> -> memref<8x128xf32, #tpu.memory_space<vmem>>
        tpu.wait_dma2 semaphore(%arg18 : memref<!tpu.dma_semaphore, #tpu.memory_space<semaphore_mem>>) src(%dma_wait3A_2081 : memref<8x128xf32, #tpu.memory_space<vmem>>) dst(%dma_wait3A_2077 : memref<8x128xf32, #tpu.memory_space<hbm>>)
      } else {
      }
      %parallel_loop3A_1291 = arith.constant 0 : i32
      %parallel_loop3A_1292 = arith.constant 1024 : i32
      %parallel_loop3A_1293 = arith.constant 1 : i32
      scf.for %parallel_loop3A_1687 = %parallel_loop3A_1291 to %parallel_loop3A_1292 step %parallel_loop3A_1293  : i32 {
        %parallel_loop3A_1688 = arith.constant 7 : i32
        %parallel_loop3A_1689 = arith.shrui %parallel_loop3A_1687, %parallel_loop3A_1688 : i32
        %parallel_loop3A_1690 = arith.constant 127 : i32
        %parallel_loop3A_1691 = arith.andi %parallel_loop3A_1687, %parallel_loop3A_1690 : i32
        %parallel_loop3A_1692 = vector.broadcast %parallel_loop3A_1689 : i32 to vector<16xi32>
        %parallel_loop3A_1693 = vector.broadcast %parallel_loop3A_1691 : i32 to vector<16xi32>
        %parallel_loop3A_1694 = arith.index_cast %parallel_loop3A_1687 : i32 to index
        %parallel_loop3A_1695 = arith.constant 0 : index
        %parallel_loop3A_1696 = tpu.vector_load %arg8[%parallel_loop3A_1694, %parallel_loop3A_1695] {strides = array<i32>} : memref<1024x16xf32, #tpu.memory_space<vmem>>, vector<16xf32>,
        tpu.vector_store_idx %arg10[%parallel_loop3A_1692, %iota3A, %parallel_loop3A_1693], %parallel_loop3A_1696 : memref<8x16x129xf32, #tpu.memory_space<vmem>>[vector<16xi32>, vector<16xi32>, vector<16xi32>], vector<16xf32>,
      } {sc.loop_unroll_factor = 8 : i64, sc.parallel_access}
      %add3A_1294 = arith.addi %mul3A_2, %add3A_1255 : i32
      %jit3A_1295 = arith.constant 128 : i32
      %div3A_1296 = arith.divsi %add3A_1294, %jit3A_1295 : i32
      %sign3A_1297 = arith.constant 0 : i32
      %sign3A_1298 = arith.cmpi sgt, %add3A_1294, %sign3A_1297 : i32
      %sign3A_1299 = arith.extui %sign3A_1298 : i1 to i32
      %sign3A_1300 = arith.constant 0 : i32
      %sign3A_1301 = arith.cmpi slt, %add3A_1294, %sign3A_1300 : i32
      %sign3A_1302 = arith.extui %sign3A_1301 : i1 to i32
      %sign3A_1303 = arith.subi %sign3A_1299, %sign3A_1302 : i32
      %sign3A_1304 = arith.constant 0 : i32
      %sign3A_1305 = arith.cmpi sgt, %jit3A_1295, %sign3A_1304 : i32
      %sign3A_1306 = arith.extui %sign3A_1305 : i1 to i32
      %sign3A_1307 = arith.constant 0 : i32
      %sign3A_1308 = arith.cmpi slt, %jit3A_1295, %sign3A_1307 : i32
      %sign3A_1309 = arith.extui %sign3A_1308 : i1 to i32
      %sign3A_1310 = arith.subi %sign3A_1306, %sign3A_1309 : i32
      %ne3A_1311 = arith.cmpi ne, %sign3A_1303, %sign3A_1310 : i32
      %rem3A_1312 = arith.remsi %add3A_1294, %jit3A_1295 : i32
      %ne3A_1313 = arith.constant 0 : i32
      %ne3A_1314 = arith.cmpi ne, %rem3A_1312, %ne3A_1313 : i32
      %and3A_1315 = arith.andi %ne3A_1311, %ne3A_1314 : i1
      %sub3A_1316 = arith.constant 1 : i32
      %sub3A_1317 = arith.subi %div3A_1296, %sub3A_1316 : i32
      %select_n3A_1318 = arith.select %and3A_1315, %sub3A_1317, %div3A_1296 : i32
      %jit3A_1319 = arith.constant 128 : i32
      %eq3A_1320 = arith.constant 0 : i32
      %eq3A_1321 = arith.cmpi eq, %jit3A_1319, %eq3A_1320 : i32
      %jit3A_1322 = arith.constant 1 : i32
      %select_n3A_1323 = arith.select %eq3A_1321, %jit3A_1322, %jit3A_1319 : i32
      %rem3A_1324 = arith.remsi %add3A_1294, %select_n3A_1323 : i32
      %ne3A_1325 = arith.constant 0 : i32
      %ne3A_1326 = arith.cmpi ne, %rem3A_1324, %ne3A_1325 : i32
      %lt3A_1327 = arith.constant 0 : i32
      %lt3A_1328 = arith.cmpi slt, %rem3A_1324, %lt3A_1327 : i32
      %lt3A_1329 = arith.constant 0 : i32
      %lt3A_1330 = arith.cmpi slt, %select_n3A_1323, %lt3A_1329 : i32
      %ne3A_1331 = arith.xori %lt3A_1328, %lt3A_1330 : i1
      %and3A_1332 = arith.andi %ne3A_1331, %ne3A_1326 : i1
      %add3A_1333 = arith.addi %rem3A_1324, %select_n3A_1323 : i32
      %select_n3A_1334 = arith.select %and3A_1332, %add3A_1333, %rem3A_1324 : i32
      %mul3A_1335 = arith.constant 8 : i32
      %mul3A_1336 = arith.muli %select_n3A_1318, %mul3A_1335 : i32
      %add3A_1337 = arith.constant 0 : i32
      %add3A_1338 = arith.addi %mul3A_1336, %add3A_1337 : i32
      %mul3A_1339 = arith.constant 8 : i32
      %mul3A_1340 = arith.muli %select_n3A_1318, %mul3A_1339 : i32
      %add3A_1341 = arith.constant 0 : i32
      %add3A_1342 = arith.addi %mul3A_1340, %add3A_1341 : i32
      %mul3A_1343 = arith.constant 8 : i32
      %mul3A_1344 = arith.muli %select_n3A_1318, %mul3A_1343 : i32
      %add3A_1345 = arith.constant 1 : i32
      %add3A_1346 = arith.addi %mul3A_1344, %add3A_1345 : i32
      %mul3A_1347 = arith.constant 8 : i32
      %mul3A_1348 = arith.muli %select_n3A_1318, %mul3A_1347 : i32
      %add3A_1349 = arith.constant 1 : i32
      %add3A_1350 = arith.addi %mul3A_1348, %add3A_1349 : i32
      %mul3A_1351 = arith.constant 8 : i32
      %mul3A_1352 = arith.muli %select_n3A_1318, %mul3A_1351 : i32
      %add3A_1353 = arith.constant 2 : i32
      %add3A_1354 = arith.addi %mul3A_1352, %add3A_1353 : i32
      %mul3A_1355 = arith.constant 8 : i32
      %mul3A_1356 = arith.muli %select_n3A_1318, %mul3A_1355 : i32
      %add3A_1357 = arith.constant 2 : i32
      %add3A_1358 = arith.addi %mul3A_1356, %add3A_1357 : i32
      %mul3A_1359 = arith.constant 8 : i32
      %mul3A_1360 = arith.muli %select_n3A_1318, %mul3A_1359 : i32
      %add3A_1361 = arith.constant 3 : i32
      %add3A_1362 = arith.addi %mul3A_1360, %add3A_1361 : i32
      %mul3A_1363 = arith.constant 8 : i32
      %mul3A_1364 = arith.muli %select_n3A_1318, %mul3A_1363 : i32
      %add3A_1365 = arith.constant 3 : i32
      %add3A_1366 = arith.addi %mul3A_1364, %add3A_1365 : i32
      %mul3A_1367 = arith.constant 8 : i32
      %mul3A_1368 = arith.muli %select_n3A_1318, %mul3A_1367 : i32
      %add3A_1369 = arith.constant 4 : i32
      %add3A_1370 = arith.addi %mul3A_1368, %add3A_1369 : i32
      %mul3A_1371 = arith.constant 8 : i32
      %mul3A_1372 = arith.muli %select_n3A_1318, %mul3A_1371 : i32
      %add3A_1373 = arith.constant 4 : i32
      %add3A_1374 = arith.addi %mul3A_1372, %add3A_1373 : i32
      %mul3A_1375 = arith.constant 8 : i32
      %mul3A_1376 = arith.muli %select_n3A_1318, %mul3A_1375 : i32
      %add3A_1377 = arith.constant 5 : i32
      %add3A_1378 = arith.addi %mul3A_1376, %add3A_1377 : i32
      %mul3A_1379 = arith.constant 8 : i32
      %mul3A_1380 = arith.muli %select_n3A_1318, %mul3A_1379 : i32
      %add3A_1381 = arith.constant 5 : i32
      %add3A_1382 = arith.addi %mul3A_1380, %add3A_1381 : i32
      %mul3A_1383 = arith.constant 8 : i32
      %mul3A_1384 = arith.muli %select_n3A_1318, %mul3A_1383 : i32
      %add3A_1385 = arith.constant 6 : i32
      %add3A_1386 = arith.addi %mul3A_1384, %add3A_1385 : i32
      %mul3A_1387 = arith.constant 8 : i32
      %mul3A_1388 = arith.muli %select_n3A_1318, %mul3A_1387 : i32
      %add3A_1389 = arith.constant 6 : i32
      %add3A_1390 = arith.addi %mul3A_1388, %add3A_1389 : i32
      %mul3A_1391 = arith.constant 8 : i32
      %mul3A_1392 = arith.muli %select_n3A_1318, %mul3A_1391 : i32
      %add3A_1393 = arith.constant 7 : i32
      %add3A_1394 = arith.addi %mul3A_1392, %add3A_1393 : i32
      %mul3A_1395 = arith.constant 8 : i32
      %mul3A_1396 = arith.muli %select_n3A_1318, %mul3A_1395 : i32
      %add3A_1397 = arith.constant 7 : i32
      %add3A_1398 = arith.addi %mul3A_1396, %add3A_1397 : i32
      %dma_start3A_1399 = arith.constant 0 : i32
      %dma_start3A_1400 = arith.constant 0 : i32
      %dma_start3A_1401 = arith.constant 0 : i32
      %dma_start3A_1402 = arith.constant 0 : i32
      %dma_start3A_1403 = tpu.memref_slice %arg10[%dma_start3A_1399, %dma_start3A_1401, %dma_start3A_1402] : memref<8x16x129xf32, #tpu.memory_space<vmem>> -> memref<1x8x128xf32, #tpu.memory_space<vmem>>
      %dma_start3A_1404 = tpu.memref_squeeze %dma_start3A_1403 : memref<1x8x128xf32, #tpu.memory_space<vmem>> -> memref<8x128xf32, #tpu.memory_space<vmem>>
      %dma_start3A_1405 = arith.constant 0 : i32
      %dma_start3A_1406 = arith.constant 0 : i32
      %dma_start3A_1407 = tpu.memref_slice %arg4[%add3A_1338, %dma_start3A_1400, %select_n3A_1334, %dma_start3A_1405, %dma_start3A_1406] : memref<200x2x128x8x128xf32, #tpu.memory_space<hbm>> -> memref<1x1x1x8x128xf32, #tpu.memory_space<hbm>>
      %dma_start3A_1408 = tpu.memref_squeeze %dma_start3A_1407 : memref<1x1x1x8x128xf32, #tpu.memory_space<hbm>> -> memref<8x128xf32, #tpu.memory_space<hbm>>
      %dma_start3A_1409 = arith.constant 0 : i32
      %dma_start3A_1410 = arith.constant 0 : i32
      %dma_start3A_1411 = tpu.memref_slice %arg4[%add3A_1338, %dma_start3A_1400, %select_n3A_1334, %dma_start3A_1409, %dma_start3A_1410] : memref<200x2x128x8x128xf32, #tpu.memory_space<hbm>> -> memref<1x1x1x8x128xf32, #tpu.memory_space<hbm>>
      %dma_start3A_1412 = tpu.memref_squeeze %dma_start3A_1411 : memref<1x1x1x8x128xf32, #tpu.memory_space<hbm>> -> memref<8x128xf32, #tpu.memory_space<hbm>>
      %dma_start3A_1413 = arith.constant 0 : i32
      %dma_start3A_1414 = arith.constant 0 : i32
      %dma_start3A_1415 = tpu.memref_slice %arg10[%dma_start3A_1399, %dma_start3A_1413, %dma_start3A_1414] : memref<8x16x129xf32, #tpu.memory_space<vmem>> -> memref<1x8x128xf32, #tpu.memory_space<vmem>>
      %dma_start3A_1416 = tpu.memref_squeeze %dma_start3A_1415 : memref<1x8x128xf32, #tpu.memory_space<vmem>> -> memref<8x128xf32, #tpu.memory_space<vmem>>
      tpu.enqueue_dma source(%dma_start3A_1416 : memref<8x128xf32, #tpu.memory_space<vmem>>) target(%dma_start3A_1412 : memref<8x128xf32, #tpu.memory_space<hbm>>) target_semaphore(%arg18 : memref<!tpu.dma_semaphore, #tpu.memory_space<semaphore_mem>>)
      %dma_start3A_1417 = arith.constant 0 : i32
      %dma_start3A_1418 = arith.constant 1 : i32
      %dma_start3A_1419 = arith.constant 8 : i32
      %dma_start3A_1420 = arith.constant 0 : i32
      %dma_start3A_1421 = tpu.memref_slice %arg10[%dma_start3A_1417, %dma_start3A_1419, %dma_start3A_1420] : memref<8x16x129xf32, #tpu.memory_space<vmem>> -> memref<1x8x128xf32, #tpu.memory_space<vmem>>
      %dma_start3A_1422 = tpu.memref_squeeze %dma_start3A_1421 : memref<1x8x128xf32, #tpu.memory_space<vmem>> -> memref<8x128xf32, #tpu.memory_space<vmem>>
      %dma_start3A_1423 = arith.constant 0 : i32
      %dma_start3A_1424 = arith.constant 0 : i32
      %dma_start3A_1425 = tpu.memref_slice %arg4[%add3A_1342, %dma_start3A_1418, %select_n3A_1334, %dma_start3A_1423, %dma_start3A_1424] : memref<200x2x128x8x128xf32, #tpu.memory_space<hbm>> -> memref<1x1x1x8x128xf32, #tpu.memory_space<hbm>>
      %dma_start3A_1426 = tpu.memref_squeeze %dma_start3A_1425 : memref<1x1x1x8x128xf32, #tpu.memory_space<hbm>> -> memref<8x128xf32, #tpu.memory_space<hbm>>
      %dma_start3A_1427 = arith.constant 0 : i32
      %dma_start3A_1428 = arith.constant 0 : i32
      %dma_start3A_1429 = tpu.memref_slice %arg4[%add3A_1342, %dma_start3A_1418, %select_n3A_1334, %dma_start3A_1427, %dma_start3A_1428] : memref<200x2x128x8x128xf32, #tpu.memory_space<hbm>> -> memref<1x1x1x8x128xf32, #tpu.memory_space<hbm>>
      %dma_start3A_1430 = tpu.memref_squeeze %dma_start3A_1429 : memref<1x1x1x8x128xf32, #tpu.memory_space<hbm>> -> memref<8x128xf32, #tpu.memory_space<hbm>>
      %dma_start3A_1431 = arith.constant 8 : i32
      %dma_start3A_1432 = arith.constant 0 : i32
      %dma_start3A_1433 = tpu.memref_slice %arg10[%dma_start3A_1417, %dma_start3A_1431, %dma_start3A_1432] : memref<8x16x129xf32, #tpu.memory_space<vmem>> -> memref<1x8x128xf32, #tpu.memory_space<vmem>>
      %dma_start3A_1434 = tpu.memref_squeeze %dma_start3A_1433 : memref<1x8x128xf32, #tpu.memory_space<vmem>> -> memref<8x128xf32, #tpu.memory_space<vmem>>
      tpu.enqueue_dma source(%dma_start3A_1434 : memref<8x128xf32, #tpu.memory_space<vmem>>) target(%dma_start3A_1430 : memref<8x128xf32, #tpu.memory_space<hbm>>) target_semaphore(%arg18 : memref<!tpu.dma_semaphore, #tpu.memory_space<semaphore_mem>>)
      %dma_start3A_1435 = arith.constant 1 : i32
      %dma_start3A_1436 = arith.constant 0 : i32
      %dma_start3A_1437 = arith.constant 0 : i32
      %dma_start3A_1438 = arith.constant 0 : i32
      %dma_start3A_1439 = tpu.memref_slice %arg10[%dma_start3A_1435, %dma_start3A_1437, %dma_start3A_1438] : memref<8x16x129xf32, #tpu.memory_space<vmem>> -> memref<1x8x128xf32, #tpu.memory_space<vmem>>
      %dma_start3A_1440 = tpu.memref_squeeze %dma_start3A_1439 : memref<1x8x128xf32, #tpu.memory_space<vmem>> -> memref<8x128xf32, #tpu.memory_space<vmem>>
      %dma_start3A_1441 = arith.constant 0 : i32
      %dma_start3A_1442 = arith.constant 0 : i32
      %dma_start3A_1443 = tpu.memref_slice %arg4[%add3A_1346, %dma_start3A_1436, %select_n3A_1334, %dma_start3A_1441, %dma_start3A_1442] : memref<200x2x128x8x128xf32, #tpu.memory_space<hbm>> -> memref<1x1x1x8x128xf32, #tpu.memory_space<hbm>>
      %dma_start3A_1444 = tpu.memref_squeeze %dma_start3A_1443 : memref<1x1x1x8x128xf32, #tpu.memory_space<hbm>> -> memref<8x128xf32, #tpu.memory_space<hbm>>
      %dma_start3A_1445 = arith.constant 0 : i32
      %dma_start3A_1446 = arith.constant 0 : i32
      %dma_start3A_1447 = tpu.memref_slice %arg4[%add3A_1346, %dma_start3A_1436, %select_n3A_1334, %dma_start3A_1445, %dma_start3A_1446] : memref<200x2x128x8x128xf32, #tpu.memory_space<hbm>> -> memref<1x1x1x8x128xf32, #tpu.memory_space<hbm>>
      %dma_start3A_1448 = tpu.memref_squeeze %dma_start3A_1447 : memref<1x1x1x8x128xf32, #tpu.memory_space<hbm>> -> memref<8x128xf32, #tpu.memory_space<hbm>>
      %dma_start3A_1449 = arith.constant 0 : i32
      %dma_start3A_1450 = arith.constant 0 : i32
      %dma_start3A_1451 = tpu.memref_slice %arg10[%dma_start3A_1435, %dma_start3A_1449, %dma_start3A_1450] : memref<8x16x129xf32, #tpu.memory_space<vmem>> -> memref<1x8x128xf32, #tpu.memory_space<vmem>>
      %dma_start3A_1452 = tpu.memref_squeeze %dma_start3A_1451 : memref<1x8x128xf32, #tpu.memory_space<vmem>> -> memref<8x128xf32, #tpu.memory_space<vmem>>
      tpu.enqueue_dma source(%dma_start3A_1452 : memref<8x128xf32, #tpu.memory_space<vmem>>) target(%dma_start3A_1448 : memref<8x128xf32, #tpu.memory_space<hbm>>) target_semaphore(%arg18 : memref<!tpu.dma_semaphore, #tpu.memory_space<semaphore_mem>>)
      %dma_start3A_1453 = arith.constant 1 : i32
      %dma_start3A_1454 = arith.constant 1 : i32
      %dma_start3A_1455 = arith.constant 8 : i32
      %dma_start3A_1456 = arith.constant 0 : i32
      %dma_start3A_1457 = tpu.memref_slice %arg10[%dma_start3A_1453, %dma_start3A_1455, %dma_start3A_1456] : memref<8x16x129xf32, #tpu.memory_space<vmem>> -> memref<1x8x128xf32, #tpu.memory_space<vmem>>
      %dma_start3A_1458 = tpu.memref_squeeze %dma_start3A_1457 : memref<1x8x128xf32, #tpu.memory_space<vmem>> -> memref<8x128xf32, #tpu.memory_space<vmem>>
      %dma_start3A_1459 = arith.constant 0 : i32
      %dma_start3A_1460 = arith.constant 0 : i32
      %dma_start3A_1461 = tpu.memref_slice %arg4[%add3A_1350, %dma_start3A_1454, %select_n3A_1334, %dma_start3A_1459, %dma_start3A_1460] : memref<200x2x128x8x128xf32, #tpu.memory_space<hbm>> -> memref<1x1x1x8x128xf32, #tpu.memory_space<hbm>>
      %dma_start3A_1462 = tpu.memref_squeeze %dma_start3A_1461 : memref<1x1x1x8x128xf32, #tpu.memory_space<hbm>> -> memref<8x128xf32, #tpu.memory_space<hbm>>
      %dma_start3A_1463 = arith.constant 0 : i32
      %dma_start3A_1464 = arith.constant 0 : i32
      %dma_start3A_1465 = tpu.memref_slice %arg4[%add3A_1350, %dma_start3A_1454, %select_n3A_1334, %dma_start3A_1463, %dma_start3A_1464] : memref<200x2x128x8x128xf32, #tpu.memory_space<hbm>> -> memref<1x1x1x8x128xf32, #tpu.memory_space<hbm>>
      %dma_start3A_1466 = tpu.memref_squeeze %dma_start3A_1465 : memref<1x1x1x8x128xf32, #tpu.memory_space<hbm>> -> memref<8x128xf32, #tpu.memory_space<hbm>>
      %dma_start3A_1467 = arith.constant 8 : i32
      %dma_start3A_1468 = arith.constant 0 : i32
      %dma_start3A_1469 = tpu.memref_slice %arg10[%dma_start3A_1453, %dma_start3A_1467, %dma_start3A_1468] : memref<8x16x129xf32, #tpu.memory_space<vmem>> -> memref<1x8x128xf32, #tpu.memory_space<vmem>>
      %dma_start3A_1470 = tpu.memref_squeeze %dma_start3A_1469 : memref<1x8x128xf32, #tpu.memory_space<vmem>> -> memref<8x128xf32, #tpu.memory_space<vmem>>
      tpu.enqueue_dma source(%dma_start3A_1470 : memref<8x128xf32, #tpu.memory_space<vmem>>) target(%dma_start3A_1466 : memref<8x128xf32, #tpu.memory_space<hbm>>) target_semaphore(%arg18 : memref<!tpu.dma_semaphore, #tpu.memory_space<semaphore_mem>>)
      %dma_start3A_1471 = arith.constant 2 : i32
      %dma_start3A_1472 = arith.constant 0 : i32
      %dma_start3A_1473 = arith.constant 0 : i32
      %dma_start3A_1474 = arith.constant 0 : i32
      %dma_start3A_1475 = tpu.memref_slice %arg10[%dma_start3A_1471, %dma_start3A_1473, %dma_start3A_1474] : memref<8x16x129xf32, #tpu.memory_space<vmem>> -> memref<1x8x128xf32, #tpu.memory_space<vmem>>
      %dma_start3A_1476 = tpu.memref_squeeze %dma_start3A_1475 : memref<1x8x128xf32, #tpu.memory_space<vmem>> -> memref<8x128xf32, #tpu.memory_space<vmem>>
      %dma_start3A_1477 = arith.constant 0 : i32
      %dma_start3A_1478 = arith.constant 0 : i32
      %dma_start3A_1479 = tpu.memref_slice %arg4[%add3A_1354, %dma_start3A_1472, %select_n3A_1334, %dma_start3A_1477, %dma_start3A_1478] : memref<200x2x128x8x128xf32, #tpu.memory_space<hbm>> -> memref<1x1x1x8x128xf32, #tpu.memory_space<hbm>>
      %dma_start3A_1480 = tpu.memref_squeeze %dma_start3A_1479 : memref<1x1x1x8x128xf32, #tpu.memory_space<hbm>> -> memref<8x128xf32, #tpu.memory_space<hbm>>
      %dma_start3A_1481 = arith.constant 0 : i32
      %dma_start3A_1482 = arith.constant 0 : i32
      %dma_start3A_1483 = tpu.memref_slice %arg4[%add3A_1354, %dma_start3A_1472, %select_n3A_1334, %dma_start3A_1481, %dma_start3A_1482] : memref<200x2x128x8x128xf32, #tpu.memory_space<hbm>> -> memref<1x1x1x8x128xf32, #tpu.memory_space<hbm>>
      %dma_start3A_1484 = tpu.memref_squeeze %dma_start3A_1483 : memref<1x1x1x8x128xf32, #tpu.memory_space<hbm>> -> memref<8x128xf32, #tpu.memory_space<hbm>>
      %dma_start3A_1485 = arith.constant 0 : i32
      %dma_start3A_1486 = arith.constant 0 : i32
      %dma_start3A_1487 = tpu.memref_slice %arg10[%dma_start3A_1471, %dma_start3A_1485, %dma_start3A_1486] : memref<8x16x129xf32, #tpu.memory_space<vmem>> -> memref<1x8x128xf32, #tpu.memory_space<vmem>>
      %dma_start3A_1488 = tpu.memref_squeeze %dma_start3A_1487 : memref<1x8x128xf32, #tpu.memory_space<vmem>> -> memref<8x128xf32, #tpu.memory_space<vmem>>
      tpu.enqueue_dma source(%dma_start3A_1488 : memref<8x128xf32, #tpu.memory_space<vmem>>) target(%dma_start3A_1484 : memref<8x128xf32, #tpu.memory_space<hbm>>) target_semaphore(%arg18 : memref<!tpu.dma_semaphore, #tpu.memory_space<semaphore_mem>>)
      %dma_start3A_1489 = arith.constant 2 : i32
      %dma_start3A_1490 = arith.constant 1 : i32
      %dma_start3A_1491 = arith.constant 8 : i32
      %dma_start3A_1492 = arith.constant 0 : i32
      %dma_start3A_1493 = tpu.memref_slice %arg10[%dma_start3A_1489, %dma_start3A_1491, %dma_start3A_1492] : memref<8x16x129xf32, #tpu.memory_space<vmem>> -> memref<1x8x128xf32, #tpu.memory_space<vmem>>
      %dma_start3A_1494 = tpu.memref_squeeze %dma_start3A_1493 : memref<1x8x128xf32, #tpu.memory_space<vmem>> -> memref<8x128xf32, #tpu.memory_space<vmem>>
      %dma_start3A_1495 = arith.constant 0 : i32
      %dma_start3A_1496 = arith.constant 0 : i32
      %dma_start3A_1497 = tpu.memref_slice %arg4[%add3A_1358, %dma_start3A_1490, %select_n3A_1334, %dma_start3A_1495, %dma_start3A_1496] : memref<200x2x128x8x128xf32, #tpu.memory_space<hbm>> -> memref<1x1x1x8x128xf32, #tpu.memory_space<hbm>>
      %dma_start3A_1498 = tpu.memref_squeeze %dma_start3A_1497 : memref<1x1x1x8x128xf32, #tpu.memory_space<hbm>> -> memref<8x128xf32, #tpu.memory_space<hbm>>
      %dma_start3A_1499 = arith.constant 0 : i32
      %dma_start3A_1500 = arith.constant 0 : i32
      %dma_start3A_1501 = tpu.memref_slice %arg4[%add3A_1358, %dma_start3A_1490, %select_n3A_1334, %dma_start3A_1499, %dma_start3A_1500] : memref<200x2x128x8x128xf32, #tpu.memory_space<hbm>> -> memref<1x1x1x8x128xf32, #tpu.memory_space<hbm>>
      %dma_start3A_1502 = tpu.memref_squeeze %dma_start3A_1501 : memref<1x1x1x8x128xf32, #tpu.memory_space<hbm>> -> memref<8x128xf32, #tpu.memory_space<hbm>>
      %dma_start3A_1503 = arith.constant 8 : i32
      %dma_start3A_1504 = arith.constant 0 : i32
      %dma_start3A_1505 = tpu.memref_slice %arg10[%dma_start3A_1489, %dma_start3A_1503, %dma_start3A_1504] : memref<8x16x129xf32, #tpu.memory_space<vmem>> -> memref<1x8x128xf32, #tpu.memory_space<vmem>>
      %dma_start3A_1506 = tpu.memref_squeeze %dma_start3A_1505 : memref<1x8x128xf32, #tpu.memory_space<vmem>> -> memref<8x128xf32, #tpu.memory_space<vmem>>
      tpu.enqueue_dma source(%dma_start3A_1506 : memref<8x128xf32, #tpu.memory_space<vmem>>) target(%dma_start3A_1502 : memref<8x128xf32, #tpu.memory_space<hbm>>) target_semaphore(%arg18 : memref<!tpu.dma_semaphore, #tpu.memory_space<semaphore_mem>>)
      %dma_start3A_1507 = arith.constant 3 : i32
      %dma_start3A_1508 = arith.constant 0 : i32
      %dma_start3A_1509 = arith.constant 0 : i32
      %dma_start3A_1510 = arith.constant 0 : i32
      %dma_start3A_1511 = tpu.memref_slice %arg10[%dma_start3A_1507, %dma_start3A_1509, %dma_start3A_1510] : memref<8x16x129xf32, #tpu.memory_space<vmem>> -> memref<1x8x128xf32, #tpu.memory_space<vmem>>
      %dma_start3A_1512 = tpu.memref_squeeze %dma_start3A_1511 : memref<1x8x128xf32, #tpu.memory_space<vmem>> -> memref<8x128xf32, #tpu.memory_space<vmem>>
      %dma_start3A_1513 = arith.constant 0 : i32
      %dma_start3A_1514 = arith.constant 0 : i32
      %dma_start3A_1515 = tpu.memref_slice %arg4[%add3A_1362, %dma_start3A_1508, %select_n3A_1334, %dma_start3A_1513, %dma_start3A_1514] : memref<200x2x128x8x128xf32, #tpu.memory_space<hbm>> -> memref<1x1x1x8x128xf32, #tpu.memory_space<hbm>>
      %dma_start3A_1516 = tpu.memref_squeeze %dma_start3A_1515 : memref<1x1x1x8x128xf32, #tpu.memory_space<hbm>> -> memref<8x128xf32, #tpu.memory_space<hbm>>
      %dma_start3A_1517 = arith.constant 0 : i32
      %dma_start3A_1518 = arith.constant 0 : i32
      %dma_start3A_1519 = tpu.memref_slice %arg4[%add3A_1362, %dma_start3A_1508, %select_n3A_1334, %dma_start3A_1517, %dma_start3A_1518] : memref<200x2x128x8x128xf32, #tpu.memory_space<hbm>> -> memref<1x1x1x8x128xf32, #tpu.memory_space<hbm>>
      %dma_start3A_1520 = tpu.memref_squeeze %dma_start3A_1519 : memref<1x1x1x8x128xf32, #tpu.memory_space<hbm>> -> memref<8x128xf32, #tpu.memory_space<hbm>>
      %dma_start3A_1521 = arith.constant 0 : i32
      %dma_start3A_1522 = arith.constant 0 : i32
      %dma_start3A_1523 = tpu.memref_slice %arg10[%dma_start3A_1507, %dma_start3A_1521, %dma_start3A_1522] : memref<8x16x129xf32, #tpu.memory_space<vmem>> -> memref<1x8x128xf32, #tpu.memory_space<vmem>>
      %dma_start3A_1524 = tpu.memref_squeeze %dma_start3A_1523 : memref<1x8x128xf32, #tpu.memory_space<vmem>> -> memref<8x128xf32, #tpu.memory_space<vmem>>
      tpu.enqueue_dma source(%dma_start3A_1524 : memref<8x128xf32, #tpu.memory_space<vmem>>) target(%dma_start3A_1520 : memref<8x128xf32, #tpu.memory_space<hbm>>) target_semaphore(%arg18 : memref<!tpu.dma_semaphore, #tpu.memory_space<semaphore_mem>>)
      %dma_start3A_1525 = arith.constant 3 : i32
      %dma_start3A_1526 = arith.constant 1 : i32
      %dma_start3A_1527 = arith.constant 8 : i32
      %dma_start3A_1528 = arith.constant 0 : i32
      %dma_start3A_1529 = tpu.memref_slice %arg10[%dma_start3A_1525, %dma_start3A_1527, %dma_start3A_1528] : memref<8x16x129xf32, #tpu.memory_space<vmem>> -> memref<1x8x128xf32, #tpu.memory_space<vmem>>
      %dma_start3A_1530 = tpu.memref_squeeze %dma_start3A_1529 : memref<1x8x128xf32, #tpu.memory_space<vmem>> -> memref<8x128xf32, #tpu.memory_space<vmem>>
      %dma_start3A_1531 = arith.constant 0 : i32
      %dma_start3A_1532 = arith.constant 0 : i32
      %dma_start3A_1533 = tpu.memref_slice %arg4[%add3A_1366, %dma_start3A_1526, %select_n3A_1334, %dma_start3A_1531, %dma_start3A_1532] : memref<200x2x128x8x128xf32, #tpu.memory_space<hbm>> -> memref<1x1x1x8x128xf32, #tpu.memory_space<hbm>>
      %dma_start3A_1534 = tpu.memref_squeeze %dma_start3A_1533 : memref<1x1x1x8x128xf32, #tpu.memory_space<hbm>> -> memref<8x128xf32, #tpu.memory_space<hbm>>
      %dma_start3A_1535 = arith.constant 0 : i32
      %dma_start3A_1536 = arith.constant 0 : i32
      %dma_start3A_1537 = tpu.memref_slice %arg4[%add3A_1366, %dma_start3A_1526, %select_n3A_1334, %dma_start3A_1535, %dma_start3A_1536] : memref<200x2x128x8x128xf32, #tpu.memory_space<hbm>> -> memref<1x1x1x8x128xf32, #tpu.memory_space<hbm>>
      %dma_start3A_1538 = tpu.memref_squeeze %dma_start3A_1537 : memref<1x1x1x8x128xf32, #tpu.memory_space<hbm>> -> memref<8x128xf32, #tpu.memory_space<hbm>>
      %dma_start3A_1539 = arith.constant 8 : i32
      %dma_start3A_1540 = arith.constant 0 : i32
      %dma_start3A_1541 = tpu.memref_slice %arg10[%dma_start3A_1525, %dma_start3A_1539, %dma_start3A_1540] : memref<8x16x129xf32, #tpu.memory_space<vmem>> -> memref<1x8x128xf32, #tpu.memory_space<vmem>>
      %dma_start3A_1542 = tpu.memref_squeeze %dma_start3A_1541 : memref<1x8x128xf32, #tpu.memory_space<vmem>> -> memref<8x128xf32, #tpu.memory_space<vmem>>
      tpu.enqueue_dma source(%dma_start3A_1542 : memref<8x128xf32, #tpu.memory_space<vmem>>) target(%dma_start3A_1538 : memref<8x128xf32, #tpu.memory_space<hbm>>) target_semaphore(%arg18 : memref<!tpu.dma_semaphore, #tpu.memory_space<semaphore_mem>>)
      %dma_start3A_1543 = arith.constant 4 : i32
      %dma_start3A_1544 = arith.constant 0 : i32
      %dma_start3A_1545 = arith.constant 0 : i32
      %dma_start3A_1546 = arith.constant 0 : i32
      %dma_start3A_1547 = tpu.memref_slice %arg10[%dma_start3A_1543, %dma_start3A_1545, %dma_start3A_1546] : memref<8x16x129xf32, #tpu.memory_space<vmem>> -> memref<1x8x128xf32, #tpu.memory_space<vmem>>
      %dma_start3A_1548 = tpu.memref_squeeze %dma_start3A_1547 : memref<1x8x128xf32, #tpu.memory_space<vmem>> -> memref<8x128xf32, #tpu.memory_space<vmem>>
      %dma_start3A_1549 = arith.constant 0 : i32
      %dma_start3A_1550 = arith.constant 0 : i32
      %dma_start3A_1551 = tpu.memref_slice %arg4[%add3A_1370, %dma_start3A_1544, %select_n3A_1334, %dma_start3A_1549, %dma_start3A_1550] : memref<200x2x128x8x128xf32, #tpu.memory_space<hbm>> -> memref<1x1x1x8x128xf32, #tpu.memory_space<hbm>>
      %dma_start3A_1552 = tpu.memref_squeeze %dma_start3A_1551 : memref<1x1x1x8x128xf32, #tpu.memory_space<hbm>> -> memref<8x128xf32, #tpu.memory_space<hbm>>
      %dma_start3A_1553 = arith.constant 0 : i32
      %dma_start3A_1554 = arith.constant 0 : i32
      %dma_start3A_1555 = tpu.memref_slice %arg4[%add3A_1370, %dma_start3A_1544, %select_n3A_1334, %dma_start3A_1553, %dma_start3A_1554] : memref<200x2x128x8x128xf32, #tpu.memory_space<hbm>> -> memref<1x1x1x8x128xf32, #tpu.memory_space<hbm>>
      %dma_start3A_1556 = tpu.memref_squeeze %dma_start3A_1555 : memref<1x1x1x8x128xf32, #tpu.memory_space<hbm>> -> memref<8x128xf32, #tpu.memory_space<hbm>>
      %dma_start3A_1557 = arith.constant 0 : i32
      %dma_start3A_1558 = arith.constant 0 : i32
      %dma_start3A_1559 = tpu.memref_slice %arg10[%dma_start3A_1543, %dma_start3A_1557, %dma_start3A_1558] : memref<8x16x129xf32, #tpu.memory_space<vmem>> -> memref<1x8x128xf32, #tpu.memory_space<vmem>>
      %dma_start3A_1560 = tpu.memref_squeeze %dma_start3A_1559 : memref<1x8x128xf32, #tpu.memory_space<vmem>> -> memref<8x128xf32, #tpu.memory_space<vmem>>
      tpu.enqueue_dma source(%dma_start3A_1560 : memref<8x128xf32, #tpu.memory_space<vmem>>) target(%dma_start3A_1556 : memref<8x128xf32, #tpu.memory_space<hbm>>) target_semaphore(%arg18 : memref<!tpu.dma_semaphore, #tpu.memory_space<semaphore_mem>>)
      %dma_start3A_1561 = arith.constant 4 : i32
      %dma_start3A_1562 = arith.constant 1 : i32
      %dma_start3A_1563 = arith.constant 8 : i32
      %dma_start3A_1564 = arith.constant 0 : i32
      %dma_start3A_1565 = tpu.memref_slice %arg10[%dma_start3A_1561, %dma_start3A_1563, %dma_start3A_1564] : memref<8x16x129xf32, #tpu.memory_space<vmem>> -> memref<1x8x128xf32, #tpu.memory_space<vmem>>
      %dma_start3A_1566 = tpu.memref_squeeze %dma_start3A_1565 : memref<1x8x128xf32, #tpu.memory_space<vmem>> -> memref<8x128xf32, #tpu.memory_space<vmem>>
      %dma_start3A_1567 = arith.constant 0 : i32
      %dma_start3A_1568 = arith.constant 0 : i32
      %dma_start3A_1569 = tpu.memref_slice %arg4[%add3A_1374, %dma_start3A_1562, %select_n3A_1334, %dma_start3A_1567, %dma_start3A_1568] : memref<200x2x128x8x128xf32, #tpu.memory_space<hbm>> -> memref<1x1x1x8x128xf32, #tpu.memory_space<hbm>>
      %dma_start3A_1570 = tpu.memref_squeeze %dma_start3A_1569 : memref<1x1x1x8x128xf32, #tpu.memory_space<hbm>> -> memref<8x128xf32, #tpu.memory_space<hbm>>
      %dma_start3A_1571 = arith.constant 0 : i32
      %dma_start3A_1572 = arith.constant 0 : i32
      %dma_start3A_1573 = tpu.memref_slice %arg4[%add3A_1374, %dma_start3A_1562, %select_n3A_1334, %dma_start3A_1571, %dma_start3A_1572] : memref<200x2x128x8x128xf32, #tpu.memory_space<hbm>> -> memref<1x1x1x8x128xf32, #tpu.memory_space<hbm>>
      %dma_start3A_1574 = tpu.memref_squeeze %dma_start3A_1573 : memref<1x1x1x8x128xf32, #tpu.memory_space<hbm>> -> memref<8x128xf32, #tpu.memory_space<hbm>>
      %dma_start3A_1575 = arith.constant 8 : i32
      %dma_start3A_1576 = arith.constant 0 : i32
      %dma_start3A_1577 = tpu.memref_slice %arg10[%dma_start3A_1561, %dma_start3A_1575, %dma_start3A_1576] : memref<8x16x129xf32, #tpu.memory_space<vmem>> -> memref<1x8x128xf32, #tpu.memory_space<vmem>>
      %dma_start3A_1578 = tpu.memref_squeeze %dma_start3A_1577 : memref<1x8x128xf32, #tpu.memory_space<vmem>> -> memref<8x128xf32, #tpu.memory_space<vmem>>
      tpu.enqueue_dma source(%dma_start3A_1578 : memref<8x128xf32, #tpu.memory_space<vmem>>) target(%dma_start3A_1574 : memref<8x128xf32, #tpu.memory_space<hbm>>) target_semaphore(%arg18 : memref<!tpu.dma_semaphore, #tpu.memory_space<semaphore_mem>>)
      %dma_start3A_1579 = arith.constant 5 : i32
      %dma_start3A_1580 = arith.constant 0 : i32
      %dma_start3A_1581 = arith.constant 0 : i32
      %dma_start3A_1582 = arith.constant 0 : i32
      %dma_start3A_1583 = tpu.memref_slice %arg10[%dma_start3A_1579, %dma_start3A_1581, %dma_start3A_1582] : memref<8x16x129xf32, #tpu.memory_space<vmem>> -> memref<1x8x128xf32, #tpu.memory_space<vmem>>
      %dma_start3A_1584 = tpu.memref_squeeze %dma_start3A_1583 : memref<1x8x128xf32, #tpu.memory_space<vmem>> -> memref<8x128xf32, #tpu.memory_space<vmem>>
      %dma_start3A_1585 = arith.constant 0 : i32
      %dma_start3A_1586 = arith.constant 0 : i32
      %dma_start3A_1587 = tpu.memref_slice %arg4[%add3A_1378, %dma_start3A_1580, %select_n3A_1334, %dma_start3A_1585, %dma_start3A_1586] : memref<200x2x128x8x128xf32, #tpu.memory_space<hbm>> -> memref<1x1x1x8x128xf32, #tpu.memory_space<hbm>>
      %dma_start3A_1588 = tpu.memref_squeeze %dma_start3A_1587 : memref<1x1x1x8x128xf32, #tpu.memory_space<hbm>> -> memref<8x128xf32, #tpu.memory_space<hbm>>
      %dma_start3A_1589 = arith.constant 0 : i32
      %dma_start3A_1590 = arith.constant 0 : i32
      %dma_start3A_1591 = tpu.memref_slice %arg4[%add3A_1378, %dma_start3A_1580, %select_n3A_1334, %dma_start3A_1589, %dma_start3A_1590] : memref<200x2x128x8x128xf32, #tpu.memory_space<hbm>> -> memref<1x1x1x8x128xf32, #tpu.memory_space<hbm>>
      %dma_start3A_1592 = tpu.memref_squeeze %dma_start3A_1591 : memref<1x1x1x8x128xf32, #tpu.memory_space<hbm>> -> memref<8x128xf32, #tpu.memory_space<hbm>>
      %dma_start3A_1593 = arith.constant 0 : i32
      %dma_start3A_1594 = arith.constant 0 : i32
      %dma_start3A_1595 = tpu.memref_slice %arg10[%dma_start3A_1579, %dma_start3A_1593, %dma_start3A_1594] : memref<8x16x129xf32, #tpu.memory_space<vmem>> -> memref<1x8x128xf32, #tpu.memory_space<vmem>>
      %dma_start3A_1596 = tpu.memref_squeeze %dma_start3A_1595 : memref<1x8x128xf32, #tpu.memory_space<vmem>> -> memref<8x128xf32, #tpu.memory_space<vmem>>
      tpu.enqueue_dma source(%dma_start3A_1596 : memref<8x128xf32, #tpu.memory_space<vmem>>) target(%dma_start3A_1592 : memref<8x128xf32, #tpu.memory_space<hbm>>) target_semaphore(%arg18 : memref<!tpu.dma_semaphore, #tpu.memory_space<semaphore_mem>>)
      %dma_start3A_1597 = arith.constant 5 : i32
      %dma_start3A_1598 = arith.constant 1 : i32
      %dma_start3A_1599 = arith.constant 8 : i32
      %dma_start3A_1600 = arith.constant 0 : i32
      %dma_start3A_1601 = tpu.memref_slice %arg10[%dma_start3A_1597, %dma_start3A_1599, %dma_start3A_1600] : memref<8x16x129xf32, #tpu.memory_space<vmem>> -> memref<1x8x128xf32, #tpu.memory_space<vmem>>
      %dma_start3A_1602 = tpu.memref_squeeze %dma_start3A_1601 : memref<1x8x128xf32, #tpu.memory_space<vmem>> -> memref<8x128xf32, #tpu.memory_space<vmem>>
      %dma_start3A_1603 = arith.constant 0 : i32
      %dma_start3A_1604 = arith.constant 0 : i32
      %dma_start3A_1605 = tpu.memref_slice %arg4[%add3A_1382, %dma_start3A_1598, %select_n3A_1334, %dma_start3A_1603, %dma_start3A_1604] : memref<200x2x128x8x128xf32, #tpu.memory_space<hbm>> -> memref<1x1x1x8x128xf32, #tpu.memory_space<hbm>>
      %dma_start3A_1606 = tpu.memref_squeeze %dma_start3A_1605 : memref<1x1x1x8x128xf32, #tpu.memory_space<hbm>> -> memref<8x128xf32, #tpu.memory_space<hbm>>
      %dma_start3A_1607 = arith.constant 0 : i32
      %dma_start3A_1608 = arith.constant 0 : i32
      %dma_start3A_1609 = tpu.memref_slice %arg4[%add3A_1382, %dma_start3A_1598, %select_n3A_1334, %dma_start3A_1607, %dma_start3A_1608] : memref<200x2x128x8x128xf32, #tpu.memory_space<hbm>> -> memref<1x1x1x8x128xf32, #tpu.memory_space<hbm>>
      %dma_start3A_1610 = tpu.memref_squeeze %dma_start3A_1609 : memref<1x1x1x8x128xf32, #tpu.memory_space<hbm>> -> memref<8x128xf32, #tpu.memory_space<hbm>>
      %dma_start3A_1611 = arith.constant 8 : i32
      %dma_start3A_1612 = arith.constant 0 : i32
      %dma_start3A_1613 = tpu.memref_slice %arg10[%dma_start3A_1597, %dma_start3A_1611, %dma_start3A_1612] : memref<8x16x129xf32, #tpu.memory_space<vmem>> -> memref<1x8x128xf32, #tpu.memory_space<vmem>>
      %dma_start3A_1614 = tpu.memref_squeeze %dma_start3A_1613 : memref<1x8x128xf32, #tpu.memory_space<vmem>> -> memref<8x128xf32, #tpu.memory_space<vmem>>
      tpu.enqueue_dma source(%dma_start3A_1614 : memref<8x128xf32, #tpu.memory_space<vmem>>) target(%dma_start3A_1610 : memref<8x128xf32, #tpu.memory_space<hbm>>) target_semaphore(%arg18 : memref<!tpu.dma_semaphore, #tpu.memory_space<semaphore_mem>>)
      %dma_start3A_1615 = arith.constant 6 : i32
      %dma_start3A_1616 = arith.constant 0 : i32
      %dma_start3A_1617 = arith.constant 0 : i32
      %dma_start3A_1618 = arith.constant 0 : i32
      %dma_start3A_1619 = tpu.memref_slice %arg10[%dma_start3A_1615, %dma_start3A_1617, %dma_start3A_1618] : memref<8x16x129xf32, #tpu.memory_space<vmem>> -> memref<1x8x128xf32, #tpu.memory_space<vmem>>
      %dma_start3A_1620 = tpu.memref_squeeze %dma_start3A_1619 : memref<1x8x128xf32, #tpu.memory_space<vmem>> -> memref<8x128xf32, #tpu.memory_space<vmem>>
      %dma_start3A_1621 = arith.constant 0 : i32
      %dma_start3A_1622 = arith.constant 0 : i32
      %dma_start3A_1623 = tpu.memref_slice %arg4[%add3A_1386, %dma_start3A_1616, %select_n3A_1334, %dma_start3A_1621, %dma_start3A_1622] : memref<200x2x128x8x128xf32, #tpu.memory_space<hbm>> -> memref<1x1x1x8x128xf32, #tpu.memory_space<hbm>>
      %dma_start3A_1624 = tpu.memref_squeeze %dma_start3A_1623 : memref<1x1x1x8x128xf32, #tpu.memory_space<hbm>> -> memref<8x128xf32, #tpu.memory_space<hbm>>
      %dma_start3A_1625 = arith.constant 0 : i32
      %dma_start3A_1626 = arith.constant 0 : i32
      %dma_start3A_1627 = tpu.memref_slice %arg4[%add3A_1386, %dma_start3A_1616, %select_n3A_1334, %dma_start3A_1625, %dma_start3A_1626] : memref<200x2x128x8x128xf32, #tpu.memory_space<hbm>> -> memref<1x1x1x8x128xf32, #tpu.memory_space<hbm>>
      %dma_start3A_1628 = tpu.memref_squeeze %dma_start3A_1627 : memref<1x1x1x8x128xf32, #tpu.memory_space<hbm>> -> memref<8x128xf32, #tpu.memory_space<hbm>>
      %dma_start3A_1629 = arith.constant 0 : i32
      %dma_start3A_1630 = arith.constant 0 : i32
      %dma_start3A_1631 = tpu.memref_slice %arg10[%dma_start3A_1615, %dma_start3A_1629, %dma_start3A_1630] : memref<8x16x129xf32, #tpu.memory_space<vmem>> -> memref<1x8x128xf32, #tpu.memory_space<vmem>>
      %dma_start3A_1632 = tpu.memref_squeeze %dma_start3A_1631 : memref<1x8x128xf32, #tpu.memory_space<vmem>> -> memref<8x128xf32, #tpu.memory_space<vmem>>
      tpu.enqueue_dma source(%dma_start3A_1632 : memref<8x128xf32, #tpu.memory_space<vmem>>) target(%dma_start3A_1628 : memref<8x128xf32, #tpu.memory_space<hbm>>) target_semaphore(%arg18 : memref<!tpu.dma_semaphore, #tpu.memory_space<semaphore_mem>>)
      %dma_start3A_1633 = arith.constant 6 : i32
      %dma_start3A_1634 = arith.constant 1 : i32
      %dma_start3A_1635 = arith.constant 8 : i32
      %dma_start3A_1636 = arith.constant 0 : i32
      %dma_start3A_1637 = tpu.memref_slice %arg10[%dma_start3A_1633, %dma_start3A_1635, %dma_start3A_1636] : memref<8x16x129xf32, #tpu.memory_space<vmem>> -> memref<1x8x128xf32, #tpu.memory_space<vmem>>
      %dma_start3A_1638 = tpu.memref_squeeze %dma_start3A_1637 : memref<1x8x128xf32, #tpu.memory_space<vmem>> -> memref<8x128xf32, #tpu.memory_space<vmem>>
      %dma_start3A_1639 = arith.constant 0 : i32
      %dma_start3A_1640 = arith.constant 0 : i32
      %dma_start3A_1641 = tpu.memref_slice %arg4[%add3A_1390, %dma_start3A_1634, %select_n3A_1334, %dma_start3A_1639, %dma_start3A_1640] : memref<200x2x128x8x128xf32, #tpu.memory_space<hbm>> -> memref<1x1x1x8x128xf32, #tpu.memory_space<hbm>>
      %dma_start3A_1642 = tpu.memref_squeeze %dma_start3A_1641 : memref<1x1x1x8x128xf32, #tpu.memory_space<hbm>> -> memref<8x128xf32, #tpu.memory_space<hbm>>
      %dma_start3A_1643 = arith.constant 0 : i32
      %dma_start3A_1644 = arith.constant 0 : i32
      %dma_start3A_1645 = tpu.memref_slice %arg4[%add3A_1390, %dma_start3A_1634, %select_n3A_1334, %dma_start3A_1643, %dma_start3A_1644] : memref<200x2x128x8x128xf32, #tpu.memory_space<hbm>> -> memref<1x1x1x8x128xf32, #tpu.memory_space<hbm>>
      %dma_start3A_1646 = tpu.memref_squeeze %dma_start3A_1645 : memref<1x1x1x8x128xf32, #tpu.memory_space<hbm>> -> memref<8x128xf32, #tpu.memory_space<hbm>>
      %dma_start3A_1647 = arith.constant 8 : i32
      %dma_start3A_1648 = arith.constant 0 : i32
      %dma_start3A_1649 = tpu.memref_slice %arg10[%dma_start3A_1633, %dma_start3A_1647, %dma_start3A_1648] : memref<8x16x129xf32, #tpu.memory_space<vmem>> -> memref<1x8x128xf32, #tpu.memory_space<vmem>>
      %dma_start3A_1650 = tpu.memref_squeeze %dma_start3A_1649 : memref<1x8x128xf32, #tpu.memory_space<vmem>> -> memref<8x128xf32, #tpu.memory_space<vmem>>
      tpu.enqueue_dma source(%dma_start3A_1650 : memref<8x128xf32, #tpu.memory_space<vmem>>) target(%dma_start3A_1646 : memref<8x128xf32, #tpu.memory_space<hbm>>) target_semaphore(%arg18 : memref<!tpu.dma_semaphore, #tpu.memory_space<semaphore_mem>>)
      %dma_start3A_1651 = arith.constant 7 : i32
      %dma_start3A_1652 = arith.constant 0 : i32
      %dma_start3A_1653 = arith.constant 0 : i32
      %dma_start3A_1654 = arith.constant 0 : i32
      %dma_start3A_1655 = tpu.memref_slice %arg10[%dma_start3A_1651, %dma_start3A_1653, %dma_start3A_1654] : memref<8x16x129xf32, #tpu.memory_space<vmem>> -> memref<1x8x128xf32, #tpu.memory_space<vmem>>
      %dma_start3A_1656 = tpu.memref_squeeze %dma_start3A_1655 : memref<1x8x128xf32, #tpu.memory_space<vmem>> -> memref<8x128xf32, #tpu.memory_space<vmem>>
      %dma_start3A_1657 = arith.constant 0 : i32
      %dma_start3A_1658 = arith.constant 0 : i32
      %dma_start3A_1659 = tpu.memref_slice %arg4[%add3A_1394, %dma_start3A_1652, %select_n3A_1334, %dma_start3A_1657, %dma_start3A_1658] : memref<200x2x128x8x128xf32, #tpu.memory_space<hbm>> -> memref<1x1x1x8x128xf32, #tpu.memory_space<hbm>>
      %dma_start3A_1660 = tpu.memref_squeeze %dma_start3A_1659 : memref<1x1x1x8x128xf32, #tpu.memory_space<hbm>> -> memref<8x128xf32, #tpu.memory_space<hbm>>
      %dma_start3A_1661 = arith.constant 0 : i32
      %dma_start3A_1662 = arith.constant 0 : i32
      %dma_start3A_1663 = tpu.memref_slice %arg4[%add3A_1394, %dma_start3A_1652, %select_n3A_1334, %dma_start3A_1661, %dma_start3A_1662] : memref<200x2x128x8x128xf32, #tpu.memory_space<hbm>> -> memref<1x1x1x8x128xf32, #tpu.memory_space<hbm>>
      %dma_start3A_1664 = tpu.memref_squeeze %dma_start3A_1663 : memref<1x1x1x8x128xf32, #tpu.memory_space<hbm>> -> memref<8x128xf32, #tpu.memory_space<hbm>>
      %dma_start3A_1665 = arith.constant 0 : i32
      %dma_start3A_1666 = arith.constant 0 : i32
      %dma_start3A_1667 = tpu.memref_slice %arg10[%dma_start3A_1651, %dma_start3A_1665, %dma_start3A_1666] : memref<8x16x129xf32, #tpu.memory_space<vmem>> -> memref<1x8x128xf32, #tpu.memory_space<vmem>>
      %dma_start3A_1668 = tpu.memref_squeeze %dma_start3A_1667 : memref<1x8x128xf32, #tpu.memory_space<vmem>> -> memref<8x128xf32, #tpu.memory_space<vmem>>
      tpu.enqueue_dma source(%dma_start3A_1668 : memref<8x128xf32, #tpu.memory_space<vmem>>) target(%dma_start3A_1664 : memref<8x128xf32, #tpu.memory_space<hbm>>) target_semaphore(%arg18 : memref<!tpu.dma_semaphore, #tpu.memory_space<semaphore_mem>>)
      %dma_start3A_1669 = arith.constant 7 : i32
      %dma_start3A_1670 = arith.constant 1 : i32
      %dma_start3A_1671 = arith.constant 8 : i32
      %dma_start3A_1672 = arith.constant 0 : i32
      %dma_start3A_1673 = tpu.memref_slice %arg10[%dma_start3A_1669, %dma_start3A_1671, %dma_start3A_1672] : memref<8x16x129xf32, #tpu.memory_space<vmem>> -> memref<1x8x128xf32, #tpu.memory_space<vmem>>
      %dma_start3A_1674 = tpu.memref_squeeze %dma_start3A_1673 : memref<1x8x128xf32, #tpu.memory_space<vmem>> -> memref<8x128xf32, #tpu.memory_space<vmem>>
      %dma_start3A_1675 = arith.constant 0 : i32
      %dma_start3A_1676 = arith.constant 0 : i32
      %dma_start3A_1677 = tpu.memref_slice %arg4[%add3A_1398, %dma_start3A_1670, %select_n3A_1334, %dma_start3A_1675, %dma_start3A_1676] : memref<200x2x128x8x128xf32, #tpu.memory_space<hbm>> -> memref<1x1x1x8x128xf32, #tpu.memory_space<hbm>>
      %dma_start3A_1678 = tpu.memref_squeeze %dma_start3A_1677 : memref<1x1x1x8x128xf32, #tpu.memory_space<hbm>> -> memref<8x128xf32, #tpu.memory_space<hbm>>
      %dma_start3A_1679 = arith.constant 0 : i32
      %dma_start3A_1680 = arith.constant 0 : i32
      %dma_start3A_1681 = tpu.memref_slice %arg4[%add3A_1398, %dma_start3A_1670, %select_n3A_1334, %dma_start3A_1679, %dma_start3A_1680] : memref<200x2x128x8x128xf32, #tpu.memory_space<hbm>> -> memref<1x1x1x8x128xf32, #tpu.memory_space<hbm>>
      %dma_start3A_1682 = tpu.memref_squeeze %dma_start3A_1681 : memref<1x1x1x8x128xf32, #tpu.memory_space<hbm>> -> memref<8x128xf32, #tpu.memory_space<hbm>>
      %dma_start3A_1683 = arith.constant 8 : i32
      %dma_start3A_1684 = arith.constant 0 : i32
      %dma_start3A_1685 = tpu.memref_slice %arg10[%dma_start3A_1669, %dma_start3A_1683, %dma_start3A_1684] : memref<8x16x129xf32, #tpu.memory_space<vmem>> -> memref<1x8x128xf32, #tpu.memory_space<vmem>>
      %dma_start3A_1686 = tpu.memref_squeeze %dma_start3A_1685 : memref<1x8x128xf32, #tpu.memory_space<vmem>> -> memref<8x128xf32, #tpu.memory_space<vmem>>
      tpu.enqueue_dma source(%dma_start3A_1686 : memref<8x128xf32, #tpu.memory_space<vmem>>) target(%dma_start3A_1682 : memref<8x128xf32, #tpu.memory_space<hbm>>) target_semaphore(%arg18 : memref<!tpu.dma_semaphore, #tpu.memory_space<semaphore_mem>>)
    }
    %scan3A_40 = arith.constant 50 : i32
    %add3A_41 = arith.constant 98 : i32
    %add3A_42 = arith.addi %mul3A_2, %add3A_41 : i32
    %jit3A = arith.constant 128 : i32
    %div3A = arith.divsi %add3A_42, %jit3A : i32
    %sign3A = arith.constant 0 : i32
    %sign3A_43 = arith.cmpi sgt, %add3A_42, %sign3A : i32
    %sign3A_44 = arith.extui %sign3A_43 : i1 to i32
    %sign3A_45 = arith.constant 0 : i32
    %sign3A_46 = arith.cmpi slt, %add3A_42, %sign3A_45 : i32
    %sign3A_47 = arith.extui %sign3A_46 : i1 to i32
    %sign3A_48 = arith.subi %sign3A_44, %sign3A_47 : i32
    %sign3A_49 = arith.constant 0 : i32
    %sign3A_50 = arith.cmpi sgt, %jit3A, %sign3A_49 : i32
    %sign3A_51 = arith.extui %sign3A_50 : i1 to i32
    %sign3A_52 = arith.constant 0 : i32
    %sign3A_53 = arith.cmpi slt, %jit3A, %sign3A_52 : i32
    %sign3A_54 = arith.extui %sign3A_53 : i1 to i32
    %sign3A_55 = arith.subi %sign3A_51, %sign3A_54 : i32
    %ne3A = arith.cmpi ne, %sign3A_48, %sign3A_55 : i32
    %rem3A = arith.remsi %add3A_42, %jit3A : i32
    %ne3A_56 = arith.constant 0 : i32
    %ne3A_57 = arith.cmpi ne, %rem3A, %ne3A_56 : i32
    %and3A = arith.andi %ne3A, %ne3A_57 : i1
    %sub3A = arith.constant 1 : i32
    %sub3A_58 = arith.subi %div3A, %sub3A : i32
    %select_n3A = arith.select %and3A, %sub3A_58, %div3A : i32
    %jit3A_59 = arith.constant 128 : i32
    %eq3A = arith.constant 0 : i32
    %eq3A_60 = arith.cmpi eq, %jit3A_59, %eq3A : i32
    %jit3A_61 = arith.constant 1 : i32
    %select_n3A_62 = arith.select %eq3A_60, %jit3A_61, %jit3A_59 : i32
    %rem3A_63 = arith.remsi %add3A_42, %select_n3A_62 : i32
    %ne3A_64 = arith.constant 0 : i32
    %ne3A_65 = arith.cmpi ne, %rem3A_63, %ne3A_64 : i32
    %lt3A = arith.constant 0 : i32
    %lt3A_66 = arith.cmpi slt, %rem3A_63, %lt3A : i32
    %lt3A_67 = arith.constant 0 : i32
    %lt3A_68 = arith.cmpi slt, %select_n3A_62, %lt3A_67 : i32
    %ne3A_69 = arith.xori %lt3A_66, %lt3A_68 : i1
    %and3A_70 = arith.andi %ne3A_69, %ne3A_65 : i1
    %add3A_71 = arith.addi %rem3A_63, %select_n3A_62 : i32
    %select_n3A_72 = arith.select %and3A_70, %add3A_71, %rem3A_63 : i32
    %mul3A_73 = arith.constant 8 : i32
    %mul3A_74 = arith.muli %select_n3A, %mul3A_73 : i32
    %add3A_75 = arith.constant 0 : i32
    %add3A_76 = arith.addi %mul3A_74, %add3A_75 : i32
    %mul3A_77 = arith.constant 8 : i32
    %mul3A_78 = arith.muli %select_n3A, %mul3A_77 : i32
    %add3A_79 = arith.constant 0 : i32
    %add3A_80 = arith.addi %mul3A_78, %add3A_79 : i32
    %mul3A_81 = arith.constant 8 : i32
    %mul3A_82 = arith.muli %select_n3A, %mul3A_81 : i32
    %add3A_83 = arith.constant 1 : i32
    %add3A_84 = arith.addi %mul3A_82, %add3A_83 : i32
    %mul3A_85 = arith.constant 8 : i32
    %mul3A_86 = arith.muli %select_n3A, %mul3A_85 : i32
    %add3A_87 = arith.constant 1 : i32
    %add3A_88 = arith.addi %mul3A_86, %add3A_87 : i32
    %mul3A_89 = arith.constant 8 : i32
    %mul3A_90 = arith.muli %select_n3A, %mul3A_89 : i32
    %add3A_91 = arith.constant 2 : i32
    %add3A_92 = arith.addi %mul3A_90, %add3A_91 : i32
    %mul3A_93 = arith.constant 8 : i32
    %mul3A_94 = arith.muli %select_n3A, %mul3A_93 : i32
    %add3A_95 = arith.constant 2 : i32
    %add3A_96 = arith.addi %mul3A_94, %add3A_95 : i32
    %mul3A_97 = arith.constant 8 : i32
    %mul3A_98 = arith.muli %select_n3A, %mul3A_97 : i32
    %add3A_99 = arith.constant 3 : i32
    %add3A_100 = arith.addi %mul3A_98, %add3A_99 : i32
    %mul3A_101 = arith.constant 8 : i32
    %mul3A_102 = arith.muli %select_n3A, %mul3A_101 : i32
    %add3A_103 = arith.constant 3 : i32
    %add3A_104 = arith.addi %mul3A_102, %add3A_103 : i32
    %mul3A_105 = arith.constant 8 : i32
    %mul3A_106 = arith.muli %select_n3A, %mul3A_105 : i32
    %add3A_107 = arith.constant 4 : i32
    %add3A_108 = arith.addi %mul3A_106, %add3A_107 : i32
    %mul3A_109 = arith.constant 8 : i32
    %mul3A_110 = arith.muli %select_n3A, %mul3A_109 : i32
    %add3A_111 = arith.constant 4 : i32
    %add3A_112 = arith.addi %mul3A_110, %add3A_111 : i32
    %mul3A_113 = arith.constant 8 : i32
    %mul3A_114 = arith.muli %select_n3A, %mul3A_113 : i32
    %add3A_115 = arith.constant 5 : i32
    %add3A_116 = arith.addi %mul3A_114, %add3A_115 : i32
    %mul3A_117 = arith.constant 8 : i32
    %mul3A_118 = arith.muli %select_n3A, %mul3A_117 : i32
    %add3A_119 = arith.constant 5 : i32
    %add3A_120 = arith.addi %mul3A_118, %add3A_119 : i32
    %mul3A_121 = arith.constant 8 : i32
    %mul3A_122 = arith.muli %select_n3A, %mul3A_121 : i32
    %add3A_123 = arith.constant 6 : i32
    %add3A_124 = arith.addi %mul3A_122, %add3A_123 : i32
    %mul3A_125 = arith.constant 8 : i32
    %mul3A_126 = arith.muli %select_n3A, %mul3A_125 : i32
    %add3A_127 = arith.constant 6 : i32
    %add3A_128 = arith.addi %mul3A_126, %add3A_127 : i32
    %mul3A_129 = arith.constant 8 : i32
    %mul3A_130 = arith.muli %select_n3A, %mul3A_129 : i32
    %add3A_131 = arith.constant 7 : i32
    %add3A_132 = arith.addi %mul3A_130, %add3A_131 : i32
    %mul3A_133 = arith.constant 8 : i32
    %mul3A_134 = arith.muli %select_n3A, %mul3A_133 : i32
    %add3A_135 = arith.constant 7 : i32
    %add3A_136 = arith.addi %mul3A_134, %add3A_135 : i32
    %dma_wait3A_137 = arith.constant 0 : i32
    %dma_wait3A_138 = arith.constant 0 : i32
    %dma_wait3A_139 = arith.constant 0 : i32
    %dma_wait3A_140 = arith.constant 0 : i32
    %dma_wait3A_141 = tpu.memref_slice %arg9[%dma_wait3A_137, %dma_wait3A_139, %dma_wait3A_140] : memref<8x16x129xf32, #tpu.memory_space<vmem>> -> memref<1x8x128xf32, #tpu.memory_space<vmem>>
    %dma_wait3A_142 = tpu.memref_squeeze %dma_wait3A_141 : memref<1x8x128xf32, #tpu.memory_space<vmem>> -> memref<8x128xf32, #tpu.memory_space<vmem>>
    %dma_wait3A_143 = arith.constant 0 : i32
    %dma_wait3A_144 = arith.constant 0 : i32
    %dma_wait3A_145 = tpu.memref_slice %arg4[%add3A_76, %dma_wait3A_138, %select_n3A_72, %dma_wait3A_143, %dma_wait3A_144] : memref<200x2x128x8x128xf32, #tpu.memory_space<hbm>> -> memref<1x1x1x8x128xf32, #tpu.memory_space<hbm>>
    %dma_wait3A_146 = tpu.memref_squeeze %dma_wait3A_145 : memref<1x1x1x8x128xf32, #tpu.memory_space<hbm>> -> memref<8x128xf32, #tpu.memory_space<hbm>>
    %dma_wait3A_147 = arith.constant 0 : i32
    %dma_wait3A_148 = arith.constant 0 : i32
    %dma_wait3A_149 = tpu.memref_slice %arg4[%add3A_76, %dma_wait3A_138, %select_n3A_72, %dma_wait3A_147, %dma_wait3A_148] : memref<200x2x128x8x128xf32, #tpu.memory_space<hbm>> -> memref<1x1x1x8x128xf32, #tpu.memory_space<hbm>>
    %dma_wait3A_150 = tpu.memref_squeeze %dma_wait3A_149 : memref<1x1x1x8x128xf32, #tpu.memory_space<hbm>> -> memref<8x128xf32, #tpu.memory_space<hbm>>
    %dma_wait3A_151 = arith.constant 0 : i32
    %dma_wait3A_152 = arith.constant 0 : i32
    %dma_wait3A_153 = tpu.memref_slice %arg9[%dma_wait3A_137, %dma_wait3A_151, %dma_wait3A_152] : memref<8x16x129xf32, #tpu.memory_space<vmem>> -> memref<1x8x128xf32, #tpu.memory_space<vmem>>
    %dma_wait3A_154 = tpu.memref_squeeze %dma_wait3A_153 : memref<1x8x128xf32, #tpu.memory_space<vmem>> -> memref<8x128xf32, #tpu.memory_space<vmem>>
    tpu.wait_dma2 semaphore(%arg17 : memref<!tpu.dma_semaphore, #tpu.memory_space<semaphore_mem>>) src(%dma_wait3A_154 : memref<8x128xf32, #tpu.memory_space<vmem>>) dst(%dma_wait3A_150 : memref<8x128xf32, #tpu.memory_space<hbm>>)
    %dma_wait3A_155 = arith.constant 0 : i32
    %dma_wait3A_156 = arith.constant 1 : i32
    %dma_wait3A_157 = arith.constant 8 : i32
    %dma_wait3A_158 = arith.constant 0 : i32
    %dma_wait3A_159 = tpu.memref_slice %arg9[%dma_wait3A_155, %dma_wait3A_157, %dma_wait3A_158] : memref<8x16x129xf32, #tpu.memory_space<vmem>> -> memref<1x8x128xf32, #tpu.memory_space<vmem>>
    %dma_wait3A_160 = tpu.memref_squeeze %dma_wait3A_159 : memref<1x8x128xf32, #tpu.memory_space<vmem>> -> memref<8x128xf32, #tpu.memory_space<vmem>>
    %dma_wait3A_161 = arith.constant 0 : i32
    %dma_wait3A_162 = arith.constant 0 : i32
    %dma_wait3A_163 = tpu.memref_slice %arg4[%add3A_80, %dma_wait3A_156, %select_n3A_72, %dma_wait3A_161, %dma_wait3A_162] : memref<200x2x128x8x128xf32, #tpu.memory_space<hbm>> -> memref<1x1x1x8x128xf32, #tpu.memory_space<hbm>>
    %dma_wait3A_164 = tpu.memref_squeeze %dma_wait3A_163 : memref<1x1x1x8x128xf32, #tpu.memory_space<hbm>> -> memref<8x128xf32, #tpu.memory_space<hbm>>
    %dma_wait3A_165 = arith.constant 0 : i32
    %dma_wait3A_166 = arith.constant 0 : i32
    %dma_wait3A_167 = tpu.memref_slice %arg4[%add3A_80, %dma_wait3A_156, %select_n3A_72, %dma_wait3A_165, %dma_wait3A_166] : memref<200x2x128x8x128xf32, #tpu.memory_space<hbm>> -> memref<1x1x1x8x128xf32, #tpu.memory_space<hbm>>
    %dma_wait3A_168 = tpu.memref_squeeze %dma_wait3A_167 : memref<1x1x1x8x128xf32, #tpu.memory_space<hbm>> -> memref<8x128xf32, #tpu.memory_space<hbm>>
    %dma_wait3A_169 = arith.constant 8 : i32
    %dma_wait3A_170 = arith.constant 0 : i32
    %dma_wait3A_171 = tpu.memref_slice %arg9[%dma_wait3A_155, %dma_wait3A_169, %dma_wait3A_170] : memref<8x16x129xf32, #tpu.memory_space<vmem>> -> memref<1x8x128xf32, #tpu.memory_space<vmem>>
    %dma_wait3A_172 = tpu.memref_squeeze %dma_wait3A_171 : memref<1x8x128xf32, #tpu.memory_space<vmem>> -> memref<8x128xf32, #tpu.memory_space<vmem>>
    tpu.wait_dma2 semaphore(%arg17 : memref<!tpu.dma_semaphore, #tpu.memory_space<semaphore_mem>>) src(%dma_wait3A_172 : memref<8x128xf32, #tpu.memory_space<vmem>>) dst(%dma_wait3A_168 : memref<8x128xf32, #tpu.memory_space<hbm>>)
    %dma_wait3A_173 = arith.constant 1 : i32
    %dma_wait3A_174 = arith.constant 0 : i32
    %dma_wait3A_175 = arith.constant 0 : i32
    %dma_wait3A_176 = arith.constant 0 : i32
    %dma_wait3A_177 = tpu.memref_slice %arg9[%dma_wait3A_173, %dma_wait3A_175, %dma_wait3A_176] : memref<8x16x129xf32, #tpu.memory_space<vmem>> -> memref<1x8x128xf32, #tpu.memory_space<vmem>>
    %dma_wait3A_178 = tpu.memref_squeeze %dma_wait3A_177 : memref<1x8x128xf32, #tpu.memory_space<vmem>> -> memref<8x128xf32, #tpu.memory_space<vmem>>
    %dma_wait3A_179 = arith.constant 0 : i32
    %dma_wait3A_180 = arith.constant 0 : i32
    %dma_wait3A_181 = tpu.memref_slice %arg4[%add3A_84, %dma_wait3A_174, %select_n3A_72, %dma_wait3A_179, %dma_wait3A_180] : memref<200x2x128x8x128xf32, #tpu.memory_space<hbm>> -> memref<1x1x1x8x128xf32, #tpu.memory_space<hbm>>
    %dma_wait3A_182 = tpu.memref_squeeze %dma_wait3A_181 : memref<1x1x1x8x128xf32, #tpu.memory_space<hbm>> -> memref<8x128xf32, #tpu.memory_space<hbm>>
    %dma_wait3A_183 = arith.constant 0 : i32
    %dma_wait3A_184 = arith.constant 0 : i32
    %dma_wait3A_185 = tpu.memref_slice %arg4[%add3A_84, %dma_wait3A_174, %select_n3A_72, %dma_wait3A_183, %dma_wait3A_184] : memref<200x2x128x8x128xf32, #tpu.memory_space<hbm>> -> memref<1x1x1x8x128xf32, #tpu.memory_space<hbm>>
    %dma_wait3A_186 = tpu.memref_squeeze %dma_wait3A_185 : memref<1x1x1x8x128xf32, #tpu.memory_space<hbm>> -> memref<8x128xf32, #tpu.memory_space<hbm>>
    %dma_wait3A_187 = arith.constant 0 : i32
    %dma_wait3A_188 = arith.constant 0 : i32
    %dma_wait3A_189 = tpu.memref_slice %arg9[%dma_wait3A_173, %dma_wait3A_187, %dma_wait3A_188] : memref<8x16x129xf32, #tpu.memory_space<vmem>> -> memref<1x8x128xf32, #tpu.memory_space<vmem>>
    %dma_wait3A_190 = tpu.memref_squeeze %dma_wait3A_189 : memref<1x8x128xf32, #tpu.memory_space<vmem>> -> memref<8x128xf32, #tpu.memory_space<vmem>>
    tpu.wait_dma2 semaphore(%arg17 : memref<!tpu.dma_semaphore, #tpu.memory_space<semaphore_mem>>) src(%dma_wait3A_190 : memref<8x128xf32, #tpu.memory_space<vmem>>) dst(%dma_wait3A_186 : memref<8x128xf32, #tpu.memory_space<hbm>>)
    %dma_wait3A_191 = arith.constant 1 : i32
    %dma_wait3A_192 = arith.constant 1 : i32
    %dma_wait3A_193 = arith.constant 8 : i32
    %dma_wait3A_194 = arith.constant 0 : i32
    %dma_wait3A_195 = tpu.memref_slice %arg9[%dma_wait3A_191, %dma_wait3A_193, %dma_wait3A_194] : memref<8x16x129xf32, #tpu.memory_space<vmem>> -> memref<1x8x128xf32, #tpu.memory_space<vmem>>
    %dma_wait3A_196 = tpu.memref_squeeze %dma_wait3A_195 : memref<1x8x128xf32, #tpu.memory_space<vmem>> -> memref<8x128xf32, #tpu.memory_space<vmem>>
    %dma_wait3A_197 = arith.constant 0 : i32
    %dma_wait3A_198 = arith.constant 0 : i32
    %dma_wait3A_199 = tpu.memref_slice %arg4[%add3A_88, %dma_wait3A_192, %select_n3A_72, %dma_wait3A_197, %dma_wait3A_198] : memref<200x2x128x8x128xf32, #tpu.memory_space<hbm>> -> memref<1x1x1x8x128xf32, #tpu.memory_space<hbm>>
    %dma_wait3A_200 = tpu.memref_squeeze %dma_wait3A_199 : memref<1x1x1x8x128xf32, #tpu.memory_space<hbm>> -> memref<8x128xf32, #tpu.memory_space<hbm>>
    %dma_wait3A_201 = arith.constant 0 : i32
    %dma_wait3A_202 = arith.constant 0 : i32
    %dma_wait3A_203 = tpu.memref_slice %arg4[%add3A_88, %dma_wait3A_192, %select_n3A_72, %dma_wait3A_201, %dma_wait3A_202] : memref<200x2x128x8x128xf32, #tpu.memory_space<hbm>> -> memref<1x1x1x8x128xf32, #tpu.memory_space<hbm>>
    %dma_wait3A_204 = tpu.memref_squeeze %dma_wait3A_203 : memref<1x1x1x8x128xf32, #tpu.memory_space<hbm>> -> memref<8x128xf32, #tpu.memory_space<hbm>>
    %dma_wait3A_205 = arith.constant 8 : i32
    %dma_wait3A_206 = arith.constant 0 : i32
    %dma_wait3A_207 = tpu.memref_slice %arg9[%dma_wait3A_191, %dma_wait3A_205, %dma_wait3A_206] : memref<8x16x129xf32, #tpu.memory_space<vmem>> -> memref<1x8x128xf32, #tpu.memory_space<vmem>>
    %dma_wait3A_208 = tpu.memref_squeeze %dma_wait3A_207 : memref<1x8x128xf32, #tpu.memory_space<vmem>> -> memref<8x128xf32, #tpu.memory_space<vmem>>
    tpu.wait_dma2 semaphore(%arg17 : memref<!tpu.dma_semaphore, #tpu.memory_space<semaphore_mem>>) src(%dma_wait3A_208 : memref<8x128xf32, #tpu.memory_space<vmem>>) dst(%dma_wait3A_204 : memref<8x128xf32, #tpu.memory_space<hbm>>)
    %dma_wait3A_209 = arith.constant 2 : i32
    %dma_wait3A_210 = arith.constant 0 : i32
    %dma_wait3A_211 = arith.constant 0 : i32
    %dma_wait3A_212 = arith.constant 0 : i32
    %dma_wait3A_213 = tpu.memref_slice %arg9[%dma_wait3A_209, %dma_wait3A_211, %dma_wait3A_212] : memref<8x16x129xf32, #tpu.memory_space<vmem>> -> memref<1x8x128xf32, #tpu.memory_space<vmem>>
    %dma_wait3A_214 = tpu.memref_squeeze %dma_wait3A_213 : memref<1x8x128xf32, #tpu.memory_space<vmem>> -> memref<8x128xf32, #tpu.memory_space<vmem>>
    %dma_wait3A_215 = arith.constant 0 : i32
    %dma_wait3A_216 = arith.constant 0 : i32
    %dma_wait3A_217 = tpu.memref_slice %arg4[%add3A_92, %dma_wait3A_210, %select_n3A_72, %dma_wait3A_215, %dma_wait3A_216] : memref<200x2x128x8x128xf32, #tpu.memory_space<hbm>> -> memref<1x1x1x8x128xf32, #tpu.memory_space<hbm>>
    %dma_wait3A_218 = tpu.memref_squeeze %dma_wait3A_217 : memref<1x1x1x8x128xf32, #tpu.memory_space<hbm>> -> memref<8x128xf32, #tpu.memory_space<hbm>>
    %dma_wait3A_219 = arith.constant 0 : i32
    %dma_wait3A_220 = arith.constant 0 : i32
    %dma_wait3A_221 = tpu.memref_slice %arg4[%add3A_92, %dma_wait3A_210, %select_n3A_72, %dma_wait3A_219, %dma_wait3A_220] : memref<200x2x128x8x128xf32, #tpu.memory_space<hbm>> -> memref<1x1x1x8x128xf32, #tpu.memory_space<hbm>>
    %dma_wait3A_222 = tpu.memref_squeeze %dma_wait3A_221 : memref<1x1x1x8x128xf32, #tpu.memory_space<hbm>> -> memref<8x128xf32, #tpu.memory_space<hbm>>
    %dma_wait3A_223 = arith.constant 0 : i32
    %dma_wait3A_224 = arith.constant 0 : i32
    %dma_wait3A_225 = tpu.memref_slice %arg9[%dma_wait3A_209, %dma_wait3A_223, %dma_wait3A_224] : memref<8x16x129xf32, #tpu.memory_space<vmem>> -> memref<1x8x128xf32, #tpu.memory_space<vmem>>
    %dma_wait3A_226 = tpu.memref_squeeze %dma_wait3A_225 : memref<1x8x128xf32, #tpu.memory_space<vmem>> -> memref<8x128xf32, #tpu.memory_space<vmem>>
    tpu.wait_dma2 semaphore(%arg17 : memref<!tpu.dma_semaphore, #tpu.memory_space<semaphore_mem>>) src(%dma_wait3A_226 : memref<8x128xf32, #tpu.memory_space<vmem>>) dst(%dma_wait3A_222 : memref<8x128xf32, #tpu.memory_space<hbm>>)
    %dma_wait3A_227 = arith.constant 2 : i32
    %dma_wait3A_228 = arith.constant 1 : i32
    %dma_wait3A_229 = arith.constant 8 : i32
    %dma_wait3A_230 = arith.constant 0 : i32
    %dma_wait3A_231 = tpu.memref_slice %arg9[%dma_wait3A_227, %dma_wait3A_229, %dma_wait3A_230] : memref<8x16x129xf32, #tpu.memory_space<vmem>> -> memref<1x8x128xf32, #tpu.memory_space<vmem>>
    %dma_wait3A_232 = tpu.memref_squeeze %dma_wait3A_231 : memref<1x8x128xf32, #tpu.memory_space<vmem>> -> memref<8x128xf32, #tpu.memory_space<vmem>>
    %dma_wait3A_233 = arith.constant 0 : i32
    %dma_wait3A_234 = arith.constant 0 : i32
    %dma_wait3A_235 = tpu.memref_slice %arg4[%add3A_96, %dma_wait3A_228, %select_n3A_72, %dma_wait3A_233, %dma_wait3A_234] : memref<200x2x128x8x128xf32, #tpu.memory_space<hbm>> -> memref<1x1x1x8x128xf32, #tpu.memory_space<hbm>>
    %dma_wait3A_236 = tpu.memref_squeeze %dma_wait3A_235 : memref<1x1x1x8x128xf32, #tpu.memory_space<hbm>> -> memref<8x128xf32, #tpu.memory_space<hbm>>
    %dma_wait3A_237 = arith.constant 0 : i32
    %dma_wait3A_238 = arith.constant 0 : i32
    %dma_wait3A_239 = tpu.memref_slice %arg4[%add3A_96, %dma_wait3A_228, %select_n3A_72, %dma_wait3A_237, %dma_wait3A_238] : memref<200x2x128x8x128xf32, #tpu.memory_space<hbm>> -> memref<1x1x1x8x128xf32, #tpu.memory_space<hbm>>
    %dma_wait3A_240 = tpu.memref_squeeze %dma_wait3A_239 : memref<1x1x1x8x128xf32, #tpu.memory_space<hbm>> -> memref<8x128xf32, #tpu.memory_space<hbm>>
    %dma_wait3A_241 = arith.constant 8 : i32
    %dma_wait3A_242 = arith.constant 0 : i32
    %dma_wait3A_243 = tpu.memref_slice %arg9[%dma_wait3A_227, %dma_wait3A_241, %dma_wait3A_242] : memref<8x16x129xf32, #tpu.memory_space<vmem>> -> memref<1x8x128xf32, #tpu.memory_space<vmem>>
    %dma_wait3A_244 = tpu.memref_squeeze %dma_wait3A_243 : memref<1x8x128xf32, #tpu.memory_space<vmem>> -> memref<8x128xf32, #tpu.memory_space<vmem>>
    tpu.wait_dma2 semaphore(%arg17 : memref<!tpu.dma_semaphore, #tpu.memory_space<semaphore_mem>>) src(%dma_wait3A_244 : memref<8x128xf32, #tpu.memory_space<vmem>>) dst(%dma_wait3A_240 : memref<8x128xf32, #tpu.memory_space<hbm>>)
    %dma_wait3A_245 = arith.constant 3 : i32
    %dma_wait3A_246 = arith.constant 0 : i32
    %dma_wait3A_247 = arith.constant 0 : i32
    %dma_wait3A_248 = arith.constant 0 : i32
    %dma_wait3A_249 = tpu.memref_slice %arg9[%dma_wait3A_245, %dma_wait3A_247, %dma_wait3A_248] : memref<8x16x129xf32, #tpu.memory_space<vmem>> -> memref<1x8x128xf32, #tpu.memory_space<vmem>>
    %dma_wait3A_250 = tpu.memref_squeeze %dma_wait3A_249 : memref<1x8x128xf32, #tpu.memory_space<vmem>> -> memref<8x128xf32, #tpu.memory_space<vmem>>
    %dma_wait3A_251 = arith.constant 0 : i32
    %dma_wait3A_252 = arith.constant 0 : i32
    %dma_wait3A_253 = tpu.memref_slice %arg4[%add3A_100, %dma_wait3A_246, %select_n3A_72, %dma_wait3A_251, %dma_wait3A_252] : memref<200x2x128x8x128xf32, #tpu.memory_space<hbm>> -> memref<1x1x1x8x128xf32, #tpu.memory_space<hbm>>
    %dma_wait3A_254 = tpu.memref_squeeze %dma_wait3A_253 : memref<1x1x1x8x128xf32, #tpu.memory_space<hbm>> -> memref<8x128xf32, #tpu.memory_space<hbm>>
    %dma_wait3A_255 = arith.constant 0 : i32
    %dma_wait3A_256 = arith.constant 0 : i32
    %dma_wait3A_257 = tpu.memref_slice %arg4[%add3A_100, %dma_wait3A_246, %select_n3A_72, %dma_wait3A_255, %dma_wait3A_256] : memref<200x2x128x8x128xf32, #tpu.memory_space<hbm>> -> memref<1x1x1x8x128xf32, #tpu.memory_space<hbm>>
    %dma_wait3A_258 = tpu.memref_squeeze %dma_wait3A_257 : memref<1x1x1x8x128xf32, #tpu.memory_space<hbm>> -> memref<8x128xf32, #tpu.memory_space<hbm>>
    %dma_wait3A_259 = arith.constant 0 : i32
    %dma_wait3A_260 = arith.constant 0 : i32
    %dma_wait3A_261 = tpu.memref_slice %arg9[%dma_wait3A_245, %dma_wait3A_259, %dma_wait3A_260] : memref<8x16x129xf32, #tpu.memory_space<vmem>> -> memref<1x8x128xf32, #tpu.memory_space<vmem>>
    %dma_wait3A_262 = tpu.memref_squeeze %dma_wait3A_261 : memref<1x8x128xf32, #tpu.memory_space<vmem>> -> memref<8x128xf32, #tpu.memory_space<vmem>>
    tpu.wait_dma2 semaphore(%arg17 : memref<!tpu.dma_semaphore, #tpu.memory_space<semaphore_mem>>) src(%dma_wait3A_262 : memref<8x128xf32, #tpu.memory_space<vmem>>) dst(%dma_wait3A_258 : memref<8x128xf32, #tpu.memory_space<hbm>>)
    %dma_wait3A_263 = arith.constant 3 : i32
    %dma_wait3A_264 = arith.constant 1 : i32
    %dma_wait3A_265 = arith.constant 8 : i32
    %dma_wait3A_266 = arith.constant 0 : i32
    %dma_wait3A_267 = tpu.memref_slice %arg9[%dma_wait3A_263, %dma_wait3A_265, %dma_wait3A_266] : memref<8x16x129xf32, #tpu.memory_space<vmem>> -> memref<1x8x128xf32, #tpu.memory_space<vmem>>
    %dma_wait3A_268 = tpu.memref_squeeze %dma_wait3A_267 : memref<1x8x128xf32, #tpu.memory_space<vmem>> -> memref<8x128xf32, #tpu.memory_space<vmem>>
    %dma_wait3A_269 = arith.constant 0 : i32
    %dma_wait3A_270 = arith.constant 0 : i32
    %dma_wait3A_271 = tpu.memref_slice %arg4[%add3A_104, %dma_wait3A_264, %select_n3A_72, %dma_wait3A_269, %dma_wait3A_270] : memref<200x2x128x8x128xf32, #tpu.memory_space<hbm>> -> memref<1x1x1x8x128xf32, #tpu.memory_space<hbm>>
    %dma_wait3A_272 = tpu.memref_squeeze %dma_wait3A_271 : memref<1x1x1x8x128xf32, #tpu.memory_space<hbm>> -> memref<8x128xf32, #tpu.memory_space<hbm>>
    %dma_wait3A_273 = arith.constant 0 : i32
    %dma_wait3A_274 = arith.constant 0 : i32
    %dma_wait3A_275 = tpu.memref_slice %arg4[%add3A_104, %dma_wait3A_264, %select_n3A_72, %dma_wait3A_273, %dma_wait3A_274] : memref<200x2x128x8x128xf32, #tpu.memory_space<hbm>> -> memref<1x1x1x8x128xf32, #tpu.memory_space<hbm>>
    %dma_wait3A_276 = tpu.memref_squeeze %dma_wait3A_275 : memref<1x1x1x8x128xf32, #tpu.memory_space<hbm>> -> memref<8x128xf32, #tpu.memory_space<hbm>>
    %dma_wait3A_277 = arith.constant 8 : i32
    %dma_wait3A_278 = arith.constant 0 : i32
    %dma_wait3A_279 = tpu.memref_slice %arg9[%dma_wait3A_263, %dma_wait3A_277, %dma_wait3A_278] : memref<8x16x129xf32, #tpu.memory_space<vmem>> -> memref<1x8x128xf32, #tpu.memory_space<vmem>>
    %dma_wait3A_280 = tpu.memref_squeeze %dma_wait3A_279 : memref<1x8x128xf32, #tpu.memory_space<vmem>> -> memref<8x128xf32, #tpu.memory_space<vmem>>
    tpu.wait_dma2 semaphore(%arg17 : memref<!tpu.dma_semaphore, #tpu.memory_space<semaphore_mem>>) src(%dma_wait3A_280 : memref<8x128xf32, #tpu.memory_space<vmem>>) dst(%dma_wait3A_276 : memref<8x128xf32, #tpu.memory_space<hbm>>)
    %dma_wait3A_281 = arith.constant 4 : i32
    %dma_wait3A_282 = arith.constant 0 : i32
    %dma_wait3A_283 = arith.constant 0 : i32
    %dma_wait3A_284 = arith.constant 0 : i32
    %dma_wait3A_285 = tpu.memref_slice %arg9[%dma_wait3A_281, %dma_wait3A_283, %dma_wait3A_284] : memref<8x16x129xf32, #tpu.memory_space<vmem>> -> memref<1x8x128xf32, #tpu.memory_space<vmem>>
    %dma_wait3A_286 = tpu.memref_squeeze %dma_wait3A_285 : memref<1x8x128xf32, #tpu.memory_space<vmem>> -> memref<8x128xf32, #tpu.memory_space<vmem>>
    %dma_wait3A_287 = arith.constant 0 : i32
    %dma_wait3A_288 = arith.constant 0 : i32
    %dma_wait3A_289 = tpu.memref_slice %arg4[%add3A_108, %dma_wait3A_282, %select_n3A_72, %dma_wait3A_287, %dma_wait3A_288] : memref<200x2x128x8x128xf32, #tpu.memory_space<hbm>> -> memref<1x1x1x8x128xf32, #tpu.memory_space<hbm>>
    %dma_wait3A_290 = tpu.memref_squeeze %dma_wait3A_289 : memref<1x1x1x8x128xf32, #tpu.memory_space<hbm>> -> memref<8x128xf32, #tpu.memory_space<hbm>>
    %dma_wait3A_291 = arith.constant 0 : i32
    %dma_wait3A_292 = arith.constant 0 : i32
    %dma_wait3A_293 = tpu.memref_slice %arg4[%add3A_108, %dma_wait3A_282, %select_n3A_72, %dma_wait3A_291, %dma_wait3A_292] : memref<200x2x128x8x128xf32, #tpu.memory_space<hbm>> -> memref<1x1x1x8x128xf32, #tpu.memory_space<hbm>>
    %dma_wait3A_294 = tpu.memref_squeeze %dma_wait3A_293 : memref<1x1x1x8x128xf32, #tpu.memory_space<hbm>> -> memref<8x128xf32, #tpu.memory_space<hbm>>
    %dma_wait3A_295 = arith.constant 0 : i32
    %dma_wait3A_296 = arith.constant 0 : i32
    %dma_wait3A_297 = tpu.memref_slice %arg9[%dma_wait3A_281, %dma_wait3A_295, %dma_wait3A_296] : memref<8x16x129xf32, #tpu.memory_space<vmem>> -> memref<1x8x128xf32, #tpu.memory_space<vmem>>
    %dma_wait3A_298 = tpu.memref_squeeze %dma_wait3A_297 : memref<1x8x128xf32, #tpu.memory_space<vmem>> -> memref<8x128xf32, #tpu.memory_space<vmem>>
    tpu.wait_dma2 semaphore(%arg17 : memref<!tpu.dma_semaphore, #tpu.memory_space<semaphore_mem>>) src(%dma_wait3A_298 : memref<8x128xf32, #tpu.memory_space<vmem>>) dst(%dma_wait3A_294 : memref<8x128xf32, #tpu.memory_space<hbm>>)
    %dma_wait3A_299 = arith.constant 4 : i32
    %dma_wait3A_300 = arith.constant 1 : i32
    %dma_wait3A_301 = arith.constant 8 : i32
    %dma_wait3A_302 = arith.constant 0 : i32
    %dma_wait3A_303 = tpu.memref_slice %arg9[%dma_wait3A_299, %dma_wait3A_301, %dma_wait3A_302] : memref<8x16x129xf32, #tpu.memory_space<vmem>> -> memref<1x8x128xf32, #tpu.memory_space<vmem>>
    %dma_wait3A_304 = tpu.memref_squeeze %dma_wait3A_303 : memref<1x8x128xf32, #tpu.memory_space<vmem>> -> memref<8x128xf32, #tpu.memory_space<vmem>>
    %dma_wait3A_305 = arith.constant 0 : i32
    %dma_wait3A_306 = arith.constant 0 : i32
    %dma_wait3A_307 = tpu.memref_slice %arg4[%add3A_112, %dma_wait3A_300, %select_n3A_72, %dma_wait3A_305, %dma_wait3A_306] : memref<200x2x128x8x128xf32, #tpu.memory_space<hbm>> -> memref<1x1x1x8x128xf32, #tpu.memory_space<hbm>>
    %dma_wait3A_308 = tpu.memref_squeeze %dma_wait3A_307 : memref<1x1x1x8x128xf32, #tpu.memory_space<hbm>> -> memref<8x128xf32, #tpu.memory_space<hbm>>
    %dma_wait3A_309 = arith.constant 0 : i32
    %dma_wait3A_310 = arith.constant 0 : i32
    %dma_wait3A_311 = tpu.memref_slice %arg4[%add3A_112, %dma_wait3A_300, %select_n3A_72, %dma_wait3A_309, %dma_wait3A_310] : memref<200x2x128x8x128xf32, #tpu.memory_space<hbm>> -> memref<1x1x1x8x128xf32, #tpu.memory_space<hbm>>
    %dma_wait3A_312 = tpu.memref_squeeze %dma_wait3A_311 : memref<1x1x1x8x128xf32, #tpu.memory_space<hbm>> -> memref<8x128xf32, #tpu.memory_space<hbm>>
    %dma_wait3A_313 = arith.constant 8 : i32
    %dma_wait3A_314 = arith.constant 0 : i32
    %dma_wait3A_315 = tpu.memref_slice %arg9[%dma_wait3A_299, %dma_wait3A_313, %dma_wait3A_314] : memref<8x16x129xf32, #tpu.memory_space<vmem>> -> memref<1x8x128xf32, #tpu.memory_space<vmem>>
    %dma_wait3A_316 = tpu.memref_squeeze %dma_wait3A_315 : memref<1x8x128xf32, #tpu.memory_space<vmem>> -> memref<8x128xf32, #tpu.memory_space<vmem>>
    tpu.wait_dma2 semaphore(%arg17 : memref<!tpu.dma_semaphore, #tpu.memory_space<semaphore_mem>>) src(%dma_wait3A_316 : memref<8x128xf32, #tpu.memory_space<vmem>>) dst(%dma_wait3A_312 : memref<8x128xf32, #tpu.memory_space<hbm>>)
    %dma_wait3A_317 = arith.constant 5 : i32
    %dma_wait3A_318 = arith.constant 0 : i32
    %dma_wait3A_319 = arith.constant 0 : i32
    %dma_wait3A_320 = arith.constant 0 : i32
    %dma_wait3A_321 = tpu.memref_slice %arg9[%dma_wait3A_317, %dma_wait3A_319, %dma_wait3A_320] : memref<8x16x129xf32, #tpu.memory_space<vmem>> -> memref<1x8x128xf32, #tpu.memory_space<vmem>>
    %dma_wait3A_322 = tpu.memref_squeeze %dma_wait3A_321 : memref<1x8x128xf32, #tpu.memory_space<vmem>> -> memref<8x128xf32, #tpu.memory_space<vmem>>
    %dma_wait3A_323 = arith.constant 0 : i32
    %dma_wait3A_324 = arith.constant 0 : i32
    %dma_wait3A_325 = tpu.memref_slice %arg4[%add3A_116, %dma_wait3A_318, %select_n3A_72, %dma_wait3A_323, %dma_wait3A_324] : memref<200x2x128x8x128xf32, #tpu.memory_space<hbm>> -> memref<1x1x1x8x128xf32, #tpu.memory_space<hbm>>
    %dma_wait3A_326 = tpu.memref_squeeze %dma_wait3A_325 : memref<1x1x1x8x128xf32, #tpu.memory_space<hbm>> -> memref<8x128xf32, #tpu.memory_space<hbm>>
    %dma_wait3A_327 = arith.constant 0 : i32
    %dma_wait3A_328 = arith.constant 0 : i32
    %dma_wait3A_329 = tpu.memref_slice %arg4[%add3A_116, %dma_wait3A_318, %select_n3A_72, %dma_wait3A_327, %dma_wait3A_328] : memref<200x2x128x8x128xf32, #tpu.memory_space<hbm>> -> memref<1x1x1x8x128xf32, #tpu.memory_space<hbm>>
    %dma_wait3A_330 = tpu.memref_squeeze %dma_wait3A_329 : memref<1x1x1x8x128xf32, #tpu.memory_space<hbm>> -> memref<8x128xf32, #tpu.memory_space<hbm>>
    %dma_wait3A_331 = arith.constant 0 : i32
    %dma_wait3A_332 = arith.constant 0 : i32
    %dma_wait3A_333 = tpu.memref_slice %arg9[%dma_wait3A_317, %dma_wait3A_331, %dma_wait3A_332] : memref<8x16x129xf32, #tpu.memory_space<vmem>> -> memref<1x8x128xf32, #tpu.memory_space<vmem>>
    %dma_wait3A_334 = tpu.memref_squeeze %dma_wait3A_333 : memref<1x8x128xf32, #tpu.memory_space<vmem>> -> memref<8x128xf32, #tpu.memory_space<vmem>>
    tpu.wait_dma2 semaphore(%arg17 : memref<!tpu.dma_semaphore, #tpu.memory_space<semaphore_mem>>) src(%dma_wait3A_334 : memref<8x128xf32, #tpu.memory_space<vmem>>) dst(%dma_wait3A_330 : memref<8x128xf32, #tpu.memory_space<hbm>>)
    %dma_wait3A_335 = arith.constant 5 : i32
    %dma_wait3A_336 = arith.constant 1 : i32
    %dma_wait3A_337 = arith.constant 8 : i32
    %dma_wait3A_338 = arith.constant 0 : i32
    %dma_wait3A_339 = tpu.memref_slice %arg9[%dma_wait3A_335, %dma_wait3A_337, %dma_wait3A_338] : memref<8x16x129xf32, #tpu.memory_space<vmem>> -> memref<1x8x128xf32, #tpu.memory_space<vmem>>
    %dma_wait3A_340 = tpu.memref_squeeze %dma_wait3A_339 : memref<1x8x128xf32, #tpu.memory_space<vmem>> -> memref<8x128xf32, #tpu.memory_space<vmem>>
    %dma_wait3A_341 = arith.constant 0 : i32
    %dma_wait3A_342 = arith.constant 0 : i32
    %dma_wait3A_343 = tpu.memref_slice %arg4[%add3A_120, %dma_wait3A_336, %select_n3A_72, %dma_wait3A_341, %dma_wait3A_342] : memref<200x2x128x8x128xf32, #tpu.memory_space<hbm>> -> memref<1x1x1x8x128xf32, #tpu.memory_space<hbm>>
    %dma_wait3A_344 = tpu.memref_squeeze %dma_wait3A_343 : memref<1x1x1x8x128xf32, #tpu.memory_space<hbm>> -> memref<8x128xf32, #tpu.memory_space<hbm>>
    %dma_wait3A_345 = arith.constant 0 : i32
    %dma_wait3A_346 = arith.constant 0 : i32
    %dma_wait3A_347 = tpu.memref_slice %arg4[%add3A_120, %dma_wait3A_336, %select_n3A_72, %dma_wait3A_345, %dma_wait3A_346] : memref<200x2x128x8x128xf32, #tpu.memory_space<hbm>> -> memref<1x1x1x8x128xf32, #tpu.memory_space<hbm>>
    %dma_wait3A_348 = tpu.memref_squeeze %dma_wait3A_347 : memref<1x1x1x8x128xf32, #tpu.memory_space<hbm>> -> memref<8x128xf32, #tpu.memory_space<hbm>>
    %dma_wait3A_349 = arith.constant 8 : i32
    %dma_wait3A_350 = arith.constant 0 : i32
    %dma_wait3A_351 = tpu.memref_slice %arg9[%dma_wait3A_335, %dma_wait3A_349, %dma_wait3A_350] : memref<8x16x129xf32, #tpu.memory_space<vmem>> -> memref<1x8x128xf32, #tpu.memory_space<vmem>>
    %dma_wait3A_352 = tpu.memref_squeeze %dma_wait3A_351 : memref<1x8x128xf32, #tpu.memory_space<vmem>> -> memref<8x128xf32, #tpu.memory_space<vmem>>
    tpu.wait_dma2 semaphore(%arg17 : memref<!tpu.dma_semaphore, #tpu.memory_space<semaphore_mem>>) src(%dma_wait3A_352 : memref<8x128xf32, #tpu.memory_space<vmem>>) dst(%dma_wait3A_348 : memref<8x128xf32, #tpu.memory_space<hbm>>)
    %dma_wait3A_353 = arith.constant 6 : i32
    %dma_wait3A_354 = arith.constant 0 : i32
    %dma_wait3A_355 = arith.constant 0 : i32
    %dma_wait3A_356 = arith.constant 0 : i32
    %dma_wait3A_357 = tpu.memref_slice %arg9[%dma_wait3A_353, %dma_wait3A_355, %dma_wait3A_356] : memref<8x16x129xf32, #tpu.memory_space<vmem>> -> memref<1x8x128xf32, #tpu.memory_space<vmem>>
    %dma_wait3A_358 = tpu.memref_squeeze %dma_wait3A_357 : memref<1x8x128xf32, #tpu.memory_space<vmem>> -> memref<8x128xf32, #tpu.memory_space<vmem>>
    %dma_wait3A_359 = arith.constant 0 : i32
    %dma_wait3A_360 = arith.constant 0 : i32
    %dma_wait3A_361 = tpu.memref_slice %arg4[%add3A_124, %dma_wait3A_354, %select_n3A_72, %dma_wait3A_359, %dma_wait3A_360] : memref<200x2x128x8x128xf32, #tpu.memory_space<hbm>> -> memref<1x1x1x8x128xf32, #tpu.memory_space<hbm>>
    %dma_wait3A_362 = tpu.memref_squeeze %dma_wait3A_361 : memref<1x1x1x8x128xf32, #tpu.memory_space<hbm>> -> memref<8x128xf32, #tpu.memory_space<hbm>>
    %dma_wait3A_363 = arith.constant 0 : i32
    %dma_wait3A_364 = arith.constant 0 : i32
    %dma_wait3A_365 = tpu.memref_slice %arg4[%add3A_124, %dma_wait3A_354, %select_n3A_72, %dma_wait3A_363, %dma_wait3A_364] : memref<200x2x128x8x128xf32, #tpu.memory_space<hbm>> -> memref<1x1x1x8x128xf32, #tpu.memory_space<hbm>>
    %dma_wait3A_366 = tpu.memref_squeeze %dma_wait3A_365 : memref<1x1x1x8x128xf32, #tpu.memory_space<hbm>> -> memref<8x128xf32, #tpu.memory_space<hbm>>
    %dma_wait3A_367 = arith.constant 0 : i32
    %dma_wait3A_368 = arith.constant 0 : i32
    %dma_wait3A_369 = tpu.memref_slice %arg9[%dma_wait3A_353, %dma_wait3A_367, %dma_wait3A_368] : memref<8x16x129xf32, #tpu.memory_space<vmem>> -> memref<1x8x128xf32, #tpu.memory_space<vmem>>
    %dma_wait3A_370 = tpu.memref_squeeze %dma_wait3A_369 : memref<1x8x128xf32, #tpu.memory_space<vmem>> -> memref<8x128xf32, #tpu.memory_space<vmem>>
    tpu.wait_dma2 semaphore(%arg17 : memref<!tpu.dma_semaphore, #tpu.memory_space<semaphore_mem>>) src(%dma_wait3A_370 : memref<8x128xf32, #tpu.memory_space<vmem>>) dst(%dma_wait3A_366 : memref<8x128xf32, #tpu.memory_space<hbm>>)
    %dma_wait3A_371 = arith.constant 6 : i32
    %dma_wait3A_372 = arith.constant 1 : i32
    %dma_wait3A_373 = arith.constant 8 : i32
    %dma_wait3A_374 = arith.constant 0 : i32
    %dma_wait3A_375 = tpu.memref_slice %arg9[%dma_wait3A_371, %dma_wait3A_373, %dma_wait3A_374] : memref<8x16x129xf32, #tpu.memory_space<vmem>> -> memref<1x8x128xf32, #tpu.memory_space<vmem>>
    %dma_wait3A_376 = tpu.memref_squeeze %dma_wait3A_375 : memref<1x8x128xf32, #tpu.memory_space<vmem>> -> memref<8x128xf32, #tpu.memory_space<vmem>>
    %dma_wait3A_377 = arith.constant 0 : i32
    %dma_wait3A_378 = arith.constant 0 : i32
    %dma_wait3A_379 = tpu.memref_slice %arg4[%add3A_128, %dma_wait3A_372, %select_n3A_72, %dma_wait3A_377, %dma_wait3A_378] : memref<200x2x128x8x128xf32, #tpu.memory_space<hbm>> -> memref<1x1x1x8x128xf32, #tpu.memory_space<hbm>>
    %dma_wait3A_380 = tpu.memref_squeeze %dma_wait3A_379 : memref<1x1x1x8x128xf32, #tpu.memory_space<hbm>> -> memref<8x128xf32, #tpu.memory_space<hbm>>
    %dma_wait3A_381 = arith.constant 0 : i32
    %dma_wait3A_382 = arith.constant 0 : i32
    %dma_wait3A_383 = tpu.memref_slice %arg4[%add3A_128, %dma_wait3A_372, %select_n3A_72, %dma_wait3A_381, %dma_wait3A_382] : memref<200x2x128x8x128xf32, #tpu.memory_space<hbm>> -> memref<1x1x1x8x128xf32, #tpu.memory_space<hbm>>
    %dma_wait3A_384 = tpu.memref_squeeze %dma_wait3A_383 : memref<1x1x1x8x128xf32, #tpu.memory_space<hbm>> -> memref<8x128xf32, #tpu.memory_space<hbm>>
    %dma_wait3A_385 = arith.constant 8 : i32
    %dma_wait3A_386 = arith.constant 0 : i32
    %dma_wait3A_387 = tpu.memref_slice %arg9[%dma_wait3A_371, %dma_wait3A_385, %dma_wait3A_386] : memref<8x16x129xf32, #tpu.memory_space<vmem>> -> memref<1x8x128xf32, #tpu.memory_space<vmem>>
    %dma_wait3A_388 = tpu.memref_squeeze %dma_wait3A_387 : memref<1x8x128xf32, #tpu.memory_space<vmem>> -> memref<8x128xf32, #tpu.memory_space<vmem>>
    tpu.wait_dma2 semaphore(%arg17 : memref<!tpu.dma_semaphore, #tpu.memory_space<semaphore_mem>>) src(%dma_wait3A_388 : memref<8x128xf32, #tpu.memory_space<vmem>>) dst(%dma_wait3A_384 : memref<8x128xf32, #tpu.memory_space<hbm>>)
    %dma_wait3A_389 = arith.constant 7 : i32
    %dma_wait3A_390 = arith.constant 0 : i32
    %dma_wait3A_391 = arith.constant 0 : i32
    %dma_wait3A_392 = arith.constant 0 : i32
    %dma_wait3A_393 = tpu.memref_slice %arg9[%dma_wait3A_389, %dma_wait3A_391, %dma_wait3A_392] : memref<8x16x129xf32, #tpu.memory_space<vmem>> -> memref<1x8x128xf32, #tpu.memory_space<vmem>>
    %dma_wait3A_394 = tpu.memref_squeeze %dma_wait3A_393 : memref<1x8x128xf32, #tpu.memory_space<vmem>> -> memref<8x128xf32, #tpu.memory_space<vmem>>
    %dma_wait3A_395 = arith.constant 0 : i32
    %dma_wait3A_396 = arith.constant 0 : i32
    %dma_wait3A_397 = tpu.memref_slice %arg4[%add3A_132, %dma_wait3A_390, %select_n3A_72, %dma_wait3A_395, %dma_wait3A_396] : memref<200x2x128x8x128xf32, #tpu.memory_space<hbm>> -> memref<1x1x1x8x128xf32, #tpu.memory_space<hbm>>
    %dma_wait3A_398 = tpu.memref_squeeze %dma_wait3A_397 : memref<1x1x1x8x128xf32, #tpu.memory_space<hbm>> -> memref<8x128xf32, #tpu.memory_space<hbm>>
    %dma_wait3A_399 = arith.constant 0 : i32
    %dma_wait3A_400 = arith.constant 0 : i32
    %dma_wait3A_401 = tpu.memref_slice %arg4[%add3A_132, %dma_wait3A_390, %select_n3A_72, %dma_wait3A_399, %dma_wait3A_400] : memref<200x2x128x8x128xf32, #tpu.memory_space<hbm>> -> memref<1x1x1x8x128xf32, #tpu.memory_space<hbm>>
    %dma_wait3A_402 = tpu.memref_squeeze %dma_wait3A_401 : memref<1x1x1x8x128xf32, #tpu.memory_space<hbm>> -> memref<8x128xf32, #tpu.memory_space<hbm>>
    %dma_wait3A_403 = arith.constant 0 : i32
    %dma_wait3A_404 = arith.constant 0 : i32
    %dma_wait3A_405 = tpu.memref_slice %arg9[%dma_wait3A_389, %dma_wait3A_403, %dma_wait3A_404] : memref<8x16x129xf32, #tpu.memory_space<vmem>> -> memref<1x8x128xf32, #tpu.memory_space<vmem>>
    %dma_wait3A_406 = tpu.memref_squeeze %dma_wait3A_405 : memref<1x8x128xf32, #tpu.memory_space<vmem>> -> memref<8x128xf32, #tpu.memory_space<vmem>>
    tpu.wait_dma2 semaphore(%arg17 : memref<!tpu.dma_semaphore, #tpu.memory_space<semaphore_mem>>) src(%dma_wait3A_406 : memref<8x128xf32, #tpu.memory_space<vmem>>) dst(%dma_wait3A_402 : memref<8x128xf32, #tpu.memory_space<hbm>>)
    %dma_wait3A_407 = arith.constant 7 : i32
    %dma_wait3A_408 = arith.constant 1 : i32
    %dma_wait3A_409 = arith.constant 8 : i32
    %dma_wait3A_410 = arith.constant 0 : i32
    %dma_wait3A_411 = tpu.memref_slice %arg9[%dma_wait3A_407, %dma_wait3A_409, %dma_wait3A_410] : memref<8x16x129xf32, #tpu.memory_space<vmem>> -> memref<1x8x128xf32, #tpu.memory_space<vmem>>
    %dma_wait3A_412 = tpu.memref_squeeze %dma_wait3A_411 : memref<1x8x128xf32, #tpu.memory_space<vmem>> -> memref<8x128xf32, #tpu.memory_space<vmem>>
    %dma_wait3A_413 = arith.constant 0 : i32
    %dma_wait3A_414 = arith.constant 0 : i32
    %dma_wait3A_415 = tpu.memref_slice %arg4[%add3A_136, %dma_wait3A_408, %select_n3A_72, %dma_wait3A_413, %dma_wait3A_414] : memref<200x2x128x8x128xf32, #tpu.memory_space<hbm>> -> memref<1x1x1x8x128xf32, #tpu.memory_space<hbm>>
    %dma_wait3A_416 = tpu.memref_squeeze %dma_wait3A_415 : memref<1x1x1x8x128xf32, #tpu.memory_space<hbm>> -> memref<8x128xf32, #tpu.memory_space<hbm>>
    %dma_wait3A_417 = arith.constant 0 : i32
    %dma_wait3A_418 = arith.constant 0 : i32
    %dma_wait3A_419 = tpu.memref_slice %arg4[%add3A_136, %dma_wait3A_408, %select_n3A_72, %dma_wait3A_417, %dma_wait3A_418] : memref<200x2x128x8x128xf32, #tpu.memory_space<hbm>> -> memref<1x1x1x8x128xf32, #tpu.memory_space<hbm>>
    %dma_wait3A_420 = tpu.memref_squeeze %dma_wait3A_419 : memref<1x1x1x8x128xf32, #tpu.memory_space<hbm>> -> memref<8x128xf32, #tpu.memory_space<hbm>>
    %dma_wait3A_421 = arith.constant 8 : i32
    %dma_wait3A_422 = arith.constant 0 : i32
    %dma_wait3A_423 = tpu.memref_slice %arg9[%dma_wait3A_407, %dma_wait3A_421, %dma_wait3A_422] : memref<8x16x129xf32, #tpu.memory_space<vmem>> -> memref<1x8x128xf32, #tpu.memory_space<vmem>>
    %dma_wait3A_424 = tpu.memref_squeeze %dma_wait3A_423 : memref<1x8x128xf32, #tpu.memory_space<vmem>> -> memref<8x128xf32, #tpu.memory_space<vmem>>
    tpu.wait_dma2 semaphore(%arg17 : memref<!tpu.dma_semaphore, #tpu.memory_space<semaphore_mem>>) src(%dma_wait3A_424 : memref<8x128xf32, #tpu.memory_space<vmem>>) dst(%dma_wait3A_420 : memref<8x128xf32, #tpu.memory_space<hbm>>)
    %add3A_425 = arith.constant 99 : i32
    %add3A_426 = arith.addi %mul3A_2, %add3A_425 : i32
    %jit3A_427 = arith.constant 128 : i32
    %div3A_428 = arith.divsi %add3A_426, %jit3A_427 : i32
    %sign3A_429 = arith.constant 0 : i32
    %sign3A_430 = arith.cmpi sgt, %add3A_426, %sign3A_429 : i32
    %sign3A_431 = arith.extui %sign3A_430 : i1 to i32
    %sign3A_432 = arith.constant 0 : i32
    %sign3A_433 = arith.cmpi slt, %add3A_426, %sign3A_432 : i32
    %sign3A_434 = arith.extui %sign3A_433 : i1 to i32
    %sign3A_435 = arith.subi %sign3A_431, %sign3A_434 : i32
    %sign3A_436 = arith.constant 0 : i32
    %sign3A_437 = arith.cmpi sgt, %jit3A_427, %sign3A_436 : i32
    %sign3A_438 = arith.extui %sign3A_437 : i1 to i32
    %sign3A_439 = arith.constant 0 : i32
    %sign3A_440 = arith.cmpi slt, %jit3A_427, %sign3A_439 : i32
    %sign3A_441 = arith.extui %sign3A_440 : i1 to i32
    %sign3A_442 = arith.subi %sign3A_438, %sign3A_441 : i32
    %ne3A_443 = arith.cmpi ne, %sign3A_435, %sign3A_442 : i32
    %rem3A_444 = arith.remsi %add3A_426, %jit3A_427 : i32
    %ne3A_445 = arith.constant 0 : i32
    %ne3A_446 = arith.cmpi ne, %rem3A_444, %ne3A_445 : i32
    %and3A_447 = arith.andi %ne3A_443, %ne3A_446 : i1
    %sub3A_448 = arith.constant 1 : i32
    %sub3A_449 = arith.subi %div3A_428, %sub3A_448 : i32
    %select_n3A_450 = arith.select %and3A_447, %sub3A_449, %div3A_428 : i32
    %jit3A_451 = arith.constant 128 : i32
    %eq3A_452 = arith.constant 0 : i32
    %eq3A_453 = arith.cmpi eq, %jit3A_451, %eq3A_452 : i32
    %jit3A_454 = arith.constant 1 : i32
    %select_n3A_455 = arith.select %eq3A_453, %jit3A_454, %jit3A_451 : i32
    %rem3A_456 = arith.remsi %add3A_426, %select_n3A_455 : i32
    %ne3A_457 = arith.constant 0 : i32
    %ne3A_458 = arith.cmpi ne, %rem3A_456, %ne3A_457 : i32
    %lt3A_459 = arith.constant 0 : i32
    %lt3A_460 = arith.cmpi slt, %rem3A_456, %lt3A_459 : i32
    %lt3A_461 = arith.constant 0 : i32
    %lt3A_462 = arith.cmpi slt, %select_n3A_455, %lt3A_461 : i32
    %ne3A_463 = arith.xori %lt3A_460, %lt3A_462 : i1
    %and3A_464 = arith.andi %ne3A_463, %ne3A_458 : i1
    %add3A_465 = arith.addi %rem3A_456, %select_n3A_455 : i32
    %select_n3A_466 = arith.select %and3A_464, %add3A_465, %rem3A_456 : i32
    %mul3A_467 = arith.constant 8 : i32
    %mul3A_468 = arith.muli %select_n3A_450, %mul3A_467 : i32
    %add3A_469 = arith.constant 0 : i32
    %add3A_470 = arith.addi %mul3A_468, %add3A_469 : i32
    %mul3A_471 = arith.constant 8 : i32
    %mul3A_472 = arith.muli %select_n3A_450, %mul3A_471 : i32
    %add3A_473 = arith.constant 0 : i32
    %add3A_474 = arith.addi %mul3A_472, %add3A_473 : i32
    %mul3A_475 = arith.constant 8 : i32
    %mul3A_476 = arith.muli %select_n3A_450, %mul3A_475 : i32
    %add3A_477 = arith.constant 1 : i32
    %add3A_478 = arith.addi %mul3A_476, %add3A_477 : i32
    %mul3A_479 = arith.constant 8 : i32
    %mul3A_480 = arith.muli %select_n3A_450, %mul3A_479 : i32
    %add3A_481 = arith.constant 1 : i32
    %add3A_482 = arith.addi %mul3A_480, %add3A_481 : i32
    %mul3A_483 = arith.constant 8 : i32
    %mul3A_484 = arith.muli %select_n3A_450, %mul3A_483 : i32
    %add3A_485 = arith.constant 2 : i32
    %add3A_486 = arith.addi %mul3A_484, %add3A_485 : i32
    %mul3A_487 = arith.constant 8 : i32
    %mul3A_488 = arith.muli %select_n3A_450, %mul3A_487 : i32
    %add3A_489 = arith.constant 2 : i32
    %add3A_490 = arith.addi %mul3A_488, %add3A_489 : i32
    %mul3A_491 = arith.constant 8 : i32
    %mul3A_492 = arith.muli %select_n3A_450, %mul3A_491 : i32
    %add3A_493 = arith.constant 3 : i32
    %add3A_494 = arith.addi %mul3A_492, %add3A_493 : i32
    %mul3A_495 = arith.constant 8 : i32
    %mul3A_496 = arith.muli %select_n3A_450, %mul3A_495 : i32
    %add3A_497 = arith.constant 3 : i32
    %add3A_498 = arith.addi %mul3A_496, %add3A_497 : i32
    %mul3A_499 = arith.constant 8 : i32
    %mul3A_500 = arith.muli %select_n3A_450, %mul3A_499 : i32
    %add3A_501 = arith.constant 4 : i32
    %add3A_502 = arith.addi %mul3A_500, %add3A_501 : i32
    %mul3A_503 = arith.constant 8 : i32
    %mul3A_504 = arith.muli %select_n3A_450, %mul3A_503 : i32
    %add3A_505 = arith.constant 4 : i32
    %add3A_506 = arith.addi %mul3A_504, %add3A_505 : i32
    %mul3A_507 = arith.constant 8 : i32
    %mul3A_508 = arith.muli %select_n3A_450, %mul3A_507 : i32
    %add3A_509 = arith.constant 5 : i32
    %add3A_510 = arith.addi %mul3A_508, %add3A_509 : i32
    %mul3A_511 = arith.constant 8 : i32
    %mul3A_512 = arith.muli %select_n3A_450, %mul3A_511 : i32
    %add3A_513 = arith.constant 5 : i32
    %add3A_514 = arith.addi %mul3A_512, %add3A_513 : i32
    %mul3A_515 = arith.constant 8 : i32
    %mul3A_516 = arith.muli %select_n3A_450, %mul3A_515 : i32
    %add3A_517 = arith.constant 6 : i32
    %add3A_518 = arith.addi %mul3A_516, %add3A_517 : i32
    %mul3A_519 = arith.constant 8 : i32
    %mul3A_520 = arith.muli %select_n3A_450, %mul3A_519 : i32
    %add3A_521 = arith.constant 6 : i32
    %add3A_522 = arith.addi %mul3A_520, %add3A_521 : i32
    %mul3A_523 = arith.constant 8 : i32
    %mul3A_524 = arith.muli %select_n3A_450, %mul3A_523 : i32
    %add3A_525 = arith.constant 7 : i32
    %add3A_526 = arith.addi %mul3A_524, %add3A_525 : i32
    %mul3A_527 = arith.constant 8 : i32
    %mul3A_528 = arith.muli %select_n3A_450, %mul3A_527 : i32
    %add3A_529 = arith.constant 7 : i32
    %add3A_530 = arith.addi %mul3A_528, %add3A_529 : i32
    %dma_wait3A_531 = arith.constant 0 : i32
    %dma_wait3A_532 = arith.constant 0 : i32
    %dma_wait3A_533 = arith.constant 0 : i32
    %dma_wait3A_534 = arith.constant 0 : i32
    %dma_wait3A_535 = tpu.memref_slice %arg10[%dma_wait3A_531, %dma_wait3A_533, %dma_wait3A_534] : memref<8x16x129xf32, #tpu.memory_space<vmem>> -> memref<1x8x128xf32, #tpu.memory_space<vmem>>
    %dma_wait3A_536 = tpu.memref_squeeze %dma_wait3A_535 : memref<1x8x128xf32, #tpu.memory_space<vmem>> -> memref<8x128xf32, #tpu.memory_space<vmem>>
    %dma_wait3A_537 = arith.constant 0 : i32
    %dma_wait3A_538 = arith.constant 0 : i32
    %dma_wait3A_539 = tpu.memref_slice %arg4[%add3A_470, %dma_wait3A_532, %select_n3A_466, %dma_wait3A_537, %dma_wait3A_538] : memref<200x2x128x8x128xf32, #tpu.memory_space<hbm>> -> memref<1x1x1x8x128xf32, #tpu.memory_space<hbm>>
    %dma_wait3A_540 = tpu.memref_squeeze %dma_wait3A_539 : memref<1x1x1x8x128xf32, #tpu.memory_space<hbm>> -> memref<8x128xf32, #tpu.memory_space<hbm>>
    %dma_wait3A_541 = arith.constant 0 : i32
    %dma_wait3A_542 = arith.constant 0 : i32
    %dma_wait3A_543 = tpu.memref_slice %arg4[%add3A_470, %dma_wait3A_532, %select_n3A_466, %dma_wait3A_541, %dma_wait3A_542] : memref<200x2x128x8x128xf32, #tpu.memory_space<hbm>> -> memref<1x1x1x8x128xf32, #tpu.memory_space<hbm>>
    %dma_wait3A_544 = tpu.memref_squeeze %dma_wait3A_543 : memref<1x1x1x8x128xf32, #tpu.memory_space<hbm>> -> memref<8x128xf32, #tpu.memory_space<hbm>>
    %dma_wait3A_545 = arith.constant 0 : i32
    %dma_wait3A_546 = arith.constant 0 : i32
    %dma_wait3A_547 = tpu.memref_slice %arg10[%dma_wait3A_531, %dma_wait3A_545, %dma_wait3A_546] : memref<8x16x129xf32, #tpu.memory_space<vmem>> -> memref<1x8x128xf32, #tpu.memory_space<vmem>>
    %dma_wait3A_548 = tpu.memref_squeeze %dma_wait3A_547 : memref<1x8x128xf32, #tpu.memory_space<vmem>> -> memref<8x128xf32, #tpu.memory_space<vmem>>
    tpu.wait_dma2 semaphore(%arg18 : memref<!tpu.dma_semaphore, #tpu.memory_space<semaphore_mem>>) src(%dma_wait3A_548 : memref<8x128xf32, #tpu.memory_space<vmem>>) dst(%dma_wait3A_544 : memref<8x128xf32, #tpu.memory_space<hbm>>)
    %dma_wait3A_549 = arith.constant 0 : i32
    %dma_wait3A_550 = arith.constant 1 : i32
    %dma_wait3A_551 = arith.constant 8 : i32
    %dma_wait3A_552 = arith.constant 0 : i32
    %dma_wait3A_553 = tpu.memref_slice %arg10[%dma_wait3A_549, %dma_wait3A_551, %dma_wait3A_552] : memref<8x16x129xf32, #tpu.memory_space<vmem>> -> memref<1x8x128xf32, #tpu.memory_space<vmem>>
    %dma_wait3A_554 = tpu.memref_squeeze %dma_wait3A_553 : memref<1x8x128xf32, #tpu.memory_space<vmem>> -> memref<8x128xf32, #tpu.memory_space<vmem>>
    %dma_wait3A_555 = arith.constant 0 : i32
    %dma_wait3A_556 = arith.constant 0 : i32
    %dma_wait3A_557 = tpu.memref_slice %arg4[%add3A_474, %dma_wait3A_550, %select_n3A_466, %dma_wait3A_555, %dma_wait3A_556] : memref<200x2x128x8x128xf32, #tpu.memory_space<hbm>> -> memref<1x1x1x8x128xf32, #tpu.memory_space<hbm>>
    %dma_wait3A_558 = tpu.memref_squeeze %dma_wait3A_557 : memref<1x1x1x8x128xf32, #tpu.memory_space<hbm>> -> memref<8x128xf32, #tpu.memory_space<hbm>>
    %dma_wait3A_559 = arith.constant 0 : i32
    %dma_wait3A_560 = arith.constant 0 : i32
    %dma_wait3A_561 = tpu.memref_slice %arg4[%add3A_474, %dma_wait3A_550, %select_n3A_466, %dma_wait3A_559, %dma_wait3A_560] : memref<200x2x128x8x128xf32, #tpu.memory_space<hbm>> -> memref<1x1x1x8x128xf32, #tpu.memory_space<hbm>>
    %dma_wait3A_562 = tpu.memref_squeeze %dma_wait3A_561 : memref<1x1x1x8x128xf32, #tpu.memory_space<hbm>> -> memref<8x128xf32, #tpu.memory_space<hbm>>
    %dma_wait3A_563 = arith.constant 8 : i32
    %dma_wait3A_564 = arith.constant 0 : i32
    %dma_wait3A_565 = tpu.memref_slice %arg10[%dma_wait3A_549, %dma_wait3A_563, %dma_wait3A_564] : memref<8x16x129xf32, #tpu.memory_space<vmem>> -> memref<1x8x128xf32, #tpu.memory_space<vmem>>
    %dma_wait3A_566 = tpu.memref_squeeze %dma_wait3A_565 : memref<1x8x128xf32, #tpu.memory_space<vmem>> -> memref<8x128xf32, #tpu.memory_space<vmem>>
    tpu.wait_dma2 semaphore(%arg18 : memref<!tpu.dma_semaphore, #tpu.memory_space<semaphore_mem>>) src(%dma_wait3A_566 : memref<8x128xf32, #tpu.memory_space<vmem>>) dst(%dma_wait3A_562 : memref<8x128xf32, #tpu.memory_space<hbm>>)
    %dma_wait3A_567 = arith.constant 1 : i32
    %dma_wait3A_568 = arith.constant 0 : i32
    %dma_wait3A_569 = arith.constant 0 : i32
    %dma_wait3A_570 = arith.constant 0 : i32
    %dma_wait3A_571 = tpu.memref_slice %arg10[%dma_wait3A_567, %dma_wait3A_569, %dma_wait3A_570] : memref<8x16x129xf32, #tpu.memory_space<vmem>> -> memref<1x8x128xf32, #tpu.memory_space<vmem>>
    %dma_wait3A_572 = tpu.memref_squeeze %dma_wait3A_571 : memref<1x8x128xf32, #tpu.memory_space<vmem>> -> memref<8x128xf32, #tpu.memory_space<vmem>>
    %dma_wait3A_573 = arith.constant 0 : i32
    %dma_wait3A_574 = arith.constant 0 : i32
    %dma_wait3A_575 = tpu.memref_slice %arg4[%add3A_478, %dma_wait3A_568, %select_n3A_466, %dma_wait3A_573, %dma_wait3A_574] : memref<200x2x128x8x128xf32, #tpu.memory_space<hbm>> -> memref<1x1x1x8x128xf32, #tpu.memory_space<hbm>>
    %dma_wait3A_576 = tpu.memref_squeeze %dma_wait3A_575 : memref<1x1x1x8x128xf32, #tpu.memory_space<hbm>> -> memref<8x128xf32, #tpu.memory_space<hbm>>
    %dma_wait3A_577 = arith.constant 0 : i32
    %dma_wait3A_578 = arith.constant 0 : i32
    %dma_wait3A_579 = tpu.memref_slice %arg4[%add3A_478, %dma_wait3A_568, %select_n3A_466, %dma_wait3A_577, %dma_wait3A_578] : memref<200x2x128x8x128xf32, #tpu.memory_space<hbm>> -> memref<1x1x1x8x128xf32, #tpu.memory_space<hbm>>
    %dma_wait3A_580 = tpu.memref_squeeze %dma_wait3A_579 : memref<1x1x1x8x128xf32, #tpu.memory_space<hbm>> -> memref<8x128xf32, #tpu.memory_space<hbm>>
    %dma_wait3A_581 = arith.constant 0 : i32
    %dma_wait3A_582 = arith.constant 0 : i32
    %dma_wait3A_583 = tpu.memref_slice %arg10[%dma_wait3A_567, %dma_wait3A_581, %dma_wait3A_582] : memref<8x16x129xf32, #tpu.memory_space<vmem>> -> memref<1x8x128xf32, #tpu.memory_space<vmem>>
    %dma_wait3A_584 = tpu.memref_squeeze %dma_wait3A_583 : memref<1x8x128xf32, #tpu.memory_space<vmem>> -> memref<8x128xf32, #tpu.memory_space<vmem>>
    tpu.wait_dma2 semaphore(%arg18 : memref<!tpu.dma_semaphore, #tpu.memory_space<semaphore_mem>>) src(%dma_wait3A_584 : memref<8x128xf32, #tpu.memory_space<vmem>>) dst(%dma_wait3A_580 : memref<8x128xf32, #tpu.memory_space<hbm>>)
    %dma_wait3A_585 = arith.constant 1 : i32
    %dma_wait3A_586 = arith.constant 1 : i32
    %dma_wait3A_587 = arith.constant 8 : i32
    %dma_wait3A_588 = arith.constant 0 : i32
    %dma_wait3A_589 = tpu.memref_slice %arg10[%dma_wait3A_585, %dma_wait3A_587, %dma_wait3A_588] : memref<8x16x129xf32, #tpu.memory_space<vmem>> -> memref<1x8x128xf32, #tpu.memory_space<vmem>>
    %dma_wait3A_590 = tpu.memref_squeeze %dma_wait3A_589 : memref<1x8x128xf32, #tpu.memory_space<vmem>> -> memref<8x128xf32, #tpu.memory_space<vmem>>
    %dma_wait3A_591 = arith.constant 0 : i32
    %dma_wait3A_592 = arith.constant 0 : i32
    %dma_wait3A_593 = tpu.memref_slice %arg4[%add3A_482, %dma_wait3A_586, %select_n3A_466, %dma_wait3A_591, %dma_wait3A_592] : memref<200x2x128x8x128xf32, #tpu.memory_space<hbm>> -> memref<1x1x1x8x128xf32, #tpu.memory_space<hbm>>
    %dma_wait3A_594 = tpu.memref_squeeze %dma_wait3A_593 : memref<1x1x1x8x128xf32, #tpu.memory_space<hbm>> -> memref<8x128xf32, #tpu.memory_space<hbm>>
    %dma_wait3A_595 = arith.constant 0 : i32
    %dma_wait3A_596 = arith.constant 0 : i32
    %dma_wait3A_597 = tpu.memref_slice %arg4[%add3A_482, %dma_wait3A_586, %select_n3A_466, %dma_wait3A_595, %dma_wait3A_596] : memref<200x2x128x8x128xf32, #tpu.memory_space<hbm>> -> memref<1x1x1x8x128xf32, #tpu.memory_space<hbm>>
    %dma_wait3A_598 = tpu.memref_squeeze %dma_wait3A_597 : memref<1x1x1x8x128xf32, #tpu.memory_space<hbm>> -> memref<8x128xf32, #tpu.memory_space<hbm>>
    %dma_wait3A_599 = arith.constant 8 : i32
    %dma_wait3A_600 = arith.constant 0 : i32
    %dma_wait3A_601 = tpu.memref_slice %arg10[%dma_wait3A_585, %dma_wait3A_599, %dma_wait3A_600] : memref<8x16x129xf32, #tpu.memory_space<vmem>> -> memref<1x8x128xf32, #tpu.memory_space<vmem>>
    %dma_wait3A_602 = tpu.memref_squeeze %dma_wait3A_601 : memref<1x8x128xf32, #tpu.memory_space<vmem>> -> memref<8x128xf32, #tpu.memory_space<vmem>>
    tpu.wait_dma2 semaphore(%arg18 : memref<!tpu.dma_semaphore, #tpu.memory_space<semaphore_mem>>) src(%dma_wait3A_602 : memref<8x128xf32, #tpu.memory_space<vmem>>) dst(%dma_wait3A_598 : memref<8x128xf32, #tpu.memory_space<hbm>>)
    %dma_wait3A_603 = arith.constant 2 : i32
    %dma_wait3A_604 = arith.constant 0 : i32
    %dma_wait3A_605 = arith.constant 0 : i32
    %dma_wait3A_606 = arith.constant 0 : i32
    %dma_wait3A_607 = tpu.memref_slice %arg10[%dma_wait3A_603, %dma_wait3A_605, %dma_wait3A_606] : memref<8x16x129xf32, #tpu.memory_space<vmem>> -> memref<1x8x128xf32, #tpu.memory_space<vmem>>
    %dma_wait3A_608 = tpu.memref_squeeze %dma_wait3A_607 : memref<1x8x128xf32, #tpu.memory_space<vmem>> -> memref<8x128xf32, #tpu.memory_space<vmem>>
    %dma_wait3A_609 = arith.constant 0 : i32
    %dma_wait3A_610 = arith.constant 0 : i32
    %dma_wait3A_611 = tpu.memref_slice %arg4[%add3A_486, %dma_wait3A_604, %select_n3A_466, %dma_wait3A_609, %dma_wait3A_610] : memref<200x2x128x8x128xf32, #tpu.memory_space<hbm>> -> memref<1x1x1x8x128xf32, #tpu.memory_space<hbm>>
    %dma_wait3A_612 = tpu.memref_squeeze %dma_wait3A_611 : memref<1x1x1x8x128xf32, #tpu.memory_space<hbm>> -> memref<8x128xf32, #tpu.memory_space<hbm>>
    %dma_wait3A_613 = arith.constant 0 : i32
    %dma_wait3A_614 = arith.constant 0 : i32
    %dma_wait3A_615 = tpu.memref_slice %arg4[%add3A_486, %dma_wait3A_604, %select_n3A_466, %dma_wait3A_613, %dma_wait3A_614] : memref<200x2x128x8x128xf32, #tpu.memory_space<hbm>> -> memref<1x1x1x8x128xf32, #tpu.memory_space<hbm>>
    %dma_wait3A_616 = tpu.memref_squeeze %dma_wait3A_615 : memref<1x1x1x8x128xf32, #tpu.memory_space<hbm>> -> memref<8x128xf32, #tpu.memory_space<hbm>>
    %dma_wait3A_617 = arith.constant 0 : i32
    %dma_wait3A_618 = arith.constant 0 : i32
    %dma_wait3A_619 = tpu.memref_slice %arg10[%dma_wait3A_603, %dma_wait3A_617, %dma_wait3A_618] : memref<8x16x129xf32, #tpu.memory_space<vmem>> -> memref<1x8x128xf32, #tpu.memory_space<vmem>>
    %dma_wait3A_620 = tpu.memref_squeeze %dma_wait3A_619 : memref<1x8x128xf32, #tpu.memory_space<vmem>> -> memref<8x128xf32, #tpu.memory_space<vmem>>
    tpu.wait_dma2 semaphore(%arg18 : memref<!tpu.dma_semaphore, #tpu.memory_space<semaphore_mem>>) src(%dma_wait3A_620 : memref<8x128xf32, #tpu.memory_space<vmem>>) dst(%dma_wait3A_616 : memref<8x128xf32, #tpu.memory_space<hbm>>)
    %dma_wait3A_621 = arith.constant 2 : i32
    %dma_wait3A_622 = arith.constant 1 : i32
    %dma_wait3A_623 = arith.constant 8 : i32
    %dma_wait3A_624 = arith.constant 0 : i32
    %dma_wait3A_625 = tpu.memref_slice %arg10[%dma_wait3A_621, %dma_wait3A_623, %dma_wait3A_624] : memref<8x16x129xf32, #tpu.memory_space<vmem>> -> memref<1x8x128xf32, #tpu.memory_space<vmem>>
    %dma_wait3A_626 = tpu.memref_squeeze %dma_wait3A_625 : memref<1x8x128xf32, #tpu.memory_space<vmem>> -> memref<8x128xf32, #tpu.memory_space<vmem>>
    %dma_wait3A_627 = arith.constant 0 : i32
    %dma_wait3A_628 = arith.constant 0 : i32
    %dma_wait3A_629 = tpu.memref_slice %arg4[%add3A_490, %dma_wait3A_622, %select_n3A_466, %dma_wait3A_627, %dma_wait3A_628] : memref<200x2x128x8x128xf32, #tpu.memory_space<hbm>> -> memref<1x1x1x8x128xf32, #tpu.memory_space<hbm>>
    %dma_wait3A_630 = tpu.memref_squeeze %dma_wait3A_629 : memref<1x1x1x8x128xf32, #tpu.memory_space<hbm>> -> memref<8x128xf32, #tpu.memory_space<hbm>>
    %dma_wait3A_631 = arith.constant 0 : i32
    %dma_wait3A_632 = arith.constant 0 : i32
    %dma_wait3A_633 = tpu.memref_slice %arg4[%add3A_490, %dma_wait3A_622, %select_n3A_466, %dma_wait3A_631, %dma_wait3A_632] : memref<200x2x128x8x128xf32, #tpu.memory_space<hbm>> -> memref<1x1x1x8x128xf32, #tpu.memory_space<hbm>>
    %dma_wait3A_634 = tpu.memref_squeeze %dma_wait3A_633 : memref<1x1x1x8x128xf32, #tpu.memory_space<hbm>> -> memref<8x128xf32, #tpu.memory_space<hbm>>
    %dma_wait3A_635 = arith.constant 8 : i32
    %dma_wait3A_636 = arith.constant 0 : i32
    %dma_wait3A_637 = tpu.memref_slice %arg10[%dma_wait3A_621, %dma_wait3A_635, %dma_wait3A_636] : memref<8x16x129xf32, #tpu.memory_space<vmem>> -> memref<1x8x128xf32, #tpu.memory_space<vmem>>
    %dma_wait3A_638 = tpu.memref_squeeze %dma_wait3A_637 : memref<1x8x128xf32, #tpu.memory_space<vmem>> -> memref<8x128xf32, #tpu.memory_space<vmem>>
    tpu.wait_dma2 semaphore(%arg18 : memref<!tpu.dma_semaphore, #tpu.memory_space<semaphore_mem>>) src(%dma_wait3A_638 : memref<8x128xf32, #tpu.memory_space<vmem>>) dst(%dma_wait3A_634 : memref<8x128xf32, #tpu.memory_space<hbm>>)
    %dma_wait3A_639 = arith.constant 3 : i32
    %dma_wait3A_640 = arith.constant 0 : i32
    %dma_wait3A_641 = arith.constant 0 : i32
    %dma_wait3A_642 = arith.constant 0 : i32
    %dma_wait3A_643 = tpu.memref_slice %arg10[%dma_wait3A_639, %dma_wait3A_641, %dma_wait3A_642] : memref<8x16x129xf32, #tpu.memory_space<vmem>> -> memref<1x8x128xf32, #tpu.memory_space<vmem>>
    %dma_wait3A_644 = tpu.memref_squeeze %dma_wait3A_643 : memref<1x8x128xf32, #tpu.memory_space<vmem>> -> memref<8x128xf32, #tpu.memory_space<vmem>>
    %dma_wait3A_645 = arith.constant 0 : i32
    %dma_wait3A_646 = arith.constant 0 : i32
    %dma_wait3A_647 = tpu.memref_slice %arg4[%add3A_494, %dma_wait3A_640, %select_n3A_466, %dma_wait3A_645, %dma_wait3A_646] : memref<200x2x128x8x128xf32, #tpu.memory_space<hbm>> -> memref<1x1x1x8x128xf32, #tpu.memory_space<hbm>>
    %dma_wait3A_648 = tpu.memref_squeeze %dma_wait3A_647 : memref<1x1x1x8x128xf32, #tpu.memory_space<hbm>> -> memref<8x128xf32, #tpu.memory_space<hbm>>
    %dma_wait3A_649 = arith.constant 0 : i32
    %dma_wait3A_650 = arith.constant 0 : i32
    %dma_wait3A_651 = tpu.memref_slice %arg4[%add3A_494, %dma_wait3A_640, %select_n3A_466, %dma_wait3A_649, %dma_wait3A_650] : memref<200x2x128x8x128xf32, #tpu.memory_space<hbm>> -> memref<1x1x1x8x128xf32, #tpu.memory_space<hbm>>
    %dma_wait3A_652 = tpu.memref_squeeze %dma_wait3A_651 : memref<1x1x1x8x128xf32, #tpu.memory_space<hbm>> -> memref<8x128xf32, #tpu.memory_space<hbm>>
    %dma_wait3A_653 = arith.constant 0 : i32
    %dma_wait3A_654 = arith.constant 0 : i32
    %dma_wait3A_655 = tpu.memref_slice %arg10[%dma_wait3A_639, %dma_wait3A_653, %dma_wait3A_654] : memref<8x16x129xf32, #tpu.memory_space<vmem>> -> memref<1x8x128xf32, #tpu.memory_space<vmem>>
    %dma_wait3A_656 = tpu.memref_squeeze %dma_wait3A_655 : memref<1x8x128xf32, #tpu.memory_space<vmem>> -> memref<8x128xf32, #tpu.memory_space<vmem>>
    tpu.wait_dma2 semaphore(%arg18 : memref<!tpu.dma_semaphore, #tpu.memory_space<semaphore_mem>>) src(%dma_wait3A_656 : memref<8x128xf32, #tpu.memory_space<vmem>>) dst(%dma_wait3A_652 : memref<8x128xf32, #tpu.memory_space<hbm>>)
    %dma_wait3A_657 = arith.constant 3 : i32
    %dma_wait3A_658 = arith.constant 1 : i32
    %dma_wait3A_659 = arith.constant 8 : i32
    %dma_wait3A_660 = arith.constant 0 : i32
    %dma_wait3A_661 = tpu.memref_slice %arg10[%dma_wait3A_657, %dma_wait3A_659, %dma_wait3A_660] : memref<8x16x129xf32, #tpu.memory_space<vmem>> -> memref<1x8x128xf32, #tpu.memory_space<vmem>>
    %dma_wait3A_662 = tpu.memref_squeeze %dma_wait3A_661 : memref<1x8x128xf32, #tpu.memory_space<vmem>> -> memref<8x128xf32, #tpu.memory_space<vmem>>
    %dma_wait3A_663 = arith.constant 0 : i32
    %dma_wait3A_664 = arith.constant 0 : i32
    %dma_wait3A_665 = tpu.memref_slice %arg4[%add3A_498, %dma_wait3A_658, %select_n3A_466, %dma_wait3A_663, %dma_wait3A_664] : memref<200x2x128x8x128xf32, #tpu.memory_space<hbm>> -> memref<1x1x1x8x128xf32, #tpu.memory_space<hbm>>
    %dma_wait3A_666 = tpu.memref_squeeze %dma_wait3A_665 : memref<1x1x1x8x128xf32, #tpu.memory_space<hbm>> -> memref<8x128xf32, #tpu.memory_space<hbm>>
    %dma_wait3A_667 = arith.constant 0 : i32
    %dma_wait3A_668 = arith.constant 0 : i32
    %dma_wait3A_669 = tpu.memref_slice %arg4[%add3A_498, %dma_wait3A_658, %select_n3A_466, %dma_wait3A_667, %dma_wait3A_668] : memref<200x2x128x8x128xf32, #tpu.memory_space<hbm>> -> memref<1x1x1x8x128xf32, #tpu.memory_space<hbm>>
    %dma_wait3A_670 = tpu.memref_squeeze %dma_wait3A_669 : memref<1x1x1x8x128xf32, #tpu.memory_space<hbm>> -> memref<8x128xf32, #tpu.memory_space<hbm>>
    %dma_wait3A_671 = arith.constant 8 : i32
    %dma_wait3A_672 = arith.constant 0 : i32
    %dma_wait3A_673 = tpu.memref_slice %arg10[%dma_wait3A_657, %dma_wait3A_671, %dma_wait3A_672] : memref<8x16x129xf32, #tpu.memory_space<vmem>> -> memref<1x8x128xf32, #tpu.memory_space<vmem>>
    %dma_wait3A_674 = tpu.memref_squeeze %dma_wait3A_673 : memref<1x8x128xf32, #tpu.memory_space<vmem>> -> memref<8x128xf32, #tpu.memory_space<vmem>>
    tpu.wait_dma2 semaphore(%arg18 : memref<!tpu.dma_semaphore, #tpu.memory_space<semaphore_mem>>) src(%dma_wait3A_674 : memref<8x128xf32, #tpu.memory_space<vmem>>) dst(%dma_wait3A_670 : memref<8x128xf32, #tpu.memory_space<hbm>>)
    %dma_wait3A_675 = arith.constant 4 : i32
    %dma_wait3A_676 = arith.constant 0 : i32
    %dma_wait3A_677 = arith.constant 0 : i32
    %dma_wait3A_678 = arith.constant 0 : i32
    %dma_wait3A_679 = tpu.memref_slice %arg10[%dma_wait3A_675, %dma_wait3A_677, %dma_wait3A_678] : memref<8x16x129xf32, #tpu.memory_space<vmem>> -> memref<1x8x128xf32, #tpu.memory_space<vmem>>
    %dma_wait3A_680 = tpu.memref_squeeze %dma_wait3A_679 : memref<1x8x128xf32, #tpu.memory_space<vmem>> -> memref<8x128xf32, #tpu.memory_space<vmem>>
    %dma_wait3A_681 = arith.constant 0 : i32
    %dma_wait3A_682 = arith.constant 0 : i32
    %dma_wait3A_683 = tpu.memref_slice %arg4[%add3A_502, %dma_wait3A_676, %select_n3A_466, %dma_wait3A_681, %dma_wait3A_682] : memref<200x2x128x8x128xf32, #tpu.memory_space<hbm>> -> memref<1x1x1x8x128xf32, #tpu.memory_space<hbm>>
    %dma_wait3A_684 = tpu.memref_squeeze %dma_wait3A_683 : memref<1x1x1x8x128xf32, #tpu.memory_space<hbm>> -> memref<8x128xf32, #tpu.memory_space<hbm>>
    %dma_wait3A_685 = arith.constant 0 : i32
    %dma_wait3A_686 = arith.constant 0 : i32
    %dma_wait3A_687 = tpu.memref_slice %arg4[%add3A_502, %dma_wait3A_676, %select_n3A_466, %dma_wait3A_685, %dma_wait3A_686] : memref<200x2x128x8x128xf32, #tpu.memory_space<hbm>> -> memref<1x1x1x8x128xf32, #tpu.memory_space<hbm>>
    %dma_wait3A_688 = tpu.memref_squeeze %dma_wait3A_687 : memref<1x1x1x8x128xf32, #tpu.memory_space<hbm>> -> memref<8x128xf32, #tpu.memory_space<hbm>>
    %dma_wait3A_689 = arith.constant 0 : i32
    %dma_wait3A_690 = arith.constant 0 : i32
    %dma_wait3A_691 = tpu.memref_slice %arg10[%dma_wait3A_675, %dma_wait3A_689, %dma_wait3A_690] : memref<8x16x129xf32, #tpu.memory_space<vmem>> -> memref<1x8x128xf32, #tpu.memory_space<vmem>>
    %dma_wait3A_692 = tpu.memref_squeeze %dma_wait3A_691 : memref<1x8x128xf32, #tpu.memory_space<vmem>> -> memref<8x128xf32, #tpu.memory_space<vmem>>
    tpu.wait_dma2 semaphore(%arg18 : memref<!tpu.dma_semaphore, #tpu.memory_space<semaphore_mem>>) src(%dma_wait3A_692 : memref<8x128xf32, #tpu.memory_space<vmem>>) dst(%dma_wait3A_688 : memref<8x128xf32, #tpu.memory_space<hbm>>)
    %dma_wait3A_693 = arith.constant 4 : i32
    %dma_wait3A_694 = arith.constant 1 : i32
    %dma_wait3A_695 = arith.constant 8 : i32
    %dma_wait3A_696 = arith.constant 0 : i32
    %dma_wait3A_697 = tpu.memref_slice %arg10[%dma_wait3A_693, %dma_wait3A_695, %dma_wait3A_696] : memref<8x16x129xf32, #tpu.memory_space<vmem>> -> memref<1x8x128xf32, #tpu.memory_space<vmem>>
    %dma_wait3A_698 = tpu.memref_squeeze %dma_wait3A_697 : memref<1x8x128xf32, #tpu.memory_space<vmem>> -> memref<8x128xf32, #tpu.memory_space<vmem>>
    %dma_wait3A_699 = arith.constant 0 : i32
    %dma_wait3A_700 = arith.constant 0 : i32
    %dma_wait3A_701 = tpu.memref_slice %arg4[%add3A_506, %dma_wait3A_694, %select_n3A_466, %dma_wait3A_699, %dma_wait3A_700] : memref<200x2x128x8x128xf32, #tpu.memory_space<hbm>> -> memref<1x1x1x8x128xf32, #tpu.memory_space<hbm>>
    %dma_wait3A_702 = tpu.memref_squeeze %dma_wait3A_701 : memref<1x1x1x8x128xf32, #tpu.memory_space<hbm>> -> memref<8x128xf32, #tpu.memory_space<hbm>>
    %dma_wait3A_703 = arith.constant 0 : i32
    %dma_wait3A_704 = arith.constant 0 : i32
    %dma_wait3A_705 = tpu.memref_slice %arg4[%add3A_506, %dma_wait3A_694, %select_n3A_466, %dma_wait3A_703, %dma_wait3A_704] : memref<200x2x128x8x128xf32, #tpu.memory_space<hbm>> -> memref<1x1x1x8x128xf32, #tpu.memory_space<hbm>>
    %dma_wait3A_706 = tpu.memref_squeeze %dma_wait3A_705 : memref<1x1x1x8x128xf32, #tpu.memory_space<hbm>> -> memref<8x128xf32, #tpu.memory_space<hbm>>
    %dma_wait3A_707 = arith.constant 8 : i32
    %dma_wait3A_708 = arith.constant 0 : i32
    %dma_wait3A_709 = tpu.memref_slice %arg10[%dma_wait3A_693, %dma_wait3A_707, %dma_wait3A_708] : memref<8x16x129xf32, #tpu.memory_space<vmem>> -> memref<1x8x128xf32, #tpu.memory_space<vmem>>
    %dma_wait3A_710 = tpu.memref_squeeze %dma_wait3A_709 : memref<1x8x128xf32, #tpu.memory_space<vmem>> -> memref<8x128xf32, #tpu.memory_space<vmem>>
    tpu.wait_dma2 semaphore(%arg18 : memref<!tpu.dma_semaphore, #tpu.memory_space<semaphore_mem>>) src(%dma_wait3A_710 : memref<8x128xf32, #tpu.memory_space<vmem>>) dst(%dma_wait3A_706 : memref<8x128xf32, #tpu.memory_space<hbm>>)
    %dma_wait3A_711 = arith.constant 5 : i32
    %dma_wait3A_712 = arith.constant 0 : i32
    %dma_wait3A_713 = arith.constant 0 : i32
    %dma_wait3A_714 = arith.constant 0 : i32
    %dma_wait3A_715 = tpu.memref_slice %arg10[%dma_wait3A_711, %dma_wait3A_713, %dma_wait3A_714] : memref<8x16x129xf32, #tpu.memory_space<vmem>> -> memref<1x8x128xf32, #tpu.memory_space<vmem>>
    %dma_wait3A_716 = tpu.memref_squeeze %dma_wait3A_715 : memref<1x8x128xf32, #tpu.memory_space<vmem>> -> memref<8x128xf32, #tpu.memory_space<vmem>>
    %dma_wait3A_717 = arith.constant 0 : i32
    %dma_wait3A_718 = arith.constant 0 : i32
    %dma_wait3A_719 = tpu.memref_slice %arg4[%add3A_510, %dma_wait3A_712, %select_n3A_466, %dma_wait3A_717, %dma_wait3A_718] : memref<200x2x128x8x128xf32, #tpu.memory_space<hbm>> -> memref<1x1x1x8x128xf32, #tpu.memory_space<hbm>>
    %dma_wait3A_720 = tpu.memref_squeeze %dma_wait3A_719 : memref<1x1x1x8x128xf32, #tpu.memory_space<hbm>> -> memref<8x128xf32, #tpu.memory_space<hbm>>
    %dma_wait3A_721 = arith.constant 0 : i32
    %dma_wait3A_722 = arith.constant 0 : i32
    %dma_wait3A_723 = tpu.memref_slice %arg4[%add3A_510, %dma_wait3A_712, %select_n3A_466, %dma_wait3A_721, %dma_wait3A_722] : memref<200x2x128x8x128xf32, #tpu.memory_space<hbm>> -> memref<1x1x1x8x128xf32, #tpu.memory_space<hbm>>
    %dma_wait3A_724 = tpu.memref_squeeze %dma_wait3A_723 : memref<1x1x1x8x128xf32, #tpu.memory_space<hbm>> -> memref<8x128xf32, #tpu.memory_space<hbm>>
    %dma_wait3A_725 = arith.constant 0 : i32
    %dma_wait3A_726 = arith.constant 0 : i32
    %dma_wait3A_727 = tpu.memref_slice %arg10[%dma_wait3A_711, %dma_wait3A_725, %dma_wait3A_726] : memref<8x16x129xf32, #tpu.memory_space<vmem>> -> memref<1x8x128xf32, #tpu.memory_space<vmem>>
    %dma_wait3A_728 = tpu.memref_squeeze %dma_wait3A_727 : memref<1x8x128xf32, #tpu.memory_space<vmem>> -> memref<8x128xf32, #tpu.memory_space<vmem>>
    tpu.wait_dma2 semaphore(%arg18 : memref<!tpu.dma_semaphore, #tpu.memory_space<semaphore_mem>>) src(%dma_wait3A_728 : memref<8x128xf32, #tpu.memory_space<vmem>>) dst(%dma_wait3A_724 : memref<8x128xf32, #tpu.memory_space<hbm>>)
    %dma_wait3A_729 = arith.constant 5 : i32
    %dma_wait3A_730 = arith.constant 1 : i32
    %dma_wait3A_731 = arith.constant 8 : i32
    %dma_wait3A_732 = arith.constant 0 : i32
    %dma_wait3A_733 = tpu.memref_slice %arg10[%dma_wait3A_729, %dma_wait3A_731, %dma_wait3A_732] : memref<8x16x129xf32, #tpu.memory_space<vmem>> -> memref<1x8x128xf32, #tpu.memory_space<vmem>>
    %dma_wait3A_734 = tpu.memref_squeeze %dma_wait3A_733 : memref<1x8x128xf32, #tpu.memory_space<vmem>> -> memref<8x128xf32, #tpu.memory_space<vmem>>
    %dma_wait3A_735 = arith.constant 0 : i32
    %dma_wait3A_736 = arith.constant 0 : i32
    %dma_wait3A_737 = tpu.memref_slice %arg4[%add3A_514, %dma_wait3A_730, %select_n3A_466, %dma_wait3A_735, %dma_wait3A_736] : memref<200x2x128x8x128xf32, #tpu.memory_space<hbm>> -> memref<1x1x1x8x128xf32, #tpu.memory_space<hbm>>
    %dma_wait3A_738 = tpu.memref_squeeze %dma_wait3A_737 : memref<1x1x1x8x128xf32, #tpu.memory_space<hbm>> -> memref<8x128xf32, #tpu.memory_space<hbm>>
    %dma_wait3A_739 = arith.constant 0 : i32
    %dma_wait3A_740 = arith.constant 0 : i32
    %dma_wait3A_741 = tpu.memref_slice %arg4[%add3A_514, %dma_wait3A_730, %select_n3A_466, %dma_wait3A_739, %dma_wait3A_740] : memref<200x2x128x8x128xf32, #tpu.memory_space<hbm>> -> memref<1x1x1x8x128xf32, #tpu.memory_space<hbm>>
    %dma_wait3A_742 = tpu.memref_squeeze %dma_wait3A_741 : memref<1x1x1x8x128xf32, #tpu.memory_space<hbm>> -> memref<8x128xf32, #tpu.memory_space<hbm>>
    %dma_wait3A_743 = arith.constant 8 : i32
    %dma_wait3A_744 = arith.constant 0 : i32
    %dma_wait3A_745 = tpu.memref_slice %arg10[%dma_wait3A_729, %dma_wait3A_743, %dma_wait3A_744] : memref<8x16x129xf32, #tpu.memory_space<vmem>> -> memref<1x8x128xf32, #tpu.memory_space<vmem>>
    %dma_wait3A_746 = tpu.memref_squeeze %dma_wait3A_745 : memref<1x8x128xf32, #tpu.memory_space<vmem>> -> memref<8x128xf32, #tpu.memory_space<vmem>>
    tpu.wait_dma2 semaphore(%arg18 : memref<!tpu.dma_semaphore, #tpu.memory_space<semaphore_mem>>) src(%dma_wait3A_746 : memref<8x128xf32, #tpu.memory_space<vmem>>) dst(%dma_wait3A_742 : memref<8x128xf32, #tpu.memory_space<hbm>>)
    %dma_wait3A_747 = arith.constant 6 : i32
    %dma_wait3A_748 = arith.constant 0 : i32
    %dma_wait3A_749 = arith.constant 0 : i32
    %dma_wait3A_750 = arith.constant 0 : i32
    %dma_wait3A_751 = tpu.memref_slice %arg10[%dma_wait3A_747, %dma_wait3A_749, %dma_wait3A_750] : memref<8x16x129xf32, #tpu.memory_space<vmem>> -> memref<1x8x128xf32, #tpu.memory_space<vmem>>
    %dma_wait3A_752 = tpu.memref_squeeze %dma_wait3A_751 : memref<1x8x128xf32, #tpu.memory_space<vmem>> -> memref<8x128xf32, #tpu.memory_space<vmem>>
    %dma_wait3A_753 = arith.constant 0 : i32
    %dma_wait3A_754 = arith.constant 0 : i32
    %dma_wait3A_755 = tpu.memref_slice %arg4[%add3A_518, %dma_wait3A_748, %select_n3A_466, %dma_wait3A_753, %dma_wait3A_754] : memref<200x2x128x8x128xf32, #tpu.memory_space<hbm>> -> memref<1x1x1x8x128xf32, #tpu.memory_space<hbm>>
    %dma_wait3A_756 = tpu.memref_squeeze %dma_wait3A_755 : memref<1x1x1x8x128xf32, #tpu.memory_space<hbm>> -> memref<8x128xf32, #tpu.memory_space<hbm>>
    %dma_wait3A_757 = arith.constant 0 : i32
    %dma_wait3A_758 = arith.constant 0 : i32
    %dma_wait3A_759 = tpu.memref_slice %arg4[%add3A_518, %dma_wait3A_748, %select_n3A_466, %dma_wait3A_757, %dma_wait3A_758] : memref<200x2x128x8x128xf32, #tpu.memory_space<hbm>> -> memref<1x1x1x8x128xf32, #tpu.memory_space<hbm>>
    %dma_wait3A_760 = tpu.memref_squeeze %dma_wait3A_759 : memref<1x1x1x8x128xf32, #tpu.memory_space<hbm>> -> memref<8x128xf32, #tpu.memory_space<hbm>>
    %dma_wait3A_761 = arith.constant 0 : i32
    %dma_wait3A_762 = arith.constant 0 : i32
    %dma_wait3A_763 = tpu.memref_slice %arg10[%dma_wait3A_747, %dma_wait3A_761, %dma_wait3A_762] : memref<8x16x129xf32, #tpu.memory_space<vmem>> -> memref<1x8x128xf32, #tpu.memory_space<vmem>>
    %dma_wait3A_764 = tpu.memref_squeeze %dma_wait3A_763 : memref<1x8x128xf32, #tpu.memory_space<vmem>> -> memref<8x128xf32, #tpu.memory_space<vmem>>
    tpu.wait_dma2 semaphore(%arg18 : memref<!tpu.dma_semaphore, #tpu.memory_space<semaphore_mem>>) src(%dma_wait3A_764 : memref<8x128xf32, #tpu.memory_space<vmem>>) dst(%dma_wait3A_760 : memref<8x128xf32, #tpu.memory_space<hbm>>)
    %dma_wait3A_765 = arith.constant 6 : i32
    %dma_wait3A_766 = arith.constant 1 : i32
    %dma_wait3A_767 = arith.constant 8 : i32
    %dma_wait3A_768 = arith.constant 0 : i32
    %dma_wait3A_769 = tpu.memref_slice %arg10[%dma_wait3A_765, %dma_wait3A_767, %dma_wait3A_768] : memref<8x16x129xf32, #tpu.memory_space<vmem>> -> memref<1x8x128xf32, #tpu.memory_space<vmem>>
    %dma_wait3A_770 = tpu.memref_squeeze %dma_wait3A_769 : memref<1x8x128xf32, #tpu.memory_space<vmem>> -> memref<8x128xf32, #tpu.memory_space<vmem>>
    %dma_wait3A_771 = arith.constant 0 : i32
    %dma_wait3A_772 = arith.constant 0 : i32
    %dma_wait3A_773 = tpu.memref_slice %arg4[%add3A_522, %dma_wait3A_766, %select_n3A_466, %dma_wait3A_771, %dma_wait3A_772] : memref<200x2x128x8x128xf32, #tpu.memory_space<hbm>> -> memref<1x1x1x8x128xf32, #tpu.memory_space<hbm>>
    %dma_wait3A_774 = tpu.memref_squeeze %dma_wait3A_773 : memref<1x1x1x8x128xf32, #tpu.memory_space<hbm>> -> memref<8x128xf32, #tpu.memory_space<hbm>>
    %dma_wait3A_775 = arith.constant 0 : i32
    %dma_wait3A_776 = arith.constant 0 : i32
    %dma_wait3A_777 = tpu.memref_slice %arg4[%add3A_522, %dma_wait3A_766, %select_n3A_466, %dma_wait3A_775, %dma_wait3A_776] : memref<200x2x128x8x128xf32, #tpu.memory_space<hbm>> -> memref<1x1x1x8x128xf32, #tpu.memory_space<hbm>>
    %dma_wait3A_778 = tpu.memref_squeeze %dma_wait3A_777 : memref<1x1x1x8x128xf32, #tpu.memory_space<hbm>> -> memref<8x128xf32, #tpu.memory_space<hbm>>
    %dma_wait3A_779 = arith.constant 8 : i32
    %dma_wait3A_780 = arith.constant 0 : i32
    %dma_wait3A_781 = tpu.memref_slice %arg10[%dma_wait3A_765, %dma_wait3A_779, %dma_wait3A_780] : memref<8x16x129xf32, #tpu.memory_space<vmem>> -> memref<1x8x128xf32, #tpu.memory_space<vmem>>
    %dma_wait3A_782 = tpu.memref_squeeze %dma_wait3A_781 : memref<1x8x128xf32, #tpu.memory_space<vmem>> -> memref<8x128xf32, #tpu.memory_space<vmem>>
    tpu.wait_dma2 semaphore(%arg18 : memref<!tpu.dma_semaphore, #tpu.memory_space<semaphore_mem>>) src(%dma_wait3A_782 : memref<8x128xf32, #tpu.memory_space<vmem>>) dst(%dma_wait3A_778 : memref<8x128xf32, #tpu.memory_space<hbm>>)
    %dma_wait3A_783 = arith.constant 7 : i32
    %dma_wait3A_784 = arith.constant 0 : i32
    %dma_wait3A_785 = arith.constant 0 : i32
    %dma_wait3A_786 = arith.constant 0 : i32
    %dma_wait3A_787 = tpu.memref_slice %arg10[%dma_wait3A_783, %dma_wait3A_785, %dma_wait3A_786] : memref<8x16x129xf32, #tpu.memory_space<vmem>> -> memref<1x8x128xf32, #tpu.memory_space<vmem>>
    %dma_wait3A_788 = tpu.memref_squeeze %dma_wait3A_787 : memref<1x8x128xf32, #tpu.memory_space<vmem>> -> memref<8x128xf32, #tpu.memory_space<vmem>>
    %dma_wait3A_789 = arith.constant 0 : i32
    %dma_wait3A_790 = arith.constant 0 : i32
    %dma_wait3A_791 = tpu.memref_slice %arg4[%add3A_526, %dma_wait3A_784, %select_n3A_466, %dma_wait3A_789, %dma_wait3A_790] : memref<200x2x128x8x128xf32, #tpu.memory_space<hbm>> -> memref<1x1x1x8x128xf32, #tpu.memory_space<hbm>>
    %dma_wait3A_792 = tpu.memref_squeeze %dma_wait3A_791 : memref<1x1x1x8x128xf32, #tpu.memory_space<hbm>> -> memref<8x128xf32, #tpu.memory_space<hbm>>
    %dma_wait3A_793 = arith.constant 0 : i32
    %dma_wait3A_794 = arith.constant 0 : i32
    %dma_wait3A_795 = tpu.memref_slice %arg4[%add3A_526, %dma_wait3A_784, %select_n3A_466, %dma_wait3A_793, %dma_wait3A_794] : memref<200x2x128x8x128xf32, #tpu.memory_space<hbm>> -> memref<1x1x1x8x128xf32, #tpu.memory_space<hbm>>
    %dma_wait3A_796 = tpu.memref_squeeze %dma_wait3A_795 : memref<1x1x1x8x128xf32, #tpu.memory_space<hbm>> -> memref<8x128xf32, #tpu.memory_space<hbm>>
    %dma_wait3A_797 = arith.constant 0 : i32
    %dma_wait3A_798 = arith.constant 0 : i32
    %dma_wait3A_799 = tpu.memref_slice %arg10[%dma_wait3A_783, %dma_wait3A_797, %dma_wait3A_798] : memref<8x16x129xf32, #tpu.memory_space<vmem>> -> memref<1x8x128xf32, #tpu.memory_space<vmem>>
    %dma_wait3A_800 = tpu.memref_squeeze %dma_wait3A_799 : memref<1x8x128xf32, #tpu.memory_space<vmem>> -> memref<8x128xf32, #tpu.memory_space<vmem>>
    tpu.wait_dma2 semaphore(%arg18 : memref<!tpu.dma_semaphore, #tpu.memory_space<semaphore_mem>>) src(%dma_wait3A_800 : memref<8x128xf32, #tpu.memory_space<vmem>>) dst(%dma_wait3A_796 : memref<8x128xf32, #tpu.memory_space<hbm>>)
    %dma_wait3A_801 = arith.constant 7 : i32
    %dma_wait3A_802 = arith.constant 1 : i32
    %dma_wait3A_803 = arith.constant 8 : i32
    %dma_wait3A_804 = arith.constant 0 : i32
    %dma_wait3A_805 = tpu.memref_slice %arg10[%dma_wait3A_801, %dma_wait3A_803, %dma_wait3A_804] : memref<8x16x129xf32, #tpu.memory_space<vmem>> -> memref<1x8x128xf32, #tpu.memory_space<vmem>>
    %dma_wait3A_806 = tpu.memref_squeeze %dma_wait3A_805 : memref<1x8x128xf32, #tpu.memory_space<vmem>> -> memref<8x128xf32, #tpu.memory_space<vmem>>
    %dma_wait3A_807 = arith.constant 0 : i32
    %dma_wait3A_808 = arith.constant 0 : i32
    %dma_wait3A_809 = tpu.memref_slice %arg4[%add3A_530, %dma_wait3A_802, %select_n3A_466, %dma_wait3A_807, %dma_wait3A_808] : memref<200x2x128x8x128xf32, #tpu.memory_space<hbm>> -> memref<1x1x1x8x128xf32, #tpu.memory_space<hbm>>
    %dma_wait3A_810 = tpu.memref_squeeze %dma_wait3A_809 : memref<1x1x1x8x128xf32, #tpu.memory_space<hbm>> -> memref<8x128xf32, #tpu.memory_space<hbm>>
    %dma_wait3A_811 = arith.constant 0 : i32
    %dma_wait3A_812 = arith.constant 0 : i32
    %dma_wait3A_813 = tpu.memref_slice %arg4[%add3A_530, %dma_wait3A_802, %select_n3A_466, %dma_wait3A_811, %dma_wait3A_812] : memref<200x2x128x8x128xf32, #tpu.memory_space<hbm>> -> memref<1x1x1x8x128xf32, #tpu.memory_space<hbm>>
    %dma_wait3A_814 = tpu.memref_squeeze %dma_wait3A_813 : memref<1x1x1x8x128xf32, #tpu.memory_space<hbm>> -> memref<8x128xf32, #tpu.memory_space<hbm>>
    %dma_wait3A_815 = arith.constant 8 : i32
    %dma_wait3A_816 = arith.constant 0 : i32
    %dma_wait3A_817 = tpu.memref_slice %arg10[%dma_wait3A_801, %dma_wait3A_815, %dma_wait3A_816] : memref<8x16x129xf32, #tpu.memory_space<vmem>> -> memref<1x8x128xf32, #tpu.memory_space<vmem>>
    %dma_wait3A_818 = tpu.memref_squeeze %dma_wait3A_817 : memref<1x8x128xf32, #tpu.memory_space<vmem>> -> memref<8x128xf32, #tpu.memory_space<vmem>>
    tpu.wait_dma2 semaphore(%arg18 : memref<!tpu.dma_semaphore, #tpu.memory_space<semaphore_mem>>) src(%dma_wait3A_818 : memref<8x128xf32, #tpu.memory_space<vmem>>) dst(%dma_wait3A_814 : memref<8x128xf32, #tpu.memory_space<hbm>>)
    return
  }
}

module attributes {stable_mosaic.version = 14 : i64} {
  func.func @body(%arg0: i32, %arg1: memref<16x7936xf32, #tpu.memory_space<vmem>>, %arg2: memref<7936x128xf32, #tpu.memory_space<vmem>>) attributes {dimension_semantics = [#tpu.dimension_semantics<arbitrary>], iteration_bounds = array<i64: 127>, scalar_prefetch = 0 : i64, scratch_operands = 0 : i64, tpu.core_type = #tpu.core_type<tc>, window_params = [{transform_indices = @transform_0, window_bounds = array<i64: 16, 7936>}, {transform_indices = @transform_1, window_bounds = array<i64: 7936, 128>}]} {
    %get3A = arith.constant 0 : index
    %get3A_0 = arith.constant 0 : index
    %get3A_1 = vector.load %arg1[%get3A, %get3A_0] : memref<16x7936xf32, #tpu.memory_space<vmem>>, vector<16x7936xf32>
    %transpose3A = tpu.transpose %get3A_1, [1, 0] : vector<16x7936xf32> -> vector<7936x16xf32>
    %jit3A = arith.constant 0 : i32
    %convert_element_type3A = arith.sitofp %jit3A : i32 to f32
    %pad3A = vector.broadcast %convert_element_type3A : f32 to vector<7936x112xf32>
    %pad3A_2 = tpu.concatenate %transpose3A, %pad3A in 1 : vector<7936x16xf32>, vector<7936x112xf32> -> vector<7936x128xf32>
    %swap3A = arith.constant 0 : index
    %swap3A_3 = arith.constant 0 : index
    %swap3A_4 = vector.load %arg2[%swap3A, %swap3A_3] : memref<7936x128xf32, #tpu.memory_space<vmem>>, vector<7936x128xf32>
    tpu.vector_store %arg2[%swap3A, %swap3A_3], %pad3A_2 {strides = array<i32>} : memref<7936x128xf32, #tpu.memory_space<vmem>>, vector<7936x128xf32>,
    return
  }
  func.func @transform_0(%arg0: i32) -> (i32, i32) {
    %c0_i32 = arith.constant 0 : i32
    %c0_i32_0 = arith.constant 0 : i32
    return %c0_i32, %arg0 : i32, i32
  }
  func.func @transform_1(%arg0: i32) -> (i32, i32) {
    %c0_i32 = arith.constant 0 : i32
    %c0_i32_0 = arith.constant 0 : i32
    return %arg0, %c0_i32 : i32, i32
  }
}

</mosaic_0001>

<sc_bundles>
// kernel: kernel.4.cloned.1.call-start
scs
__scs_entry_jumppad:
0x0: {  	(pc) =	sbr.rel $0x88, $3  }
0x1: {  	(tag) =	ssettag $0x0;
	lr =	simm.s32 $0x1  }
0x2: {  	[smem:$0x3F9F] =	sst lr;
	_ =	strace $0xD0000000  }
0x3: {  	_ = 	snop  }
0x4: {  	_ = 	snop  }
0x5: {  	_ = 	snop  }
0x6: {  	_ = 	snop  }
0x7: {  	_ = 	snop  }
__scs_overlays_trampoline_lowered:
0x8: {  	[smem:$0x3FAE] =	sst s0  }
0x9: {  	[smem:$0x3FAF] =	sst s1  }
0xa: {  	[smem:$0x3FB0] =	sst s2  }
0xb: {  	[smem:$0x3FB1] =	sst s3  }
0xc: {  	[smem:$0x3FB2] =	sst s4  }
0xd: {  	[smem:$0x3FB3] =	sst s5  }
0xe: {  	[smem:$0x3FB4] =	sst s6  }
0xf: {  	[smem:$0x3FB5] =	sst s7  }
0x10: {  	[smem:$0x3FB6] =	sst s8  }
0x11: {  	[smem:$0x3FB7] =	sst s9;
	s0 =	simm.s32 @!p0 $0x0  }
0x12: {  	s1 =	sld [smem:$0x3F9D];
	s0 =	simm.s32 @p0 $0x1  }
0x13: {  	[smem:$0x3FB8] =	sst s0;
	s0 =	simm.s32 @!p1 $0x0  }
0x14: {  	s2 =	sld [smem:$0x3F9C];
	s0 =	simm.s32 @p1 $0x1  }
0x15: {  	[smem:$0x3FB9] =	sst s0;
	s0 =	simm.s32 @!p2 $0x0  }
0x16: {  	s3 =	sld [smem:$0x3FDB];
	s0 =	simm.s32 @p2 $0x1  }
0x17: {  	s4 =	simm.s32 $0x1BF5;
	[smem:$0x3FBB] =	sst s0  }
0x18: {  	s0 =	sld [smem:$0x3F9E];
	_ =	swait.ge [sflag:s4], $0x0  }
0x19: {  	s7 =	sld [smem:$0x3F9F]  }
0x1a: {  	s8 =	sadd.s32 $0xFFFFE003, lr  }
0x1b: {  	s9 =	sadd.s32 $0xFFFFFEF7, lr;
	s5 =	simm.s32 $0xFFFFFFFF;
	p2 =	slt.u32 s8, $0xFFFFF086  }
0x1c: {  	p1 =	slt.u32 s9, $0xF7A;
	s5 =	simm.s32 @!p2 $0x0  }
0x1d: {  	s5 =	simm.s32 @p1 $0x1;
	p0 =	seq.s32 s7, s2  }
0x1e: {  	s7 =	smul.u32 @!p0 $0xF7A, s2;
	p2 =	seq.s32 @!p0 s5, $0x0  }
0x1f: {  	s9 =	smul.u32 $0xF7A, s1;
	s8 =	simm.s32 @!p0 $0x1BF5;
	p2 =	por !p2, p0  }
0x20: {  	[sflag:s8] =	ssyncset.s32 @!p0 $0xFFFFF086;
	s6 =	sadd.s32 @!p0 s3, s7;
	s7 =	simm.s32 @!p0 $0x108  }
0x21: {  	s3 =	sadd.s32 s3, s9;
	s6 =	sadd.s32 @!p0 $0x88, s6;
	s7 =	simm.s32 @p2 $0x1082  }
0x22: {  	[simem:s7], [sflag:s8] =	dma.local @!p0 [hbm:s6], $0xF7A  }
0x23: {  	s9 =	sor.u32 $0xD0000000, s2;
	s6 =	simm.s32 $0x108;
	_ =	swait.ge @!p0 [sflag:s8], $0x0  }
0x24: {  	s3 =	sadd.s32 $0x88, s3;
	s6 =	simm.s32 @!p1 $0x1082;
	[sflag:s4] =	ssyncset.s32 $0xFFFFF086  }
0x25: {  	[simem:s6], [sflag:s4] =	dma.local [hbm:s3], $0xF7A  }
0x26: {  	[smem:$0x3F9F] =	sst s1;
	(tag) =	ssettag s2;
	_ =	strace s9  }
0x27: {  	s1 =	sld [smem:$0x3FAF]  }
0x28: {  	s2 =	sld [smem:$0x3FB0]  }
0x29: {  	s4 =	sld [smem:$0x3FB2]  }
0x2a: {  	p0 =	seq.s32 s5, $0x0;
	s5 =	sld [smem:$0x3FB3]  }
0x2b: {  	s6 =	sld [smem:$0x3FB4]  }
0x2c: {  	s7 =	sld [smem:$0x3FB5]  }
0x2d: {  	s3 =	simm.s32 $0x108;
	s8 =	sld [smem:$0x3FB6]  }
0x2e: {  	s3 =	simm.s32 @!p0 $0x1082;
	s9 =	sld [smem:$0x3FB7]  }
0x2f: {  	lr =	sadd.s32 s0, s3;
	s0 =	sld [smem:$0x3FAE]  }
0x30: {  	s3 =	sld [smem:$0x3FB1]  }
0x31: {  	[smem:$0x3FBA] =	sst s10  }
0x32: {  	s10 =	sld [smem:$0x3FB8];
	_ =	sdelay $0x3  }
0x33: {  	p0 =	seq.s32 s10, $0x1;
	s10 =	sld [smem:$0x3FBA];
	_ =	sdelay $0x3  }
0x34: {  	[smem:$0x3FBA] =	sst s10  }
0x35: {  	s10 =	sld [smem:$0x3FB9];
	_ =	sdelay $0x3  }
0x36: {  	p1 =	seq.s32 s10, $0x1;
	s10 =	sld [smem:$0x3FBA];
	_ =	sdelay $0x3  }
0x37: {  	[smem:$0x3FBA] =	sst s10  }
0x38: {  	s10 =	sld [smem:$0x3FBB]  }
0x39: {  	_ = 	snop;
	(pc) =	sbr.ind lr, $3  }
0x3a: {  	_ = 	snop  }
0x3b: {  	_ = 	snop  }
0x3c: {  	p2 =	seq.s32 s10, $0x1;
	s10 =	sld [smem:$0x3FBA]  }
0x3d: {  	_ =	shalt  }
0x3e: {  	_ =	shalt  }
0x3f: {  	_ =	shalt  }
0x40: {  	_ =	shalt  }
0x41: {  	_ =	shalt  }
0x42: {  	_ =	shalt  }
0x43: {  	_ =	shalt  }
0x44: {  	_ =	shalt  }
0x45: {  	_ =	shalt  }
0x46: {  	_ =	shalt  }
0x47: {  	_ =	shalt  }
0x48: {  	_ =	shalt  }
0x49: {  	_ =	shalt  }
0x4a: {  	_ =	shalt  }
0x4b: {  	_ =	shalt  }
0x4c: {  	_ =	shalt  }
0x4d: {  	_ =	shalt  }
0x4e: {  	_ =	shalt  }
0x4f: {  	_ =	shalt  }
0x50: {  	_ =	shalt  }
0x51: {  	_ =	shalt  }
0x52: {  	_ =	shalt  }
0x53: {  	_ =	shalt  }
0x54: {  	_ =	shalt  }
0x55: {  	_ =	shalt  }
0x56: {  	_ =	shalt  }
0x57: {  	_ =	shalt  }
0x58: {  	_ =	shalt  }
0x59: {  	_ =	shalt  }
0x5a: {  	_ =	shalt  }
0x5b: {  	_ =	shalt  }
0x5c: {  	_ =	shalt  }
0x5d: {  	_ =	shalt  }
0x5e: {  	_ =	shalt  }
0x5f: {  	_ =	shalt  }
0x60: {  	_ =	shalt  }
0x61: {  	_ =	shalt  }
0x62: {  	_ =	shalt  }
0x63: {  	_ =	shalt  }
0x64: {  	_ =	shalt  }
0x65: {  	_ =	shalt  }
0x66: {  	_ =	shalt  }
0x67: {  	_ =	shalt  }
0x68: {  	_ =	shalt  }
0x69: {  	_ =	shalt  }
0x6a: {  	_ =	shalt  }
0x6b: {  	_ =	shalt  }
0x6c: {  	_ =	shalt  }
0x6d: {  	_ =	shalt  }
0x6e: {  	_ =	shalt  }
0x6f: {  	_ =	shalt  }
0x70: {  	_ =	shalt  }
0x71: {  	_ =	shalt  }
0x72: {  	_ =	shalt  }
0x73: {  	_ =	shalt  }
0x74: {  	_ =	shalt  }
0x75: {  	_ =	shalt  }
0x76: {  	_ =	shalt  }
0x77: {  	_ =	shalt  }
0x78: {  	_ =	shalt  }
0x79: {  	_ =	shalt  }
0x7a: {  	_ =	shalt  }
0x7b: {  	_ =	shalt  }
0x7c: {  	_ =	shalt  }
0x7d: {  	_ =	shalt  }
0x7e: {  	_ =	shalt  }
0x7f: {  	_ =	shalt  }
0x80: {  	_ =	shalt  }
0x81: {  	_ =	shalt  }
0x82: {  	_ =	shalt  }
0x83: {  	_ =	shalt  }
0x84: {  	_ =	shalt  }
0x85: {  	_ =	shalt  }
0x86: {  	_ =	shalt  }
0x87: {  	_ =	shalt  }
.Lfunc_end0:
.L_simem_size_0:
called_computation_lowered:
.L_overlay_start_0:
0x88: {  	s2 =	sld [smem:$0x3FD9]  }
0x89: {  	s3 =	sld [smem:$0x3FFE];
	_ =	sdelay $0x1  }
0x8a: {  	s1 =	srdreg.scid  }
0x8b: {  	s0 =	sand.u32 $0x1, s1  }
0x8c: {  	s17 =	sshll.u32 s0, $0xA;
	s2 =	sadd.s32 s3, s2  }
0x8d: {  	s2 =	sadd.s32 s2, s17  }
0x8e: {  	[smem:$0x3FC6] =	sst s2  }
0x8f: {  	_ = 	snop  }
0x90: {  	s2 =	sld [smem:$0x3FC9]  }
0x91: {  	s18 =	sld [smem:$0x3FD0];
	(tm) =	ssettm $0x1  }
0x92: {  	s4 =	sld [smem:$0x3FFB];
	_ =	sdelay $0x3  }
0x93: {  	_ =	strace s4  }
0x94: {  	s4 =	sld [smem:$0x3FFC];
	_ =	sdelay $0x3  }
0x95: {  	_ =	strace s4  }
0x96: {  	s4 =	sld [smem:$0x3FFD];
	_ =	sdelay $0x3  }
0x97: {  	_ =	strace s4  }
0x98: {  	_ =	strace $0x8FFFFFFF  }
0x99: {  	s19 =	sld [smem:$0x3FDB];
	_ =	sdelay $0x1  }
0x9a: {  	s5 =	simm.s32 $_scs_section_size  }
0x9b: {  	s6 =	simm.s32 $_size__tile_overlayer_lowered;
	s7 =	simm.s32 $_tile_overlayer_lowered  }
0x9c: {  	s22 =	simm.s32 $0x1BFF;
	s21 =	sshll.u32 s7, $0x1;
	s4 =	sadd.s32 s5, s19  }
0x9d: {  	s8 =	simm.s32 $0x0;
	s20 =	sshll.u32 s6, $0x1;
	s6 =	sadd.s32 s21, s4  }
0x9e: {  	[timem:s8], [sflag:s22] =	dma.local [hbm:s6], s20  }
0x9f: {  	_ =	swait.ge [sflag:s22], s20  }
0xa0: {  	s5 =	ssub.s32 $0x0, s20;
	[sflag:s22] =	ssyncset.done $0x0  }
0xa1: {  	[sflag:s22] =	ssyncadd.s32 s5;
	_ =	sdelay $0x1  }
0xa2: {  	s23 =	simm.s32 $0x1B8B  }
0xa3: {  	_ =	swait.ge [sflag:s23], $0x1  }
0xa4: {  	[sflag:s23] =	ssyncset.done $0x0  }
0xa5: {  	s25 =	simm.s32 $0x1B8E;
	s24 =	sld [smem:$0x3FFE];
	[sflag:s23] =	ssyncadd.s32 $0xFFFFFFFF  }
0xa6: {  	s26 =	simm.s32 $execute0_lowered;
	[smem:$0x3FD2] =	sst s25  }
0xa7: {  	s6 =	sshll.u32 s26, $0x1;
	_ =	strace $0x80000046;
	[dreg:$0x1] =	wrdreg $0xFFFFFFFF  }
0xa8: {  	s28 =	simm.s32 $_size_execute0_lowered;
	s4 =	sadd.s32 s4, s6;
	[dreg:$0x0] =	wrdreg $0x0  }
0xa9: {  	s6 =	sshll.u32 s28, $0x1;
	[dreg:$0x2] =	wrdreg s4  }
0xaa: {  	[dreg:$0x3] =	wrdreg s6  }
0xab: {  	[dreg:$0x4] =	wrdreg $0xC0  }
0xac: {  	_ =	task [dreg:s8], $0x5FFFF  }
0xad: {  	[dreg:$0x1] =	wrdreg $0xFFFFFFFF  }
0xae: {  	[dreg:$0x0] =	wrdreg $0x60  }
0xaf: {  	[dreg:$0x2] =	wrdreg s2  }
0xb0: {  	[dreg:$0x3] =	wrdreg s24  }
0xb1: {  	[dreg:$0x4] =	wrdreg s18  }
0xb2: {  	[dreg:$0x5] =	wrdreg $0x9  }
0xb3: {  	_ =	task.clear_ibuf [dreg:s8], $0x6FFFF;
	_ =	strace $0x90000046  }
0xb4: {  	s29 =	simm.s32 $0x9;
	_ =	strace $0x80000048  }
0xb5: {  	_ =	swait.ge [sflag:s29], $0x1  }
0xb6: {  	[sflag:s29] =	ssyncadd.s32 $0xFFFFFFFF  }
0xb7: {  	_ =	strace $0x90000048  }
0xb8: {  	_ =	sfence  }
0xb9: {  	s30 =	sld [smem:$0x0];
	_ =	sdelay $0x2  }
0xba: {  	s31 =	sshll.u32 s1, $0xD;
	s1 =	sshrl.u32 s1, $0x2  }
0xbb: {  	s3 =	sand.u32 $0x4000, s31;
	s1 =	sadd.s32 s1, s30  }
0xbc: {  	s0 =	sor.u32 s3, s0;
	s1 =	sshll.u32 s1, $0x11  }
0xbd: {  	s0 =	sor.u32 s1, s0  }
0xbe: {  	s0 =	sadd.s32 $0x8F2B, s0  }
0xbf: {  	[sflag:s0] =	ssyncadd.remote.s32 $0x1  }
0xc0: {  	_ =	sfence.sel $0xFFFF  }
0xc1: {  	[dreg:$0x0] =	wrdreg $0xFFFFFFFF;
	(pc) =	sbr.abs _section_cstart, $3  }
0xc2: {  	[dreg:$0x1] =	wrdreg $0xFFFFFFFF  }
0xc3: {  	_ =	task.clear_ibuf [dreg:s8], $0x2FFFF;
	_ =	strace $0x9FFFFFFF  }
0xc4: {  	(tm) =	ssettm $0x7FFFFFFF  }
0xc5: {  	_ =	shalt  }
tec
execute0_lowered:
.L_overlay_start_1:
0x0: {  	(tag) =	ssettag $0x1  }
0x1: {  	s5 =	rddreg [dreg:$0x0]  }
0x2: {  	s0 =	rddreg [dreg:$0x1];
	s1 =	srdreg.scid  }
0x3: {  	s2 =	stileid.u32;
	s31 =	rddreg [dreg:$0x2];
	s4 =	simm.s32 $0x0  }
0x4: {  	s28 =	simm.s32 $0x7;
	s1 =	sand.u32 $0x1, s1;
	s2 =	sshll.u32 s2, $0x1  }
0x5: {  	[smem:$0x7FF] =	sst s4;
	s0 =	sadd.s32 $0x400, s0;
	s12 =	sadd.s32 $0x4000, s31  }
0x6: {  	s14 =	sadd.s32 $0x8000, s31;
	s15 =	sadd.s32 $0xC000, s31;
	s16 =	sadd.s32 $0x10000, s31  }
0x7: {  	s17 =	sadd.s32 $0x14000, s31;
	s18 =	sadd.s32 $0x18000, s31;
	s19 =	sadd.s32 $0x1C000, s31  }
0x8: {  	s20 =	sadd.s32 $0x20000, s31;
	s21 =	sadd.s32 $0x24000, s31;
	s22 =	sadd.s32 $0x28000, s31  }
0x9: {  	s23 =	sadd.s32 $0x2C000, s31;
	s29 =	sadd.s32 $0x3C000, s31;
	s2 =	sor.u32 s1, s2  }
0xa: {  	_ =	strace $0x80000047;
	[dreg:$0x8] =	wrdreg s0;
	s3 =	smul.u32 $0x3200, s2  }
0xb: {  	s6 =	sadd.s32 $0x38000, s31;
	[dreg:$0xa] =	wrdreg s29;
	s2 =	smul.u32 $0x64, s2  }
0xc: {  	s24 =	sadd.s32 $0x30000, s31;
	s1 =	ssub.s32 $0x2, s1;
	[dreg:$0x9] =	wrdreg s6  }
0xd: {  	v0 =	vlaneseq.u32;
	s7 =	sshrl.u32 s1, $0x1;
	s25 =	sadd.s32 s5, s3;
	[dreg:$0x7] =	wrdreg s2  }
0xe: {  	v0 =	vmul.u32 $0x88, v0;
	s11 =	ssub.s32 s1, s7;
	s26 =	sor.u32 $0x2, s2;
	[dreg:$0x4] =	wrdreg s25  }
0xf: {  	v1 =	vimm.s32 $0x0;
	vm0 =	vcmask $0x300;
	s13 =	sadd.s32 $0x34000, s31;
	s0 =	smax.u32 s11, $0x1;
	[dreg:$0x6] =	wrdreg s26  }
0x10: {  	v1 =	vsel vm0, $0x3, v1;
	v2 =	vor.u32 $0x1, v0;
	s7 =	simm.s32 $0x8;
	s30 =	sor.u32 $0x3, s2;
	[dreg:$0xb] =	wrdreg s0  }
0x11: {  	v3 =	vor.u32 $0x2, v0;
	v4 =	vor.u32 $0x3, v0;
	v5 =	vor.u32 $0x4, v0;
	s2 =	simm.s32 $0x0;
	s1 =	sadd.s32 $0x80, s25;
	[dreg:$0xc] =	wrdreg s30  }
0x12: {  	v6 =	vor.u32 $0x5, v0;
	v7 =	vor.u32 $0x6, v0;
	v8 =	vor.u32 $0x7, v0;
	s26 =	simm.s32 $0x8800;
	[dreg:$0x5] =	wrdreg s1;
	s1 =	simm.s32 $0xCC00  }
.LBB2_1:
0x13: {  	[dreg:$0xd] =	wrdreg s2  }
0x14: {  	s0 =	rddreg [dreg:$0x4]  }
0x15: {  	[tilespmem:s4], [sflag:$0x1] =	stream.linear.gather [hbm4b:s0+s4], $0x400, $0x38;
	[tilespmem:$0x11000] =	vst v63  }
0x16: {  	s25 =	rddreg [dreg:$0x5];
	s29 =	simm.s32 $0x400;
	s30 =	simm.s32 $0x1  }
0x17: {  	[tilespmem:s29], [sflag:$0x2] =	stream.linear.gather [hbm4b:s25+s4], $0x400, $0x38;
	[tilespmem:$0x11000] =	vst v63  }
0x18: {  	_ =	swait.ge [sflag:s30], $0x400  }
0x19: {  	[sflag:s30] =	ssyncset.done $0x0  }
0x1a: {  	s0 =	simm.s32 $0x40;
	[sflag:s30] =	ssyncadd.s32 $0xFFFFFC00  }
0x1b: {  	v12 =	vld [tilespmem:s0+$0x30]  }
0x1c: {  	v13 =	vld [tilespmem:s0+$0xFFFFFFD0]  }
0x1d: {  	v14 =	vld [tilespmem:s0+$0xFFFFFFE0]  }
0x1e: {  	v11 =	vld [tilespmem:s0+$0xFFFFFFF0]  }
0x1f: {  	v10 =	vld [tilespmem:s0+$0x0]  }
0x20: {  	v9 =	vld [tilespmem:s0+$0x10];
	v15 =	vshll.u32 v12, $0x3  }
0x21: {  	v16 =	vshll.u32 v13, $0x3;
	v12 =	vld [tilespmem:s0+$0x20];
	[tilespmem:s0+$0x30] =	vst v15  }
0x22: {  	s3 =	simm.s32 $0x0;
	s8 =	simm.s32 $0xC0;
	v13 =	vld [tilespmem:s0+$0xFFFFFFC0];
	v14 =	vshll.u32 v14, $0x3;
	[tilespmem:s0+$0xFFFFFFD0] =	vst v16  }
.LBB2_2:
0x23: {  	v15 =	vld [tilespmem:s8+$0x30];
	s3 =	sadd.s32 $0x8, s3;
	[tilespmem:s0+$0xFFFFFFE0] =	vst v14;
	v11 =	vshll.u32 v11, $0x3  }
0x24: {  	v14 =	vld [tilespmem:s8+$0xFFFFFFD0];
	p0 =	slt.u32 s3, $0x38;
	[tilespmem:s0+$0xFFFFFFF0] =	vst v11;
	v10 =	vshll.u32 v10, $0x3  }
0x25: {  	v16 =	vld [tilespmem:s8+$0xFFFFFFE0];
	[tilespmem:s0+$0x0] =	vst v10;
	v9 =	vshll.u32 v9, $0x3  }
.Ltmp0:
0x26: {  	v11 =	vld [tilespmem:s8+$0xFFFFFFF0];
	[tilespmem:s0+$0x10] =	vst v9;
	v9 =	vshll.u32 v12, $0x3;
	(pc) =	sbr.rel @p0 .LBB2_2-.Ltmp0, $4  }
0x27: {  	v10 =	vld [tilespmem:s8+$0x0];
	v12 =	vshll.u32 v13, $0x3;
	[tilespmem:s0+$0x20] =	vst v9  }
0x28: {  	v9 =	vld [tilespmem:s8+$0x10];
	v13 =	vshll.u32 v15, $0x3;
	[tilespmem:s0+$0xFFFFFFC0] =	vst v12;
	s0 =	smov.u32 s8  }
0x29: {  	v14 =	vshll.u32 v14, $0x3;
	v12 =	vld [tilespmem:s8+$0x20];
	[tilespmem:s8+$0x30] =	vst v13  }
0x2a: {  	s8 =	sadd.s32 $0x80, s8;
	v13 =	vld [tilespmem:s0+$0xFFFFFFC0];
	[tilespmem:s0+$0xFFFFFFD0] =	vst v14;
	v14 =	vshll.u32 v16, $0x3  }
0x2b: {  	[tilespmem:s0+$0xFFFFFFE0] =	vst v14;
	v11 =	vshll.u32 v11, $0x3  }
0x2c: {  	[tilespmem:s0+$0xFFFFFFF0] =	vst v11;
	v10 =	vshll.u32 v10, $0x3  }
0x2d: {  	[tilespmem:s0+$0x0] =	vst v10;
	v9 =	vshll.u32 v9, $0x3  }
0x2e: {  	[tilespmem:s0+$0x10] =	vst v9;
	v9 =	vshll.u32 v12, $0x3  }
0x2f: {  	v10 =	vshll.u32 v13, $0x3;
	[tilespmem:s0+$0x20] =	vst v9  }
0x30: {  	s29 =	simm.s32 $0x0;
	[tilespmem:s0+$0xFFFFFFC0] =	vst v10  }
0x31: {  	s2 =	simm.s32 $0x200;
	s3 =	simm.s32 $0x800;
	s0 =	rddreg [dreg:$0x8]  }
0x32: {  	[tilespmem:s3], [sflag:$0x3] =	stream.indirect.gather [hbm4b:s0+s2], $0x10, s29, s2, $0xb8;
	[tilespmem:$0x11000] =	vst v63  }
0x33: {  	s30 =	simm.s32 $0x2800  }
0x34: {  	[tilespmem:s30], [sflag:$0x5] =	stream.indirect.gather [hbm4b:s0+s2], $0x10, s2, s2, $0xb8;
	[tilespmem:$0x11000] =	vst v63  }
.LBB2_4:
0x35: {  	s0 =	simm.s32 $0x3  }
0x36: {  	_ =	swait.ge [sflag:s0], $0x2000  }
0x37: {  	[sflag:s0] =	ssyncset.done $0x0  }
0x38: {  	s25 =	simm.s32 $0x5;
	[sflag:s0] =	ssyncadd.s32 $0xFFFFE000  }
0x39: {  	_ =	swait.ge [sflag:s25], $0x2000  }
0x3a: {  	[sflag:s25] =	ssyncset.done $0x0  }
0x3b: {  	s30 =	simm.s32 $0x2;
	[sflag:s25] =	ssyncadd.s32 $0xFFFFE000  }
0x3c: {  	_ =	swait.ge [sflag:s30], $0x400  }
0x3d: {  	[sflag:s30] =	ssyncset.done $0x0  }
0x3e: {  	s0 =	simm.s32 $0x440;
	[sflag:s30] =	ssyncadd.s32 $0xFFFFFC00  }
0x3f: {  	v12 =	vld [tilespmem:s0+$0x30]  }
0x40: {  	v13 =	vld [tilespmem:s0+$0xFFFFFFD0]  }
0x41: {  	v14 =	vld [tilespmem:s0+$0xFFFFFFE0]  }
0x42: {  	s6 =	smov.u32 s13;
	s13 =	smov.u32 s24;
	s24 =	smov.u32 s23;
	v11 =	vld [tilespmem:s0+$0xFFFFFFF0]  }
0x43: {  	s23 =	smov.u32 s22;
	s22 =	smov.u32 s21;
	s21 =	smov.u32 s20;
	v10 =	vld [tilespmem:s0+$0x0]  }
0x44: {  	s20 =	smov.u32 s19;
	s19 =	smov.u32 s18;
	s18 =	smov.u32 s17;
	v9 =	vld [tilespmem:s0+$0x10];
	v15 =	vshll.u32 v12, $0x3  }
0x45: {  	s17 =	smov.u32 s16;
	s16 =	smov.u32 s15;
	s15 =	smov.u32 s14;
	v16 =	vshll.u32 v13, $0x3;
	v12 =	vld [tilespmem:s0+$0x20];
	[tilespmem:s0+$0x30] =	vst v15  }
0x46: {  	s14 =	smov.u32 s12;
	s3 =	simm.s32 $0x0;
	s8 =	simm.s32 $0x4C0;
	v13 =	vld [tilespmem:s0+$0xFFFFFFC0];
	v14 =	vshll.u32 v14, $0x3;
	[tilespmem:s0+$0xFFFFFFD0] =	vst v16  }
.LBB2_5:
0x47: {  	v15 =	vld [tilespmem:s8+$0x30];
	s3 =	sadd.s32 $0x8, s3;
	[tilespmem:s0+$0xFFFFFFE0] =	vst v14;
	v11 =	vshll.u32 v11, $0x3  }
0x48: {  	v14 =	vld [tilespmem:s8+$0xFFFFFFD0];
	p0 =	slt.u32 s3, $0x38;
	[tilespmem:s0+$0xFFFFFFF0] =	vst v11;
	v10 =	vshll.u32 v10, $0x3  }
0x49: {  	v16 =	vld [tilespmem:s8+$0xFFFFFFE0];
	[tilespmem:s0+$0x0] =	vst v10;
	v9 =	vshll.u32 v9, $0x3  }
.Ltmp1:
0x4a: {  	v11 =	vld [tilespmem:s8+$0xFFFFFFF0];
	[tilespmem:s0+$0x10] =	vst v9;
	v9 =	vshll.u32 v12, $0x3;
	(pc) =	sbr.rel @p0 .LBB2_5-.Ltmp1, $4  }
0x4b: {  	v10 =	vld [tilespmem:s8+$0x0];
	v12 =	vshll.u32 v13, $0x3;
	[tilespmem:s0+$0x20] =	vst v9  }
0x4c: {  	v9 =	vld [tilespmem:s8+$0x10];
	v13 =	vshll.u32 v15, $0x3;
	[tilespmem:s0+$0xFFFFFFC0] =	vst v12;
	s0 =	smov.u32 s8  }
0x4d: {  	v14 =	vshll.u32 v14, $0x3;
	v12 =	vld [tilespmem:s8+$0x20];
	[tilespmem:s8+$0x30] =	vst v13  }
0x4e: {  	s8 =	sadd.s32 $0x80, s8;
	v13 =	vld [tilespmem:s0+$0xFFFFFFC0];
	[tilespmem:s0+$0xFFFFFFD0] =	vst v14;
	v14 =	vshll.u32 v16, $0x3  }
0x4f: {  	[tilespmem:s0+$0xFFFFFFE0] =	vst v14;
	v11 =	vshll.u32 v11, $0x3  }
0x50: {  	[tilespmem:s0+$0xFFFFFFF0] =	vst v11;
	v10 =	vshll.u32 v10, $0x3  }
0x51: {  	[tilespmem:s0+$0x0] =	vst v10;
	v9 =	vshll.u32 v9, $0x3  }
0x52: {  	[tilespmem:s0+$0x10] =	vst v9;
	v9 =	vshll.u32 v12, $0x3  }
0x53: {  	v10 =	vshll.u32 v13, $0x3;
	[tilespmem:s0+$0x20] =	vst v9  }
0x54: {  	s12 =	smov.u32 s31;
	s2 =	simm.s32 $0x400;
	s3 =	simm.s32 $0x200;
	[tilespmem:s0+$0xFFFFFFC0] =	vst v10  }
0x55: {  	s5 =	simm.s32 $0x4800;
	p1 =	seq.s32 s29, $0x31;
	s0 =	rddreg [dreg:$0x8]  }
0x56: {  	[tilespmem:s5], [sflag:$0x4] =	stream.indirect.gather [hbm4b:s0+s3], $0x10, s2, s3, $0xb8;
	[tilespmem:$0x11000] =	vst v63  }
0x57: {  	s30 =	simm.s32 $0x600;
	s31 =	simm.s32 $0x6800;
	p0 =	seq.s32 @!p1 s29, $0x0  }
0x58: {  	[tilespmem:s31], [sflag:$0x6] =	stream.indirect.gather [hbm4b:s0+s3], $0x10, s30, s3, $0xb8;
	[tilespmem:$0x11000] =	vst v63  }
0x59: {  	s9 =	sshll.u32 s29, $0x1;
	p0 =	por p1, !p0;
	s0 =	rddreg [dreg:$0x6]  }
.Ltmp2:
0x5a: {  	s0 =	sadd.s32 @!p1 s9, s0;
	(pc) =	sbr.rel @!p0 .LBB2_7-.Ltmp2, $4  }
0x5b: {  	s0 =	sshll.u32 @!p1 s0, $0x7  }
0x5c: {  	s2 =	rddreg [dreg:$0x0];
	s0 =	sand.u32 @!p1 $0x1FFFFF00, s0  }
0x5d: {  	s3 =	simm.s32 @!p1 $0x0;
	s0 =	sadd.s32 @!p1 s2, s0  }
0x5e: {  	[tilespmem:s3], [sflag:$0x1] =	stream.linear.gather @!p1 [hbm4b:s0+s3], $0x400, $0x38;
	[tilespmem:$0x11000] =	vst v63  }
0x5f: {  	_ =	swait.ge [sflag:s28], $0x400  }
0x60: {  	[sflag:s28] =	ssyncset.done $0x0  }
0x61: {  	[sflag:s28] =	ssyncadd.s32 $0xFFFFFC00  }
0x62: {  	_ =	swait.ge [sflag:s28], $0x400  }
0x63: {  	[sflag:s28] =	ssyncset.done $0x0  }
0x64: {  	[sflag:s28] =	ssyncadd.s32 $0xFFFFFC00  }
0x65: {  	_ =	swait.ge [sflag:s28], $0x400  }
0x66: {  	[sflag:s28] =	ssyncset.done $0x0  }
0x67: {  	[sflag:s28] =	ssyncadd.s32 $0xFFFFFC00  }
0x68: {  	_ =	swait.ge [sflag:s28], $0x400  }
0x69: {  	[sflag:s28] =	ssyncset.done $0x0  }
0x6a: {  	[sflag:s28] =	ssyncadd.s32 $0xFFFFFC00  }
0x6b: {  	_ =	swait.ge [sflag:s28], $0x400  }
0x6c: {  	[sflag:s28] =	ssyncset.done $0x0  }
0x6d: {  	[sflag:s28] =	ssyncadd.s32 $0xFFFFFC00  }
0x6e: {  	_ =	swait.ge [sflag:s28], $0x400  }
0x6f: {  	[sflag:s28] =	ssyncset.done $0x0  }
0x70: {  	[sflag:s28] =	ssyncadd.s32 $0xFFFFFC00  }
0x71: {  	_ =	swait.ge [sflag:s28], $0x400  }
0x72: {  	[sflag:s28] =	ssyncset.done $0x0  }
0x73: {  	[sflag:s28] =	ssyncadd.s32 $0xFFFFFC00  }
0x74: {  	_ =	swait.ge [sflag:s28], $0x400  }
0x75: {  	[sflag:s28] =	ssyncset.done $0x0  }
0x76: {  	[sflag:s28] =	ssyncadd.s32 $0xFFFFFC00  }
0x77: {  	_ =	swait.ge [sflag:s28], $0x400  }
0x78: {  	[sflag:s28] =	ssyncset.done $0x0  }
0x79: {  	[sflag:s28] =	ssyncadd.s32 $0xFFFFFC00  }
0x7a: {  	_ =	swait.ge [sflag:s28], $0x400  }
0x7b: {  	[sflag:s28] =	ssyncset.done $0x0  }
0x7c: {  	[sflag:s28] =	ssyncadd.s32 $0xFFFFFC00  }
0x7d: {  	_ =	swait.ge [sflag:s28], $0x400  }
0x7e: {  	[sflag:s28] =	ssyncset.done $0x0  }
0x7f: {  	[sflag:s28] =	ssyncadd.s32 $0xFFFFFC00  }
0x80: {  	_ =	swait.ge [sflag:s28], $0x400  }
0x81: {  	[sflag:s28] =	ssyncset.done $0x0  }
0x82: {  	[sflag:s28] =	ssyncadd.s32 $0xFFFFFC00  }
0x83: {  	_ =	swait.ge [sflag:s28], $0x400  }
0x84: {  	[sflag:s28] =	ssyncset.done $0x0  }
0x85: {  	[sflag:s28] =	ssyncadd.s32 $0xFFFFFC00  }
0x86: {  	_ =	swait.ge [sflag:s28], $0x400  }
0x87: {  	[sflag:s28] =	ssyncset.done $0x0  }
0x88: {  	[sflag:s28] =	ssyncadd.s32 $0xFFFFFC00  }
0x89: {  	_ =	swait.ge [sflag:s28], $0x400  }
.Ltmp3:
0x8a: {  	[sflag:s28] =	ssyncset.done $0x0;
	(pc) =	sbr.rel .LBB2_9-.Ltmp3, $4  }
0x8b: {  	[sflag:s28] =	ssyncadd.s32 $0xFFFFFC00  }
0x8c: {  	_ =	swait.ge [sflag:s28], $0x400  }
0x8d: {  	[sflag:s28] =	ssyncset.done $0x0  }
0x8e: {  	p0 =	por $0x0, $0x0;
	[sflag:s28] =	ssyncadd.s32 $0xFFFFFC00  }
.LBB2_7:
0x8f: {  	p0 =	por @!p1 $0x1, $0x1  }
.LBB2_9:
0x90: {  	s0 =	simm.s32 $0x0;
	s3 =	simm.s32 $0x1  }
0x91: {  	s25 =	simm.s32 $0x5;
	s30 =	simm.s32 $0x0;
	s8 =	sand.u32 $0x78, s0  }
0x92: {  	s10 =	simm.s32 $0x7;
	s3 =	sand.u32 $0x79, s3;
	v11 =	vmov s30;
	s25 =	sand.u32 $0x7D, s25;
	v9 =	vmov s8  }
0x93: {  	s2 =	simm.s32 $0x3;
	s5 =	simm.s32 $0x2;
	s30 =	sand.u32 $0x7F, s10;
	v10 =	vmov s3;
	v21 =	vmul.u32 $0x880, v11;
	v12 =	vmov s25  }
0x94: {  	s11 =	simm.s32 $0x4;
	s3 =	sand.u32 $0x7B, s2;
	s8 =	sand.u32 $0x7A, s5;
	v15 =	vmov s30;
	v9 =	vshrl.u32 v9, $0x3;
	v10 =	vshrl.u32 v10, $0x3  }
0x95: {  	v11 =	vmov s3;
	v13 =	vmov s8;
	s3 =	sand.u32 $0x7C, s11;
	v12 =	vshrl.u32 v12, $0x3  }
0x96: {  	v15 =	vshrl.u32 v15, $0x3;
	v11 =	vshrl.u32 v11, $0x3;
	v14 =	vmov s3  }
0x97: {  	v12 =	vshll.u32 v12, v1;
	v10 =	vshll.u32 v10, v1;
	v16 =	vshll.u32 v9, v1  }
0x98: {  	v17 =	vshrl.u32 v13, $0x3;
	v22 =	vshll.u32 v15, v1;
	v11 =	vshll.u32 v11, v1  }
0x99: {  	v14 =	vshrl.u32 v14, $0x3;
	v10 =	vor.u32 v21, v10;
	v12 =	vor.u32 v21, v12  }
0x9a: {  	s31 =	simm.s32 $0x6;
	v19 =	vor.u32 v21, v16;
	v17 =	vshll.u32 v17, v1;
	v14 =	vshll.u32 v14, v1  }
0x9b: {  	s8 =	simm.s32 $0x840;
	s3 =	sand.u32 $0x7E, s31;
	v10 =	vbroadcast v10, $0x0;
	v18 =	vor.u32 v21, v11;
	v9 =	vor.u32 v21, v14  }
0x9c: {  	v15 =	vld [tilespmem:s8+$0x0];
	v17 =	vor.u32 v21, v17;
	v14 =	vmov s3;
	v11 =	vbroadcast v9, $0x0  }
0x9d: {  	v16 =	vld [tilespmem:s8+$0xFFFFFFD0];
	v13 =	vadd.s32 v2, v10;
	v10 =	vbroadcast v12, $0x0;
	v14 =	vshrl.u32 v14, $0x3  }
0x9e: {  	v19 =	vbroadcast v19, $0x0;
	v17 =	vbroadcast v17, $0x0;
	v9 =	vld [tilespmem:s8+$0xFFFFFFC0];
	v14 =	vshll.u32 v14, v1  }
0x9f: {  	v12 =	vadd.s32 v5, v11;
	v11 =	vadd.s32 v6, v10;
	v10 =	vor.u32 v21, v14;
	v14 =	vld [tilespmem:s8+$0x10]  }
0xa0: {  	s25 =	simm.s32 $0x8C0;
	s3 =	sshllo.u32 s29, $0x1;
	v18 =	vbroadcast v18, $0x0;
	v21 =	vor.u32 v21, v22;
	v20 =	vbroadcast v10, $0x0;
	v10 =	vld [tilespmem:s8+$0x30]  }
.LBB2_10:
0xa1: {  	s30 =	sadd.s32 $0x9, s0  }
0xa2: {  	v22 =	vld [tilespmem:s25+$0xFFFFFFC0];
	s31 =	sadd.s32 $0xA, s0;
	v19 =	vadd.s32 v0, v19;
	v20 =	vadd.s32 v7, v20;
	v21 =	vbroadcast v21, $0x0;
	s2 =	smov.u32 s0;
	s0 =	sadd.s32 $0x8, s0  }
0xa3: {  	s5 =	sand.u32 $0x78, s0;
	s30 =	sand.u32 $0x79, s30;
	s10 =	sadd.s32 $0xD, s2;
	[tilespmem:v13+s26+$0x0] =	vst.idx.msk $0xffff, v16;
	v13 =	vadd.s32 v3, v17;
	v16 =	vld [tilespmem:s8+$0xFFFFFFF0];
	v17 =	vadd.s32 v4, v18  }
0xa4: {  	s11 =	sshrl.u32 s0, $0x7;
	v18 =	vmov s5;
	v23 =	vmov s30;
	s5 =	sadd.s32 $0xB, s2;
	s30 =	sadd.s32 $0xF, s2;
	[tilespmem:v12+s26+$0x0] =	vst.idx.msk $0xffff, v15;
	v12 =	vld [tilespmem:s8+$0x20];
	v15 =	vadd.s32 v8, v21  }
0xa5: {  	v21 =	vmov s11;
	s10 =	sand.u32 $0x7D, s10;
	v18 =	vshrl.u32 v18, $0x3;
	v23 =	vshrl.u32 v23, $0x3;
	s5 =	sand.u32 $0x7B, s5;
	s11 =	sand.u32 $0x7F, s30;
	v24 =	vld [tilespmem:s8+$0xFFFFFFE0];
	[tilespmem:v11+s26+$0x0] =	vst.idx.msk $0xffff, v14  }
0xa6: {  	p2 =	slt.u32 s0, $0x3F8;
	v21 =	vmul.u32 $0x880, v21;
	s8 =	sand.u32 $0x7A, s31;
	v14 =	vmov s10;
	v11 =	vmov s5;
	s5 =	sadd.s32 $0xC, s2  }
0xa7: {  	v25 =	vmov s8;
	v14 =	vshrl.u32 v14, $0x3;
	s8 =	smov.u32 s25;
	v11 =	vshrl.u32 v11, $0x3;
	s5 =	sand.u32 $0x7C, s5;
	[tilespmem:v19+s26+$0x0] =	vst.idx.msk $0xffff, v9;
	v9 =	vmovc v22  }
0xa8: {  	v14 =	vshll.u32 v14, v1;
	v22 =	vmov s11;
	v19 =	vmov s5;
	[tilespmem:v17+s26+$0x0] =	vst.idx.msk $0xffff, v16  }
0xa9: {  	v16 =	vshll.u32 v23, v1;
	v11 =	vshll.u32 v11, v1;
	v17 =	vshrl.u32 v19, $0x3;
	[tilespmem:v20+s26+$0x0] =	vst.idx.msk $0xffff, v12  }
0xaa: {  	v12 =	vor.u32 v21, v16;
	v16 =	vshll.u32 v17, v1;
	v17 =	vshrl.u32 v22, $0x3;
	[tilespmem:v15+s26+$0x0] =	vst.idx.msk $0xffff, v10  }
0xab: {  	s2 =	sadd.s32 $0xE, s2;
	v10 =	vshll.u32 v18, v1;
	v15 =	vshrl.u32 v25, $0x3;
	v16 =	vor.u32 v21, v16;
	[tilespmem:v13+s26+$0x0] =	vst.idx.msk $0xffff, v24  }
0xac: {  	s2 =	sand.u32 $0x7E, s2;
	v14 =	vor.u32 v21, v14;
	v12 =	vbroadcast v12, $0x0;
	v22 =	vshll.u32 v17, v1  }
0xad: {  	v18 =	vor.u32 v21, v11;
	v11 =	vbroadcast v16, $0x0;
	v16 =	vmov s2  }
.Ltmp4:
0xae: {  	v14 =	vbroadcast v14, $0x0;
	v13 =	vadd.s32 v2, v12;
	v17 =	vshrl.u32 v16, $0x3;
	(pc) =	sbr.rel @p2 .LBB2_10-.Ltmp4, $4  }
0xaf: {  	v10 =	vor.u32 v21, v10;
	v12 =	vadd.s32 v5, v11;
	v17 =	vshll.u32 v17, v1;
	v16 =	vld [tilespmem:s25+$0xFFFFFFD0]  }
0xb0: {  	v20 =	vshll.u32 v15, v1;
	v11 =	vadd.s32 v6, v14;
	v17 =	vor.u32 v21, v17;
	v15 =	vld [tilespmem:s25+$0x0]  }
0xb1: {  	v19 =	vbroadcast v10, $0x0;
	v10 =	vor.u32 v21, v20;
	v20 =	vbroadcast v17, $0x0;
	v14 =	vld [tilespmem:s25+$0x10]  }
0xb2: {  	v18 =	vbroadcast v18, $0x0;
	v21 =	vor.u32 v21, v22;
	v17 =	vbroadcast v10, $0x0;
	s25 =	sadd.s32 $0x80, s25;
	v10 =	vld [tilespmem:s8+$0x30]  }
0xb3: {  	_ =	sdelay $0x1  }
0xb4: {  	v19 =	vadd.s32 v0, v19;
	_ =	sdelay $0x1  }
0xb5: {  	[tilespmem:v13+s26+$0x0] =	vst.idx.msk $0xffff, v16  }
0xb6: {  	v22 =	vld [tilespmem:s8+$0xFFFFFFF0];
	v18 =	vadd.s32 v4, v18;
	[tilespmem:v12+s26+$0x0] =	vst.idx.msk $0xffff, v15  }
0xb7: {  	v21 =	vbroadcast v21, $0x0;
	v59 =	vadd.s32 v7, v20;
	v60 =	vld [tilespmem:s8+$0x20];
	[tilespmem:v11+s26+$0x0] =	vst.idx.msk $0xffff, v14  }
0xb8: {  	v63 =	vld [tilespmem:s8+$0xFFFFFFE0];
	v62 =	vadd.s32 v3, v17;
	[tilespmem:v19+s26+$0x0] =	vst.idx.msk $0xffff, v9  }
0xb9: {  	v61 =	vadd.s32 v8, v21;
	s0 =	rddreg [dreg:$0x7]  }
0xba: {  	s0 =	sadd.s32 s0, s9  }
0xbb: {  	[tilespmem:v18+s26+$0x0] =	vst.idx.msk $0xffff, v22;
	s2 =	sshll.u32 s0, $0xB;
	s0 =	sshll.u32 s0, $0x7  }
0xbc: {  	[tilespmem:v59+s26+$0x0] =	vst.idx.msk $0xffff, v60;
	s2 =	sand.u32 $0xFFC0000, s2;
	s0 =	sand.u32 $0x3F00, s0  }
0xbd: {  	[tilespmem:v62+s26+$0x0] =	vst.idx.msk $0xffff, v63;
	s0 =	sor.u32 s0, s2  }
0xbe: {  	[tilespmem:v61+s26+$0x0] =	vst.idx.msk $0xffff, v10;
	s2 =	sadd.s32 s12, s0  }
0xbf: {  	[hbm4b:s2+s4] =	stream.linear.scatter [tilespmem:s26], [sflag:$0x7], $0x80, $0x38;
	[tilespmem:$0x11000] =	vst v63  }
0xc0: {  	s30 =	simm.s32 $0x8888;
	s5 =	sadd.s32 $0x10, s2  }
0xc1: {  	[hbm4b:s5+s4] =	stream.linear.scatter [tilespmem:s30], [sflag:$0x7], $0x80, $0x38;
	[tilespmem:$0x11000] =	vst v63  }
0xc2: {  	s10 =	simm.s32 $0x8910;
	s8 =	sadd.s32 $0x20, s2  }
0xc3: {  	[hbm4b:s8+s4] =	stream.linear.scatter [tilespmem:s10], [sflag:$0x7], $0x80, $0x38;
	[tilespmem:$0x11000] =	vst v63  }
0xc4: {  	s31 =	smov.u32 s12;
	s12 =	simm.s32 $0x8998;
	s11 =	sadd.s32 $0x30, s2  }
0xc5: {  	[hbm4b:s11+s4] =	stream.linear.scatter [tilespmem:s12], [sflag:$0x7], $0x80, $0x38;
	[tilespmem:$0x11000] =	vst v63  }
0xc6: {  	s25 =	sadd.s32 $0x40, s2;
	s30 =	simm.s32 $0x8A20  }
0xc7: {  	[hbm4b:s25+s4] =	stream.linear.scatter [tilespmem:s30], [sflag:$0x7], $0x80, $0x38;
	[tilespmem:$0x11000] =	vst v63  }
0xc8: {  	s8 =	sadd.s32 $0x50, s2;
	s10 =	simm.s32 $0x8AA8  }
0xc9: {  	[hbm4b:s8+s4] =	stream.linear.scatter [tilespmem:s10], [sflag:$0x7], $0x80, $0x38;
	[tilespmem:$0x11000] =	vst v63  }
0xca: {  	s11 =	sadd.s32 $0x60, s2;
	s12 =	simm.s32 $0x8B30  }
0xcb: {  	[hbm4b:s11+s4] =	stream.linear.scatter [tilespmem:s12], [sflag:$0x7], $0x80, $0x38;
	[tilespmem:$0x11000] =	vst v63  }
0xcc: {  	s2 =	sadd.s32 $0x70, s2;
	s25 =	simm.s32 $0x8BB8  }
0xcd: {  	[hbm4b:s2+s4] =	stream.linear.scatter [tilespmem:s25], [sflag:$0x7], $0x80, $0x38;
	[tilespmem:$0x11000] =	vst v63  }
0xce: {  	s30 =	simm.s32 $0x8C40;
	s2 =	sadd.s32 s0, s14  }
0xcf: {  	[hbm4b:s2+s4] =	stream.linear.scatter [tilespmem:s30], [sflag:$0x7], $0x80, $0x38;
	[tilespmem:$0x11000] =	vst v63  }
0xd0: {  	s10 =	simm.s32 $0x8CC8;
	s8 =	sadd.s32 $0x10, s2  }
0xd1: {  	[hbm4b:s8+s4] =	stream.linear.scatter [tilespmem:s10], [sflag:$0x7], $0x80, $0x38;
	[tilespmem:$0x11000] =	vst v63  }
0xd2: {  	s12 =	smov.u32 s14;
	s14 =	simm.s32 $0x8D50;
	s11 =	sadd.s32 $0x20, s2  }
0xd3: {  	[hbm4b:s11+s4] =	stream.linear.scatter [tilespmem:s14], [sflag:$0x7], $0x80, $0x38;
	[tilespmem:$0x11000] =	vst v63  }
0xd4: {  	s25 =	sadd.s32 $0x30, s2;
	s30 =	simm.s32 $0x8DD8  }
0xd5: {  	[hbm4b:s25+s4] =	stream.linear.scatter [tilespmem:s30], [sflag:$0x7], $0x80, $0x38;
	[tilespmem:$0x11000] =	vst v63  }
0xd6: {  	s8 =	sadd.s32 $0x40, s2;
	s10 =	simm.s32 $0x8E60  }
0xd7: {  	[hbm4b:s8+s4] =	stream.linear.scatter [tilespmem:s10], [sflag:$0x7], $0x80, $0x38;
	[tilespmem:$0x11000] =	vst v63  }
0xd8: {  	s11 =	sadd.s32 $0x50, s2;
	s14 =	simm.s32 $0x8EE8  }
0xd9: {  	[hbm4b:s11+s4] =	stream.linear.scatter [tilespmem:s14], [sflag:$0x7], $0x80, $0x38;
	[tilespmem:$0x11000] =	vst v63  }
0xda: {  	s25 =	sadd.s32 $0x60, s2;
	s30 =	simm.s32 $0x8F70  }
0xdb: {  	[hbm4b:s25+s4] =	stream.linear.scatter [tilespmem:s30], [sflag:$0x7], $0x80, $0x38;
	[tilespmem:$0x11000] =	vst v63  }
0xdc: {  	s2 =	sadd.s32 $0x70, s2;
	s8 =	simm.s32 $0x8FF8  }
0xdd: {  	[hbm4b:s2+s4] =	stream.linear.scatter [tilespmem:s8], [sflag:$0x7], $0x80, $0x38;
	[tilespmem:$0x11000] =	vst v63  }
0xde: {  	s10 =	simm.s32 $0x9080;
	s2 =	sadd.s32 s0, s15  }
0xdf: {  	[hbm4b:s2+s4] =	stream.linear.scatter [tilespmem:s10], [sflag:$0x7], $0x80, $0x38;
	[tilespmem:$0x11000] =	vst v63  }
0xe0: {  	s14 =	smov.u32 s15;
	s15 =	simm.s32 $0x9108;
	s11 =	sadd.s32 $0x10, s2  }
0xe1: {  	[hbm4b:s11+s4] =	stream.linear.scatter [tilespmem:s15], [sflag:$0x7], $0x80, $0x38;
	[tilespmem:$0x11000] =	vst v63  }
0xe2: {  	s30 =	simm.s32 $0x9190;
	s25 =	sadd.s32 $0x20, s2  }
0xe3: {  	[hbm4b:s25+s4] =	stream.linear.scatter [tilespmem:s30], [sflag:$0x7], $0x80, $0x38;
	[tilespmem:$0x11000] =	vst v63  }
0xe4: {  	s8 =	sadd.s32 $0x30, s2;
	s10 =	simm.s32 $0x9218  }
0xe5: {  	[hbm4b:s8+s4] =	stream.linear.scatter [tilespmem:s10], [sflag:$0x7], $0x80, $0x38;
	[tilespmem:$0x11000] =	vst v63  }
0xe6: {  	s11 =	sadd.s32 $0x40, s2;
	s15 =	simm.s32 $0x92A0  }
0xe7: {  	[hbm4b:s11+s4] =	stream.linear.scatter [tilespmem:s15], [sflag:$0x7], $0x80, $0x38;
	[tilespmem:$0x11000] =	vst v63  }
0xe8: {  	s25 =	sadd.s32 $0x50, s2;
	s30 =	simm.s32 $0x9328  }
0xe9: {  	[hbm4b:s25+s4] =	stream.linear.scatter [tilespmem:s30], [sflag:$0x7], $0x80, $0x38;
	[tilespmem:$0x11000] =	vst v63  }
0xea: {  	s10 =	sadd.s32 $0x60, s2;
	s11 =	simm.s32 $0x93B0  }
0xeb: {  	[hbm4b:s10+s4] =	stream.linear.scatter [tilespmem:s11], [sflag:$0x7], $0x80, $0x38;
	[tilespmem:$0x11000] =	vst v63  }
0xec: {  	s2 =	sadd.s32 $0x70, s2;
	s15 =	simm.s32 $0x9438  }
0xed: {  	[hbm4b:s2+s4] =	stream.linear.scatter [tilespmem:s15], [sflag:$0x7], $0x80, $0x38;
	[tilespmem:$0x11000] =	vst v63  }
0xee: {  	s15 =	smov.u32 s16;
	s2 =	sadd.s32 s0, s16;
	s16 =	simm.s32 $0x94C0  }
0xef: {  	[hbm4b:s2+s4] =	stream.linear.scatter [tilespmem:s16], [sflag:$0x7], $0x80, $0x38;
	[tilespmem:$0x11000] =	vst v63  }
0xf0: {  	s30 =	simm.s32 $0x9548;
	s25 =	sadd.s32 $0x10, s2  }
0xf1: {  	[hbm4b:s25+s4] =	stream.linear.scatter [tilespmem:s30], [sflag:$0x7], $0x80, $0x38;
	[tilespmem:$0x11000] =	vst v63  }
0xf2: {  	s10 =	simm.s32 $0x95D0;
	s8 =	sadd.s32 $0x20, s2  }
0xf3: {  	[hbm4b:s8+s4] =	stream.linear.scatter [tilespmem:s10], [sflag:$0x7], $0x80, $0x38;
	[tilespmem:$0x11000] =	vst v63  }
0xf4: {  	s11 =	sadd.s32 $0x30, s2;
	s16 =	simm.s32 $0x9658  }
0xf5: {  	[hbm4b:s11+s4] =	stream.linear.scatter [tilespmem:s16], [sflag:$0x7], $0x80, $0x38;
	[tilespmem:$0x11000] =	vst v63  }
0xf6: {  	s25 =	sadd.s32 $0x40, s2;
	s30 =	simm.s32 $0x96E0  }
0xf7: {  	[hbm4b:s25+s4] =	stream.linear.scatter [tilespmem:s30], [sflag:$0x7], $0x80, $0x38;
	[tilespmem:$0x11000] =	vst v63  }
0xf8: {  	s8 =	sadd.s32 $0x50, s2;
	s10 =	simm.s32 $0x9768  }
0xf9: {  	[hbm4b:s8+s4] =	stream.linear.scatter [tilespmem:s10], [sflag:$0x7], $0x80, $0x38;
	[tilespmem:$0x11000] =	vst v63  }
0xfa: {  	s11 =	sadd.s32 $0x60, s2;
	s16 =	simm.s32 $0x97F0  }
0xfb: {  	[hbm4b:s11+s4] =	stream.linear.scatter [tilespmem:s16], [sflag:$0x7], $0x80, $0x38;
	[tilespmem:$0x11000] =	vst v63  }
0xfc: {  	s2 =	sadd.s32 $0x70, s2;
	s25 =	simm.s32 $0x9878  }
0xfd: {  	[hbm4b:s2+s4] =	stream.linear.scatter [tilespmem:s25], [sflag:$0x7], $0x80, $0x38;
	[tilespmem:$0x11000] =	vst v63  }
0xfe: {  	s30 =	simm.s32 $0x9900;
	s2 =	sadd.s32 s0, s17  }
0xff: {  	[hbm4b:s2+s4] =	stream.linear.scatter [tilespmem:s30], [sflag:$0x7], $0x80, $0x38;
	[tilespmem:$0x11000] =	vst v63  }
0x100: {  	s10 =	simm.s32 $0x9988;
	s8 =	sadd.s32 $0x10, s2  }
0x101: {  	[hbm4b:s8+s4] =	stream.linear.scatter [tilespmem:s10], [sflag:$0x7], $0x80, $0x38;
	[tilespmem:$0x11000] =	vst v63  }
0x102: {  	s16 =	smov.u32 s17;
	s17 =	simm.s32 $0x9A10;
	s11 =	sadd.s32 $0x20, s2  }
0x103: {  	[hbm4b:s11+s4] =	stream.linear.scatter [tilespmem:s17], [sflag:$0x7], $0x80, $0x38;
	[tilespmem:$0x11000] =	vst v63  }
0x104: {  	s25 =	sadd.s32 $0x30, s2;
	s30 =	simm.s32 $0x9A98  }
0x105: {  	[hbm4b:s25+s4] =	stream.linear.scatter [tilespmem:s30], [sflag:$0x7], $0x80, $0x38;
	[tilespmem:$0x11000] =	vst v63  }
0x106: {  	s8 =	sadd.s32 $0x40, s2;
	s10 =	simm.s32 $0x9B20  }
0x107: {  	[hbm4b:s8+s4] =	stream.linear.scatter [tilespmem:s10], [sflag:$0x7], $0x80, $0x38;
	[tilespmem:$0x11000] =	vst v63  }
0x108: {  	s11 =	sadd.s32 $0x50, s2;
	s17 =	simm.s32 $0x9BA8  }
0x109: {  	[hbm4b:s11+s4] =	stream.linear.scatter [tilespmem:s17], [sflag:$0x7], $0x80, $0x38;
	[tilespmem:$0x11000] =	vst v63  }
0x10a: {  	s25 =	sadd.s32 $0x60, s2;
	s30 =	simm.s32 $0x9C30  }
0x10b: {  	[hbm4b:s25+s4] =	stream.linear.scatter [tilespmem:s30], [sflag:$0x7], $0x80, $0x38;
	[tilespmem:$0x11000] =	vst v63  }
0x10c: {  	s2 =	sadd.s32 $0x70, s2;
	s8 =	simm.s32 $0x9CB8  }
0x10d: {  	[hbm4b:s2+s4] =	stream.linear.scatter [tilespmem:s8], [sflag:$0x7], $0x80, $0x38;
	[tilespmem:$0x11000] =	vst v63  }
0x10e: {  	s10 =	simm.s32 $0x9D40;
	s2 =	sadd.s32 s0, s18  }
0x10f: {  	[hbm4b:s2+s4] =	stream.linear.scatter [tilespmem:s10], [sflag:$0x7], $0x80, $0x38;
	[tilespmem:$0x11000] =	vst v63  }
0x110: {  	s17 =	smov.u32 s18;
	s18 =	simm.s32 $0x9DC8;
	s11 =	sadd.s32 $0x10, s2  }
0x111: {  	[hbm4b:s11+s4] =	stream.linear.scatter [tilespmem:s18], [sflag:$0x7], $0x80, $0x38;
	[tilespmem:$0x11000] =	vst v63  }
0x112: {  	s30 =	simm.s32 $0x9E50;
	s25 =	sadd.s32 $0x20, s2  }
0x113: {  	[hbm4b:s25+s4] =	stream.linear.scatter [tilespmem:s30], [sflag:$0x7], $0x80, $0x38;
	[tilespmem:$0x11000] =	vst v63  }
0x114: {  	s8 =	sadd.s32 $0x30, s2;
	s10 =	simm.s32 $0x9ED8  }
0x115: {  	[hbm4b:s8+s4] =	stream.linear.scatter [tilespmem:s10], [sflag:$0x7], $0x80, $0x38;
	[tilespmem:$0x11000] =	vst v63  }
0x116: {  	s11 =	sadd.s32 $0x40, s2;
	s18 =	simm.s32 $0x9F60  }
0x117: {  	[hbm4b:s11+s4] =	stream.linear.scatter [tilespmem:s18], [sflag:$0x7], $0x80, $0x38;
	[tilespmem:$0x11000] =	vst v63  }
0x118: {  	s25 =	sadd.s32 $0x50, s2;
	s30 =	simm.s32 $0x9FE8  }
0x119: {  	[hbm4b:s25+s4] =	stream.linear.scatter [tilespmem:s30], [sflag:$0x7], $0x80, $0x38;
	[tilespmem:$0x11000] =	vst v63  }
0x11a: {  	s10 =	sadd.s32 $0x60, s2;
	s11 =	simm.s32 $0xA070  }
0x11b: {  	[hbm4b:s10+s4] =	stream.linear.scatter [tilespmem:s11], [sflag:$0x7], $0x80, $0x38;
	[tilespmem:$0x11000] =	vst v63  }
0x11c: {  	s2 =	sadd.s32 $0x70, s2;
	s18 =	simm.s32 $0xA0F8  }
0x11d: {  	[hbm4b:s2+s4] =	stream.linear.scatter [tilespmem:s18], [sflag:$0x7], $0x80, $0x38;
	[tilespmem:$0x11000] =	vst v63  }
0x11e: {  	s18 =	smov.u32 s19;
	s2 =	sadd.s32 s0, s19;
	s19 =	simm.s32 $0xA180  }
0x11f: {  	[hbm4b:s2+s4] =	stream.linear.scatter [tilespmem:s19], [sflag:$0x7], $0x80, $0x38;
	[tilespmem:$0x11000] =	vst v63  }
0x120: {  	s30 =	simm.s32 $0xA208;
	s25 =	sadd.s32 $0x10, s2  }
0x121: {  	[hbm4b:s25+s4] =	stream.linear.scatter [tilespmem:s30], [sflag:$0x7], $0x80, $0x38;
	[tilespmem:$0x11000] =	vst v63  }
0x122: {  	s10 =	simm.s32 $0xA290;
	s8 =	sadd.s32 $0x20, s2  }
0x123: {  	[hbm4b:s8+s4] =	stream.linear.scatter [tilespmem:s10], [sflag:$0x7], $0x80, $0x38;
	[tilespmem:$0x11000] =	vst v63  }
0x124: {  	s11 =	sadd.s32 $0x30, s2;
	s19 =	simm.s32 $0xA318  }
0x125: {  	[hbm4b:s11+s4] =	stream.linear.scatter [tilespmem:s19], [sflag:$0x7], $0x80, $0x38;
	[tilespmem:$0x11000] =	vst v63  }
0x126: {  	s25 =	sadd.s32 $0x40, s2;
	s30 =	simm.s32 $0xA3A0  }
0x127: {  	[hbm4b:s25+s4] =	stream.linear.scatter [tilespmem:s30], [sflag:$0x7], $0x80, $0x38;
	[tilespmem:$0x11000] =	vst v63  }
0x128: {  	s8 =	sadd.s32 $0x50, s2;
	s10 =	simm.s32 $0xA428  }
0x129: {  	[hbm4b:s8+s4] =	stream.linear.scatter [tilespmem:s10], [sflag:$0x7], $0x80, $0x38;
	[tilespmem:$0x11000] =	vst v63  }
0x12a: {  	s11 =	sadd.s32 $0x60, s2;
	s19 =	simm.s32 $0xA4B0  }
0x12b: {  	[hbm4b:s11+s4] =	stream.linear.scatter [tilespmem:s19], [sflag:$0x7], $0x80, $0x38;
	[tilespmem:$0x11000] =	vst v63  }
0x12c: {  	s2 =	sadd.s32 $0x70, s2;
	s25 =	simm.s32 $0xA538  }
0x12d: {  	[hbm4b:s2+s4] =	stream.linear.scatter [tilespmem:s25], [sflag:$0x7], $0x80, $0x38;
	[tilespmem:$0x11000] =	vst v63  }
0x12e: {  	s30 =	simm.s32 $0xA5C0;
	s2 =	sadd.s32 s0, s20  }
0x12f: {  	[hbm4b:s2+s4] =	stream.linear.scatter [tilespmem:s30], [sflag:$0x7], $0x80, $0x38;
	[tilespmem:$0x11000] =	vst v63  }
0x130: {  	s10 =	simm.s32 $0xA648;
	s8 =	sadd.s32 $0x10, s2  }
0x131: {  	[hbm4b:s8+s4] =	stream.linear.scatter [tilespmem:s10], [sflag:$0x7], $0x80, $0x38;
	[tilespmem:$0x11000] =	vst v63  }
0x132: {  	s19 =	smov.u32 s20;
	s20 =	simm.s32 $0xA6D0;
	s11 =	sadd.s32 $0x20, s2  }
0x133: {  	[hbm4b:s11+s4] =	stream.linear.scatter [tilespmem:s20], [sflag:$0x7], $0x80, $0x38;
	[tilespmem:$0x11000] =	vst v63  }
0x134: {  	s25 =	sadd.s32 $0x30, s2;
	s30 =	simm.s32 $0xA758  }
0x135: {  	[hbm4b:s25+s4] =	stream.linear.scatter [tilespmem:s30], [sflag:$0x7], $0x80, $0x38;
	[tilespmem:$0x11000] =	vst v63  }
0x136: {  	s8 =	sadd.s32 $0x40, s2;
	s10 =	simm.s32 $0xA7E0  }
0x137: {  	[hbm4b:s8+s4] =	stream.linear.scatter [tilespmem:s10], [sflag:$0x7], $0x80, $0x38;
	[tilespmem:$0x11000] =	vst v63  }
0x138: {  	s11 =	sadd.s32 $0x50, s2;
	s20 =	simm.s32 $0xA868  }
0x139: {  	[hbm4b:s11+s4] =	stream.linear.scatter [tilespmem:s20], [sflag:$0x7], $0x80, $0x38;
	[tilespmem:$0x11000] =	vst v63  }
0x13a: {  	s25 =	sadd.s32 $0x60, s2;
	s30 =	simm.s32 $0xA8F0  }
0x13b: {  	[hbm4b:s25+s4] =	stream.linear.scatter [tilespmem:s30], [sflag:$0x7], $0x80, $0x38;
	[tilespmem:$0x11000] =	vst v63  }
0x13c: {  	s2 =	sadd.s32 $0x70, s2;
	s8 =	simm.s32 $0xA978  }
0x13d: {  	[hbm4b:s2+s4] =	stream.linear.scatter [tilespmem:s8], [sflag:$0x7], $0x80, $0x38;
	[tilespmem:$0x11000] =	vst v63  }
0x13e: {  	s10 =	simm.s32 $0xAA00;
	s2 =	sadd.s32 s0, s21  }
0x13f: {  	[hbm4b:s2+s4] =	stream.linear.scatter [tilespmem:s10], [sflag:$0x7], $0x80, $0x38;
	[tilespmem:$0x11000] =	vst v63  }
0x140: {  	s20 =	smov.u32 s21;
	s21 =	simm.s32 $0xAA88;
	s11 =	sadd.s32 $0x10, s2  }
0x141: {  	[hbm4b:s11+s4] =	stream.linear.scatter [tilespmem:s21], [sflag:$0x7], $0x80, $0x38;
	[tilespmem:$0x11000] =	vst v63  }
0x142: {  	s30 =	simm.s32 $0xAB10;
	s25 =	sadd.s32 $0x20, s2  }
0x143: {  	[hbm4b:s25+s4] =	stream.linear.scatter [tilespmem:s30], [sflag:$0x7], $0x80, $0x38;
	[tilespmem:$0x11000] =	vst v63  }
0x144: {  	s8 =	sadd.s32 $0x30, s2;
	s10 =	simm.s32 $0xAB98  }
0x145: {  	[hbm4b:s8+s4] =	stream.linear.scatter [tilespmem:s10], [sflag:$0x7], $0x80, $0x38;
	[tilespmem:$0x11000] =	vst v63  }
0x146: {  	s11 =	sadd.s32 $0x40, s2;
	s21 =	simm.s32 $0xAC20  }
0x147: {  	[hbm4b:s11+s4] =	stream.linear.scatter [tilespmem:s21], [sflag:$0x7], $0x80, $0x38;
	[tilespmem:$0x11000] =	vst v63  }
0x148: {  	s25 =	sadd.s32 $0x50, s2;
	s30 =	simm.s32 $0xACA8  }
0x149: {  	[hbm4b:s25+s4] =	stream.linear.scatter [tilespmem:s30], [sflag:$0x7], $0x80, $0x38;
	[tilespmem:$0x11000] =	vst v63  }
0x14a: {  	s10 =	sadd.s32 $0x60, s2;
	s11 =	simm.s32 $0xAD30  }
0x14b: {  	[hbm4b:s10+s4] =	stream.linear.scatter [tilespmem:s11], [sflag:$0x7], $0x80, $0x38;
	[tilespmem:$0x11000] =	vst v63  }
0x14c: {  	s2 =	sadd.s32 $0x70, s2;
	s21 =	simm.s32 $0xADB8  }
0x14d: {  	[hbm4b:s2+s4] =	stream.linear.scatter [tilespmem:s21], [sflag:$0x7], $0x80, $0x38;
	[tilespmem:$0x11000] =	vst v63  }
0x14e: {  	s21 =	smov.u32 s22;
	s2 =	sadd.s32 s0, s22;
	s22 =	simm.s32 $0xAE40  }
0x14f: {  	[hbm4b:s2+s4] =	stream.linear.scatter [tilespmem:s22], [sflag:$0x7], $0x80, $0x38;
	[tilespmem:$0x11000] =	vst v63  }
0x150: {  	s30 =	simm.s32 $0xAEC8;
	s25 =	sadd.s32 $0x10, s2  }
0x151: {  	[hbm4b:s25+s4] =	stream.linear.scatter [tilespmem:s30], [sflag:$0x7], $0x80, $0x38;
	[tilespmem:$0x11000] =	vst v63  }
0x152: {  	s10 =	simm.s32 $0xAF50;
	s8 =	sadd.s32 $0x20, s2  }
0x153: {  	[hbm4b:s8+s4] =	stream.linear.scatter [tilespmem:s10], [sflag:$0x7], $0x80, $0x38;
	[tilespmem:$0x11000] =	vst v63  }
0x154: {  	s11 =	sadd.s32 $0x30, s2;
	s22 =	simm.s32 $0xAFD8  }
0x155: {  	[hbm4b:s11+s4] =	stream.linear.scatter [tilespmem:s22], [sflag:$0x7], $0x80, $0x38;
	[tilespmem:$0x11000] =	vst v63  }
0x156: {  	s25 =	sadd.s32 $0x40, s2;
	s30 =	simm.s32 $0xB060  }
0x157: {  	[hbm4b:s25+s4] =	stream.linear.scatter [tilespmem:s30], [sflag:$0x7], $0x80, $0x38;
	[tilespmem:$0x11000] =	vst v63  }
0x158: {  	s8 =	sadd.s32 $0x50, s2;
	s10 =	simm.s32 $0xB0E8  }
0x159: {  	[hbm4b:s8+s4] =	stream.linear.scatter [tilespmem:s10], [sflag:$0x7], $0x80, $0x38;
	[tilespmem:$0x11000] =	vst v63  }
0x15a: {  	s11 =	sadd.s32 $0x60, s2;
	s22 =	simm.s32 $0xB170  }
0x15b: {  	[hbm4b:s11+s4] =	stream.linear.scatter [tilespmem:s22], [sflag:$0x7], $0x80, $0x38;
	[tilespmem:$0x11000] =	vst v63  }
0x15c: {  	s2 =	sadd.s32 $0x70, s2;
	s25 =	simm.s32 $0xB1F8  }
0x15d: {  	[hbm4b:s2+s4] =	stream.linear.scatter [tilespmem:s25], [sflag:$0x7], $0x80, $0x38;
	[tilespmem:$0x11000] =	vst v63  }
0x15e: {  	s30 =	simm.s32 $0xB280;
	s2 =	sadd.s32 s0, s23  }
0x15f: {  	[hbm4b:s2+s4] =	stream.linear.scatter [tilespmem:s30], [sflag:$0x7], $0x80, $0x38;
	[tilespmem:$0x11000] =	vst v63  }
0x160: {  	s10 =	simm.s32 $0xB308;
	s8 =	sadd.s32 $0x10, s2  }
0x161: {  	[hbm4b:s8+s4] =	stream.linear.scatter [tilespmem:s10], [sflag:$0x7], $0x80, $0x38;
	[tilespmem:$0x11000] =	vst v63  }
0x162: {  	s22 =	smov.u32 s23;
	s23 =	simm.s32 $0xB390;
	s11 =	sadd.s32 $0x20, s2  }
0x163: {  	[hbm4b:s11+s4] =	stream.linear.scatter [tilespmem:s23], [sflag:$0x7], $0x80, $0x38;
	[tilespmem:$0x11000] =	vst v63  }
0x164: {  	s25 =	sadd.s32 $0x30, s2;
	s30 =	simm.s32 $0xB418  }
0x165: {  	[hbm4b:s25+s4] =	stream.linear.scatter [tilespmem:s30], [sflag:$0x7], $0x80, $0x38;
	[tilespmem:$0x11000] =	vst v63  }
0x166: {  	s8 =	sadd.s32 $0x40, s2;
	s10 =	simm.s32 $0xB4A0  }
0x167: {  	[hbm4b:s8+s4] =	stream.linear.scatter [tilespmem:s10], [sflag:$0x7], $0x80, $0x38;
	[tilespmem:$0x11000] =	vst v63  }
0x168: {  	s11 =	sadd.s32 $0x50, s2;
	s23 =	simm.s32 $0xB528  }
0x169: {  	[hbm4b:s11+s4] =	stream.linear.scatter [tilespmem:s23], [sflag:$0x7], $0x80, $0x38;
	[tilespmem:$0x11000] =	vst v63  }
0x16a: {  	s25 =	sadd.s32 $0x60, s2;
	s30 =	simm.s32 $0xB5B0  }
0x16b: {  	[hbm4b:s25+s4] =	stream.linear.scatter [tilespmem:s30], [sflag:$0x7], $0x80, $0x38;
	[tilespmem:$0x11000] =	vst v63  }
0x16c: {  	s2 =	sadd.s32 $0x70, s2;
	s8 =	simm.s32 $0xB638  }
0x16d: {  	[hbm4b:s2+s4] =	stream.linear.scatter [tilespmem:s8], [sflag:$0x7], $0x80, $0x38;
	[tilespmem:$0x11000] =	vst v63  }
0x16e: {  	s10 =	simm.s32 $0xB6C0;
	s2 =	sadd.s32 s0, s24  }
0x16f: {  	[hbm4b:s2+s4] =	stream.linear.scatter [tilespmem:s10], [sflag:$0x7], $0x80, $0x38;
	[tilespmem:$0x11000] =	vst v63  }
0x170: {  	s23 =	smov.u32 s24;
	s24 =	simm.s32 $0xB748;
	s11 =	sadd.s32 $0x10, s2  }
0x171: {  	[hbm4b:s11+s4] =	stream.linear.scatter [tilespmem:s24], [sflag:$0x7], $0x80, $0x38;
	[tilespmem:$0x11000] =	vst v63  }
0x172: {  	s30 =	simm.s32 $0xB7D0;
	s25 =	sadd.s32 $0x20, s2  }
0x173: {  	[hbm4b:s25+s4] =	stream.linear.scatter [tilespmem:s30], [sflag:$0x7], $0x80, $0x38;
	[tilespmem:$0x11000] =	vst v63  }
0x174: {  	s8 =	sadd.s32 $0x30, s2;
	s10 =	simm.s32 $0xB858  }
0x175: {  	[hbm4b:s8+s4] =	stream.linear.scatter [tilespmem:s10], [sflag:$0x7], $0x80, $0x38;
	[tilespmem:$0x11000] =	vst v63  }
0x176: {  	s11 =	sadd.s32 $0x40, s2;
	s24 =	simm.s32 $0xB8E0  }
0x177: {  	[hbm4b:s11+s4] =	stream.linear.scatter [tilespmem:s24], [sflag:$0x7], $0x80, $0x38;
	[tilespmem:$0x11000] =	vst v63  }
0x178: {  	s25 =	sadd.s32 $0x50, s2;
	s30 =	simm.s32 $0xB968  }
0x179: {  	[hbm4b:s25+s4] =	stream.linear.scatter [tilespmem:s30], [sflag:$0x7], $0x80, $0x38;
	[tilespmem:$0x11000] =	vst v63  }
0x17a: {  	s8 =	sadd.s32 $0x60, s2;
	s10 =	simm.s32 $0xB9F0  }
0x17b: {  	[hbm4b:s8+s4] =	stream.linear.scatter [tilespmem:s10], [sflag:$0x7], $0x80, $0x38;
	[tilespmem:$0x11000] =	vst v63  }
0x17c: {  	s2 =	sadd.s32 $0x70, s2;
	s11 =	simm.s32 $0xBA78  }
0x17d: {  	[hbm4b:s2+s4] =	stream.linear.scatter [tilespmem:s11], [sflag:$0x7], $0x80, $0x38;
	[tilespmem:$0x11000] =	vst v63  }
0x17e: {  	s24 =	smov.u32 s13;
	s2 =	sadd.s32 s0, s13;
	s13 =	simm.s32 $0xBB00  }
0x17f: {  	[hbm4b:s2+s4] =	stream.linear.scatter [tilespmem:s13], [sflag:$0x7], $0x80, $0x38;
	[tilespmem:$0x11000] =	vst v63  }
0x180: {  	s30 =	simm.s32 $0xBB88;
	s25 =	sadd.s32 $0x10, s2  }
0x181: {  	[hbm4b:s25+s4] =	stream.linear.scatter [tilespmem:s30], [sflag:$0x7], $0x80, $0x38;
	[tilespmem:$0x11000] =	vst v63  }
0x182: {  	s10 =	simm.s32 $0xBC10;
	s8 =	sadd.s32 $0x20, s2  }
0x183: {  	[hbm4b:s8+s4] =	stream.linear.scatter [tilespmem:s10], [sflag:$0x7], $0x80, $0x38;
	[tilespmem:$0x11000] =	vst v63  }
0x184: {  	s11 =	sadd.s32 $0x30, s2;
	s13 =	simm.s32 $0xBC98  }
0x185: {  	[hbm4b:s11+s4] =	stream.linear.scatter [tilespmem:s13], [sflag:$0x7], $0x80, $0x38;
	[tilespmem:$0x11000] =	vst v63  }
0x186: {  	s25 =	sadd.s32 $0x40, s2;
	s30 =	simm.s32 $0xBD20  }
0x187: {  	[hbm4b:s25+s4] =	stream.linear.scatter [tilespmem:s30], [sflag:$0x7], $0x80, $0x38;
	[tilespmem:$0x11000] =	vst v63  }
0x188: {  	s8 =	sadd.s32 $0x50, s2;
	s10 =	simm.s32 $0xBDA8  }
0x189: {  	[hbm4b:s8+s4] =	stream.linear.scatter [tilespmem:s10], [sflag:$0x7], $0x80, $0x38;
	[tilespmem:$0x11000] =	vst v63  }
0x18a: {  	s11 =	sadd.s32 $0x60, s2;
	s13 =	simm.s32 $0xBE30  }
0x18b: {  	[hbm4b:s11+s4] =	stream.linear.scatter [tilespmem:s13], [sflag:$0x7], $0x80, $0x38;
	[tilespmem:$0x11000] =	vst v63  }
0x18c: {  	s2 =	sadd.s32 $0x70, s2;
	s25 =	simm.s32 $0xBEB8  }
0x18d: {  	[hbm4b:s2+s4] =	stream.linear.scatter [tilespmem:s25], [sflag:$0x7], $0x80, $0x38;
	[tilespmem:$0x11000] =	vst v63  }
0x18e: {  	s30 =	simm.s32 $0xBF40;
	s2 =	sadd.s32 s0, s6  }
0x18f: {  	[hbm4b:s2+s4] =	stream.linear.scatter [tilespmem:s30], [sflag:$0x7], $0x80, $0x38;
	[tilespmem:$0x11000] =	vst v63  }
0x190: {  	s8 =	simm.s32 $0xBFC8;
	s13 =	smov.u32 s6;
	s6 =	sadd.s32 $0x10, s2  }
0x191: {  	[hbm4b:s6+s4] =	stream.linear.scatter [tilespmem:s8], [sflag:$0x7], $0x80, $0x38;
	[tilespmem:$0x11000] =	vst v63  }
0x192: {  	s11 =	simm.s32 $0xC050;
	s10 =	sadd.s32 $0x20, s2  }
0x193: {  	[hbm4b:s10+s4] =	stream.linear.scatter [tilespmem:s11], [sflag:$0x7], $0x80, $0x38;
	[tilespmem:$0x11000] =	vst v63  }
0x194: {  	s25 =	sadd.s32 $0x30, s2;
	s30 =	simm.s32 $0xC0D8  }
0x195: {  	[hbm4b:s25+s4] =	stream.linear.scatter [tilespmem:s30], [sflag:$0x7], $0x80, $0x38;
	[tilespmem:$0x11000] =	vst v63  }
0x196: {  	s6 =	sadd.s32 $0x40, s2;
	s8 =	simm.s32 $0xC160  }
0x197: {  	[hbm4b:s6+s4] =	stream.linear.scatter [tilespmem:s8], [sflag:$0x7], $0x80, $0x38;
	[tilespmem:$0x11000] =	vst v63  }
0x198: {  	s10 =	sadd.s32 $0x50, s2;
	s11 =	simm.s32 $0xC1E8  }
0x199: {  	[hbm4b:s10+s4] =	stream.linear.scatter [tilespmem:s11], [sflag:$0x7], $0x80, $0x38;
	[tilespmem:$0x11000] =	vst v63  }
0x19a: {  	s25 =	sadd.s32 $0x60, s2;
	s30 =	simm.s32 $0xC270  }
0x19b: {  	[hbm4b:s25+s4] =	stream.linear.scatter [tilespmem:s30], [sflag:$0x7], $0x80, $0x38;
	[tilespmem:$0x11000] =	vst v63  }
0x19c: {  	s2 =	sadd.s32 $0x70, s2;
	s6 =	simm.s32 $0xC2F8  }
0x19d: {  	[hbm4b:s2+s4] =	stream.linear.scatter [tilespmem:s6], [sflag:$0x7], $0x80, $0x38;
	[tilespmem:$0x11000] =	vst v63  }
0x19e: {  	s6 =	rddreg [dreg:$0x9]  }
0x19f: {  	s8 =	simm.s32 $0xC380;
	s2 =	sadd.s32 s0, s6  }
0x1a0: {  	[hbm4b:s2+s4] =	stream.linear.scatter [tilespmem:s8], [sflag:$0x7], $0x80, $0x38;
	[tilespmem:$0x11000] =	vst v63  }
0x1a1: {  	s11 =	simm.s32 $0xC408;
	s10 =	sadd.s32 $0x10, s2  }
0x1a2: {  	[hbm4b:s10+s4] =	stream.linear.scatter [tilespmem:s11], [sflag:$0x7], $0x80, $0x38;
	[tilespmem:$0x11000] =	vst v63  }
0x1a3: {  	s30 =	simm.s32 $0xC490;
	s25 =	sadd.s32 $0x20, s2  }
0x1a4: {  	[hbm4b:s25+s4] =	stream.linear.scatter [tilespmem:s30], [sflag:$0x7], $0x80, $0x38;
	[tilespmem:$0x11000] =	vst v63  }
0x1a5: {  	s10 =	sadd.s32 $0x30, s2;
	s11 =	simm.s32 $0xC518  }
0x1a6: {  	[hbm4b:s10+s4] =	stream.linear.scatter [tilespmem:s11], [sflag:$0x7], $0x80, $0x38;
	[tilespmem:$0x11000] =	vst v63  }
0x1a7: {  	s25 =	sadd.s32 $0x40, s2;
	s30 =	simm.s32 $0xC5A0  }
0x1a8: {  	[hbm4b:s25+s4] =	stream.linear.scatter [tilespmem:s30], [sflag:$0x7], $0x80, $0x38;
	[tilespmem:$0x11000] =	vst v63  }
0x1a9: {  	s8 =	sadd.s32 $0x50, s2;
	s10 =	simm.s32 $0xC628  }
0x1aa: {  	[hbm4b:s8+s4] =	stream.linear.scatter [tilespmem:s10], [sflag:$0x7], $0x80, $0x38;
	[tilespmem:$0x11000] =	vst v63  }
0x1ab: {  	s11 =	sadd.s32 $0x60, s2;
	s25 =	simm.s32 $0xC6B0  }
0x1ac: {  	[hbm4b:s11+s4] =	stream.linear.scatter [tilespmem:s25], [sflag:$0x7], $0x80, $0x38;
	[tilespmem:$0x11000] =	vst v63  }
0x1ad: {  	s5 =	rddreg [dreg:$0xa];
	s2 =	sadd.s32 $0x70, s2;
	s30 =	simm.s32 $0xC738  }
0x1ae: {  	[hbm4b:s2+s4] =	stream.linear.scatter [tilespmem:s30], [sflag:$0x7], $0x80, $0x38;
	[tilespmem:$0x11000] =	vst v63  }
0x1af: {  	s0 =	sadd.s32 s0, s5;
	s8 =	simm.s32 $0xC7C0  }
0x1b0: {  	[hbm4b:s0+s4] =	stream.linear.scatter [tilespmem:s8], [sflag:$0x7], $0x80, $0x38;
	[tilespmem:$0x11000] =	vst v63  }
0x1b1: {  	s10 =	sadd.s32 $0x10, s0;
	s11 =	simm.s32 $0xC848  }
0x1b2: {  	[hbm4b:s10+s4] =	stream.linear.scatter [tilespmem:s11], [sflag:$0x7], $0x80, $0x38;
	[tilespmem:$0x11000] =	vst v63  }
0x1b3: {  	s25 =	sadd.s32 $0x20, s0;
	s30 =	simm.s32 $0xC8D0  }
0x1b4: {  	[hbm4b:s25+s4] =	stream.linear.scatter [tilespmem:s30], [sflag:$0x7], $0x80, $0x38;
	[tilespmem:$0x11000] =	vst v63  }
0x1b5: {  	s5 =	sadd.s32 $0x30, s0;
	s8 =	simm.s32 $0xC958  }
0x1b6: {  	[hbm4b:s5+s4] =	stream.linear.scatter [tilespmem:s8], [sflag:$0x7], $0x80, $0x38;
	[tilespmem:$0x11000] =	vst v63  }
0x1b7: {  	s10 =	sadd.s32 $0x40, s0;
	s11 =	simm.s32 $0xC9E0  }
0x1b8: {  	[hbm4b:s10+s4] =	stream.linear.scatter [tilespmem:s11], [sflag:$0x7], $0x80, $0x38;
	[tilespmem:$0x11000] =	vst v63  }
0x1b9: {  	s25 =	sadd.s32 $0x50, s0;
	s30 =	simm.s32 $0xCA68  }
0x1ba: {  	[hbm4b:s25+s4] =	stream.linear.scatter [tilespmem:s30], [sflag:$0x7], $0x80, $0x38;
	[tilespmem:$0x11000] =	vst v63  }
0x1bb: {  	s8 =	sadd.s32 $0x60, s0;
	s10 =	simm.s32 $0xCAF0  }
0x1bc: {  	[hbm4b:s8+s4] =	stream.linear.scatter [tilespmem:s10], [sflag:$0x7], $0x80, $0x38;
	[tilespmem:$0x11000] =	vst v63  }
0x1bd: {  	s0 =	sadd.s32 $0x70, s0;
	s11 =	simm.s32 $0xCB78;
	s25 =	simm.s32 $0x4  }
0x1be: {  	[hbm4b:s0+s4] =	stream.linear.scatter [tilespmem:s11], [sflag:$0x7], $0x80, $0x38;
	[tilespmem:$0x11000] =	vst v63  }
0x1bf: {  	_ =	swait.ge [sflag:s25], $0x2000  }
.Ltmp5:
0x1c0: {  	[sflag:s25] =	ssyncset.done $0x0;
	(pc) =	sbr.rel @p1 .LBB2_15-.Ltmp5, $4  }
0x1c1: {  	s30 =	simm.s32 $0x6;
	[sflag:s25] =	ssyncadd.s32 $0xFFFFE000  }
0x1c2: {  	_ =	swait.ge [sflag:s30], $0x2000  }
0x1c3: {  	[sflag:s30] =	ssyncset.done $0x0  }
0x1c4: {  	[sflag:s30] =	ssyncadd.s32 $0xFFFFE000  }
0x1c5: {  	s0 =	simm.s32 $0x1  }
0x1c6: {  	_ =	swait.ge [sflag:s0], $0x400  }
0x1c7: {  	[sflag:s0] =	ssyncset.done $0x0  }
0x1c8: {  	[sflag:s0] =	ssyncadd.s32 $0xFFFFFC00;
	s0 =	simm.s32 $0x40  }
0x1c9: {  	v12 =	vld [tilespmem:s0+$0x30]  }
0x1ca: {  	v13 =	vld [tilespmem:s0+$0xFFFFFFD0]  }
0x1cb: {  	v14 =	vld [tilespmem:s0+$0xFFFFFFE0]  }
0x1cc: {  	v11 =	vld [tilespmem:s0+$0xFFFFFFF0]  }
0x1cd: {  	v10 =	vld [tilespmem:s0+$0x0]  }
0x1ce: {  	v9 =	vld [tilespmem:s0+$0x10];
	v15 =	vshll.u32 v12, $0x3  }
0x1cf: {  	v16 =	vshll.u32 v13, $0x3;
	v12 =	vld [tilespmem:s0+$0x20];
	[tilespmem:s0+$0x30] =	vst v15  }
0x1d0: {  	s8 =	simm.s32 $0x0;
	s25 =	simm.s32 $0xC0;
	v13 =	vld [tilespmem:s0+$0xFFFFFFC0];
	v14 =	vshll.u32 v14, $0x3;
	[tilespmem:s0+$0xFFFFFFD0] =	vst v16  }
.LBB2_13:
0x1d1: {  	v15 =	vld [tilespmem:s25+$0x30];
	s8 =	sadd.s32 $0x8, s8;
	[tilespmem:s0+$0xFFFFFFE0] =	vst v14;
	v11 =	vshll.u32 v11, $0x3  }
0x1d2: {  	v14 =	vld [tilespmem:s25+$0xFFFFFFD0];
	p1 =	slt.u32 s8, $0x38;
	[tilespmem:s0+$0xFFFFFFF0] =	vst v11;
	v10 =	vshll.u32 v10, $0x3  }
0x1d3: {  	v16 =	vld [tilespmem:s25+$0xFFFFFFE0];
	[tilespmem:s0+$0x0] =	vst v10;
	v9 =	vshll.u32 v9, $0x3  }
.Ltmp6:
0x1d4: {  	v11 =	vld [tilespmem:s25+$0xFFFFFFF0];
	[tilespmem:s0+$0x10] =	vst v9;
	v9 =	vshll.u32 v12, $0x3;
	(pc) =	sbr.rel @p1 .LBB2_13-.Ltmp6, $4  }
0x1d5: {  	v10 =	vld [tilespmem:s25+$0x0];
	v12 =	vshll.u32 v13, $0x3;
	[tilespmem:s0+$0x20] =	vst v9  }
0x1d6: {  	v9 =	vld [tilespmem:s25+$0x10];
	v13 =	vshll.u32 v15, $0x3;
	[tilespmem:s0+$0xFFFFFFC0] =	vst v12;
	s0 =	smov.u32 s25  }
0x1d7: {  	v14 =	vshll.u32 v14, $0x3;
	v12 =	vld [tilespmem:s25+$0x20];
	[tilespmem:s25+$0x30] =	vst v13  }
0x1d8: {  	s25 =	sadd.s32 $0x80, s25;
	v13 =	vld [tilespmem:s0+$0xFFFFFFC0];
	[tilespmem:s0+$0xFFFFFFD0] =	vst v14;
	v14 =	vshll.u32 v16, $0x3  }
0x1d9: {  	[tilespmem:s0+$0xFFFFFFE0] =	vst v14;
	v11 =	vshll.u32 v11, $0x3  }
0x1da: {  	[tilespmem:s0+$0xFFFFFFF0] =	vst v11;
	v10 =	vshll.u32 v10, $0x3  }
0x1db: {  	[tilespmem:s0+$0x0] =	vst v10;
	v9 =	vshll.u32 v9, $0x3  }
0x1dc: {  	[tilespmem:s0+$0x10] =	vst v9;
	v9 =	vshll.u32 v12, $0x3  }
0x1dd: {  	v10 =	vshll.u32 v13, $0x3;
	[tilespmem:s0+$0x20] =	vst v9  }
0x1de: {  	[tilespmem:s0+$0xFFFFFFC0] =	vst v10  }
0x1df: {  	s2 =	simm.s32 $0x200;
	s5 =	simm.s32 $0x800;
	s0 =	rddreg [dreg:$0x8]  }
0x1e0: {  	[tilespmem:s5], [sflag:$0x3] =	stream.indirect.gather [hbm4b:s0+s2], $0x10, s4, s2, $0xb8;
	[tilespmem:$0x11000] =	vst v63  }
0x1e1: {  	s10 =	simm.s32 $0x2800;
	s11 =	rddreg [dreg:$0xc]  }
0x1e2: {  	[tilespmem:s10], [sflag:$0x5] =	stream.indirect.gather [hbm4b:s0+s2], $0x10, s2, s2, $0xb8;
	[tilespmem:$0x11000] =	vst v63  }
.Ltmp7:
0x1e3: {  	s0 =	sadd.s32 s9, s11;
	(pc) =	sbr.rel @p0 .LBB2_16-.Ltmp7, $4  }
0x1e4: {  	s0 =	sshll.u32 s0, $0x7  }
0x1e5: {  	s25 =	rddreg [dreg:$0x0];
	s0 =	sand.u32 $0x1FFFFF80, s0  }
0x1e6: {  	s30 =	simm.s32 $0x400;
	s0 =	sadd.s32 s25, s0  }
0x1e7: {  	[tilespmem:s30], [sflag:$0x2] =	stream.linear.gather [hbm4b:s0+s4], $0x400, $0x38;
	[tilespmem:$0x11000] =	vst v63  }
.LBB2_15:
0x1e8: {  	_ =	swait.ge [sflag:s7], $0x400  }
0x1e9: {  	[sflag:s7] =	ssyncset.done $0x0  }
0x1ea: {  	[sflag:s7] =	ssyncadd.s32 $0xFFFFFC00  }
0x1eb: {  	_ =	swait.ge [sflag:s7], $0x400  }
0x1ec: {  	[sflag:s7] =	ssyncset.done $0x0  }
0x1ed: {  	[sflag:s7] =	ssyncadd.s32 $0xFFFFFC00  }
0x1ee: {  	_ =	swait.ge [sflag:s7], $0x400  }
0x1ef: {  	[sflag:s7] =	ssyncset.done $0x0  }
0x1f0: {  	[sflag:s7] =	ssyncadd.s32 $0xFFFFFC00  }
0x1f1: {  	_ =	swait.ge [sflag:s7], $0x400  }
0x1f2: {  	[sflag:s7] =	ssyncset.done $0x0  }
0x1f3: {  	[sflag:s7] =	ssyncadd.s32 $0xFFFFFC00  }
0x1f4: {  	_ =	swait.ge [sflag:s7], $0x400  }
0x1f5: {  	[sflag:s7] =	ssyncset.done $0x0  }
0x1f6: {  	[sflag:s7] =	ssyncadd.s32 $0xFFFFFC00  }
0x1f7: {  	_ =	swait.ge [sflag:s7], $0x400  }
0x1f8: {  	[sflag:s7] =	ssyncset.done $0x0  }
0x1f9: {  	[sflag:s7] =	ssyncadd.s32 $0xFFFFFC00  }
0x1fa: {  	_ =	swait.ge [sflag:s7], $0x400  }
0x1fb: {  	[sflag:s7] =	ssyncset.done $0x0  }
0x1fc: {  	[sflag:s7] =	ssyncadd.s32 $0xFFFFFC00  }
0x1fd: {  	_ =	swait.ge [sflag:s7], $0x400  }
0x1fe: {  	[sflag:s7] =	ssyncset.done $0x0  }
0x1ff: {  	[sflag:s7] =	ssyncadd.s32 $0xFFFFFC00  }
0x200: {  	_ =	swait.ge [sflag:s7], $0x400  }
0x201: {  	[sflag:s7] =	ssyncset.done $0x0  }
0x202: {  	[sflag:s7] =	ssyncadd.s32 $0xFFFFFC00  }
0x203: {  	_ =	swait.ge [sflag:s7], $0x400  }
0x204: {  	[sflag:s7] =	ssyncset.done $0x0  }
0x205: {  	[sflag:s7] =	ssyncadd.s32 $0xFFFFFC00  }
0x206: {  	_ =	swait.ge [sflag:s7], $0x400  }
0x207: {  	[sflag:s7] =	ssyncset.done $0x0  }
0x208: {  	[sflag:s7] =	ssyncadd.s32 $0xFFFFFC00  }
0x209: {  	_ =	swait.ge [sflag:s7], $0x400  }
0x20a: {  	[sflag:s7] =	ssyncset.done $0x0  }
0x20b: {  	[sflag:s7] =	ssyncadd.s32 $0xFFFFFC00  }
0x20c: {  	_ =	swait.ge [sflag:s7], $0x400  }
0x20d: {  	[sflag:s7] =	ssyncset.done $0x0  }
0x20e: {  	[sflag:s7] =	ssyncadd.s32 $0xFFFFFC00  }
0x20f: {  	_ =	swait.ge [sflag:s7], $0x400  }
0x210: {  	[sflag:s7] =	ssyncset.done $0x0  }
0x211: {  	[sflag:s7] =	ssyncadd.s32 $0xFFFFFC00  }
0x212: {  	_ =	swait.ge [sflag:s7], $0x400  }
0x213: {  	[sflag:s7] =	ssyncset.done $0x0  }
0x214: {  	[sflag:s7] =	ssyncadd.s32 $0xFFFFFC00  }
0x215: {  	_ =	swait.ge [sflag:s7], $0x400  }
0x216: {  	[sflag:s7] =	ssyncset.done $0x0  }
0x217: {  	[sflag:s7] =	ssyncadd.s32 $0xFFFFFC00  }
.LBB2_16:
0x218: {  	s0 =	simm.s32 $0x0;
	s2 =	simm.s32 $0x1  }
0x219: {  	s8 =	simm.s32 $0x5;
	s9 =	simm.s32 $0x0;
	s5 =	sand.u32 $0x78, s0  }
0x21a: {  	s25 =	simm.s32 $0x3;
	s2 =	sand.u32 $0x79, s2;
	v11 =	vmov s9;
	s8 =	sand.u32 $0x7D, s8;
	v9 =	vmov s5  }
0x21b: {  	s30 =	simm.s32 $0x2;
	s10 =	simm.s32 $0x7;
	v10 =	vmov s2;
	s2 =	sand.u32 $0x7B, s25;
	v21 =	vmul.u32 $0x880, v11;
	v12 =	vmov s8  }
0x21c: {  	s11 =	simm.s32 $0x4;
	s5 =	sand.u32 $0x7A, s30;
	s25 =	sand.u32 $0x7F, s10;
	v9 =	vshrl.u32 v9, $0x3;
	v10 =	vshrl.u32 v10, $0x3;
	v11 =	vmov s2  }
0x21d: {  	v13 =	vmov s5;
	s2 =	sand.u32 $0x7C, s11;
	v12 =	vshrl.u32 v12, $0x3;
	v15 =	vmov s25  }
0x21e: {  	v11 =	vshrl.u32 v11, $0x3;
	v14 =	vmov s2;
	v12 =	vshll.u32 v12, v1  }
0x21f: {  	v10 =	vshll.u32 v10, v1;
	v15 =	vshrl.u32 v15, $0x3;
	v16 =	vshll.u32 v9, v1  }
0x220: {  	v17 =	vshrl.u32 v13, $0x3;
	v11 =	vshll.u32 v11, v1;
	v14 =	vshrl.u32 v14, $0x3  }
0x221: {  	v10 =	vor.u32 v21, v10;
	v12 =	vor.u32 v21, v12;
	v22 =	vshll.u32 v15, v1  }
0x222: {  	s30 =	simm.s32 $0x6;
	v19 =	vor.u32 v21, v16;
	v17 =	vshll.u32 v17, v1;
	v14 =	vshll.u32 v14, v1  }
0x223: {  	s8 =	simm.s32 $0x4840;
	s2 =	sand.u32 $0x7E, s30;
	v10 =	vbroadcast v10, $0x0;
	v18 =	vor.u32 v21, v11;
	v9 =	vor.u32 v21, v14  }
0x224: {  	v16 =	vld [tilespmem:s8+$0xFFFFFFD0];
	v17 =	vor.u32 v21, v17;
	v14 =	vmov s2;
	v11 =	vbroadcast v9, $0x0  }
0x225: {  	v15 =	vld [tilespmem:s8+$0x0];
	v13 =	vadd.s32 v2, v10;
	v10 =	vbroadcast v12, $0x0;
	v14 =	vshrl.u32 v14, $0x3  }
0x226: {  	v19 =	vbroadcast v19, $0x0;
	v17 =	vbroadcast v17, $0x0;
	v9 =	vld [tilespmem:s8+$0xFFFFFFC0];
	v14 =	vshll.u32 v14, v1  }
0x227: {  	v12 =	vadd.s32 v5, v11;
	v11 =	vadd.s32 v6, v10;
	v10 =	vor.u32 v21, v14;
	v14 =	vld [tilespmem:s8+$0x10]  }
0x228: {  	s9 =	simm.s32 $0x48C0;
	v18 =	vbroadcast v18, $0x0;
	v21 =	vor.u32 v21, v22;
	v20 =	vbroadcast v10, $0x0;
	v10 =	vld [tilespmem:s8+$0x30]  }
.LBB2_17:
0x229: {  	s2 =	sadd.s32 $0x9, s0  }
0x22a: {  	v22 =	vld [tilespmem:s9+$0xFFFFFFC0];
	s5 =	sadd.s32 $0xA, s0;
	v19 =	vadd.s32 v0, v19;
	v20 =	vadd.s32 v7, v20;
	v21 =	vbroadcast v21, $0x0;
	s10 =	smov.u32 s0;
	s0 =	sadd.s32 $0x8, s0  }
0x22b: {  	s11 =	sand.u32 $0x78, s0;
	s2 =	sand.u32 $0x79, s2;
	s25 =	sadd.s32 $0xD, s10;
	[tilespmem:v13+s1+$0x0] =	vst.idx.msk $0xffff, v16;
	v13 =	vadd.s32 v3, v17;
	v16 =	vld [tilespmem:s8+$0xFFFFFFF0];
	v17 =	vadd.s32 v4, v18  }
0x22c: {  	s30 =	sshrl.u32 s0, $0x7;
	v18 =	vmov s11;
	v23 =	vmov s2;
	s2 =	sadd.s32 $0xB, s10;
	s11 =	sadd.s32 $0xF, s10;
	[tilespmem:v12+s1+$0x0] =	vst.idx.msk $0xffff, v15;
	v12 =	vld [tilespmem:s8+$0x20];
	v15 =	vadd.s32 v8, v21  }
0x22d: {  	v21 =	vmov s30;
	s25 =	sand.u32 $0x7D, s25;
	v18 =	vshrl.u32 v18, $0x3;
	v23 =	vshrl.u32 v23, $0x3;
	s2 =	sand.u32 $0x7B, s2;
	s11 =	sand.u32 $0x7F, s11;
	v24 =	vld [tilespmem:s8+$0xFFFFFFE0];
	[tilespmem:v11+s1+$0x0] =	vst.idx.msk $0xffff, v14  }
0x22e: {  	s5 =	sand.u32 $0x7A, s5;
	p0 =	slt.u32 s0, $0x3F8;
	v21 =	vmul.u32 $0x880, v21;
	v14 =	vmov s25;
	v11 =	vmov s2;
	s2 =	sadd.s32 $0xC, s10  }
0x22f: {  	v25 =	vmov s5;
	s8 =	smov.u32 s9;
	v14 =	vshrl.u32 v14, $0x3;
	v11 =	vshrl.u32 v11, $0x3;
	s2 =	sand.u32 $0x7C, s2;
	[tilespmem:v19+s1+$0x0] =	vst.idx.msk $0xffff, v9;
	v9 =	vmovc v22  }
0x230: {  	v14 =	vshll.u32 v14, v1;
	v22 =	vmov s11;
	v19 =	vmov s2;
	[tilespmem:v17+s1+$0x0] =	vst.idx.msk $0xffff, v16  }
0x231: {  	v16 =	vshll.u32 v23, v1;
	v11 =	vshll.u32 v11, v1;
	v17 =	vshrl.u32 v19, $0x3;
	[tilespmem:v20+s1+$0x0] =	vst.idx.msk $0xffff, v12  }
0x232: {  	v12 =	vor.u32 v21, v16;
	v16 =	vshll.u32 v17, v1;
	v17 =	vshrl.u32 v22, $0x3;
	[tilespmem:v15+s1+$0x0] =	vst.idx.msk $0xffff, v10  }
0x233: {  	s2 =	sadd.s32 $0xE, s10;
	v10 =	vshll.u32 v18, v1;
	v15 =	vshrl.u32 v25, $0x3;
	v16 =	vor.u32 v21, v16;
	[tilespmem:v13+s1+$0x0] =	vst.idx.msk $0xffff, v24  }
0x234: {  	v14 =	vor.u32 v21, v14;
	s2 =	sand.u32 $0x7E, s2;
	v12 =	vbroadcast v12, $0x0;
	v22 =	vshll.u32 v17, v1  }
0x235: {  	v18 =	vor.u32 v21, v11;
	v11 =	vbroadcast v16, $0x0;
	v16 =	vmov s2  }
.Ltmp8:
0x236: {  	v14 =	vbroadcast v14, $0x0;
	v13 =	vadd.s32 v2, v12;
	v17 =	vshrl.u32 v16, $0x3;
	(pc) =	sbr.rel @p0 .LBB2_17-.Ltmp8, $4  }
0x237: {  	v10 =	vor.u32 v21, v10;
	v12 =	vadd.s32 v5, v11;
	v17 =	vshll.u32 v17, v1;
	v16 =	vld [tilespmem:s9+$0xFFFFFFD0]  }
0x238: {  	v20 =	vshll.u32 v15, v1;
	v11 =	vadd.s32 v6, v14;
	v17 =	vor.u32 v21, v17;
	v15 =	vld [tilespmem:s9+$0x0]  }
0x239: {  	v19 =	vbroadcast v10, $0x0;
	v10 =	vor.u32 v21, v20;
	v20 =	vbroadcast v17, $0x0;
	v14 =	vld [tilespmem:s9+$0x10]  }
0x23a: {  	v18 =	vbroadcast v18, $0x0;
	v21 =	vor.u32 v21, v22;
	v17 =	vbroadcast v10, $0x0;
	s9 =	sadd.s32 $0x80, s9;
	v10 =	vld [tilespmem:s8+$0x30]  }
0x23b: {  	_ =	sdelay $0x1  }
0x23c: {  	v19 =	vadd.s32 v0, v19;
	_ =	sdelay $0x1  }
0x23d: {  	[tilespmem:v13+s1+$0x0] =	vst.idx.msk $0xffff, v16  }
0x23e: {  	v22 =	vld [tilespmem:s8+$0xFFFFFFF0];
	v18 =	vadd.s32 v4, v18;
	[tilespmem:v12+s1+$0x0] =	vst.idx.msk $0xffff, v15  }
0x23f: {  	v21 =	vbroadcast v21, $0x0;
	v59 =	vadd.s32 v7, v20;
	v60 =	vld [tilespmem:s8+$0x20];
	[tilespmem:v11+s1+$0x0] =	vst.idx.msk $0xffff, v14  }
0x240: {  	v63 =	vld [tilespmem:s8+$0xFFFFFFE0];
	v62 =	vadd.s32 v3, v17;
	[tilespmem:v19+s1+$0x0] =	vst.idx.msk $0xffff, v9  }
0x241: {  	v61 =	vadd.s32 v8, v21;
	s0 =	rddreg [dreg:$0x7]  }
0x242: {  	s0 =	sadd.s32 s0, s3  }
0x243: {  	[tilespmem:v18+s1+$0x0] =	vst.idx.msk $0xffff, v22;
	s2 =	sshll.u32 s0, $0xB;
	s0 =	sshll.u32 s0, $0x7  }
0x244: {  	[tilespmem:v59+s1+$0x0] =	vst.idx.msk $0xffff, v60;
	s2 =	sand.u32 $0xFFC0000, s2;
	s0 =	sand.u32 $0x3F80, s0  }
0x245: {  	[tilespmem:v62+s1+$0x0] =	vst.idx.msk $0xffff, v63;
	s0 =	sor.u32 s0, s2  }
0x246: {  	[tilespmem:v61+s1+$0x0] =	vst.idx.msk $0xffff, v10;
	s2 =	sadd.s32 s31, s0  }
0x247: {  	[hbm4b:s2+s4] =	stream.linear.scatter [tilespmem:s1], [sflag:$0x8], $0x80, $0x38;
	[tilespmem:$0x11000] =	vst v63  }
0x248: {  	s5 =	simm.s32 $0xCC88;
	s9 =	sadd.s32 $0x10, s2  }
0x249: {  	[hbm4b:s9+s4] =	stream.linear.scatter [tilespmem:s5], [sflag:$0x8], $0x80, $0x38;
	[tilespmem:$0x11000] =	vst v63  }
0x24a: {  	s11 =	simm.s32 $0xCD10;
	s10 =	sadd.s32 $0x20, s2  }
0x24b: {  	[hbm4b:s10+s4] =	stream.linear.scatter [tilespmem:s11], [sflag:$0x8], $0x80, $0x38;
	[tilespmem:$0x11000] =	vst v63  }
0x24c: {  	s30 =	simm.s32 $0xCD98;
	s25 =	sadd.s32 $0x30, s2  }
0x24d: {  	[hbm4b:s25+s4] =	stream.linear.scatter [tilespmem:s30], [sflag:$0x8], $0x80, $0x38;
	[tilespmem:$0x11000] =	vst v63  }
0x24e: {  	s8 =	simm.s32 $0xCE20;
	s5 =	sadd.s32 $0x40, s2  }
0x24f: {  	[hbm4b:s5+s4] =	stream.linear.scatter [tilespmem:s8], [sflag:$0x8], $0x80, $0x38;
	[tilespmem:$0x11000] =	vst v63  }
0x250: {  	s9 =	sadd.s32 $0x50, s2;
	s10 =	simm.s32 $0xCEA8  }
0x251: {  	[hbm4b:s9+s4] =	stream.linear.scatter [tilespmem:s10], [sflag:$0x8], $0x80, $0x38;
	[tilespmem:$0x11000] =	vst v63  }
0x252: {  	s11 =	sadd.s32 $0x60, s2;
	s25 =	simm.s32 $0xCF30  }
0x253: {  	[hbm4b:s11+s4] =	stream.linear.scatter [tilespmem:s25], [sflag:$0x8], $0x80, $0x38;
	[tilespmem:$0x11000] =	vst v63  }
0x254: {  	s2 =	sadd.s32 $0x70, s2;
	s30 =	simm.s32 $0xCFB8  }
0x255: {  	[hbm4b:s2+s4] =	stream.linear.scatter [tilespmem:s30], [sflag:$0x8], $0x80, $0x38;
	[tilespmem:$0x11000] =	vst v63  }
0x256: {  	s5 =	simm.s32 $0xD040;
	s2 =	sadd.s32 s0, s12  }
0x257: {  	[hbm4b:s2+s4] =	stream.linear.scatter [tilespmem:s5], [sflag:$0x8], $0x80, $0x38;
	[tilespmem:$0x11000] =	vst v63  }
0x258: {  	s9 =	simm.s32 $0xD0C8;
	s8 =	sadd.s32 $0x10, s2  }
0x259: {  	[hbm4b:s8+s4] =	stream.linear.scatter [tilespmem:s9], [sflag:$0x8], $0x80, $0x38;
	[tilespmem:$0x11000] =	vst v63  }
0x25a: {  	s11 =	simm.s32 $0xD150;
	s10 =	sadd.s32 $0x20, s2  }
0x25b: {  	[hbm4b:s10+s4] =	stream.linear.scatter [tilespmem:s11], [sflag:$0x8], $0x80, $0x38;
	[tilespmem:$0x11000] =	vst v63  }
0x25c: {  	s30 =	simm.s32 $0xD1D8;
	s25 =	sadd.s32 $0x30, s2  }
0x25d: {  	[hbm4b:s25+s4] =	stream.linear.scatter [tilespmem:s30], [sflag:$0x8], $0x80, $0x38;
	[tilespmem:$0x11000] =	vst v63  }
0x25e: {  	s5 =	sadd.s32 $0x40, s2;
	s8 =	simm.s32 $0xD260  }
0x25f: {  	[hbm4b:s5+s4] =	stream.linear.scatter [tilespmem:s8], [sflag:$0x8], $0x80, $0x38;
	[tilespmem:$0x11000] =	vst v63  }
0x260: {  	s9 =	sadd.s32 $0x50, s2;
	s10 =	simm.s32 $0xD2E8  }
0x261: {  	[hbm4b:s9+s4] =	stream.linear.scatter [tilespmem:s10], [sflag:$0x8], $0x80, $0x38;
	[tilespmem:$0x11000] =	vst v63  }
0x262: {  	s11 =	sadd.s32 $0x60, s2;
	s25 =	simm.s32 $0xD370  }
0x263: {  	[hbm4b:s11+s4] =	stream.linear.scatter [tilespmem:s25], [sflag:$0x8], $0x80, $0x38;
	[tilespmem:$0x11000] =	vst v63  }
0x264: {  	s2 =	sadd.s32 $0x70, s2;
	s30 =	simm.s32 $0xD3F8  }
0x265: {  	[hbm4b:s2+s4] =	stream.linear.scatter [tilespmem:s30], [sflag:$0x8], $0x80, $0x38;
	[tilespmem:$0x11000] =	vst v63  }
0x266: {  	s5 =	simm.s32 $0xD480;
	s2 =	sadd.s32 s0, s14  }
0x267: {  	[hbm4b:s2+s4] =	stream.linear.scatter [tilespmem:s5], [sflag:$0x8], $0x80, $0x38;
	[tilespmem:$0x11000] =	vst v63  }
0x268: {  	s9 =	simm.s32 $0xD508;
	s8 =	sadd.s32 $0x10, s2  }
0x269: {  	[hbm4b:s8+s4] =	stream.linear.scatter [tilespmem:s9], [sflag:$0x8], $0x80, $0x38;
	[tilespmem:$0x11000] =	vst v63  }
0x26a: {  	s11 =	simm.s32 $0xD590;
	s10 =	sadd.s32 $0x20, s2  }
0x26b: {  	[hbm4b:s10+s4] =	stream.linear.scatter [tilespmem:s11], [sflag:$0x8], $0x80, $0x38;
	[tilespmem:$0x11000] =	vst v63  }
0x26c: {  	s30 =	simm.s32 $0xD618;
	s25 =	sadd.s32 $0x30, s2  }
0x26d: {  	[hbm4b:s25+s4] =	stream.linear.scatter [tilespmem:s30], [sflag:$0x8], $0x80, $0x38;
	[tilespmem:$0x11000] =	vst v63  }
0x26e: {  	s5 =	sadd.s32 $0x40, s2;
	s8 =	simm.s32 $0xD6A0  }
0x26f: {  	[hbm4b:s5+s4] =	stream.linear.scatter [tilespmem:s8], [sflag:$0x8], $0x80, $0x38;
	[tilespmem:$0x11000] =	vst v63  }
0x270: {  	s9 =	sadd.s32 $0x50, s2;
	s10 =	simm.s32 $0xD728  }
0x271: {  	[hbm4b:s9+s4] =	stream.linear.scatter [tilespmem:s10], [sflag:$0x8], $0x80, $0x38;
	[tilespmem:$0x11000] =	vst v63  }
0x272: {  	s11 =	sadd.s32 $0x60, s2;
	s25 =	simm.s32 $0xD7B0  }
0x273: {  	[hbm4b:s11+s4] =	stream.linear.scatter [tilespmem:s25], [sflag:$0x8], $0x80, $0x38;
	[tilespmem:$0x11000] =	vst v63  }
0x274: {  	s2 =	sadd.s32 $0x70, s2;
	s30 =	simm.s32 $0xD838  }
0x275: {  	[hbm4b:s2+s4] =	stream.linear.scatter [tilespmem:s30], [sflag:$0x8], $0x80, $0x38;
	[tilespmem:$0x11000] =	vst v63  }
0x276: {  	s5 =	simm.s32 $0xD8C0;
	s2 =	sadd.s32 s0, s15  }
0x277: {  	[hbm4b:s2+s4] =	stream.linear.scatter [tilespmem:s5], [sflag:$0x8], $0x80, $0x38;
	[tilespmem:$0x11000] =	vst v63  }
0x278: {  	s9 =	simm.s32 $0xD948;
	s8 =	sadd.s32 $0x10, s2  }
0x279: {  	[hbm4b:s8+s4] =	stream.linear.scatter [tilespmem:s9], [sflag:$0x8], $0x80, $0x38;
	[tilespmem:$0x11000] =	vst v63  }
0x27a: {  	s11 =	simm.s32 $0xD9D0;
	s10 =	sadd.s32 $0x20, s2  }
0x27b: {  	[hbm4b:s10+s4] =	stream.linear.scatter [tilespmem:s11], [sflag:$0x8], $0x80, $0x38;
	[tilespmem:$0x11000] =	vst v63  }
0x27c: {  	s30 =	simm.s32 $0xDA58;
	s25 =	sadd.s32 $0x30, s2  }
0x27d: {  	[hbm4b:s25+s4] =	stream.linear.scatter [tilespmem:s30], [sflag:$0x8], $0x80, $0x38;
	[tilespmem:$0x11000] =	vst v63  }
0x27e: {  	s5 =	sadd.s32 $0x40, s2;
	s8 =	simm.s32 $0xDAE0  }
0x27f: {  	[hbm4b:s5+s4] =	stream.linear.scatter [tilespmem:s8], [sflag:$0x8], $0x80, $0x38;
	[tilespmem:$0x11000] =	vst v63  }
0x280: {  	s9 =	sadd.s32 $0x50, s2;
	s10 =	simm.s32 $0xDB68  }
0x281: {  	[hbm4b:s9+s4] =	stream.linear.scatter [tilespmem:s10], [sflag:$0x8], $0x80, $0x38;
	[tilespmem:$0x11000] =	vst v63  }
0x282: {  	s11 =	sadd.s32 $0x60, s2;
	s25 =	simm.s32 $0xDBF0  }
0x283: {  	[hbm4b:s11+s4] =	stream.linear.scatter [tilespmem:s25], [sflag:$0x8], $0x80, $0x38;
	[tilespmem:$0x11000] =	vst v63  }
0x284: {  	s2 =	sadd.s32 $0x70, s2;
	s30 =	simm.s32 $0xDC78  }
0x285: {  	[hbm4b:s2+s4] =	stream.linear.scatter [tilespmem:s30], [sflag:$0x8], $0x80, $0x38;
	[tilespmem:$0x11000] =	vst v63  }
0x286: {  	s5 =	simm.s32 $0xDD00;
	s2 =	sadd.s32 s0, s16  }
0x287: {  	[hbm4b:s2+s4] =	stream.linear.scatter [tilespmem:s5], [sflag:$0x8], $0x80, $0x38;
	[tilespmem:$0x11000] =	vst v63  }
0x288: {  	s9 =	simm.s32 $0xDD88;
	s8 =	sadd.s32 $0x10, s2  }
0x289: {  	[hbm4b:s8+s4] =	stream.linear.scatter [tilespmem:s9], [sflag:$0x8], $0x80, $0x38;
	[tilespmem:$0x11000] =	vst v63  }
0x28a: {  	s11 =	simm.s32 $0xDE10;
	s10 =	sadd.s32 $0x20, s2  }
0x28b: {  	[hbm4b:s10+s4] =	stream.linear.scatter [tilespmem:s11], [sflag:$0x8], $0x80, $0x38;
	[tilespmem:$0x11000] =	vst v63  }
0x28c: {  	s30 =	simm.s32 $0xDE98;
	s25 =	sadd.s32 $0x30, s2  }
0x28d: {  	[hbm4b:s25+s4] =	stream.linear.scatter [tilespmem:s30], [sflag:$0x8], $0x80, $0x38;
	[tilespmem:$0x11000] =	vst v63  }
0x28e: {  	s5 =	sadd.s32 $0x40, s2;
	s8 =	simm.s32 $0xDF20  }
0x28f: {  	[hbm4b:s5+s4] =	stream.linear.scatter [tilespmem:s8], [sflag:$0x8], $0x80, $0x38;
	[tilespmem:$0x11000] =	vst v63  }
0x290: {  	s9 =	sadd.s32 $0x50, s2;
	s10 =	simm.s32 $0xDFA8  }
0x291: {  	[hbm4b:s9+s4] =	stream.linear.scatter [tilespmem:s10], [sflag:$0x8], $0x80, $0x38;
	[tilespmem:$0x11000] =	vst v63  }
0x292: {  	s11 =	sadd.s32 $0x60, s2;
	s25 =	simm.s32 $0xE030  }
0x293: {  	[hbm4b:s11+s4] =	stream.linear.scatter [tilespmem:s25], [sflag:$0x8], $0x80, $0x38;
	[tilespmem:$0x11000] =	vst v63  }
0x294: {  	s2 =	sadd.s32 $0x70, s2;
	s30 =	simm.s32 $0xE0B8  }
0x295: {  	[hbm4b:s2+s4] =	stream.linear.scatter [tilespmem:s30], [sflag:$0x8], $0x80, $0x38;
	[tilespmem:$0x11000] =	vst v63  }
0x296: {  	s5 =	simm.s32 $0xE140;
	s2 =	sadd.s32 s0, s17  }
0x297: {  	[hbm4b:s2+s4] =	stream.linear.scatter [tilespmem:s5], [sflag:$0x8], $0x80, $0x38;
	[tilespmem:$0x11000] =	vst v63  }
0x298: {  	s9 =	simm.s32 $0xE1C8;
	s8 =	sadd.s32 $0x10, s2  }
0x299: {  	[hbm4b:s8+s4] =	stream.linear.scatter [tilespmem:s9], [sflag:$0x8], $0x80, $0x38;
	[tilespmem:$0x11000] =	vst v63  }
0x29a: {  	s11 =	simm.s32 $0xE250;
	s10 =	sadd.s32 $0x20, s2  }
0x29b: {  	[hbm4b:s10+s4] =	stream.linear.scatter [tilespmem:s11], [sflag:$0x8], $0x80, $0x38;
	[tilespmem:$0x11000] =	vst v63  }
0x29c: {  	s30 =	simm.s32 $0xE2D8;
	s25 =	sadd.s32 $0x30, s2  }
0x29d: {  	[hbm4b:s25+s4] =	stream.linear.scatter [tilespmem:s30], [sflag:$0x8], $0x80, $0x38;
	[tilespmem:$0x11000] =	vst v63  }
0x29e: {  	s5 =	sadd.s32 $0x40, s2;
	s8 =	simm.s32 $0xE360  }
0x29f: {  	[hbm4b:s5+s4] =	stream.linear.scatter [tilespmem:s8], [sflag:$0x8], $0x80, $0x38;
	[tilespmem:$0x11000] =	vst v63  }
0x2a0: {  	s9 =	sadd.s32 $0x50, s2;
	s10 =	simm.s32 $0xE3E8  }
0x2a1: {  	[hbm4b:s9+s4] =	stream.linear.scatter [tilespmem:s10], [sflag:$0x8], $0x80, $0x38;
	[tilespmem:$0x11000] =	vst v63  }
0x2a2: {  	s11 =	sadd.s32 $0x60, s2;
	s25 =	simm.s32 $0xE470  }
0x2a3: {  	[hbm4b:s11+s4] =	stream.linear.scatter [tilespmem:s25], [sflag:$0x8], $0x80, $0x38;
	[tilespmem:$0x11000] =	vst v63  }
0x2a4: {  	s2 =	sadd.s32 $0x70, s2;
	s30 =	simm.s32 $0xE4F8  }
0x2a5: {  	[hbm4b:s2+s4] =	stream.linear.scatter [tilespmem:s30], [sflag:$0x8], $0x80, $0x38;
	[tilespmem:$0x11000] =	vst v63  }
0x2a6: {  	s5 =	simm.s32 $0xE580;
	s2 =	sadd.s32 s0, s18  }
0x2a7: {  	[hbm4b:s2+s4] =	stream.linear.scatter [tilespmem:s5], [sflag:$0x8], $0x80, $0x38;
	[tilespmem:$0x11000] =	vst v63  }
0x2a8: {  	s9 =	simm.s32 $0xE608;
	s8 =	sadd.s32 $0x10, s2  }
0x2a9: {  	[hbm4b:s8+s4] =	stream.linear.scatter [tilespmem:s9], [sflag:$0x8], $0x80, $0x38;
	[tilespmem:$0x11000] =	vst v63  }
0x2aa: {  	s11 =	simm.s32 $0xE690;
	s10 =	sadd.s32 $0x20, s2  }
0x2ab: {  	[hbm4b:s10+s4] =	stream.linear.scatter [tilespmem:s11], [sflag:$0x8], $0x80, $0x38;
	[tilespmem:$0x11000] =	vst v63  }
0x2ac: {  	s30 =	simm.s32 $0xE718;
	s25 =	sadd.s32 $0x30, s2  }
0x2ad: {  	[hbm4b:s25+s4] =	stream.linear.scatter [tilespmem:s30], [sflag:$0x8], $0x80, $0x38;
	[tilespmem:$0x11000] =	vst v63  }
0x2ae: {  	s5 =	sadd.s32 $0x40, s2;
	s8 =	simm.s32 $0xE7A0  }
0x2af: {  	[hbm4b:s5+s4] =	stream.linear.scatter [tilespmem:s8], [sflag:$0x8], $0x80, $0x38;
	[tilespmem:$0x11000] =	vst v63  }
0x2b0: {  	s9 =	sadd.s32 $0x50, s2;
	s10 =	simm.s32 $0xE828  }
0x2b1: {  	[hbm4b:s9+s4] =	stream.linear.scatter [tilespmem:s10], [sflag:$0x8], $0x80, $0x38;
	[tilespmem:$0x11000] =	vst v63  }
0x2b2: {  	s11 =	sadd.s32 $0x60, s2;
	s25 =	simm.s32 $0xE8B0  }
0x2b3: {  	[hbm4b:s11+s4] =	stream.linear.scatter [tilespmem:s25], [sflag:$0x8], $0x80, $0x38;
	[tilespmem:$0x11000] =	vst v63  }
0x2b4: {  	s2 =	sadd.s32 $0x70, s2;
	s30 =	simm.s32 $0xE938  }
0x2b5: {  	[hbm4b:s2+s4] =	stream.linear.scatter [tilespmem:s30], [sflag:$0x8], $0x80, $0x38;
	[tilespmem:$0x11000] =	vst v63  }
0x2b6: {  	s5 =	simm.s32 $0xE9C0;
	s2 =	sadd.s32 s0, s19  }
0x2b7: {  	[hbm4b:s2+s4] =	stream.linear.scatter [tilespmem:s5], [sflag:$0x8], $0x80, $0x38;
	[tilespmem:$0x11000] =	vst v63  }
0x2b8: {  	s9 =	simm.s32 $0xEA48;
	s8 =	sadd.s32 $0x10, s2  }
0x2b9: {  	[hbm4b:s8+s4] =	stream.linear.scatter [tilespmem:s9], [sflag:$0x8], $0x80, $0x38;
	[tilespmem:$0x11000] =	vst v63  }
0x2ba: {  	s11 =	simm.s32 $0xEAD0;
	s10 =	sadd.s32 $0x20, s2  }
0x2bb: {  	[hbm4b:s10+s4] =	stream.linear.scatter [tilespmem:s11], [sflag:$0x8], $0x80, $0x38;
	[tilespmem:$0x11000] =	vst v63  }
0x2bc: {  	s30 =	simm.s32 $0xEB58;
	s25 =	sadd.s32 $0x30, s2  }
0x2bd: {  	[hbm4b:s25+s4] =	stream.linear.scatter [tilespmem:s30], [sflag:$0x8], $0x80, $0x38;
	[tilespmem:$0x11000] =	vst v63  }
0x2be: {  	s5 =	sadd.s32 $0x40, s2;
	s8 =	simm.s32 $0xEBE0  }
0x2bf: {  	[hbm4b:s5+s4] =	stream.linear.scatter [tilespmem:s8], [sflag:$0x8], $0x80, $0x38;
	[tilespmem:$0x11000] =	vst v63  }
0x2c0: {  	s9 =	sadd.s32 $0x50, s2;
	s10 =	simm.s32 $0xEC68  }
0x2c1: {  	[hbm4b:s9+s4] =	stream.linear.scatter [tilespmem:s10], [sflag:$0x8], $0x80, $0x38;
	[tilespmem:$0x11000] =	vst v63  }
0x2c2: {  	s11 =	sadd.s32 $0x60, s2;
	s25 =	simm.s32 $0xECF0  }
0x2c3: {  	[hbm4b:s11+s4] =	stream.linear.scatter [tilespmem:s25], [sflag:$0x8], $0x80, $0x38;
	[tilespmem:$0x11000] =	vst v63  }
0x2c4: {  	s2 =	sadd.s32 $0x70, s2;
	s30 =	simm.s32 $0xED78  }
0x2c5: {  	[hbm4b:s2+s4] =	stream.linear.scatter [tilespmem:s30], [sflag:$0x8], $0x80, $0x38;
	[tilespmem:$0x11000] =	vst v63  }
0x2c6: {  	s5 =	simm.s32 $0xEE00;
	s2 =	sadd.s32 s0, s20  }
0x2c7: {  	[hbm4b:s2+s4] =	stream.linear.scatter [tilespmem:s5], [sflag:$0x8], $0x80, $0x38;
	[tilespmem:$0x11000] =	vst v63  }
0x2c8: {  	s9 =	simm.s32 $0xEE88;
	s8 =	sadd.s32 $0x10, s2  }
0x2c9: {  	[hbm4b:s8+s4] =	stream.linear.scatter [tilespmem:s9], [sflag:$0x8], $0x80, $0x38;
	[tilespmem:$0x11000] =	vst v63  }
0x2ca: {  	s11 =	simm.s32 $0xEF10;
	s10 =	sadd.s32 $0x20, s2  }
0x2cb: {  	[hbm4b:s10+s4] =	stream.linear.scatter [tilespmem:s11], [sflag:$0x8], $0x80, $0x38;
	[tilespmem:$0x11000] =	vst v63  }
0x2cc: {  	s30 =	simm.s32 $0xEF98;
	s25 =	sadd.s32 $0x30, s2  }
0x2cd: {  	[hbm4b:s25+s4] =	stream.linear.scatter [tilespmem:s30], [sflag:$0x8], $0x80, $0x38;
	[tilespmem:$0x11000] =	vst v63  }
0x2ce: {  	s5 =	sadd.s32 $0x40, s2;
	s8 =	simm.s32 $0xF020  }
0x2cf: {  	[hbm4b:s5+s4] =	stream.linear.scatter [tilespmem:s8], [sflag:$0x8], $0x80, $0x38;
	[tilespmem:$0x11000] =	vst v63  }
0x2d0: {  	s9 =	sadd.s32 $0x50, s2;
	s10 =	simm.s32 $0xF0A8  }
0x2d1: {  	[hbm4b:s9+s4] =	stream.linear.scatter [tilespmem:s10], [sflag:$0x8], $0x80, $0x38;
	[tilespmem:$0x11000] =	vst v63  }
0x2d2: {  	s11 =	sadd.s32 $0x60, s2;
	s25 =	simm.s32 $0xF130  }
0x2d3: {  	[hbm4b:s11+s4] =	stream.linear.scatter [tilespmem:s25], [sflag:$0x8], $0x80, $0x38;
	[tilespmem:$0x11000] =	vst v63  }
0x2d4: {  	s2 =	sadd.s32 $0x70, s2;
	s30 =	simm.s32 $0xF1B8  }
0x2d5: {  	[hbm4b:s2+s4] =	stream.linear.scatter [tilespmem:s30], [sflag:$0x8], $0x80, $0x38;
	[tilespmem:$0x11000] =	vst v63  }
0x2d6: {  	s5 =	simm.s32 $0xF240;
	s2 =	sadd.s32 s0, s21  }
0x2d7: {  	[hbm4b:s2+s4] =	stream.linear.scatter [tilespmem:s5], [sflag:$0x8], $0x80, $0x38;
	[tilespmem:$0x11000] =	vst v63  }
0x2d8: {  	s9 =	simm.s32 $0xF2C8;
	s8 =	sadd.s32 $0x10, s2  }
0x2d9: {  	[hbm4b:s8+s4] =	stream.linear.scatter [tilespmem:s9], [sflag:$0x8], $0x80, $0x38;
	[tilespmem:$0x11000] =	vst v63  }
0x2da: {  	s11 =	simm.s32 $0xF350;
	s10 =	sadd.s32 $0x20, s2  }
0x2db: {  	[hbm4b:s10+s4] =	stream.linear.scatter [tilespmem:s11], [sflag:$0x8], $0x80, $0x38;
	[tilespmem:$0x11000] =	vst v63  }
0x2dc: {  	s30 =	simm.s32 $0xF3D8;
	s25 =	sadd.s32 $0x30, s2  }
0x2dd: {  	[hbm4b:s25+s4] =	stream.linear.scatter [tilespmem:s30], [sflag:$0x8], $0x80, $0x38;
	[tilespmem:$0x11000] =	vst v63  }
0x2de: {  	s5 =	sadd.s32 $0x40, s2;
	s8 =	simm.s32 $0xF460  }
0x2df: {  	[hbm4b:s5+s4] =	stream.linear.scatter [tilespmem:s8], [sflag:$0x8], $0x80, $0x38;
	[tilespmem:$0x11000] =	vst v63  }
0x2e0: {  	s9 =	sadd.s32 $0x50, s2;
	s10 =	simm.s32 $0xF4E8  }
0x2e1: {  	[hbm4b:s9+s4] =	stream.linear.scatter [tilespmem:s10], [sflag:$0x8], $0x80, $0x38;
	[tilespmem:$0x11000] =	vst v63  }
0x2e2: {  	s11 =	sadd.s32 $0x60, s2;
	s25 =	simm.s32 $0xF570  }
0x2e3: {  	[hbm4b:s11+s4] =	stream.linear.scatter [tilespmem:s25], [sflag:$0x8], $0x80, $0x38;
	[tilespmem:$0x11000] =	vst v63  }
0x2e4: {  	s2 =	sadd.s32 $0x70, s2;
	s30 =	simm.s32 $0xF5F8  }
0x2e5: {  	[hbm4b:s2+s4] =	stream.linear.scatter [tilespmem:s30], [sflag:$0x8], $0x80, $0x38;
	[tilespmem:$0x11000] =	vst v63  }
0x2e6: {  	s5 =	simm.s32 $0xF680;
	s2 =	sadd.s32 s0, s22  }
0x2e7: {  	[hbm4b:s2+s4] =	stream.linear.scatter [tilespmem:s5], [sflag:$0x8], $0x80, $0x38;
	[tilespmem:$0x11000] =	vst v63  }
0x2e8: {  	s9 =	simm.s32 $0xF708;
	s8 =	sadd.s32 $0x10, s2  }
0x2e9: {  	[hbm4b:s8+s4] =	stream.linear.scatter [tilespmem:s9], [sflag:$0x8], $0x80, $0x38;
	[tilespmem:$0x11000] =	vst v63  }
0x2ea: {  	s11 =	simm.s32 $0xF790;
	s10 =	sadd.s32 $0x20, s2  }
0x2eb: {  	[hbm4b:s10+s4] =	stream.linear.scatter [tilespmem:s11], [sflag:$0x8], $0x80, $0x38;
	[tilespmem:$0x11000] =	vst v63  }
0x2ec: {  	s30 =	simm.s32 $0xF818;
	s25 =	sadd.s32 $0x30, s2  }
0x2ed: {  	[hbm4b:s25+s4] =	stream.linear.scatter [tilespmem:s30], [sflag:$0x8], $0x80, $0x38;
	[tilespmem:$0x11000] =	vst v63  }
0x2ee: {  	s5 =	sadd.s32 $0x40, s2;
	s8 =	simm.s32 $0xF8A0  }
0x2ef: {  	[hbm4b:s5+s4] =	stream.linear.scatter [tilespmem:s8], [sflag:$0x8], $0x80, $0x38;
	[tilespmem:$0x11000] =	vst v63  }
0x2f0: {  	s9 =	sadd.s32 $0x50, s2;
	s10 =	simm.s32 $0xF928  }
0x2f1: {  	[hbm4b:s9+s4] =	stream.linear.scatter [tilespmem:s10], [sflag:$0x8], $0x80, $0x38;
	[tilespmem:$0x11000] =	vst v63  }
0x2f2: {  	s11 =	sadd.s32 $0x60, s2;
	s25 =	simm.s32 $0xF9B0  }
0x2f3: {  	[hbm4b:s11+s4] =	stream.linear.scatter [tilespmem:s25], [sflag:$0x8], $0x80, $0x38;
	[tilespmem:$0x11000] =	vst v63  }
0x2f4: {  	s2 =	sadd.s32 $0x70, s2;
	s30 =	simm.s32 $0xFA38  }
0x2f5: {  	[hbm4b:s2+s4] =	stream.linear.scatter [tilespmem:s30], [sflag:$0x8], $0x80, $0x38;
	[tilespmem:$0x11000] =	vst v63  }
0x2f6: {  	s5 =	simm.s32 $0xFAC0;
	s2 =	sadd.s32 s0, s23  }
0x2f7: {  	[hbm4b:s2+s4] =	stream.linear.scatter [tilespmem:s5], [sflag:$0x8], $0x80, $0x38;
	[tilespmem:$0x11000] =	vst v63  }
0x2f8: {  	s9 =	simm.s32 $0xFB48;
	s8 =	sadd.s32 $0x10, s2  }
0x2f9: {  	[hbm4b:s8+s4] =	stream.linear.scatter [tilespmem:s9], [sflag:$0x8], $0x80, $0x38;
	[tilespmem:$0x11000] =	vst v63  }
0x2fa: {  	s11 =	simm.s32 $0xFBD0;
	s10 =	sadd.s32 $0x20, s2  }
0x2fb: {  	[hbm4b:s10+s4] =	stream.linear.scatter [tilespmem:s11], [sflag:$0x8], $0x80, $0x38;
	[tilespmem:$0x11000] =	vst v63  }
0x2fc: {  	s30 =	simm.s32 $0xFC58;
	s25 =	sadd.s32 $0x30, s2  }
0x2fd: {  	[hbm4b:s25+s4] =	stream.linear.scatter [tilespmem:s30], [sflag:$0x8], $0x80, $0x38;
	[tilespmem:$0x11000] =	vst v63  }
0x2fe: {  	s5 =	sadd.s32 $0x40, s2;
	s8 =	simm.s32 $0xFCE0  }
0x2ff: {  	[hbm4b:s5+s4] =	stream.linear.scatter [tilespmem:s8], [sflag:$0x8], $0x80, $0x38;
	[tilespmem:$0x11000] =	vst v63  }
0x300: {  	s9 =	sadd.s32 $0x50, s2;
	s10 =	simm.s32 $0xFD68  }
0x301: {  	[hbm4b:s9+s4] =	stream.linear.scatter [tilespmem:s10], [sflag:$0x8], $0x80, $0x38;
	[tilespmem:$0x11000] =	vst v63  }
0x302: {  	s11 =	sadd.s32 $0x60, s2;
	s25 =	simm.s32 $0xFDF0  }
0x303: {  	[hbm4b:s11+s4] =	stream.linear.scatter [tilespmem:s25], [sflag:$0x8], $0x80, $0x38;
	[tilespmem:$0x11000] =	vst v63  }
0x304: {  	s2 =	sadd.s32 $0x70, s2;
	s30 =	simm.s32 $0xFE78  }
0x305: {  	[hbm4b:s2+s4] =	stream.linear.scatter [tilespmem:s30], [sflag:$0x8], $0x80, $0x38;
	[tilespmem:$0x11000] =	vst v63  }
0x306: {  	s5 =	simm.s32 $0xFF00;
	s2 =	sadd.s32 s0, s24  }
0x307: {  	[hbm4b:s2+s4] =	stream.linear.scatter [tilespmem:s5], [sflag:$0x8], $0x80, $0x38;
	[tilespmem:$0x11000] =	vst v63  }
0x308: {  	s9 =	simm.s32 $0xFF88;
	s8 =	sadd.s32 $0x10, s2  }
0x309: {  	[hbm4b:s8+s4] =	stream.linear.scatter [tilespmem:s9], [sflag:$0x8], $0x80, $0x38;
	[tilespmem:$0x11000] =	vst v63  }
0x30a: {  	s11 =	simm.s32 $0x10010;
	s10 =	sadd.s32 $0x20, s2  }
0x30b: {  	[hbm4b:s10+s4] =	stream.linear.scatter [tilespmem:s11], [sflag:$0x8], $0x80, $0x38;
	[tilespmem:$0x11000] =	vst v63  }
0x30c: {  	s30 =	simm.s32 $0x10098;
	s25 =	sadd.s32 $0x30, s2  }
0x30d: {  	[hbm4b:s25+s4] =	stream.linear.scatter [tilespmem:s30], [sflag:$0x8], $0x80, $0x38;
	[tilespmem:$0x11000] =	vst v63  }
0x30e: {  	s5 =	sadd.s32 $0x40, s2;
	s8 =	simm.s32 $0x10120  }
0x30f: {  	[hbm4b:s5+s4] =	stream.linear.scatter [tilespmem:s8], [sflag:$0x8], $0x80, $0x38;
	[tilespmem:$0x11000] =	vst v63  }
0x310: {  	s9 =	sadd.s32 $0x50, s2;
	s10 =	simm.s32 $0x101A8  }
0x311: {  	[hbm4b:s9+s4] =	stream.linear.scatter [tilespmem:s10], [sflag:$0x8], $0x80, $0x38;
	[tilespmem:$0x11000] =	vst v63  }
0x312: {  	s11 =	sadd.s32 $0x60, s2;
	s25 =	simm.s32 $0x10230  }
0x313: {  	[hbm4b:s11+s4] =	stream.linear.scatter [tilespmem:s25], [sflag:$0x8], $0x80, $0x38;
	[tilespmem:$0x11000] =	vst v63  }
0x314: {  	s2 =	sadd.s32 $0x70, s2;
	s30 =	simm.s32 $0x102B8  }
0x315: {  	[hbm4b:s2+s4] =	stream.linear.scatter [tilespmem:s30], [sflag:$0x8], $0x80, $0x38;
	[tilespmem:$0x11000] =	vst v63  }
0x316: {  	s5 =	simm.s32 $0x10340;
	s2 =	sadd.s32 s0, s13  }
0x317: {  	[hbm4b:s2+s4] =	stream.linear.scatter [tilespmem:s5], [sflag:$0x8], $0x80, $0x38;
	[tilespmem:$0x11000] =	vst v63  }
0x318: {  	s9 =	simm.s32 $0x103C8;
	s8 =	sadd.s32 $0x10, s2  }
0x319: {  	[hbm4b:s8+s4] =	stream.linear.scatter [tilespmem:s9], [sflag:$0x8], $0x80, $0x38;
	[tilespmem:$0x11000] =	vst v63  }
0x31a: {  	s11 =	simm.s32 $0x10450;
	s10 =	sadd.s32 $0x20, s2  }
0x31b: {  	[hbm4b:s10+s4] =	stream.linear.scatter [tilespmem:s11], [sflag:$0x8], $0x80, $0x38;
	[tilespmem:$0x11000] =	vst v63  }
0x31c: {  	s30 =	simm.s32 $0x104D8;
	s25 =	sadd.s32 $0x30, s2  }
0x31d: {  	[hbm4b:s25+s4] =	stream.linear.scatter [tilespmem:s30], [sflag:$0x8], $0x80, $0x38;
	[tilespmem:$0x11000] =	vst v63  }
0x31e: {  	s8 =	sadd.s32 $0x40, s2;
	s9 =	simm.s32 $0x10560  }
0x31f: {  	[hbm4b:s8+s4] =	stream.linear.scatter [tilespmem:s9], [sflag:$0x8], $0x80, $0x38;
	[tilespmem:$0x11000] =	vst v63  }
0x320: {  	s10 =	sadd.s32 $0x50, s2;
	s11 =	simm.s32 $0x105E8  }
0x321: {  	[hbm4b:s10+s4] =	stream.linear.scatter [tilespmem:s11], [sflag:$0x8], $0x80, $0x38;
	[tilespmem:$0x11000] =	vst v63  }
0x322: {  	s25 =	sadd.s32 $0x60, s2;
	s30 =	simm.s32 $0x10670  }
0x323: {  	[hbm4b:s25+s4] =	stream.linear.scatter [tilespmem:s30], [sflag:$0x8], $0x80, $0x38;
	[tilespmem:$0x11000] =	vst v63  }
0x324: {  	s2 =	sadd.s32 $0x70, s2;
	s8 =	simm.s32 $0x106F8  }
0x325: {  	[hbm4b:s2+s4] =	stream.linear.scatter [tilespmem:s8], [sflag:$0x8], $0x80, $0x38;
	[tilespmem:$0x11000] =	vst v63  }
0x326: {  	s9 =	simm.s32 $0x10780;
	s2 =	sadd.s32 s0, s6  }
0x327: {  	[hbm4b:s2+s4] =	stream.linear.scatter [tilespmem:s9], [sflag:$0x8], $0x80, $0x38;
	[tilespmem:$0x11000] =	vst v63  }
0x328: {  	s11 =	simm.s32 $0x10808;
	s10 =	sadd.s32 $0x10, s2  }
0x329: {  	[hbm4b:s10+s4] =	stream.linear.scatter [tilespmem:s11], [sflag:$0x8], $0x80, $0x38;
	[tilespmem:$0x11000] =	vst v63  }
0x32a: {  	s30 =	simm.s32 $0x10890;
	s25 =	sadd.s32 $0x20, s2  }
0x32b: {  	[hbm4b:s25+s4] =	stream.linear.scatter [tilespmem:s30], [sflag:$0x8], $0x80, $0x38;
	[tilespmem:$0x11000] =	vst v63  }
0x32c: {  	s6 =	simm.s32 $0x10918;
	s5 =	sadd.s32 $0x30, s2  }
0x32d: {  	[hbm4b:s5+s4] =	stream.linear.scatter [tilespmem:s6], [sflag:$0x8], $0x80, $0x38;
	[tilespmem:$0x11000] =	vst v63  }
0x32e: {  	s8 =	sadd.s32 $0x40, s2;
	s9 =	simm.s32 $0x109A0  }
0x32f: {  	[hbm4b:s8+s4] =	stream.linear.scatter [tilespmem:s9], [sflag:$0x8], $0x80, $0x38;
	[tilespmem:$0x11000] =	vst v63  }
0x330: {  	s10 =	sadd.s32 $0x50, s2;
	s11 =	simm.s32 $0x10A28  }
0x331: {  	[hbm4b:s10+s4] =	stream.linear.scatter [tilespmem:s11], [sflag:$0x8], $0x80, $0x38;
	[tilespmem:$0x11000] =	vst v63  }
0x332: {  	s25 =	sadd.s32 $0x60, s2;
	s30 =	simm.s32 $0x10AB0  }
0x333: {  	[hbm4b:s25+s4] =	stream.linear.scatter [tilespmem:s30], [sflag:$0x8], $0x80, $0x38;
	[tilespmem:$0x11000] =	vst v63  }
0x334: {  	s2 =	sadd.s32 $0x70, s2;
	s6 =	simm.s32 $0x10B38;
	s8 =	rddreg [dreg:$0xa]  }
0x335: {  	[hbm4b:s2+s4] =	stream.linear.scatter [tilespmem:s6], [sflag:$0x8], $0x80, $0x38;
	[tilespmem:$0x11000] =	vst v63  }
0x336: {  	s9 =	simm.s32 $0x10BC0;
	s0 =	sadd.s32 s0, s8  }
0x337: {  	[hbm4b:s0+s4] =	stream.linear.scatter [tilespmem:s9], [sflag:$0x8], $0x80, $0x38;
	[tilespmem:$0x11000] =	vst v63  }
0x338: {  	s10 =	sadd.s32 $0x10, s0;
	s11 =	simm.s32 $0x10C48  }
0x339: {  	[hbm4b:s10+s4] =	stream.linear.scatter [tilespmem:s11], [sflag:$0x8], $0x80, $0x38;
	[tilespmem:$0x11000] =	vst v63  }
0x33a: {  	s25 =	sadd.s32 $0x20, s0;
	s30 =	simm.s32 $0x10CD0  }
0x33b: {  	[hbm4b:s25+s4] =	stream.linear.scatter [tilespmem:s30], [sflag:$0x8], $0x80, $0x38;
	[tilespmem:$0x11000] =	vst v63  }
0x33c: {  	s5 =	simm.s32 $0x10D58;
	s3 =	sadd.s32 $0x30, s0  }
0x33d: {  	[hbm4b:s3+s4] =	stream.linear.scatter [tilespmem:s5], [sflag:$0x8], $0x80, $0x38;
	[tilespmem:$0x11000] =	vst v63  }
0x33e: {  	s29 =	sadd.s32 $0x1, s29;
	s8 =	simm.s32 $0x10DE0;
	s6 =	sadd.s32 $0x40, s0  }
0x33f: {  	[hbm4b:s6+s4] =	stream.linear.scatter [tilespmem:s8], [sflag:$0x8], $0x80, $0x38;
	[tilespmem:$0x11000] =	vst v63  }
0x340: {  	p0 =	sne.s32 s29, $0x32;
	s9 =	sadd.s32 $0x50, s0;
	s10 =	simm.s32 $0x10E68  }
0x341: {  	[hbm4b:s9+s4] =	stream.linear.scatter [tilespmem:s10], [sflag:$0x8], $0x80, $0x38;
	[tilespmem:$0x11000] =	vst v63  }
.Ltmp9:
0x342: {  	_ = 	snop;
	(pc) =	sbr.rel @p0 .LBB2_4-.Ltmp9, $4  }
0x343: {  	s11 =	sadd.s32 $0x60, s0;
	s25 =	simm.s32 $0x10EF0  }
0x344: {  	[hbm4b:s11+s4] =	stream.linear.scatter [tilespmem:s25], [sflag:$0x8], $0x80, $0x38;
	[tilespmem:$0x11000] =	vst v63  }
0x345: {  	s0 =	sadd.s32 $0x70, s0;
	s30 =	simm.s32 $0x10F78  }
0x346: {  	[hbm4b:s0+s4] =	stream.linear.scatter [tilespmem:s30], [sflag:$0x8], $0x80, $0x38;
	[tilespmem:$0x11000] =	vst v63  }
0x347: {  	_ =	swait.ge [sflag:s28], $0x400  }
0x348: {  	[sflag:s28] =	ssyncset.done $0x0  }
0x349: {  	[sflag:s28] =	ssyncadd.s32 $0xFFFFFC00  }
0x34a: {  	_ =	swait.ge [sflag:s28], $0x400  }
0x34b: {  	[sflag:s28] =	ssyncset.done $0x0  }
0x34c: {  	[sflag:s28] =	ssyncadd.s32 $0xFFFFFC00  }
0x34d: {  	_ =	swait.ge [sflag:s28], $0x400  }
0x34e: {  	[sflag:s28] =	ssyncset.done $0x0  }
0x34f: {  	[sflag:s28] =	ssyncadd.s32 $0xFFFFFC00  }
0x350: {  	_ =	swait.ge [sflag:s28], $0x400  }
0x351: {  	[sflag:s28] =	ssyncset.done $0x0  }
0x352: {  	[sflag:s28] =	ssyncadd.s32 $0xFFFFFC00  }
0x353: {  	_ =	swait.ge [sflag:s28], $0x400  }
0x354: {  	[sflag:s28] =	ssyncset.done $0x0  }
0x355: {  	[sflag:s28] =	ssyncadd.s32 $0xFFFFFC00  }
0x356: {  	_ =	swait.ge [sflag:s28], $0x400  }
0x357: {  	[sflag:s28] =	ssyncset.done $0x0  }
0x358: {  	[sflag:s28] =	ssyncadd.s32 $0xFFFFFC00  }
0x359: {  	_ =	swait.ge [sflag:s28], $0x400  }
0x35a: {  	[sflag:s28] =	ssyncset.done $0x0  }
0x35b: {  	[sflag:s28] =	ssyncadd.s32 $0xFFFFFC00  }
0x35c: {  	_ =	swait.ge [sflag:s28], $0x400  }
0x35d: {  	[sflag:s28] =	ssyncset.done $0x0  }
0x35e: {  	[sflag:s28] =	ssyncadd.s32 $0xFFFFFC00  }
0x35f: {  	_ =	swait.ge [sflag:s28], $0x400  }
0x360: {  	[sflag:s28] =	ssyncset.done $0x0  }
0x361: {  	[sflag:s28] =	ssyncadd.s32 $0xFFFFFC00  }
0x362: {  	_ =	swait.ge [sflag:s28], $0x400  }
0x363: {  	[sflag:s28] =	ssyncset.done $0x0  }
0x364: {  	[sflag:s28] =	ssyncadd.s32 $0xFFFFFC00  }
0x365: {  	_ =	swait.ge [sflag:s28], $0x400  }
0x366: {  	[sflag:s28] =	ssyncset.done $0x0  }
0x367: {  	[sflag:s28] =	ssyncadd.s32 $0xFFFFFC00  }
0x368: {  	_ =	swait.ge [sflag:s28], $0x400  }
0x369: {  	[sflag:s28] =	ssyncset.done $0x0  }
0x36a: {  	[sflag:s28] =	ssyncadd.s32 $0xFFFFFC00  }
0x36b: {  	_ =	swait.ge [sflag:s28], $0x400  }
0x36c: {  	[sflag:s28] =	ssyncset.done $0x0  }
0x36d: {  	[sflag:s28] =	ssyncadd.s32 $0xFFFFFC00  }
0x36e: {  	_ =	swait.ge [sflag:s28], $0x400  }
0x36f: {  	[sflag:s28] =	ssyncset.done $0x0  }
0x370: {  	[sflag:s28] =	ssyncadd.s32 $0xFFFFFC00  }
0x371: {  	_ =	swait.ge [sflag:s28], $0x400  }
0x372: {  	[sflag:s28] =	ssyncset.done $0x0  }
0x373: {  	[sflag:s28] =	ssyncadd.s32 $0xFFFFFC00  }
0x374: {  	_ =	swait.ge [sflag:s28], $0x400  }
0x375: {  	[sflag:s28] =	ssyncset.done $0x0  }
0x376: {  	[sflag:s28] =	ssyncadd.s32 $0xFFFFFC00  }
0x377: {  	_ =	swait.ge [sflag:s7], $0x400  }
0x378: {  	[sflag:s7] =	ssyncset.done $0x0  }
0x379: {  	[sflag:s7] =	ssyncadd.s32 $0xFFFFFC00  }
0x37a: {  	_ =	swait.ge [sflag:s7], $0x400  }
0x37b: {  	[sflag:s7] =	ssyncset.done $0x0  }
0x37c: {  	[sflag:s7] =	ssyncadd.s32 $0xFFFFFC00  }
0x37d: {  	_ =	swait.ge [sflag:s7], $0x400  }
0x37e: {  	[sflag:s7] =	ssyncset.done $0x0  }
0x37f: {  	[sflag:s7] =	ssyncadd.s32 $0xFFFFFC00  }
0x380: {  	_ =	swait.ge [sflag:s7], $0x400  }
0x381: {  	[sflag:s7] =	ssyncset.done $0x0  }
0x382: {  	[sflag:s7] =	ssyncadd.s32 $0xFFFFFC00  }
0x383: {  	_ =	swait.ge [sflag:s7], $0x400  }
0x384: {  	[sflag:s7] =	ssyncset.done $0x0  }
0x385: {  	[sflag:s7] =	ssyncadd.s32 $0xFFFFFC00  }
0x386: {  	_ =	swait.ge [sflag:s7], $0x400  }
0x387: {  	[sflag:s7] =	ssyncset.done $0x0  }
0x388: {  	[sflag:s7] =	ssyncadd.s32 $0xFFFFFC00  }
0x389: {  	_ =	swait.ge [sflag:s7], $0x400  }
0x38a: {  	[sflag:s7] =	ssyncset.done $0x0  }
0x38b: {  	[sflag:s7] =	ssyncadd.s32 $0xFFFFFC00  }
0x38c: {  	_ =	swait.ge [sflag:s7], $0x400  }
0x38d: {  	[sflag:s7] =	ssyncset.done $0x0  }
0x38e: {  	[sflag:s7] =	ssyncadd.s32 $0xFFFFFC00  }
0x38f: {  	_ =	swait.ge [sflag:s7], $0x400  }
0x390: {  	[sflag:s7] =	ssyncset.done $0x0  }
0x391: {  	[sflag:s7] =	ssyncadd.s32 $0xFFFFFC00  }
0x392: {  	_ =	swait.ge [sflag:s7], $0x400  }
0x393: {  	[sflag:s7] =	ssyncset.done $0x0  }
0x394: {  	[sflag:s7] =	ssyncadd.s32 $0xFFFFFC00  }
0x395: {  	_ =	swait.ge [sflag:s7], $0x400  }
0x396: {  	[sflag:s7] =	ssyncset.done $0x0  }
0x397: {  	[sflag:s7] =	ssyncadd.s32 $0xFFFFFC00  }
0x398: {  	_ =	swait.ge [sflag:s7], $0x400  }
0x399: {  	[sflag:s7] =	ssyncset.done $0x0  }
0x39a: {  	[sflag:s7] =	ssyncadd.s32 $0xFFFFFC00  }
0x39b: {  	_ =	swait.ge [sflag:s7], $0x400  }
0x39c: {  	[sflag:s7] =	ssyncset.done $0x0  }
0x39d: {  	[sflag:s7] =	ssyncadd.s32 $0xFFFFFC00  }
0x39e: {  	_ =	swait.ge [sflag:s7], $0x400  }
0x39f: {  	[sflag:s7] =	ssyncset.done $0x0  }
0x3a0: {  	[sflag:s7] =	ssyncadd.s32 $0xFFFFFC00  }
0x3a1: {  	_ =	swait.ge [sflag:s7], $0x400  }
0x3a2: {  	[sflag:s7] =	ssyncset.done $0x0  }
0x3a3: {  	[sflag:s7] =	ssyncadd.s32 $0xFFFFFC00  }
0x3a4: {  	_ =	swait.ge [sflag:s7], $0x400  }
0x3a5: {  	s2 =	rddreg [dreg:$0xd]  }
0x3a6: {  	s0 =	rddreg [dreg:$0xb];
	s2 =	sadd.s32 $0x1, s2  }
0x3a7: {  	p0 =	sne.s32 s2, s0  }
.Ltmp10:
0x3a8: {  	_ = 	snop;
	(pc) =	sbr.rel @p0 .LBB2_1-.Ltmp10, $3  }
0x3a9: {  	_ =	sdelay $0x1  }
0x3aa: {  	[sflag:s7] =	ssyncset.done $0x0  }
0x3ab: {  	[sflag:s7] =	ssyncadd.s32 $0xFFFFFC00  }
0x3ac: {  	_ =	sfence.sel $0x180000  }
0x3ad: {  	[bflag:$0x0] =	sbarrier.arrive $0xFFFF  }
0x3ae: {  	_ =	strace $0x90000047  }
0x3af: {  	s0 =	stileid.u32;
	[bflag:$0x2] =	sbarrier.arrive $0xFFFF  }
0x3b0: {  	p0 =	sne.s32 s0, $0x0;
	s0 =	rddreg [dreg:$0x3]  }
0x3b1: {  	s0 =	sadd.s32 @!p0 $0x100000, s0  }
0x3b2: {  	[sflag:s0] =	ssyncadd.tile.s32 @!p0 $0x1;
	_ =	shalt  }
.Lfunc_end2:
_tile_overlayer_lowered:
.L_overlay_start_2:
0x3b3: {  	(tag) =	ssettag $0x2  }
0x3b4: {  	s0 =	rddreg [dreg:$0x0];
	s2 =	stileid.u32  }
0x3b5: {  	s1 =	rddreg [dreg:$0x1];
	p0 =	sne.s32 s2, $0x0  }
0x3b6: {  	s3 =	rddreg [dreg:$0x2];
	[bflag:$0x3] =	sbarrier.arrive $0xFFFF;
	s2 =	simm.s32 @!p0 $0x1C09  }
0x3b7: {  	[timem:s3], [sflag:s2] =	dma.local @!p0 [hbm:s0], s1  }
0x3b8: {  	s0 =	simm.s32 @!p0 $0x9  }
0x3b9: {  	_ =	swait.ge @!p0 [sflag:s0], s1  }
0x3ba: {  	s1 =	ssub.s32 @!p0 $0x0, s1;
	[sflag:s0] =	ssyncset.done @!p0 $0x0  }
0x3bb: {  	[sflag:s0] =	ssyncadd.s32 @!p0 s1  }
0x3bc: {  	[bflag:$0x3] =	sbarrier.arrive $0xFFFF  }
0x3bd: {  	_ =	shalt  }

</sc_bundles>
